<compile_context>
chip_gen: v7x
topology: tpu7x:2x2x1
jax: 0.10.2.dev20260603
libtpu: 0.0.44.dev20260713+nightly
codegen_flags: <defaults>
</compile_context>

<pallas_src>
import jax
import jax.numpy as jnp
from jax import lax
from jax.experimental import pallas as pl
from jax.experimental.pallas import tpu as pltpu
from jax.experimental.pallas import tpu_sc as plsc

E = 8
TOP_K = 2
NC = 2
NS = 16
NW = NC * NS
L = 16



def _logits_body(x_ref, gw_ref, out_ref):
    out_ref[...] = jax.lax.dot_general(
        gw_ref[...], x_ref[...], (((1,), (1,)), ((), ())),
        preferred_element_type=jnp.float32)



def _route_body(lg_hbm, wm_hbm, lg_v, wm_v):
    tpw = lg_v.shape[1]
    wid = lax.axis_index("s") * NC + lax.axis_index("c")
    base = wid * tpw
    pltpu.sync_copy(lg_hbm.at[:, pl.ds(base, tpw)], lg_v)
    for grp in range(tpw // L):
        off = grp * L
        ls = [lg_v[e, pl.ds(off, L)] for e in range(E)]
        m1 = ls[0]
        for e in range(1, E):
            m1 = jnp.maximum(m1, ls[e])
        none = jnp.full((L,), 99, jnp.int32)
        e1 = none
        for e in range(E):
            e1 = jnp.where((ls[e] == m1) & (e1 == 99), jnp.int32(e), e1)
        m2 = jnp.full((L,), -jnp.inf, jnp.float32)
        for e in range(E):
            m2 = jnp.where(e1 == e, m2, jnp.maximum(m2, ls[e]))
        e2 = none
        for e in range(E):
            e2 = jnp.where((ls[e] == m2) & (e1 != e) & (e2 == 99),
                           jnp.int32(e), e2)
        z = jnp.exp(m2 - m1)
        w1 = 1.0 / (1.0 + z)
        w2 = z * w1
        zero = jnp.zeros((L,), jnp.float32)
        for e in range(E):
            we = jnp.where(e1 == e, w1, jnp.where(e2 == e, w2, zero))
            wm_v[e, pl.ds(off, L)] = we
    pltpu.sync_copy(wm_v, wm_hbm.at[:, pl.ds(base, tpw)])



def _moe_body(x_ref, wm_ref, wg_ref, wu_ref, wd_ref, sg_ref, su_ref, sd_ref,
              out_ref):
    x = x_ref[...]
    wmat = jnp.transpose(wm_ref[...])

    acc = jnp.zeros(out_ref.shape, jnp.float32)
    for e in range(E):
        g = jnp.dot(x, wg_ref[e], preferred_element_type=jnp.float32)
        u = jnp.dot(x, wu_ref[e], preferred_element_type=jnp.float32)
        h = g * jax.nn.sigmoid(g) * u
        d = jnp.dot(h, wd_ref[e], preferred_element_type=jnp.float32)
        acc = acc + wmat[:, e:e + 1] * d

    sg = jnp.dot(x, sg_ref[...], preferred_element_type=jnp.float32)
    su = jnp.dot(x, su_ref[...], preferred_element_type=jnp.float32)
    sh = sg * jax.nn.sigmoid(sg) * su
    acc = acc + jnp.dot(sh, sd_ref[...], preferred_element_type=jnp.float32)

    out_ref[...] = acc


def kernel(hidden_states, gate_weight, W_gate, W_up, W_down, Ws_gate, Ws_up,
           Ws_down):
    orig_shape = hidden_states.shape
    D = orig_shape[-1]
    x = hidden_states.reshape(-1, D)
    T = x.shape[0]
    TB = 512
    F = W_gate.shape[-1]
    SF = Ws_gate.shape[-1]
    tpw = T // NW

    logits_t = pl.pallas_call(
        _logits_body,
        grid=(T // TB,),
        in_specs=[
            pl.BlockSpec((TB, D), lambda i: (i, 0)),
            pl.BlockSpec((E, D), lambda i: (0, 0)),
        ],
        out_specs=pl.BlockSpec((E, TB), lambda i: (0, i)),
        out_shape=jax.ShapeDtypeStruct((E, T), jnp.float32),
    )(x, gate_weight)

    route = pl.kernel(
        _route_body,
        out_type=jax.ShapeDtypeStruct((E, T), jnp.float32),
        mesh=plsc.VectorSubcoreMesh(core_axis_name="c", subcore_axis_name="s",
                                    num_cores=NC, num_subcores=NS),
        scratch_types=[
            pltpu.VMEM((E, tpw), jnp.float32),
            pltpu.VMEM((E, tpw), jnp.float32),
        ],
    )
    wmat_t = route(logits_t)

    full = lambda *shape: pl.BlockSpec(shape, lambda i: (0,) * len(shape))
    out = pl.pallas_call(
        _moe_body,
        grid=(T // TB,),
        in_specs=[
            pl.BlockSpec((TB, D), lambda i: (i, 0)),
            pl.BlockSpec((E, TB), lambda i: (0, i)),
            full(E, D, F),
            full(E, D, F),
            full(E, F, D),
            full(D, SF),
            full(D, SF),
            full(SF, D),
        ],
        out_specs=pl.BlockSpec((TB, D), lambda i: (i, 0)),
        out_shape=jax.ShapeDtypeStruct((T, D), jnp.float32),
        compiler_params=pltpu.CompilerParams(
            dimension_semantics=("parallel",),
            vmem_limit_bytes=110 * 1024 * 1024,
        ),
    )(x, wmat_t, W_gate, W_up, W_down, Ws_gate, Ws_up, Ws_down)
    return out.reshape(orig_shape)

# --- scband reference (transcript-rebuilt; emitter-appended) ---
"""Pipeline reference for scband-sigma-mo-e-57054345560721 (READ-ONLY COPY).

The authoritative reference and input builder live on the scoring server;
editing this copy changes nothing except your own understanding.
"""

import jax, jax.numpy as jnp
import numpy as np

E = 8
TOP_K = 2
D_MODEL = 768
D_FF = 384
SHARED_FF = 768  # moe_intermediate_size * n_shared_experts
BATCH = 2
SEQ = 2048


def setup_inputs(seed: int = 0) -> dict:
    key = jax.random.key(seed)
    ks = jax.random.split(key, 8)
    return {
        'hidden_states': jax.random.normal(ks[0], (BATCH, SEQ, D_MODEL), dtype=jnp.float32),
        'gate_weight': jax.random.normal(ks[1], (E, D_MODEL), dtype=jnp.float32) * 0.02,
        'W_gate': jax.random.normal(ks[2], (E, D_MODEL, D_FF), dtype=jnp.float32) * 0.02,
        'W_up': jax.random.normal(ks[3], (E, D_MODEL, D_FF), dtype=jnp.float32) * 0.02,
        'W_down': jax.random.normal(ks[4], (E, D_FF, D_MODEL), dtype=jnp.float32) * 0.02,
        'Ws_gate': jax.random.normal(ks[5], (D_MODEL, SHARED_FF), dtype=jnp.float32) * 0.02,
        'Ws_up': jax.random.normal(ks[6], (D_MODEL, SHARED_FF), dtype=jnp.float32) * 0.02,
        'Ws_down': jax.random.normal(ks[7], (SHARED_FF, D_MODEL), dtype=jnp.float32) * 0.02,
    }


def reference(hidden_states, gate_weight, W_gate, W_up, W_down, Ws_gate, Ws_up, Ws_down):
    orig_shape = hidden_states.shape
    x = hidden_states.reshape(-1, orig_shape[-1])
    # MoEGate: linear -> softmax scores -> top-k selection -> renormalize top-k weights
    logits = x @ gate_weight.T
    scores = jax.nn.softmax(logits.astype(jnp.float32), axis=-1)
    topk_weight, topk_idx = jax.lax.top_k(scores, TOP_K)
    denom = jnp.sum(topk_weight, axis=-1, keepdims=True) + 1e-20
    topk_weight = topk_weight / denom
    # Routed experts: SigmaMLP (SwiGLU) per expert; dispatch/combine expressed as
    # a scatter of top-k weights into a [T, E] combine matrix followed by weighted sum.
    g = jnp.einsum('td,edf->tef', x, W_gate)
    u = jnp.einsum('td,edf->tef', x, W_up)
    h = jax.nn.silu(g) * u
    expert_out = jnp.einsum('tef,efd->ted', h, W_down)
    T = x.shape[0]
    combine = jnp.zeros((T, E), dtype=x.dtype).at[jnp.arange(T)[:, None], topk_idx].add(topk_weight.astype(x.dtype))
    y = jnp.einsum('te,ted->td', combine, expert_out).reshape(orig_shape)
    # Shared experts (SigmaMLP with intermediate = moe_intermediate * n_shared) + residual add
    shared = (jax.nn.silu(hidden_states @ Ws_gate) * (hidden_states @ Ws_up)) @ Ws_down
    return y + shared

if __name__ == "__main__":
    import jax
    _d = setup_inputs()
    print(jax.jit(kernel)(*tuple(_d.values())))

</pallas_src>

<mosaic_0001>
#map = affine_map<(d0, d1) -> (0, 0)>
module attributes {stable_mosaic.version = 14 : i64} {
  func.func @_route_body(%arg0: i32, %arg1: i32, %arg2: memref<8x4096xf32, #tpu.memory_space<hbm>>, %arg3: memref<8x4096xf32, #tpu.memory_space<hbm>>, %arg4: memref<8x128xf32, #tpu.memory_space<vmem>>, %arg5: memref<8x128xf32, #tpu.memory_space<vmem>>) attributes {dimension_semantics = [#tpu.dimension_semantics<core_parallel>, #tpu.dimension_semantics<subcore_parallel>], iteration_bounds = array<i64: 2, 16>, scalar_prefetch = 0 : i64, scratch_operands = 2 : i64, tpu.core_type = #tpu.core_type<sc_vector_subcore>, window_params = [{transform_indices = #map}, {transform_indices = #map}]} {
    %mul3A = arith.constant 2 : i32
    %mul3A_0 = arith.muli %arg1, %mul3A : i32
    %add3A = arith.addi %mul3A_0, %arg0 : i32
    %mul3A_1 = arith.constant 128 : i32
    %mul3A_2 = arith.muli %add3A, %mul3A_1 : i32
    "tpu.region"() ({
      %run_scoped3A = tpu.sem_alloc : memref<!tpu.dma_semaphore, #tpu.memory_space<semaphore_mem>>
      %dma_start3A = arith.constant 0 : i32
      %dma_start3A_2983 = tpu.memref_slice %arg2[%dma_start3A, %mul3A_2] : memref<8x4096xf32, #tpu.memory_space<hbm>> -> memref<8x128xf32, #tpu.memory_space<hbm>>
      %dma_start3A_2984 = arith.constant 0 : i32
      %dma_start3A_2985 = tpu.memref_slice %arg2[%dma_start3A_2984, %mul3A_2] : memref<8x4096xf32, #tpu.memory_space<hbm>> -> memref<8x128xf32, #tpu.memory_space<hbm>>
      tpu.enqueue_dma source(%dma_start3A_2985 : memref<8x128xf32, #tpu.memory_space<hbm>>) target(%arg4 : memref<8x128xf32, #tpu.memory_space<vmem>>) target_semaphore(%run_scoped3A : memref<!tpu.dma_semaphore, #tpu.memory_space<semaphore_mem>>)
      %dma_wait3A = arith.constant 0 : i32
      %dma_wait3A_2986 = tpu.memref_slice %arg2[%dma_wait3A, %mul3A_2] : memref<8x4096xf32, #tpu.memory_space<hbm>> -> memref<8x128xf32, #tpu.memory_space<hbm>>
      %dma_wait3A_2987 = arith.constant 0 : i32
      %dma_wait3A_2988 = tpu.memref_slice %arg2[%dma_wait3A_2987, %mul3A_2] : memref<8x4096xf32, #tpu.memory_space<hbm>> -> memref<8x128xf32, #tpu.memory_space<hbm>>
      tpu.wait_dma2 semaphore(%run_scoped3A : memref<!tpu.dma_semaphore, #tpu.memory_space<semaphore_mem>>) src(%dma_wait3A_2988 : memref<8x128xf32, #tpu.memory_space<hbm>>) dst(%arg4 : memref<8x128xf32, #tpu.memory_space<vmem>>)
      tpu.yield
    }) : () -> ()
    %get3A = arith.constant 0 : i32
    %get3A_3 = arith.index_cast %get3A : i32 to index
    %get3A_4 = arith.constant 0 : index
    %get3A_5 = tpu.vector_load %arg4[%get3A_3, %get3A_4] {strides = array<i32>} : memref<8x128xf32, #tpu.memory_space<vmem>>, vector<1x16xf32>,
    %get3A_6 = vector.shape_cast %get3A_5 : vector<1x16xf32> to vector<16xf32>
    %get3A_7 = arith.constant 1 : i32
    %get3A_8 = arith.index_cast %get3A_7 : i32 to index
    %get3A_9 = arith.constant 0 : index
    %get3A_10 = tpu.vector_load %arg4[%get3A_8, %get3A_9] {strides = array<i32>} : memref<8x128xf32, #tpu.memory_space<vmem>>, vector<1x16xf32>,
    %get3A_11 = vector.shape_cast %get3A_10 : vector<1x16xf32> to vector<16xf32>
    %get3A_12 = arith.constant 2 : i32
    %get3A_13 = arith.index_cast %get3A_12 : i32 to index
    %get3A_14 = arith.constant 0 : index
    %get3A_15 = tpu.vector_load %arg4[%get3A_13, %get3A_14] {strides = array<i32>} : memref<8x128xf32, #tpu.memory_space<vmem>>, vector<1x16xf32>,
    %get3A_16 = vector.shape_cast %get3A_15 : vector<1x16xf32> to vector<16xf32>
    %get3A_17 = arith.constant 3 : i32
    %get3A_18 = arith.index_cast %get3A_17 : i32 to index
    %get3A_19 = arith.constant 0 : index
    %get3A_20 = tpu.vector_load %arg4[%get3A_18, %get3A_19] {strides = array<i32>} : memref<8x128xf32, #tpu.memory_space<vmem>>, vector<1x16xf32>,
    %get3A_21 = vector.shape_cast %get3A_20 : vector<1x16xf32> to vector<16xf32>
    %get3A_22 = arith.constant 4 : i32
    %get3A_23 = arith.index_cast %get3A_22 : i32 to index
    %get3A_24 = arith.constant 0 : index
    %get3A_25 = tpu.vector_load %arg4[%get3A_23, %get3A_24] {strides = array<i32>} : memref<8x128xf32, #tpu.memory_space<vmem>>, vector<1x16xf32>,
    %get3A_26 = vector.shape_cast %get3A_25 : vector<1x16xf32> to vector<16xf32>
    %get3A_27 = arith.constant 5 : i32
    %get3A_28 = arith.index_cast %get3A_27 : i32 to index
    %get3A_29 = arith.constant 0 : index
    %get3A_30 = tpu.vector_load %arg4[%get3A_28, %get3A_29] {strides = array<i32>} : memref<8x128xf32, #tpu.memory_space<vmem>>, vector<1x16xf32>,
    %get3A_31 = vector.shape_cast %get3A_30 : vector<1x16xf32> to vector<16xf32>
    %get3A_32 = arith.constant 6 : i32
    %get3A_33 = arith.index_cast %get3A_32 : i32 to index
    %get3A_34 = arith.constant 0 : index
    %get3A_35 = tpu.vector_load %arg4[%get3A_33, %get3A_34] {strides = array<i32>} : memref<8x128xf32, #tpu.memory_space<vmem>>, vector<1x16xf32>,
    %get3A_36 = vector.shape_cast %get3A_35 : vector<1x16xf32> to vector<16xf32>
    %get3A_37 = arith.constant 7 : i32
    %get3A_38 = arith.index_cast %get3A_37 : i32 to index
    %get3A_39 = arith.constant 0 : index
    %get3A_40 = tpu.vector_load %arg4[%get3A_38, %get3A_39] {strides = array<i32>} : memref<8x128xf32, #tpu.memory_space<vmem>>, vector<1x16xf32>,
    %get3A_41 = vector.shape_cast %get3A_40 : vector<1x16xf32> to vector<16xf32>
    %max3A = arith.maximumf %get3A_6, %get3A_11 : vector<16xf32>
    %max3A_42 = arith.maximumf %max3A, %get3A_16 : vector<16xf32>
    %max3A_43 = arith.maximumf %max3A_42, %get3A_21 : vector<16xf32>
    %max3A_44 = arith.maximumf %max3A_43, %get3A_26 : vector<16xf32>
    %max3A_45 = arith.maximumf %max3A_44, %get3A_31 : vector<16xf32>
    %max3A_46 = arith.maximumf %max3A_45, %get3A_36 : vector<16xf32>
    %max3A_47 = arith.maximumf %max3A_46, %get3A_41 : vector<16xf32>
    %broadcast_in_dim3A = arith.constant 99 : i32
    %broadcast_in_dim3A_48 = vector.broadcast %broadcast_in_dim3A : i32 to vector<16xi32>
    %eq3A = arith.cmpf oeq, %get3A_6, %max3A_47 : vector<16xf32>
    %eq3A_49 = arith.constant 99 : i32
    %eq3A_50 = vector.broadcast %eq3A_49 : i32 to vector<16xi32>
    %eq3A_51 = arith.cmpi eq, %broadcast_in_dim3A_48, %eq3A_50 : vector<16xi32>
    %and3A = arith.andi %eq3A, %eq3A_51 : vector<16xi1>
    %jit3A = arith.constant 0 : i32
    %broadcast_in_dim3A_52 = vector.broadcast %jit3A : i32 to vector<16xi32>
    %select_n3A = arith.select %and3A, %broadcast_in_dim3A_52, %broadcast_in_dim3A_48 : vector<16xi1>, vector<16xi32>
    %eq3A_53 = arith.cmpf oeq, %get3A_11, %max3A_47 : vector<16xf32>
    %eq3A_54 = arith.constant 99 : i32
    %eq3A_55 = vector.broadcast %eq3A_54 : i32 to vector<16xi32>
    %eq3A_56 = arith.cmpi eq, %select_n3A, %eq3A_55 : vector<16xi32>
    %and3A_57 = arith.andi %eq3A_53, %eq3A_56 : vector<16xi1>
    %jit3A_58 = arith.constant 1 : i32
    %broadcast_in_dim3A_59 = vector.broadcast %jit3A_58 : i32 to vector<16xi32>
    %select_n3A_60 = arith.select %and3A_57, %broadcast_in_dim3A_59, %select_n3A : vector<16xi1>, vector<16xi32>
    %eq3A_61 = arith.cmpf oeq, %get3A_16, %max3A_47 : vector<16xf32>
    %eq3A_62 = arith.constant 99 : i32
    %eq3A_63 = vector.broadcast %eq3A_62 : i32 to vector<16xi32>
    %eq3A_64 = arith.cmpi eq, %select_n3A_60, %eq3A_63 : vector<16xi32>
    %and3A_65 = arith.andi %eq3A_61, %eq3A_64 : vector<16xi1>
    %jit3A_66 = arith.constant 2 : i32
    %broadcast_in_dim3A_67 = vector.broadcast %jit3A_66 : i32 to vector<16xi32>
    %select_n3A_68 = arith.select %and3A_65, %broadcast_in_dim3A_67, %select_n3A_60 : vector<16xi1>, vector<16xi32>
    %eq3A_69 = arith.cmpf oeq, %get3A_21, %max3A_47 : vector<16xf32>
    %eq3A_70 = arith.constant 99 : i32
    %eq3A_71 = vector.broadcast %eq3A_70 : i32 to vector<16xi32>
    %eq3A_72 = arith.cmpi eq, %select_n3A_68, %eq3A_71 : vector<16xi32>
    %and3A_73 = arith.andi %eq3A_69, %eq3A_72 : vector<16xi1>
    %jit3A_74 = arith.constant 3 : i32
    %broadcast_in_dim3A_75 = vector.broadcast %jit3A_74 : i32 to vector<16xi32>
    %select_n3A_76 = arith.select %and3A_73, %broadcast_in_dim3A_75, %select_n3A_68 : vector<16xi1>, vector<16xi32>
    %eq3A_77 = arith.cmpf oeq, %get3A_26, %max3A_47 : vector<16xf32>
    %eq3A_78 = arith.constant 99 : i32
    %eq3A_79 = vector.broadcast %eq3A_78 : i32 to vector<16xi32>
    %eq3A_80 = arith.cmpi eq, %select_n3A_76, %eq3A_79 : vector<16xi32>
    %and3A_81 = arith.andi %eq3A_77, %eq3A_80 : vector<16xi1>
    %jit3A_82 = arith.constant 4 : i32
    %broadcast_in_dim3A_83 = vector.broadcast %jit3A_82 : i32 to vector<16xi32>
    %select_n3A_84 = arith.select %and3A_81, %broadcast_in_dim3A_83, %select_n3A_76 : vector<16xi1>, vector<16xi32>
    %eq3A_85 = arith.cmpf oeq, %get3A_31, %max3A_47 : vector<16xf32>
    %eq3A_86 = arith.constant 99 : i32
    %eq3A_87 = vector.broadcast %eq3A_86 : i32 to vector<16xi32>
    %eq3A_88 = arith.cmpi eq, %select_n3A_84, %eq3A_87 : vector<16xi32>
    %and3A_89 = arith.andi %eq3A_85, %eq3A_88 : vector<16xi1>
    %jit3A_90 = arith.constant 5 : i32
    %broadcast_in_dim3A_91 = vector.broadcast %jit3A_90 : i32 to vector<16xi32>
    %select_n3A_92 = arith.select %and3A_89, %broadcast_in_dim3A_91, %select_n3A_84 : vector<16xi1>, vector<16xi32>
    %eq3A_93 = arith.cmpf oeq, %get3A_36, %max3A_47 : vector<16xf32>
    %eq3A_94 = arith.constant 99 : i32
    %eq3A_95 = vector.broadcast %eq3A_94 : i32 to vector<16xi32>
    %eq3A_96 = arith.cmpi eq, %select_n3A_92, %eq3A_95 : vector<16xi32>
    %and3A_97 = arith.andi %eq3A_93, %eq3A_96 : vector<16xi1>
    %jit3A_98 = arith.constant 6 : i32
    %broadcast_in_dim3A_99 = vector.broadcast %jit3A_98 : i32 to vector<16xi32>
    %select_n3A_100 = arith.select %and3A_97, %broadcast_in_dim3A_99, %select_n3A_92 : vector<16xi1>, vector<16xi32>
    %eq3A_101 = arith.cmpf oeq, %get3A_41, %max3A_47 : vector<16xf32>
    %eq3A_102 = arith.constant 99 : i32
    %eq3A_103 = vector.broadcast %eq3A_102 : i32 to vector<16xi32>
    %eq3A_104 = arith.cmpi eq, %select_n3A_100, %eq3A_103 : vector<16xi32>
    %and3A_105 = arith.andi %eq3A_101, %eq3A_104 : vector<16xi1>
    %jit3A_106 = arith.constant 7 : i32
    %broadcast_in_dim3A_107 = vector.broadcast %jit3A_106 : i32 to vector<16xi32>
    %select_n3A_108 = arith.select %and3A_105, %broadcast_in_dim3A_107, %select_n3A_100 : vector<16xi1>, vector<16xi32>
    %broadcast_in_dim3A_109 = arith.constant 0xFF800000 : f32
    %broadcast_in_dim3A_110 = vector.broadcast %broadcast_in_dim3A_109 : f32 to vector<16xf32>
    %eq3A_111 = arith.constant 0 : i32
    %eq3A_112 = vector.broadcast %eq3A_111 : i32 to vector<16xi32>
    %eq3A_113 = arith.cmpi eq, %select_n3A_108, %eq3A_112 : vector<16xi32>
    %max3A_114 = arith.maximumf %broadcast_in_dim3A_110, %get3A_6 : vector<16xf32>
    %select_n3A_115 = arith.select %eq3A_113, %broadcast_in_dim3A_110, %max3A_114 : vector<16xi1>, vector<16xf32>
    %eq3A_116 = arith.constant 1 : i32
    %eq3A_117 = vector.broadcast %eq3A_116 : i32 to vector<16xi32>
    %eq3A_118 = arith.cmpi eq, %select_n3A_108, %eq3A_117 : vector<16xi32>
    %max3A_119 = arith.maximumf %select_n3A_115, %get3A_11 : vector<16xf32>
    %select_n3A_120 = arith.select %eq3A_118, %select_n3A_115, %max3A_119 : vector<16xi1>, vector<16xf32>
    %eq3A_121 = arith.constant 2 : i32
    %eq3A_122 = vector.broadcast %eq3A_121 : i32 to vector<16xi32>
    %eq3A_123 = arith.cmpi eq, %select_n3A_108, %eq3A_122 : vector<16xi32>
    %max3A_124 = arith.maximumf %select_n3A_120, %get3A_16 : vector<16xf32>
    %select_n3A_125 = arith.select %eq3A_123, %select_n3A_120, %max3A_124 : vector<16xi1>, vector<16xf32>
    %eq3A_126 = arith.constant 3 : i32
    %eq3A_127 = vector.broadcast %eq3A_126 : i32 to vector<16xi32>
    %eq3A_128 = arith.cmpi eq, %select_n3A_108, %eq3A_127 : vector<16xi32>
    %max3A_129 = arith.maximumf %select_n3A_125, %get3A_21 : vector<16xf32>
    %select_n3A_130 = arith.select %eq3A_128, %select_n3A_125, %max3A_129 : vector<16xi1>, vector<16xf32>
    %eq3A_131 = arith.constant 4 : i32
    %eq3A_132 = vector.broadcast %eq3A_131 : i32 to vector<16xi32>
    %eq3A_133 = arith.cmpi eq, %select_n3A_108, %eq3A_132 : vector<16xi32>
    %max3A_134 = arith.maximumf %select_n3A_130, %get3A_26 : vector<16xf32>
    %select_n3A_135 = arith.select %eq3A_133, %select_n3A_130, %max3A_134 : vector<16xi1>, vector<16xf32>
    %eq3A_136 = arith.constant 5 : i32
    %eq3A_137 = vector.broadcast %eq3A_136 : i32 to vector<16xi32>
    %eq3A_138 = arith.cmpi eq, %select_n3A_108, %eq3A_137 : vector<16xi32>
    %max3A_139 = arith.maximumf %select_n3A_135, %get3A_31 : vector<16xf32>
    %select_n3A_140 = arith.select %eq3A_138, %select_n3A_135, %max3A_139 : vector<16xi1>, vector<16xf32>
    %eq3A_141 = arith.constant 6 : i32
    %eq3A_142 = vector.broadcast %eq3A_141 : i32 to vector<16xi32>
    %eq3A_143 = arith.cmpi eq, %select_n3A_108, %eq3A_142 : vector<16xi32>
    %max3A_144 = arith.maximumf %select_n3A_140, %get3A_36 : vector<16xf32>
    %select_n3A_145 = arith.select %eq3A_143, %select_n3A_140, %max3A_144 : vector<16xi1>, vector<16xf32>
    %eq3A_146 = arith.constant 7 : i32
    %eq3A_147 = vector.broadcast %eq3A_146 : i32 to vector<16xi32>
    %eq3A_148 = arith.cmpi eq, %select_n3A_108, %eq3A_147 : vector<16xi32>
    %max3A_149 = arith.maximumf %select_n3A_145, %get3A_41 : vector<16xf32>
    %select_n3A_150 = arith.select %eq3A_148, %select_n3A_145, %max3A_149 : vector<16xi1>, vector<16xf32>
    %eq3A_151 = arith.cmpf oeq, %get3A_6, %select_n3A_150 : vector<16xf32>
    %ne3A = arith.constant 0 : i32
    %ne3A_152 = vector.broadcast %ne3A : i32 to vector<16xi32>
    %ne3A_153 = arith.cmpi ne, %select_n3A_108, %ne3A_152 : vector<16xi32>
    %and3A_154 = arith.andi %eq3A_151, %ne3A_153 : vector<16xi1>
    %eq3A_155 = arith.constant 99 : i32
    %eq3A_156 = vector.broadcast %eq3A_155 : i32 to vector<16xi32>
    %eq3A_157 = arith.cmpi eq, %broadcast_in_dim3A_48, %eq3A_156 : vector<16xi32>
    %and3A_158 = arith.andi %and3A_154, %eq3A_157 : vector<16xi1>
    %jit3A_159 = arith.constant 0 : i32
    %broadcast_in_dim3A_160 = vector.broadcast %jit3A_159 : i32 to vector<16xi32>
    %select_n3A_161 = arith.select %and3A_158, %broadcast_in_dim3A_160, %broadcast_in_dim3A_48 : vector<16xi1>, vector<16xi32>
    %eq3A_162 = arith.cmpf oeq, %get3A_11, %select_n3A_150 : vector<16xf32>
    %ne3A_163 = arith.constant 1 : i32
    %ne3A_164 = vector.broadcast %ne3A_163 : i32 to vector<16xi32>
    %ne3A_165 = arith.cmpi ne, %select_n3A_108, %ne3A_164 : vector<16xi32>
    %and3A_166 = arith.andi %eq3A_162, %ne3A_165 : vector<16xi1>
    %eq3A_167 = arith.constant 99 : i32
    %eq3A_168 = vector.broadcast %eq3A_167 : i32 to vector<16xi32>
    %eq3A_169 = arith.cmpi eq, %select_n3A_161, %eq3A_168 : vector<16xi32>
    %and3A_170 = arith.andi %and3A_166, %eq3A_169 : vector<16xi1>
    %jit3A_171 = arith.constant 1 : i32
    %broadcast_in_dim3A_172 = vector.broadcast %jit3A_171 : i32 to vector<16xi32>
    %select_n3A_173 = arith.select %and3A_170, %broadcast_in_dim3A_172, %select_n3A_161 : vector<16xi1>, vector<16xi32>
    %eq3A_174 = arith.cmpf oeq, %get3A_16, %select_n3A_150 : vector<16xf32>
    %ne3A_175 = arith.constant 2 : i32
    %ne3A_176 = vector.broadcast %ne3A_175 : i32 to vector<16xi32>
    %ne3A_177 = arith.cmpi ne, %select_n3A_108, %ne3A_176 : vector<16xi32>
    %and3A_178 = arith.andi %eq3A_174, %ne3A_177 : vector<16xi1>
    %eq3A_179 = arith.constant 99 : i32
    %eq3A_180 = vector.broadcast %eq3A_179 : i32 to vector<16xi32>
    %eq3A_181 = arith.cmpi eq, %select_n3A_173, %eq3A_180 : vector<16xi32>
    %and3A_182 = arith.andi %and3A_178, %eq3A_181 : vector<16xi1>
    %jit3A_183 = arith.constant 2 : i32
    %broadcast_in_dim3A_184 = vector.broadcast %jit3A_183 : i32 to vector<16xi32>
    %select_n3A_185 = arith.select %and3A_182, %broadcast_in_dim3A_184, %select_n3A_173 : vector<16xi1>, vector<16xi32>
    %eq3A_186 = arith.cmpf oeq, %get3A_21, %select_n3A_150 : vector<16xf32>
    %ne3A_187 = arith.constant 3 : i32
    %ne3A_188 = vector.broadcast %ne3A_187 : i32 to vector<16xi32>
    %ne3A_189 = arith.cmpi ne, %select_n3A_108, %ne3A_188 : vector<16xi32>
    %and3A_190 = arith.andi %eq3A_186, %ne3A_189 : vector<16xi1>
    %eq3A_191 = arith.constant 99 : i32
    %eq3A_192 = vector.broadcast %eq3A_191 : i32 to vector<16xi32>
    %eq3A_193 = arith.cmpi eq, %select_n3A_185, %eq3A_192 : vector<16xi32>
    %and3A_194 = arith.andi %and3A_190, %eq3A_193 : vector<16xi1>
    %jit3A_195 = arith.constant 3 : i32
    %broadcast_in_dim3A_196 = vector.broadcast %jit3A_195 : i32 to vector<16xi32>
    %select_n3A_197 = arith.select %and3A_194, %broadcast_in_dim3A_196, %select_n3A_185 : vector<16xi1>, vector<16xi32>
    %eq3A_198 = arith.cmpf oeq, %get3A_26, %select_n3A_150 : vector<16xf32>
    %ne3A_199 = arith.constant 4 : i32
    %ne3A_200 = vector.broadcast %ne3A_199 : i32 to vector<16xi32>
    %ne3A_201 = arith.cmpi ne, %select_n3A_108, %ne3A_200 : vector<16xi32>
    %and3A_202 = arith.andi %eq3A_198, %ne3A_201 : vector<16xi1>
    %eq3A_203 = arith.constant 99 : i32
    %eq3A_204 = vector.broadcast %eq3A_203 : i32 to vector<16xi32>
    %eq3A_205 = arith.cmpi eq, %select_n3A_197, %eq3A_204 : vector<16xi32>
    %and3A_206 = arith.andi %and3A_202, %eq3A_205 : vector<16xi1>
    %jit3A_207 = arith.constant 4 : i32
    %broadcast_in_dim3A_208 = vector.broadcast %jit3A_207 : i32 to vector<16xi32>
    %select_n3A_209 = arith.select %and3A_206, %broadcast_in_dim3A_208, %select_n3A_197 : vector<16xi1>, vector<16xi32>
    %eq3A_210 = arith.cmpf oeq, %get3A_31, %select_n3A_150 : vector<16xf32>
    %ne3A_211 = arith.constant 5 : i32
    %ne3A_212 = vector.broadcast %ne3A_211 : i32 to vector<16xi32>
    %ne3A_213 = arith.cmpi ne, %select_n3A_108, %ne3A_212 : vector<16xi32>
    %and3A_214 = arith.andi %eq3A_210, %ne3A_213 : vector<16xi1>
    %eq3A_215 = arith.constant 99 : i32
    %eq3A_216 = vector.broadcast %eq3A_215 : i32 to vector<16xi32>
    %eq3A_217 = arith.cmpi eq, %select_n3A_209, %eq3A_216 : vector<16xi32>
    %and3A_218 = arith.andi %and3A_214, %eq3A_217 : vector<16xi1>
    %jit3A_219 = arith.constant 5 : i32
    %broadcast_in_dim3A_220 = vector.broadcast %jit3A_219 : i32 to vector<16xi32>
    %select_n3A_221 = arith.select %and3A_218, %broadcast_in_dim3A_220, %select_n3A_209 : vector<16xi1>, vector<16xi32>
    %eq3A_222 = arith.cmpf oeq, %get3A_36, %select_n3A_150 : vector<16xf32>
    %ne3A_223 = arith.constant 6 : i32
    %ne3A_224 = vector.broadcast %ne3A_223 : i32 to vector<16xi32>
    %ne3A_225 = arith.cmpi ne, %select_n3A_108, %ne3A_224 : vector<16xi32>
    %and3A_226 = arith.andi %eq3A_222, %ne3A_225 : vector<16xi1>
    %eq3A_227 = arith.constant 99 : i32
    %eq3A_228 = vector.broadcast %eq3A_227 : i32 to vector<16xi32>
    %eq3A_229 = arith.cmpi eq, %select_n3A_221, %eq3A_228 : vector<16xi32>
    %and3A_230 = arith.andi %and3A_226, %eq3A_229 : vector<16xi1>
    %jit3A_231 = arith.constant 6 : i32
    %broadcast_in_dim3A_232 = vector.broadcast %jit3A_231 : i32 to vector<16xi32>
    %select_n3A_233 = arith.select %and3A_230, %broadcast_in_dim3A_232, %select_n3A_221 : vector<16xi1>, vector<16xi32>
    %eq3A_234 = arith.cmpf oeq, %get3A_41, %select_n3A_150 : vector<16xf32>
    %ne3A_235 = arith.constant 7 : i32
    %ne3A_236 = vector.broadcast %ne3A_235 : i32 to vector<16xi32>
    %ne3A_237 = arith.cmpi ne, %select_n3A_108, %ne3A_236 : vector<16xi32>
    %and3A_238 = arith.andi %eq3A_234, %ne3A_237 : vector<16xi1>
    %eq3A_239 = arith.constant 99 : i32
    %eq3A_240 = vector.broadcast %eq3A_239 : i32 to vector<16xi32>
    %eq3A_241 = arith.cmpi eq, %select_n3A_233, %eq3A_240 : vector<16xi32>
    %and3A_242 = arith.andi %and3A_238, %eq3A_241 : vector<16xi1>
    %jit3A_243 = arith.constant 7 : i32
    %broadcast_in_dim3A_244 = vector.broadcast %jit3A_243 : i32 to vector<16xi32>
    %select_n3A_245 = arith.select %and3A_242, %broadcast_in_dim3A_244, %select_n3A_233 : vector<16xi1>, vector<16xi32>
    %sub3A = arith.subf %select_n3A_150, %max3A_47 : vector<16xf32>
    %exp3A = math.exp %sub3A : vector<16xf32>
    %add3A_246 = arith.constant 1.000000e+00 : f32
    %add3A_247 = vector.broadcast %add3A_246 : f32 to vector<16xf32>
    %add3A_248 = arith.addf %add3A_247, %exp3A : vector<16xf32>
    %div3A = arith.constant 1.000000e+00 : f32
    %div3A_249 = vector.broadcast %div3A : f32 to vector<16xf32>
    %div3A_250 = arith.divf %div3A_249, %add3A_248 : vector<16xf32>
    %mul3A_251 = arith.mulf %exp3A, %div3A_250 : vector<16xf32>
    %broadcast_in_dim3A_252 = arith.constant 0.000000e+00 : f32
    %broadcast_in_dim3A_253 = vector.broadcast %broadcast_in_dim3A_252 : f32 to vector<16xf32>
    %eq3A_254 = arith.constant 0 : i32
    %eq3A_255 = vector.broadcast %eq3A_254 : i32 to vector<16xi32>
    %eq3A_256 = arith.cmpi eq, %select_n3A_108, %eq3A_255 : vector<16xi32>
    %eq3A_257 = arith.constant 0 : i32
    %eq3A_258 = vector.broadcast %eq3A_257 : i32 to vector<16xi32>
    %eq3A_259 = arith.cmpi eq, %select_n3A_245, %eq3A_258 : vector<16xi32>
    %select_n3A_260 = arith.select %eq3A_259, %mul3A_251, %broadcast_in_dim3A_253 : vector<16xi1>, vector<16xf32>
    %select_n3A_261 = arith.select %eq3A_256, %div3A_250, %select_n3A_260 : vector<16xi1>, vector<16xf32>
    %swap3A = arith.constant 0 : i32
    %swap3A_262 = arith.index_cast %swap3A : i32 to index
    %swap3A_263 = arith.constant 0 : index
    %swap3A_264 = tpu.vector_load %arg5[%swap3A_262, %swap3A_263] {strides = array<i32>} : memref<8x128xf32, #tpu.memory_space<vmem>>, vector<1x16xf32>,
    %swap3A_265 = vector.shape_cast %swap3A_264 : vector<1x16xf32> to vector<16xf32>
    %swap3A_266 = vector.shape_cast %select_n3A_261 : vector<16xf32> to vector<1x16xf32>
    tpu.vector_store %arg5[%swap3A_262, %swap3A_263], %swap3A_266 {strides = array<i32>} : memref<8x128xf32, #tpu.memory_space<vmem>>, vector<1x16xf32>,
    %eq3A_267 = arith.constant 1 : i32
    %eq3A_268 = vector.broadcast %eq3A_267 : i32 to vector<16xi32>
    %eq3A_269 = arith.cmpi eq, %select_n3A_108, %eq3A_268 : vector<16xi32>
    %eq3A_270 = arith.constant 1 : i32
    %eq3A_271 = vector.broadcast %eq3A_270 : i32 to vector<16xi32>
    %eq3A_272 = arith.cmpi eq, %select_n3A_245, %eq3A_271 : vector<16xi32>
    %select_n3A_273 = arith.select %eq3A_272, %mul3A_251, %broadcast_in_dim3A_253 : vector<16xi1>, vector<16xf32>
    %select_n3A_274 = arith.select %eq3A_269, %div3A_250, %select_n3A_273 : vector<16xi1>, vector<16xf32>
    %swap3A_275 = arith.constant 1 : i32
    %swap3A_276 = arith.index_cast %swap3A_275 : i32 to index
    %swap3A_277 = arith.constant 0 : index
    %swap3A_278 = tpu.vector_load %arg5[%swap3A_276, %swap3A_277] {strides = array<i32>} : memref<8x128xf32, #tpu.memory_space<vmem>>, vector<1x16xf32>,
    %swap3A_279 = vector.shape_cast %swap3A_278 : vector<1x16xf32> to vector<16xf32>
    %swap3A_280 = vector.shape_cast %select_n3A_274 : vector<16xf32> to vector<1x16xf32>
    tpu.vector_store %arg5[%swap3A_276, %swap3A_277], %swap3A_280 {strides = array<i32>} : memref<8x128xf32, #tpu.memory_space<vmem>>, vector<1x16xf32>,
    %eq3A_281 = arith.constant 2 : i32
    %eq3A_282 = vector.broadcast %eq3A_281 : i32 to vector<16xi32>
    %eq3A_283 = arith.cmpi eq, %select_n3A_108, %eq3A_282 : vector<16xi32>
    %eq3A_284 = arith.constant 2 : i32
    %eq3A_285 = vector.broadcast %eq3A_284 : i32 to vector<16xi32>
    %eq3A_286 = arith.cmpi eq, %select_n3A_245, %eq3A_285 : vector<16xi32>
    %select_n3A_287 = arith.select %eq3A_286, %mul3A_251, %broadcast_in_dim3A_253 : vector<16xi1>, vector<16xf32>
    %select_n3A_288 = arith.select %eq3A_283, %div3A_250, %select_n3A_287 : vector<16xi1>, vector<16xf32>
    %swap3A_289 = arith.constant 2 : i32
    %swap3A_290 = arith.index_cast %swap3A_289 : i32 to index
    %swap3A_291 = arith.constant 0 : index
    %swap3A_292 = tpu.vector_load %arg5[%swap3A_290, %swap3A_291] {strides = array<i32>} : memref<8x128xf32, #tpu.memory_space<vmem>>, vector<1x16xf32>,
    %swap3A_293 = vector.shape_cast %swap3A_292 : vector<1x16xf32> to vector<16xf32>
    %swap3A_294 = vector.shape_cast %select_n3A_288 : vector<16xf32> to vector<1x16xf32>
    tpu.vector_store %arg5[%swap3A_290, %swap3A_291], %swap3A_294 {strides = array<i32>} : memref<8x128xf32, #tpu.memory_space<vmem>>, vector<1x16xf32>,
    %eq3A_295 = arith.constant 3 : i32
    %eq3A_296 = vector.broadcast %eq3A_295 : i32 to vector<16xi32>
    %eq3A_297 = arith.cmpi eq, %select_n3A_108, %eq3A_296 : vector<16xi32>
    %eq3A_298 = arith.constant 3 : i32
    %eq3A_299 = vector.broadcast %eq3A_298 : i32 to vector<16xi32>
    %eq3A_300 = arith.cmpi eq, %select_n3A_245, %eq3A_299 : vector<16xi32>
    %select_n3A_301 = arith.select %eq3A_300, %mul3A_251, %broadcast_in_dim3A_253 : vector<16xi1>, vector<16xf32>
    %select_n3A_302 = arith.select %eq3A_297, %div3A_250, %select_n3A_301 : vector<16xi1>, vector<16xf32>
    %swap3A_303 = arith.constant 3 : i32
    %swap3A_304 = arith.index_cast %swap3A_303 : i32 to index
    %swap3A_305 = arith.constant 0 : index
    %swap3A_306 = tpu.vector_load %arg5[%swap3A_304, %swap3A_305] {strides = array<i32>} : memref<8x128xf32, #tpu.memory_space<vmem>>, vector<1x16xf32>,
    %swap3A_307 = vector.shape_cast %swap3A_306 : vector<1x16xf32> to vector<16xf32>
    %swap3A_308 = vector.shape_cast %select_n3A_302 : vector<16xf32> to vector<1x16xf32>
    tpu.vector_store %arg5[%swap3A_304, %swap3A_305], %swap3A_308 {strides = array<i32>} : memref<8x128xf32, #tpu.memory_space<vmem>>, vector<1x16xf32>,
    %eq3A_309 = arith.constant 4 : i32
    %eq3A_310 = vector.broadcast %eq3A_309 : i32 to vector<16xi32>
    %eq3A_311 = arith.cmpi eq, %select_n3A_108, %eq3A_310 : vector<16xi32>
    %eq3A_312 = arith.constant 4 : i32
    %eq3A_313 = vector.broadcast %eq3A_312 : i32 to vector<16xi32>
    %eq3A_314 = arith.cmpi eq, %select_n3A_245, %eq3A_313 : vector<16xi32>
    %select_n3A_315 = arith.select %eq3A_314, %mul3A_251, %broadcast_in_dim3A_253 : vector<16xi1>, vector<16xf32>
    %select_n3A_316 = arith.select %eq3A_311, %div3A_250, %select_n3A_315 : vector<16xi1>, vector<16xf32>
    %swap3A_317 = arith.constant 4 : i32
    %swap3A_318 = arith.index_cast %swap3A_317 : i32 to index
    %swap3A_319 = arith.constant 0 : index
    %swap3A_320 = tpu.vector_load %arg5[%swap3A_318, %swap3A_319] {strides = array<i32>} : memref<8x128xf32, #tpu.memory_space<vmem>>, vector<1x16xf32>,
    %swap3A_321 = vector.shape_cast %swap3A_320 : vector<1x16xf32> to vector<16xf32>
    %swap3A_322 = vector.shape_cast %select_n3A_316 : vector<16xf32> to vector<1x16xf32>
    tpu.vector_store %arg5[%swap3A_318, %swap3A_319], %swap3A_322 {strides = array<i32>} : memref<8x128xf32, #tpu.memory_space<vmem>>, vector<1x16xf32>,
    %eq3A_323 = arith.constant 5 : i32
    %eq3A_324 = vector.broadcast %eq3A_323 : i32 to vector<16xi32>
    %eq3A_325 = arith.cmpi eq, %select_n3A_108, %eq3A_324 : vector<16xi32>
    %eq3A_326 = arith.constant 5 : i32
    %eq3A_327 = vector.broadcast %eq3A_326 : i32 to vector<16xi32>
    %eq3A_328 = arith.cmpi eq, %select_n3A_245, %eq3A_327 : vector<16xi32>
    %select_n3A_329 = arith.select %eq3A_328, %mul3A_251, %broadcast_in_dim3A_253 : vector<16xi1>, vector<16xf32>
    %select_n3A_330 = arith.select %eq3A_325, %div3A_250, %select_n3A_329 : vector<16xi1>, vector<16xf32>
    %swap3A_331 = arith.constant 5 : i32
    %swap3A_332 = arith.index_cast %swap3A_331 : i32 to index
    %swap3A_333 = arith.constant 0 : index
    %swap3A_334 = tpu.vector_load %arg5[%swap3A_332, %swap3A_333] {strides = array<i32>} : memref<8x128xf32, #tpu.memory_space<vmem>>, vector<1x16xf32>,
    %swap3A_335 = vector.shape_cast %swap3A_334 : vector<1x16xf32> to vector<16xf32>
    %swap3A_336 = vector.shape_cast %select_n3A_330 : vector<16xf32> to vector<1x16xf32>
    tpu.vector_store %arg5[%swap3A_332, %swap3A_333], %swap3A_336 {strides = array<i32>} : memref<8x128xf32, #tpu.memory_space<vmem>>, vector<1x16xf32>,
    %eq3A_337 = arith.constant 6 : i32
    %eq3A_338 = vector.broadcast %eq3A_337 : i32 to vector<16xi32>
    %eq3A_339 = arith.cmpi eq, %select_n3A_108, %eq3A_338 : vector<16xi32>
    %eq3A_340 = arith.constant 6 : i32
    %eq3A_341 = vector.broadcast %eq3A_340 : i32 to vector<16xi32>
    %eq3A_342 = arith.cmpi eq, %select_n3A_245, %eq3A_341 : vector<16xi32>
    %select_n3A_343 = arith.select %eq3A_342, %mul3A_251, %broadcast_in_dim3A_253 : vector<16xi1>, vector<16xf32>
    %select_n3A_344 = arith.select %eq3A_339, %div3A_250, %select_n3A_343 : vector<16xi1>, vector<16xf32>
    %swap3A_345 = arith.constant 6 : i32
    %swap3A_346 = arith.index_cast %swap3A_345 : i32 to index
    %swap3A_347 = arith.constant 0 : index
    %swap3A_348 = tpu.vector_load %arg5[%swap3A_346, %swap3A_347] {strides = array<i32>} : memref<8x128xf32, #tpu.memory_space<vmem>>, vector<1x16xf32>,
    %swap3A_349 = vector.shape_cast %swap3A_348 : vector<1x16xf32> to vector<16xf32>
    %swap3A_350 = vector.shape_cast %select_n3A_344 : vector<16xf32> to vector<1x16xf32>
    tpu.vector_store %arg5[%swap3A_346, %swap3A_347], %swap3A_350 {strides = array<i32>} : memref<8x128xf32, #tpu.memory_space<vmem>>, vector<1x16xf32>,
    %eq3A_351 = arith.constant 7 : i32
    %eq3A_352 = vector.broadcast %eq3A_351 : i32 to vector<16xi32>
    %eq3A_353 = arith.cmpi eq, %select_n3A_108, %eq3A_352 : vector<16xi32>
    %eq3A_354 = arith.constant 7 : i32
    %eq3A_355 = vector.broadcast %eq3A_354 : i32 to vector<16xi32>
    %eq3A_356 = arith.cmpi eq, %select_n3A_245, %eq3A_355 : vector<16xi32>
    %select_n3A_357 = arith.select %eq3A_356, %mul3A_251, %broadcast_in_dim3A_253 : vector<16xi1>, vector<16xf32>
    %select_n3A_358 = arith.select %eq3A_353, %div3A_250, %select_n3A_357 : vector<16xi1>, vector<16xf32>
    %swap3A_359 = arith.constant 7 : i32
    %swap3A_360 = arith.index_cast %swap3A_359 : i32 to index
    %swap3A_361 = arith.constant 0 : index
    %swap3A_362 = tpu.vector_load %arg5[%swap3A_360, %swap3A_361] {strides = array<i32>} : memref<8x128xf32, #tpu.memory_space<vmem>>, vector<1x16xf32>,
    %swap3A_363 = vector.shape_cast %swap3A_362 : vector<1x16xf32> to vector<16xf32>
    %swap3A_364 = vector.shape_cast %select_n3A_358 : vector<16xf32> to vector<1x16xf32>
    tpu.vector_store %arg5[%swap3A_360, %swap3A_361], %swap3A_364 {strides = array<i32>} : memref<8x128xf32, #tpu.memory_space<vmem>>, vector<1x16xf32>,
    %get3A_365 = arith.constant 0 : i32
    %get3A_366 = arith.index_cast %get3A_365 : i32 to index
    %get3A_367 = arith.constant 16 : index
    %get3A_368 = tpu.vector_load %arg4[%get3A_366, %get3A_367] {strides = array<i32>} : memref<8x128xf32, #tpu.memory_space<vmem>>, vector<1x16xf32>,
    %get3A_369 = vector.shape_cast %get3A_368 : vector<1x16xf32> to vector<16xf32>
    %get3A_370 = arith.constant 1 : i32
    %get3A_371 = arith.index_cast %get3A_370 : i32 to index
    %get3A_372 = arith.constant 16 : index
    %get3A_373 = tpu.vector_load %arg4[%get3A_371, %get3A_372] {strides = array<i32>} : memref<8x128xf32, #tpu.memory_space<vmem>>, vector<1x16xf32>,
    %get3A_374 = vector.shape_cast %get3A_373 : vector<1x16xf32> to vector<16xf32>
    %get3A_375 = arith.constant 2 : i32
    %get3A_376 = arith.index_cast %get3A_375 : i32 to index
    %get3A_377 = arith.constant 16 : index
    %get3A_378 = tpu.vector_load %arg4[%get3A_376, %get3A_377] {strides = array<i32>} : memref<8x128xf32, #tpu.memory_space<vmem>>, vector<1x16xf32>,
    %get3A_379 = vector.shape_cast %get3A_378 : vector<1x16xf32> to vector<16xf32>
    %get3A_380 = arith.constant 3 : i32
    %get3A_381 = arith.index_cast %get3A_380 : i32 to index
    %get3A_382 = arith.constant 16 : index
    %get3A_383 = tpu.vector_load %arg4[%get3A_381, %get3A_382] {strides = array<i32>} : memref<8x128xf32, #tpu.memory_space<vmem>>, vector<1x16xf32>,
    %get3A_384 = vector.shape_cast %get3A_383 : vector<1x16xf32> to vector<16xf32>
    %get3A_385 = arith.constant 4 : i32
    %get3A_386 = arith.index_cast %get3A_385 : i32 to index
    %get3A_387 = arith.constant 16 : index
    %get3A_388 = tpu.vector_load %arg4[%get3A_386, %get3A_387] {strides = array<i32>} : memref<8x128xf32, #tpu.memory_space<vmem>>, vector<1x16xf32>,
    %get3A_389 = vector.shape_cast %get3A_388 : vector<1x16xf32> to vector<16xf32>
    %get3A_390 = arith.constant 5 : i32
    %get3A_391 = arith.index_cast %get3A_390 : i32 to index
    %get3A_392 = arith.constant 16 : index
    %get3A_393 = tpu.vector_load %arg4[%get3A_391, %get3A_392] {strides = array<i32>} : memref<8x128xf32, #tpu.memory_space<vmem>>, vector<1x16xf32>,
    %get3A_394 = vector.shape_cast %get3A_393 : vector<1x16xf32> to vector<16xf32>
    %get3A_395 = arith.constant 6 : i32
    %get3A_396 = arith.index_cast %get3A_395 : i32 to index
    %get3A_397 = arith.constant 16 : index
    %get3A_398 = tpu.vector_load %arg4[%get3A_396, %get3A_397] {strides = array<i32>} : memref<8x128xf32, #tpu.memory_space<vmem>>, vector<1x16xf32>,
    %get3A_399 = vector.shape_cast %get3A_398 : vector<1x16xf32> to vector<16xf32>
    %get3A_400 = arith.constant 7 : i32
    %get3A_401 = arith.index_cast %get3A_400 : i32 to index
    %get3A_402 = arith.constant 16 : index
    %get3A_403 = tpu.vector_load %arg4[%get3A_401, %get3A_402] {strides = array<i32>} : memref<8x128xf32, #tpu.memory_space<vmem>>, vector<1x16xf32>,
    %get3A_404 = vector.shape_cast %get3A_403 : vector<1x16xf32> to vector<16xf32>
    %max3A_405 = arith.maximumf %get3A_369, %get3A_374 : vector<16xf32>
    %max3A_406 = arith.maximumf %max3A_405, %get3A_379 : vector<16xf32>
    %max3A_407 = arith.maximumf %max3A_406, %get3A_384 : vector<16xf32>
    %max3A_408 = arith.maximumf %max3A_407, %get3A_389 : vector<16xf32>
    %max3A_409 = arith.maximumf %max3A_408, %get3A_394 : vector<16xf32>
    %max3A_410 = arith.maximumf %max3A_409, %get3A_399 : vector<16xf32>
    %max3A_411 = arith.maximumf %max3A_410, %get3A_404 : vector<16xf32>
    %broadcast_in_dim3A_412 = arith.constant 99 : i32
    %broadcast_in_dim3A_413 = vector.broadcast %broadcast_in_dim3A_412 : i32 to vector<16xi32>
    %eq3A_414 = arith.cmpf oeq, %get3A_369, %max3A_411 : vector<16xf32>
    %eq3A_415 = arith.constant 99 : i32
    %eq3A_416 = vector.broadcast %eq3A_415 : i32 to vector<16xi32>
    %eq3A_417 = arith.cmpi eq, %broadcast_in_dim3A_413, %eq3A_416 : vector<16xi32>
    %and3A_418 = arith.andi %eq3A_414, %eq3A_417 : vector<16xi1>
    %jit3A_419 = arith.constant 0 : i32
    %broadcast_in_dim3A_420 = vector.broadcast %jit3A_419 : i32 to vector<16xi32>
    %select_n3A_421 = arith.select %and3A_418, %broadcast_in_dim3A_420, %broadcast_in_dim3A_413 : vector<16xi1>, vector<16xi32>
    %eq3A_422 = arith.cmpf oeq, %get3A_374, %max3A_411 : vector<16xf32>
    %eq3A_423 = arith.constant 99 : i32
    %eq3A_424 = vector.broadcast %eq3A_423 : i32 to vector<16xi32>
    %eq3A_425 = arith.cmpi eq, %select_n3A_421, %eq3A_424 : vector<16xi32>
    %and3A_426 = arith.andi %eq3A_422, %eq3A_425 : vector<16xi1>
    %jit3A_427 = arith.constant 1 : i32
    %broadcast_in_dim3A_428 = vector.broadcast %jit3A_427 : i32 to vector<16xi32>
    %select_n3A_429 = arith.select %and3A_426, %broadcast_in_dim3A_428, %select_n3A_421 : vector<16xi1>, vector<16xi32>
    %eq3A_430 = arith.cmpf oeq, %get3A_379, %max3A_411 : vector<16xf32>
    %eq3A_431 = arith.constant 99 : i32
    %eq3A_432 = vector.broadcast %eq3A_431 : i32 to vector<16xi32>
    %eq3A_433 = arith.cmpi eq, %select_n3A_429, %eq3A_432 : vector<16xi32>
    %and3A_434 = arith.andi %eq3A_430, %eq3A_433 : vector<16xi1>
    %jit3A_435 = arith.constant 2 : i32
    %broadcast_in_dim3A_436 = vector.broadcast %jit3A_435 : i32 to vector<16xi32>
    %select_n3A_437 = arith.select %and3A_434, %broadcast_in_dim3A_436, %select_n3A_429 : vector<16xi1>, vector<16xi32>
    %eq3A_438 = arith.cmpf oeq, %get3A_384, %max3A_411 : vector<16xf32>
    %eq3A_439 = arith.constant 99 : i32
    %eq3A_440 = vector.broadcast %eq3A_439 : i32 to vector<16xi32>
    %eq3A_441 = arith.cmpi eq, %select_n3A_437, %eq3A_440 : vector<16xi32>
    %and3A_442 = arith.andi %eq3A_438, %eq3A_441 : vector<16xi1>
    %jit3A_443 = arith.constant 3 : i32
    %broadcast_in_dim3A_444 = vector.broadcast %jit3A_443 : i32 to vector<16xi32>
    %select_n3A_445 = arith.select %and3A_442, %broadcast_in_dim3A_444, %select_n3A_437 : vector<16xi1>, vector<16xi32>
    %eq3A_446 = arith.cmpf oeq, %get3A_389, %max3A_411 : vector<16xf32>
    %eq3A_447 = arith.constant 99 : i32
    %eq3A_448 = vector.broadcast %eq3A_447 : i32 to vector<16xi32>
    %eq3A_449 = arith.cmpi eq, %select_n3A_445, %eq3A_448 : vector<16xi32>
    %and3A_450 = arith.andi %eq3A_446, %eq3A_449 : vector<16xi1>
    %jit3A_451 = arith.constant 4 : i32
    %broadcast_in_dim3A_452 = vector.broadcast %jit3A_451 : i32 to vector<16xi32>
    %select_n3A_453 = arith.select %and3A_450, %broadcast_in_dim3A_452, %select_n3A_445 : vector<16xi1>, vector<16xi32>
    %eq3A_454 = arith.cmpf oeq, %get3A_394, %max3A_411 : vector<16xf32>
    %eq3A_455 = arith.constant 99 : i32
    %eq3A_456 = vector.broadcast %eq3A_455 : i32 to vector<16xi32>
    %eq3A_457 = arith.cmpi eq, %select_n3A_453, %eq3A_456 : vector<16xi32>
    %and3A_458 = arith.andi %eq3A_454, %eq3A_457 : vector<16xi1>
    %jit3A_459 = arith.constant 5 : i32
    %broadcast_in_dim3A_460 = vector.broadcast %jit3A_459 : i32 to vector<16xi32>
    %select_n3A_461 = arith.select %and3A_458, %broadcast_in_dim3A_460, %select_n3A_453 : vector<16xi1>, vector<16xi32>
    %eq3A_462 = arith.cmpf oeq, %get3A_399, %max3A_411 : vector<16xf32>
    %eq3A_463 = arith.constant 99 : i32
    %eq3A_464 = vector.broadcast %eq3A_463 : i32 to vector<16xi32>
    %eq3A_465 = arith.cmpi eq, %select_n3A_461, %eq3A_464 : vector<16xi32>
    %and3A_466 = arith.andi %eq3A_462, %eq3A_465 : vector<16xi1>
    %jit3A_467 = arith.constant 6 : i32
    %broadcast_in_dim3A_468 = vector.broadcast %jit3A_467 : i32 to vector<16xi32>
    %select_n3A_469 = arith.select %and3A_466, %broadcast_in_dim3A_468, %select_n3A_461 : vector<16xi1>, vector<16xi32>
    %eq3A_470 = arith.cmpf oeq, %get3A_404, %max3A_411 : vector<16xf32>
    %eq3A_471 = arith.constant 99 : i32
    %eq3A_472 = vector.broadcast %eq3A_471 : i32 to vector<16xi32>
    %eq3A_473 = arith.cmpi eq, %select_n3A_469, %eq3A_472 : vector<16xi32>
    %and3A_474 = arith.andi %eq3A_470, %eq3A_473 : vector<16xi1>
    %jit3A_475 = arith.constant 7 : i32
    %broadcast_in_dim3A_476 = vector.broadcast %jit3A_475 : i32 to vector<16xi32>
    %select_n3A_477 = arith.select %and3A_474, %broadcast_in_dim3A_476, %select_n3A_469 : vector<16xi1>, vector<16xi32>
    %broadcast_in_dim3A_478 = arith.constant 0xFF800000 : f32
    %broadcast_in_dim3A_479 = vector.broadcast %broadcast_in_dim3A_478 : f32 to vector<16xf32>
    %eq3A_480 = arith.constant 0 : i32
    %eq3A_481 = vector.broadcast %eq3A_480 : i32 to vector<16xi32>
    %eq3A_482 = arith.cmpi eq, %select_n3A_477, %eq3A_481 : vector<16xi32>
    %max3A_483 = arith.maximumf %broadcast_in_dim3A_479, %get3A_369 : vector<16xf32>
    %select_n3A_484 = arith.select %eq3A_482, %broadcast_in_dim3A_479, %max3A_483 : vector<16xi1>, vector<16xf32>
    %eq3A_485 = arith.constant 1 : i32
    %eq3A_486 = vector.broadcast %eq3A_485 : i32 to vector<16xi32>
    %eq3A_487 = arith.cmpi eq, %select_n3A_477, %eq3A_486 : vector<16xi32>
    %max3A_488 = arith.maximumf %select_n3A_484, %get3A_374 : vector<16xf32>
    %select_n3A_489 = arith.select %eq3A_487, %select_n3A_484, %max3A_488 : vector<16xi1>, vector<16xf32>
    %eq3A_490 = arith.constant 2 : i32
    %eq3A_491 = vector.broadcast %eq3A_490 : i32 to vector<16xi32>
    %eq3A_492 = arith.cmpi eq, %select_n3A_477, %eq3A_491 : vector<16xi32>
    %max3A_493 = arith.maximumf %select_n3A_489, %get3A_379 : vector<16xf32>
    %select_n3A_494 = arith.select %eq3A_492, %select_n3A_489, %max3A_493 : vector<16xi1>, vector<16xf32>
    %eq3A_495 = arith.constant 3 : i32
    %eq3A_496 = vector.broadcast %eq3A_495 : i32 to vector<16xi32>
    %eq3A_497 = arith.cmpi eq, %select_n3A_477, %eq3A_496 : vector<16xi32>
    %max3A_498 = arith.maximumf %select_n3A_494, %get3A_384 : vector<16xf32>
    %select_n3A_499 = arith.select %eq3A_497, %select_n3A_494, %max3A_498 : vector<16xi1>, vector<16xf32>
    %eq3A_500 = arith.constant 4 : i32
    %eq3A_501 = vector.broadcast %eq3A_500 : i32 to vector<16xi32>
    %eq3A_502 = arith.cmpi eq, %select_n3A_477, %eq3A_501 : vector<16xi32>
    %max3A_503 = arith.maximumf %select_n3A_499, %get3A_389 : vector<16xf32>
    %select_n3A_504 = arith.select %eq3A_502, %select_n3A_499, %max3A_503 : vector<16xi1>, vector<16xf32>
    %eq3A_505 = arith.constant 5 : i32
    %eq3A_506 = vector.broadcast %eq3A_505 : i32 to vector<16xi32>
    %eq3A_507 = arith.cmpi eq, %select_n3A_477, %eq3A_506 : vector<16xi32>
    %max3A_508 = arith.maximumf %select_n3A_504, %get3A_394 : vector<16xf32>
    %select_n3A_509 = arith.select %eq3A_507, %select_n3A_504, %max3A_508 : vector<16xi1>, vector<16xf32>
    %eq3A_510 = arith.constant 6 : i32
    %eq3A_511 = vector.broadcast %eq3A_510 : i32 to vector<16xi32>
    %eq3A_512 = arith.cmpi eq, %select_n3A_477, %eq3A_511 : vector<16xi32>
    %max3A_513 = arith.maximumf %select_n3A_509, %get3A_399 : vector<16xf32>
    %select_n3A_514 = arith.select %eq3A_512, %select_n3A_509, %max3A_513 : vector<16xi1>, vector<16xf32>
    %eq3A_515 = arith.constant 7 : i32
    %eq3A_516 = vector.broadcast %eq3A_515 : i32 to vector<16xi32>
    %eq3A_517 = arith.cmpi eq, %select_n3A_477, %eq3A_516 : vector<16xi32>
    %max3A_518 = arith.maximumf %select_n3A_514, %get3A_404 : vector<16xf32>
    %select_n3A_519 = arith.select %eq3A_517, %select_n3A_514, %max3A_518 : vector<16xi1>, vector<16xf32>
    %eq3A_520 = arith.cmpf oeq, %get3A_369, %select_n3A_519 : vector<16xf32>
    %ne3A_521 = arith.constant 0 : i32
    %ne3A_522 = vector.broadcast %ne3A_521 : i32 to vector<16xi32>
    %ne3A_523 = arith.cmpi ne, %select_n3A_477, %ne3A_522 : vector<16xi32>
    %and3A_524 = arith.andi %eq3A_520, %ne3A_523 : vector<16xi1>
    %eq3A_525 = arith.constant 99 : i32
    %eq3A_526 = vector.broadcast %eq3A_525 : i32 to vector<16xi32>
    %eq3A_527 = arith.cmpi eq, %broadcast_in_dim3A_413, %eq3A_526 : vector<16xi32>
    %and3A_528 = arith.andi %and3A_524, %eq3A_527 : vector<16xi1>
    %jit3A_529 = arith.constant 0 : i32
    %broadcast_in_dim3A_530 = vector.broadcast %jit3A_529 : i32 to vector<16xi32>
    %select_n3A_531 = arith.select %and3A_528, %broadcast_in_dim3A_530, %broadcast_in_dim3A_413 : vector<16xi1>, vector<16xi32>
    %eq3A_532 = arith.cmpf oeq, %get3A_374, %select_n3A_519 : vector<16xf32>
    %ne3A_533 = arith.constant 1 : i32
    %ne3A_534 = vector.broadcast %ne3A_533 : i32 to vector<16xi32>
    %ne3A_535 = arith.cmpi ne, %select_n3A_477, %ne3A_534 : vector<16xi32>
    %and3A_536 = arith.andi %eq3A_532, %ne3A_535 : vector<16xi1>
    %eq3A_537 = arith.constant 99 : i32
    %eq3A_538 = vector.broadcast %eq3A_537 : i32 to vector<16xi32>
    %eq3A_539 = arith.cmpi eq, %select_n3A_531, %eq3A_538 : vector<16xi32>
    %and3A_540 = arith.andi %and3A_536, %eq3A_539 : vector<16xi1>
    %jit3A_541 = arith.constant 1 : i32
    %broadcast_in_dim3A_542 = vector.broadcast %jit3A_541 : i32 to vector<16xi32>
    %select_n3A_543 = arith.select %and3A_540, %broadcast_in_dim3A_542, %select_n3A_531 : vector<16xi1>, vector<16xi32>
    %eq3A_544 = arith.cmpf oeq, %get3A_379, %select_n3A_519 : vector<16xf32>
    %ne3A_545 = arith.constant 2 : i32
    %ne3A_546 = vector.broadcast %ne3A_545 : i32 to vector<16xi32>
    %ne3A_547 = arith.cmpi ne, %select_n3A_477, %ne3A_546 : vector<16xi32>
    %and3A_548 = arith.andi %eq3A_544, %ne3A_547 : vector<16xi1>
    %eq3A_549 = arith.constant 99 : i32
    %eq3A_550 = vector.broadcast %eq3A_549 : i32 to vector<16xi32>
    %eq3A_551 = arith.cmpi eq, %select_n3A_543, %eq3A_550 : vector<16xi32>
    %and3A_552 = arith.andi %and3A_548, %eq3A_551 : vector<16xi1>
    %jit3A_553 = arith.constant 2 : i32
    %broadcast_in_dim3A_554 = vector.broadcast %jit3A_553 : i32 to vector<16xi32>
    %select_n3A_555 = arith.select %and3A_552, %broadcast_in_dim3A_554, %select_n3A_543 : vector<16xi1>, vector<16xi32>
    %eq3A_556 = arith.cmpf oeq, %get3A_384, %select_n3A_519 : vector<16xf32>
    %ne3A_557 = arith.constant 3 : i32
    %ne3A_558 = vector.broadcast %ne3A_557 : i32 to vector<16xi32>
    %ne3A_559 = arith.cmpi ne, %select_n3A_477, %ne3A_558 : vector<16xi32>
    %and3A_560 = arith.andi %eq3A_556, %ne3A_559 : vector<16xi1>
    %eq3A_561 = arith.constant 99 : i32
    %eq3A_562 = vector.broadcast %eq3A_561 : i32 to vector<16xi32>
    %eq3A_563 = arith.cmpi eq, %select_n3A_555, %eq3A_562 : vector<16xi32>
    %and3A_564 = arith.andi %and3A_560, %eq3A_563 : vector<16xi1>
    %jit3A_565 = arith.constant 3 : i32
    %broadcast_in_dim3A_566 = vector.broadcast %jit3A_565 : i32 to vector<16xi32>
    %select_n3A_567 = arith.select %and3A_564, %broadcast_in_dim3A_566, %select_n3A_555 : vector<16xi1>, vector<16xi32>
    %eq3A_568 = arith.cmpf oeq, %get3A_389, %select_n3A_519 : vector<16xf32>
    %ne3A_569 = arith.constant 4 : i32
    %ne3A_570 = vector.broadcast %ne3A_569 : i32 to vector<16xi32>
    %ne3A_571 = arith.cmpi ne, %select_n3A_477, %ne3A_570 : vector<16xi32>
    %and3A_572 = arith.andi %eq3A_568, %ne3A_571 : vector<16xi1>
    %eq3A_573 = arith.constant 99 : i32
    %eq3A_574 = vector.broadcast %eq3A_573 : i32 to vector<16xi32>
    %eq3A_575 = arith.cmpi eq, %select_n3A_567, %eq3A_574 : vector<16xi32>
    %and3A_576 = arith.andi %and3A_572, %eq3A_575 : vector<16xi1>
    %jit3A_577 = arith.constant 4 : i32
    %broadcast_in_dim3A_578 = vector.broadcast %jit3A_577 : i32 to vector<16xi32>
    %select_n3A_579 = arith.select %and3A_576, %broadcast_in_dim3A_578, %select_n3A_567 : vector<16xi1>, vector<16xi32>
    %eq3A_580 = arith.cmpf oeq, %get3A_394, %select_n3A_519 : vector<16xf32>
    %ne3A_581 = arith.constant 5 : i32
    %ne3A_582 = vector.broadcast %ne3A_581 : i32 to vector<16xi32>
    %ne3A_583 = arith.cmpi ne, %select_n3A_477, %ne3A_582 : vector<16xi32>
    %and3A_584 = arith.andi %eq3A_580, %ne3A_583 : vector<16xi1>
    %eq3A_585 = arith.constant 99 : i32
    %eq3A_586 = vector.broadcast %eq3A_585 : i32 to vector<16xi32>
    %eq3A_587 = arith.cmpi eq, %select_n3A_579, %eq3A_586 : vector<16xi32>
    %and3A_588 = arith.andi %and3A_584, %eq3A_587 : vector<16xi1>
    %jit3A_589 = arith.constant 5 : i32
    %broadcast_in_dim3A_590 = vector.broadcast %jit3A_589 : i32 to vector<16xi32>
    %select_n3A_591 = arith.select %and3A_588, %broadcast_in_dim3A_590, %select_n3A_579 : vector<16xi1>, vector<16xi32>
    %eq3A_592 = arith.cmpf oeq, %get3A_399, %select_n3A_519 : vector<16xf32>
    %ne3A_593 = arith.constant 6 : i32
    %ne3A_594 = vector.broadcast %ne3A_593 : i32 to vector<16xi32>
    %ne3A_595 = arith.cmpi ne, %select_n3A_477, %ne3A_594 : vector<16xi32>
    %and3A_596 = arith.andi %eq3A_592, %ne3A_595 : vector<16xi1>
    %eq3A_597 = arith.constant 99 : i32
    %eq3A_598 = vector.broadcast %eq3A_597 : i32 to vector<16xi32>
    %eq3A_599 = arith.cmpi eq, %select_n3A_591, %eq3A_598 : vector<16xi32>
    %and3A_600 = arith.andi %and3A_596, %eq3A_599 : vector<16xi1>
    %jit3A_601 = arith.constant 6 : i32
    %broadcast_in_dim3A_602 = vector.broadcast %jit3A_601 : i32 to vector<16xi32>
    %select_n3A_603 = arith.select %and3A_600, %broadcast_in_dim3A_602, %select_n3A_591 : vector<16xi1>, vector<16xi32>
    %eq3A_604 = arith.cmpf oeq, %get3A_404, %select_n3A_519 : vector<16xf32>
    %ne3A_605 = arith.constant 7 : i32
    %ne3A_606 = vector.broadcast %ne3A_605 : i32 to vector<16xi32>
    %ne3A_607 = arith.cmpi ne, %select_n3A_477, %ne3A_606 : vector<16xi32>
    %and3A_608 = arith.andi %eq3A_604, %ne3A_607 : vector<16xi1>
    %eq3A_609 = arith.constant 99 : i32
    %eq3A_610 = vector.broadcast %eq3A_609 : i32 to vector<16xi32>
    %eq3A_611 = arith.cmpi eq, %select_n3A_603, %eq3A_610 : vector<16xi32>
    %and3A_612 = arith.andi %and3A_608, %eq3A_611 : vector<16xi1>
    %jit3A_613 = arith.constant 7 : i32
    %broadcast_in_dim3A_614 = vector.broadcast %jit3A_613 : i32 to vector<16xi32>
    %select_n3A_615 = arith.select %and3A_612, %broadcast_in_dim3A_614, %select_n3A_603 : vector<16xi1>, vector<16xi32>
    %sub3A_616 = arith.subf %select_n3A_519, %max3A_411 : vector<16xf32>
    %exp3A_617 = math.exp %sub3A_616 : vector<16xf32>
    %add3A_618 = arith.constant 1.000000e+00 : f32
    %add3A_619 = vector.broadcast %add3A_618 : f32 to vector<16xf32>
    %add3A_620 = arith.addf %add3A_619, %exp3A_617 : vector<16xf32>
    %div3A_621 = arith.constant 1.000000e+00 : f32
    %div3A_622 = vector.broadcast %div3A_621 : f32 to vector<16xf32>
    %div3A_623 = arith.divf %div3A_622, %add3A_620 : vector<16xf32>
    %mul3A_624 = arith.mulf %exp3A_617, %div3A_623 : vector<16xf32>
    %broadcast_in_dim3A_625 = arith.constant 0.000000e+00 : f32
    %broadcast_in_dim3A_626 = vector.broadcast %broadcast_in_dim3A_625 : f32 to vector<16xf32>
    %eq3A_627 = arith.constant 0 : i32
    %eq3A_628 = vector.broadcast %eq3A_627 : i32 to vector<16xi32>
    %eq3A_629 = arith.cmpi eq, %select_n3A_477, %eq3A_628 : vector<16xi32>
    %eq3A_630 = arith.constant 0 : i32
    %eq3A_631 = vector.broadcast %eq3A_630 : i32 to vector<16xi32>
    %eq3A_632 = arith.cmpi eq, %select_n3A_615, %eq3A_631 : vector<16xi32>
    %select_n3A_633 = arith.select %eq3A_632, %mul3A_624, %broadcast_in_dim3A_626 : vector<16xi1>, vector<16xf32>
    %select_n3A_634 = arith.select %eq3A_629, %div3A_623, %select_n3A_633 : vector<16xi1>, vector<16xf32>
    %swap3A_635 = arith.constant 0 : i32
    %swap3A_636 = arith.index_cast %swap3A_635 : i32 to index
    %swap3A_637 = arith.constant 16 : index
    %swap3A_638 = tpu.vector_load %arg5[%swap3A_636, %swap3A_637] {strides = array<i32>} : memref<8x128xf32, #tpu.memory_space<vmem>>, vector<1x16xf32>,
    %swap3A_639 = vector.shape_cast %swap3A_638 : vector<1x16xf32> to vector<16xf32>
    %swap3A_640 = vector.shape_cast %select_n3A_634 : vector<16xf32> to vector<1x16xf32>
    tpu.vector_store %arg5[%swap3A_636, %swap3A_637], %swap3A_640 {strides = array<i32>} : memref<8x128xf32, #tpu.memory_space<vmem>>, vector<1x16xf32>,
    %eq3A_641 = arith.constant 1 : i32
    %eq3A_642 = vector.broadcast %eq3A_641 : i32 to vector<16xi32>
    %eq3A_643 = arith.cmpi eq, %select_n3A_477, %eq3A_642 : vector<16xi32>
    %eq3A_644 = arith.constant 1 : i32
    %eq3A_645 = vector.broadcast %eq3A_644 : i32 to vector<16xi32>
    %eq3A_646 = arith.cmpi eq, %select_n3A_615, %eq3A_645 : vector<16xi32>
    %select_n3A_647 = arith.select %eq3A_646, %mul3A_624, %broadcast_in_dim3A_626 : vector<16xi1>, vector<16xf32>
    %select_n3A_648 = arith.select %eq3A_643, %div3A_623, %select_n3A_647 : vector<16xi1>, vector<16xf32>
    %swap3A_649 = arith.constant 1 : i32
    %swap3A_650 = arith.index_cast %swap3A_649 : i32 to index
    %swap3A_651 = arith.constant 16 : index
    %swap3A_652 = tpu.vector_load %arg5[%swap3A_650, %swap3A_651] {strides = array<i32>} : memref<8x128xf32, #tpu.memory_space<vmem>>, vector<1x16xf32>,
    %swap3A_653 = vector.shape_cast %swap3A_652 : vector<1x16xf32> to vector<16xf32>
    %swap3A_654 = vector.shape_cast %select_n3A_648 : vector<16xf32> to vector<1x16xf32>
    tpu.vector_store %arg5[%swap3A_650, %swap3A_651], %swap3A_654 {strides = array<i32>} : memref<8x128xf32, #tpu.memory_space<vmem>>, vector<1x16xf32>,
    %eq3A_655 = arith.constant 2 : i32
    %eq3A_656 = vector.broadcast %eq3A_655 : i32 to vector<16xi32>
    %eq3A_657 = arith.cmpi eq, %select_n3A_477, %eq3A_656 : vector<16xi32>
    %eq3A_658 = arith.constant 2 : i32
    %eq3A_659 = vector.broadcast %eq3A_658 : i32 to vector<16xi32>
    %eq3A_660 = arith.cmpi eq, %select_n3A_615, %eq3A_659 : vector<16xi32>
    %select_n3A_661 = arith.select %eq3A_660, %mul3A_624, %broadcast_in_dim3A_626 : vector<16xi1>, vector<16xf32>
    %select_n3A_662 = arith.select %eq3A_657, %div3A_623, %select_n3A_661 : vector<16xi1>, vector<16xf32>
    %swap3A_663 = arith.constant 2 : i32
    %swap3A_664 = arith.index_cast %swap3A_663 : i32 to index
    %swap3A_665 = arith.constant 16 : index
    %swap3A_666 = tpu.vector_load %arg5[%swap3A_664, %swap3A_665] {strides = array<i32>} : memref<8x128xf32, #tpu.memory_space<vmem>>, vector<1x16xf32>,
    %swap3A_667 = vector.shape_cast %swap3A_666 : vector<1x16xf32> to vector<16xf32>
    %swap3A_668 = vector.shape_cast %select_n3A_662 : vector<16xf32> to vector<1x16xf32>
    tpu.vector_store %arg5[%swap3A_664, %swap3A_665], %swap3A_668 {strides = array<i32>} : memref<8x128xf32, #tpu.memory_space<vmem>>, vector<1x16xf32>,
    %eq3A_669 = arith.constant 3 : i32
    %eq3A_670 = vector.broadcast %eq3A_669 : i32 to vector<16xi32>
    %eq3A_671 = arith.cmpi eq, %select_n3A_477, %eq3A_670 : vector<16xi32>
    %eq3A_672 = arith.constant 3 : i32
    %eq3A_673 = vector.broadcast %eq3A_672 : i32 to vector<16xi32>
    %eq3A_674 = arith.cmpi eq, %select_n3A_615, %eq3A_673 : vector<16xi32>
    %select_n3A_675 = arith.select %eq3A_674, %mul3A_624, %broadcast_in_dim3A_626 : vector<16xi1>, vector<16xf32>
    %select_n3A_676 = arith.select %eq3A_671, %div3A_623, %select_n3A_675 : vector<16xi1>, vector<16xf32>
    %swap3A_677 = arith.constant 3 : i32
    %swap3A_678 = arith.index_cast %swap3A_677 : i32 to index
    %swap3A_679 = arith.constant 16 : index
    %swap3A_680 = tpu.vector_load %arg5[%swap3A_678, %swap3A_679] {strides = array<i32>} : memref<8x128xf32, #tpu.memory_space<vmem>>, vector<1x16xf32>,
    %swap3A_681 = vector.shape_cast %swap3A_680 : vector<1x16xf32> to vector<16xf32>
    %swap3A_682 = vector.shape_cast %select_n3A_676 : vector<16xf32> to vector<1x16xf32>
    tpu.vector_store %arg5[%swap3A_678, %swap3A_679], %swap3A_682 {strides = array<i32>} : memref<8x128xf32, #tpu.memory_space<vmem>>, vector<1x16xf32>,
    %eq3A_683 = arith.constant 4 : i32
    %eq3A_684 = vector.broadcast %eq3A_683 : i32 to vector<16xi32>
    %eq3A_685 = arith.cmpi eq, %select_n3A_477, %eq3A_684 : vector<16xi32>
    %eq3A_686 = arith.constant 4 : i32
    %eq3A_687 = vector.broadcast %eq3A_686 : i32 to vector<16xi32>
    %eq3A_688 = arith.cmpi eq, %select_n3A_615, %eq3A_687 : vector<16xi32>
    %select_n3A_689 = arith.select %eq3A_688, %mul3A_624, %broadcast_in_dim3A_626 : vector<16xi1>, vector<16xf32>
    %select_n3A_690 = arith.select %eq3A_685, %div3A_623, %select_n3A_689 : vector<16xi1>, vector<16xf32>
    %swap3A_691 = arith.constant 4 : i32
    %swap3A_692 = arith.index_cast %swap3A_691 : i32 to index
    %swap3A_693 = arith.constant 16 : index
    %swap3A_694 = tpu.vector_load %arg5[%swap3A_692, %swap3A_693] {strides = array<i32>} : memref<8x128xf32, #tpu.memory_space<vmem>>, vector<1x16xf32>,
    %swap3A_695 = vector.shape_cast %swap3A_694 : vector<1x16xf32> to vector<16xf32>
    %swap3A_696 = vector.shape_cast %select_n3A_690 : vector<16xf32> to vector<1x16xf32>
    tpu.vector_store %arg5[%swap3A_692, %swap3A_693], %swap3A_696 {strides = array<i32>} : memref<8x128xf32, #tpu.memory_space<vmem>>, vector<1x16xf32>,
    %eq3A_697 = arith.constant 5 : i32
    %eq3A_698 = vector.broadcast %eq3A_697 : i32 to vector<16xi32>
    %eq3A_699 = arith.cmpi eq, %select_n3A_477, %eq3A_698 : vector<16xi32>
    %eq3A_700 = arith.constant 5 : i32
    %eq3A_701 = vector.broadcast %eq3A_700 : i32 to vector<16xi32>
    %eq3A_702 = arith.cmpi eq, %select_n3A_615, %eq3A_701 : vector<16xi32>
    %select_n3A_703 = arith.select %eq3A_702, %mul3A_624, %broadcast_in_dim3A_626 : vector<16xi1>, vector<16xf32>
    %select_n3A_704 = arith.select %eq3A_699, %div3A_623, %select_n3A_703 : vector<16xi1>, vector<16xf32>
    %swap3A_705 = arith.constant 5 : i32
    %swap3A_706 = arith.index_cast %swap3A_705 : i32 to index
    %swap3A_707 = arith.constant 16 : index
    %swap3A_708 = tpu.vector_load %arg5[%swap3A_706, %swap3A_707] {strides = array<i32>} : memref<8x128xf32, #tpu.memory_space<vmem>>, vector<1x16xf32>,
    %swap3A_709 = vector.shape_cast %swap3A_708 : vector<1x16xf32> to vector<16xf32>
    %swap3A_710 = vector.shape_cast %select_n3A_704 : vector<16xf32> to vector<1x16xf32>
    tpu.vector_store %arg5[%swap3A_706, %swap3A_707], %swap3A_710 {strides = array<i32>} : memref<8x128xf32, #tpu.memory_space<vmem>>, vector<1x16xf32>,
    %eq3A_711 = arith.constant 6 : i32
    %eq3A_712 = vector.broadcast %eq3A_711 : i32 to vector<16xi32>
    %eq3A_713 = arith.cmpi eq, %select_n3A_477, %eq3A_712 : vector<16xi32>
    %eq3A_714 = arith.constant 6 : i32
    %eq3A_715 = vector.broadcast %eq3A_714 : i32 to vector<16xi32>
    %eq3A_716 = arith.cmpi eq, %select_n3A_615, %eq3A_715 : vector<16xi32>
    %select_n3A_717 = arith.select %eq3A_716, %mul3A_624, %broadcast_in_dim3A_626 : vector<16xi1>, vector<16xf32>
    %select_n3A_718 = arith.select %eq3A_713, %div3A_623, %select_n3A_717 : vector<16xi1>, vector<16xf32>
    %swap3A_719 = arith.constant 6 : i32
    %swap3A_720 = arith.index_cast %swap3A_719 : i32 to index
    %swap3A_721 = arith.constant 16 : index
    %swap3A_722 = tpu.vector_load %arg5[%swap3A_720, %swap3A_721] {strides = array<i32>} : memref<8x128xf32, #tpu.memory_space<vmem>>, vector<1x16xf32>,
    %swap3A_723 = vector.shape_cast %swap3A_722 : vector<1x16xf32> to vector<16xf32>
    %swap3A_724 = vector.shape_cast %select_n3A_718 : vector<16xf32> to vector<1x16xf32>
    tpu.vector_store %arg5[%swap3A_720, %swap3A_721], %swap3A_724 {strides = array<i32>} : memref<8x128xf32, #tpu.memory_space<vmem>>, vector<1x16xf32>,
    %eq3A_725 = arith.constant 7 : i32
    %eq3A_726 = vector.broadcast %eq3A_725 : i32 to vector<16xi32>
    %eq3A_727 = arith.cmpi eq, %select_n3A_477, %eq3A_726 : vector<16xi32>
    %eq3A_728 = arith.constant 7 : i32
    %eq3A_729 = vector.broadcast %eq3A_728 : i32 to vector<16xi32>
    %eq3A_730 = arith.cmpi eq, %select_n3A_615, %eq3A_729 : vector<16xi32>
    %select_n3A_731 = arith.select %eq3A_730, %mul3A_624, %broadcast_in_dim3A_626 : vector<16xi1>, vector<16xf32>
    %select_n3A_732 = arith.select %eq3A_727, %div3A_623, %select_n3A_731 : vector<16xi1>, vector<16xf32>
    %swap3A_733 = arith.constant 7 : i32
    %swap3A_734 = arith.index_cast %swap3A_733 : i32 to index
    %swap3A_735 = arith.constant 16 : index
    %swap3A_736 = tpu.vector_load %arg5[%swap3A_734, %swap3A_735] {strides = array<i32>} : memref<8x128xf32, #tpu.memory_space<vmem>>, vector<1x16xf32>,
    %swap3A_737 = vector.shape_cast %swap3A_736 : vector<1x16xf32> to vector<16xf32>
    %swap3A_738 = vector.shape_cast %select_n3A_732 : vector<16xf32> to vector<1x16xf32>
    tpu.vector_store %arg5[%swap3A_734, %swap3A_735], %swap3A_738 {strides = array<i32>} : memref<8x128xf32, #tpu.memory_space<vmem>>, vector<1x16xf32>,
    %get3A_739 = arith.constant 0 : i32
    %get3A_740 = arith.index_cast %get3A_739 : i32 to index
    %get3A_741 = arith.constant 32 : index
    %get3A_742 = tpu.vector_load %arg4[%get3A_740, %get3A_741] {strides = array<i32>} : memref<8x128xf32, #tpu.memory_space<vmem>>, vector<1x16xf32>,
    %get3A_743 = vector.shape_cast %get3A_742 : vector<1x16xf32> to vector<16xf32>
    %get3A_744 = arith.constant 1 : i32
    %get3A_745 = arith.index_cast %get3A_744 : i32 to index
    %get3A_746 = arith.constant 32 : index
    %get3A_747 = tpu.vector_load %arg4[%get3A_745, %get3A_746] {strides = array<i32>} : memref<8x128xf32, #tpu.memory_space<vmem>>, vector<1x16xf32>,
    %get3A_748 = vector.shape_cast %get3A_747 : vector<1x16xf32> to vector<16xf32>
    %get3A_749 = arith.constant 2 : i32
    %get3A_750 = arith.index_cast %get3A_749 : i32 to index
    %get3A_751 = arith.constant 32 : index
    %get3A_752 = tpu.vector_load %arg4[%get3A_750, %get3A_751] {strides = array<i32>} : memref<8x128xf32, #tpu.memory_space<vmem>>, vector<1x16xf32>,
    %get3A_753 = vector.shape_cast %get3A_752 : vector<1x16xf32> to vector<16xf32>
    %get3A_754 = arith.constant 3 : i32
    %get3A_755 = arith.index_cast %get3A_754 : i32 to index
    %get3A_756 = arith.constant 32 : index
    %get3A_757 = tpu.vector_load %arg4[%get3A_755, %get3A_756] {strides = array<i32>} : memref<8x128xf32, #tpu.memory_space<vmem>>, vector<1x16xf32>,
    %get3A_758 = vector.shape_cast %get3A_757 : vector<1x16xf32> to vector<16xf32>
    %get3A_759 = arith.constant 4 : i32
    %get3A_760 = arith.index_cast %get3A_759 : i32 to index
    %get3A_761 = arith.constant 32 : index
    %get3A_762 = tpu.vector_load %arg4[%get3A_760, %get3A_761] {strides = array<i32>} : memref<8x128xf32, #tpu.memory_space<vmem>>, vector<1x16xf32>,
    %get3A_763 = vector.shape_cast %get3A_762 : vector<1x16xf32> to vector<16xf32>
    %get3A_764 = arith.constant 5 : i32
    %get3A_765 = arith.index_cast %get3A_764 : i32 to index
    %get3A_766 = arith.constant 32 : index
    %get3A_767 = tpu.vector_load %arg4[%get3A_765, %get3A_766] {strides = array<i32>} : memref<8x128xf32, #tpu.memory_space<vmem>>, vector<1x16xf32>,
    %get3A_768 = vector.shape_cast %get3A_767 : vector<1x16xf32> to vector<16xf32>
    %get3A_769 = arith.constant 6 : i32
    %get3A_770 = arith.index_cast %get3A_769 : i32 to index
    %get3A_771 = arith.constant 32 : index
    %get3A_772 = tpu.vector_load %arg4[%get3A_770, %get3A_771] {strides = array<i32>} : memref<8x128xf32, #tpu.memory_space<vmem>>, vector<1x16xf32>,
    %get3A_773 = vector.shape_cast %get3A_772 : vector<1x16xf32> to vector<16xf32>
    %get3A_774 = arith.constant 7 : i32
    %get3A_775 = arith.index_cast %get3A_774 : i32 to index
    %get3A_776 = arith.constant 32 : index
    %get3A_777 = tpu.vector_load %arg4[%get3A_775, %get3A_776] {strides = array<i32>} : memref<8x128xf32, #tpu.memory_space<vmem>>, vector<1x16xf32>,
    %get3A_778 = vector.shape_cast %get3A_777 : vector<1x16xf32> to vector<16xf32>
    %max3A_779 = arith.maximumf %get3A_743, %get3A_748 : vector<16xf32>
    %max3A_780 = arith.maximumf %max3A_779, %get3A_753 : vector<16xf32>
    %max3A_781 = arith.maximumf %max3A_780, %get3A_758 : vector<16xf32>
    %max3A_782 = arith.maximumf %max3A_781, %get3A_763 : vector<16xf32>
    %max3A_783 = arith.maximumf %max3A_782, %get3A_768 : vector<16xf32>
    %max3A_784 = arith.maximumf %max3A_783, %get3A_773 : vector<16xf32>
    %max3A_785 = arith.maximumf %max3A_784, %get3A_778 : vector<16xf32>
    %broadcast_in_dim3A_786 = arith.constant 99 : i32
    %broadcast_in_dim3A_787 = vector.broadcast %broadcast_in_dim3A_786 : i32 to vector<16xi32>
    %eq3A_788 = arith.cmpf oeq, %get3A_743, %max3A_785 : vector<16xf32>
    %eq3A_789 = arith.constant 99 : i32
    %eq3A_790 = vector.broadcast %eq3A_789 : i32 to vector<16xi32>
    %eq3A_791 = arith.cmpi eq, %broadcast_in_dim3A_787, %eq3A_790 : vector<16xi32>
    %and3A_792 = arith.andi %eq3A_788, %eq3A_791 : vector<16xi1>
    %jit3A_793 = arith.constant 0 : i32
    %broadcast_in_dim3A_794 = vector.broadcast %jit3A_793 : i32 to vector<16xi32>
    %select_n3A_795 = arith.select %and3A_792, %broadcast_in_dim3A_794, %broadcast_in_dim3A_787 : vector<16xi1>, vector<16xi32>
    %eq3A_796 = arith.cmpf oeq, %get3A_748, %max3A_785 : vector<16xf32>
    %eq3A_797 = arith.constant 99 : i32
    %eq3A_798 = vector.broadcast %eq3A_797 : i32 to vector<16xi32>
    %eq3A_799 = arith.cmpi eq, %select_n3A_795, %eq3A_798 : vector<16xi32>
    %and3A_800 = arith.andi %eq3A_796, %eq3A_799 : vector<16xi1>
    %jit3A_801 = arith.constant 1 : i32
    %broadcast_in_dim3A_802 = vector.broadcast %jit3A_801 : i32 to vector<16xi32>
    %select_n3A_803 = arith.select %and3A_800, %broadcast_in_dim3A_802, %select_n3A_795 : vector<16xi1>, vector<16xi32>
    %eq3A_804 = arith.cmpf oeq, %get3A_753, %max3A_785 : vector<16xf32>
    %eq3A_805 = arith.constant 99 : i32
    %eq3A_806 = vector.broadcast %eq3A_805 : i32 to vector<16xi32>
    %eq3A_807 = arith.cmpi eq, %select_n3A_803, %eq3A_806 : vector<16xi32>
    %and3A_808 = arith.andi %eq3A_804, %eq3A_807 : vector<16xi1>
    %jit3A_809 = arith.constant 2 : i32
    %broadcast_in_dim3A_810 = vector.broadcast %jit3A_809 : i32 to vector<16xi32>
    %select_n3A_811 = arith.select %and3A_808, %broadcast_in_dim3A_810, %select_n3A_803 : vector<16xi1>, vector<16xi32>
    %eq3A_812 = arith.cmpf oeq, %get3A_758, %max3A_785 : vector<16xf32>
    %eq3A_813 = arith.constant 99 : i32
    %eq3A_814 = vector.broadcast %eq3A_813 : i32 to vector<16xi32>
    %eq3A_815 = arith.cmpi eq, %select_n3A_811, %eq3A_814 : vector<16xi32>
    %and3A_816 = arith.andi %eq3A_812, %eq3A_815 : vector<16xi1>
    %jit3A_817 = arith.constant 3 : i32
    %broadcast_in_dim3A_818 = vector.broadcast %jit3A_817 : i32 to vector<16xi32>
    %select_n3A_819 = arith.select %and3A_816, %broadcast_in_dim3A_818, %select_n3A_811 : vector<16xi1>, vector<16xi32>
    %eq3A_820 = arith.cmpf oeq, %get3A_763, %max3A_785 : vector<16xf32>
    %eq3A_821 = arith.constant 99 : i32
    %eq3A_822 = vector.broadcast %eq3A_821 : i32 to vector<16xi32>
    %eq3A_823 = arith.cmpi eq, %select_n3A_819, %eq3A_822 : vector<16xi32>
    %and3A_824 = arith.andi %eq3A_820, %eq3A_823 : vector<16xi1>
    %jit3A_825 = arith.constant 4 : i32
    %broadcast_in_dim3A_826 = vector.broadcast %jit3A_825 : i32 to vector<16xi32>
    %select_n3A_827 = arith.select %and3A_824, %broadcast_in_dim3A_826, %select_n3A_819 : vector<16xi1>, vector<16xi32>
    %eq3A_828 = arith.cmpf oeq, %get3A_768, %max3A_785 : vector<16xf32>
    %eq3A_829 = arith.constant 99 : i32
    %eq3A_830 = vector.broadcast %eq3A_829 : i32 to vector<16xi32>
    %eq3A_831 = arith.cmpi eq, %select_n3A_827, %eq3A_830 : vector<16xi32>
    %and3A_832 = arith.andi %eq3A_828, %eq3A_831 : vector<16xi1>
    %jit3A_833 = arith.constant 5 : i32
    %broadcast_in_dim3A_834 = vector.broadcast %jit3A_833 : i32 to vector<16xi32>
    %select_n3A_835 = arith.select %and3A_832, %broadcast_in_dim3A_834, %select_n3A_827 : vector<16xi1>, vector<16xi32>
    %eq3A_836 = arith.cmpf oeq, %get3A_773, %max3A_785 : vector<16xf32>
    %eq3A_837 = arith.constant 99 : i32
    %eq3A_838 = vector.broadcast %eq3A_837 : i32 to vector<16xi32>
    %eq3A_839 = arith.cmpi eq, %select_n3A_835, %eq3A_838 : vector<16xi32>
    %and3A_840 = arith.andi %eq3A_836, %eq3A_839 : vector<16xi1>
    %jit3A_841 = arith.constant 6 : i32
    %broadcast_in_dim3A_842 = vector.broadcast %jit3A_841 : i32 to vector<16xi32>
    %select_n3A_843 = arith.select %and3A_840, %broadcast_in_dim3A_842, %select_n3A_835 : vector<16xi1>, vector<16xi32>
    %eq3A_844 = arith.cmpf oeq, %get3A_778, %max3A_785 : vector<16xf32>
    %eq3A_845 = arith.constant 99 : i32
    %eq3A_846 = vector.broadcast %eq3A_845 : i32 to vector<16xi32>
    %eq3A_847 = arith.cmpi eq, %select_n3A_843, %eq3A_846 : vector<16xi32>
    %and3A_848 = arith.andi %eq3A_844, %eq3A_847 : vector<16xi1>
    %jit3A_849 = arith.constant 7 : i32
    %broadcast_in_dim3A_850 = vector.broadcast %jit3A_849 : i32 to vector<16xi32>
    %select_n3A_851 = arith.select %and3A_848, %broadcast_in_dim3A_850, %select_n3A_843 : vector<16xi1>, vector<16xi32>
    %broadcast_in_dim3A_852 = arith.constant 0xFF800000 : f32
    %broadcast_in_dim3A_853 = vector.broadcast %broadcast_in_dim3A_852 : f32 to vector<16xf32>
    %eq3A_854 = arith.constant 0 : i32
    %eq3A_855 = vector.broadcast %eq3A_854 : i32 to vector<16xi32>
    %eq3A_856 = arith.cmpi eq, %select_n3A_851, %eq3A_855 : vector<16xi32>
    %max3A_857 = arith.maximumf %broadcast_in_dim3A_853, %get3A_743 : vector<16xf32>
    %select_n3A_858 = arith.select %eq3A_856, %broadcast_in_dim3A_853, %max3A_857 : vector<16xi1>, vector<16xf32>
    %eq3A_859 = arith.constant 1 : i32
    %eq3A_860 = vector.broadcast %eq3A_859 : i32 to vector<16xi32>
    %eq3A_861 = arith.cmpi eq, %select_n3A_851, %eq3A_860 : vector<16xi32>
    %max3A_862 = arith.maximumf %select_n3A_858, %get3A_748 : vector<16xf32>
    %select_n3A_863 = arith.select %eq3A_861, %select_n3A_858, %max3A_862 : vector<16xi1>, vector<16xf32>
    %eq3A_864 = arith.constant 2 : i32
    %eq3A_865 = vector.broadcast %eq3A_864 : i32 to vector<16xi32>
    %eq3A_866 = arith.cmpi eq, %select_n3A_851, %eq3A_865 : vector<16xi32>
    %max3A_867 = arith.maximumf %select_n3A_863, %get3A_753 : vector<16xf32>
    %select_n3A_868 = arith.select %eq3A_866, %select_n3A_863, %max3A_867 : vector<16xi1>, vector<16xf32>
    %eq3A_869 = arith.constant 3 : i32
    %eq3A_870 = vector.broadcast %eq3A_869 : i32 to vector<16xi32>
    %eq3A_871 = arith.cmpi eq, %select_n3A_851, %eq3A_870 : vector<16xi32>
    %max3A_872 = arith.maximumf %select_n3A_868, %get3A_758 : vector<16xf32>
    %select_n3A_873 = arith.select %eq3A_871, %select_n3A_868, %max3A_872 : vector<16xi1>, vector<16xf32>
    %eq3A_874 = arith.constant 4 : i32
    %eq3A_875 = vector.broadcast %eq3A_874 : i32 to vector<16xi32>
    %eq3A_876 = arith.cmpi eq, %select_n3A_851, %eq3A_875 : vector<16xi32>
    %max3A_877 = arith.maximumf %select_n3A_873, %get3A_763 : vector<16xf32>
    %select_n3A_878 = arith.select %eq3A_876, %select_n3A_873, %max3A_877 : vector<16xi1>, vector<16xf32>
    %eq3A_879 = arith.constant 5 : i32
    %eq3A_880 = vector.broadcast %eq3A_879 : i32 to vector<16xi32>
    %eq3A_881 = arith.cmpi eq, %select_n3A_851, %eq3A_880 : vector<16xi32>
    %max3A_882 = arith.maximumf %select_n3A_878, %get3A_768 : vector<16xf32>
    %select_n3A_883 = arith.select %eq3A_881, %select_n3A_878, %max3A_882 : vector<16xi1>, vector<16xf32>
    %eq3A_884 = arith.constant 6 : i32
    %eq3A_885 = vector.broadcast %eq3A_884 : i32 to vector<16xi32>
    %eq3A_886 = arith.cmpi eq, %select_n3A_851, %eq3A_885 : vector<16xi32>
    %max3A_887 = arith.maximumf %select_n3A_883, %get3A_773 : vector<16xf32>
    %select_n3A_888 = arith.select %eq3A_886, %select_n3A_883, %max3A_887 : vector<16xi1>, vector<16xf32>
    %eq3A_889 = arith.constant 7 : i32
    %eq3A_890 = vector.broadcast %eq3A_889 : i32 to vector<16xi32>
    %eq3A_891 = arith.cmpi eq, %select_n3A_851, %eq3A_890 : vector<16xi32>
    %max3A_892 = arith.maximumf %select_n3A_888, %get3A_778 : vector<16xf32>
    %select_n3A_893 = arith.select %eq3A_891, %select_n3A_888, %max3A_892 : vector<16xi1>, vector<16xf32>
    %eq3A_894 = arith.cmpf oeq, %get3A_743, %select_n3A_893 : vector<16xf32>
    %ne3A_895 = arith.constant 0 : i32
    %ne3A_896 = vector.broadcast %ne3A_895 : i32 to vector<16xi32>
    %ne3A_897 = arith.cmpi ne, %select_n3A_851, %ne3A_896 : vector<16xi32>
    %and3A_898 = arith.andi %eq3A_894, %ne3A_897 : vector<16xi1>
    %eq3A_899 = arith.constant 99 : i32
    %eq3A_900 = vector.broadcast %eq3A_899 : i32 to vector<16xi32>
    %eq3A_901 = arith.cmpi eq, %broadcast_in_dim3A_787, %eq3A_900 : vector<16xi32>
    %and3A_902 = arith.andi %and3A_898, %eq3A_901 : vector<16xi1>
    %jit3A_903 = arith.constant 0 : i32
    %broadcast_in_dim3A_904 = vector.broadcast %jit3A_903 : i32 to vector<16xi32>
    %select_n3A_905 = arith.select %and3A_902, %broadcast_in_dim3A_904, %broadcast_in_dim3A_787 : vector<16xi1>, vector<16xi32>
    %eq3A_906 = arith.cmpf oeq, %get3A_748, %select_n3A_893 : vector<16xf32>
    %ne3A_907 = arith.constant 1 : i32
    %ne3A_908 = vector.broadcast %ne3A_907 : i32 to vector<16xi32>
    %ne3A_909 = arith.cmpi ne, %select_n3A_851, %ne3A_908 : vector<16xi32>
    %and3A_910 = arith.andi %eq3A_906, %ne3A_909 : vector<16xi1>
    %eq3A_911 = arith.constant 99 : i32
    %eq3A_912 = vector.broadcast %eq3A_911 : i32 to vector<16xi32>
    %eq3A_913 = arith.cmpi eq, %select_n3A_905, %eq3A_912 : vector<16xi32>
    %and3A_914 = arith.andi %and3A_910, %eq3A_913 : vector<16xi1>
    %jit3A_915 = arith.constant 1 : i32
    %broadcast_in_dim3A_916 = vector.broadcast %jit3A_915 : i32 to vector<16xi32>
    %select_n3A_917 = arith.select %and3A_914, %broadcast_in_dim3A_916, %select_n3A_905 : vector<16xi1>, vector<16xi32>
    %eq3A_918 = arith.cmpf oeq, %get3A_753, %select_n3A_893 : vector<16xf32>
    %ne3A_919 = arith.constant 2 : i32
    %ne3A_920 = vector.broadcast %ne3A_919 : i32 to vector<16xi32>
    %ne3A_921 = arith.cmpi ne, %select_n3A_851, %ne3A_920 : vector<16xi32>
    %and3A_922 = arith.andi %eq3A_918, %ne3A_921 : vector<16xi1>
    %eq3A_923 = arith.constant 99 : i32
    %eq3A_924 = vector.broadcast %eq3A_923 : i32 to vector<16xi32>
    %eq3A_925 = arith.cmpi eq, %select_n3A_917, %eq3A_924 : vector<16xi32>
    %and3A_926 = arith.andi %and3A_922, %eq3A_925 : vector<16xi1>
    %jit3A_927 = arith.constant 2 : i32
    %broadcast_in_dim3A_928 = vector.broadcast %jit3A_927 : i32 to vector<16xi32>
    %select_n3A_929 = arith.select %and3A_926, %broadcast_in_dim3A_928, %select_n3A_917 : vector<16xi1>, vector<16xi32>
    %eq3A_930 = arith.cmpf oeq, %get3A_758, %select_n3A_893 : vector<16xf32>
    %ne3A_931 = arith.constant 3 : i32
    %ne3A_932 = vector.broadcast %ne3A_931 : i32 to vector<16xi32>
    %ne3A_933 = arith.cmpi ne, %select_n3A_851, %ne3A_932 : vector<16xi32>
    %and3A_934 = arith.andi %eq3A_930, %ne3A_933 : vector<16xi1>
    %eq3A_935 = arith.constant 99 : i32
    %eq3A_936 = vector.broadcast %eq3A_935 : i32 to vector<16xi32>
    %eq3A_937 = arith.cmpi eq, %select_n3A_929, %eq3A_936 : vector<16xi32>
    %and3A_938 = arith.andi %and3A_934, %eq3A_937 : vector<16xi1>
    %jit3A_939 = arith.constant 3 : i32
    %broadcast_in_dim3A_940 = vector.broadcast %jit3A_939 : i32 to vector<16xi32>
    %select_n3A_941 = arith.select %and3A_938, %broadcast_in_dim3A_940, %select_n3A_929 : vector<16xi1>, vector<16xi32>
    %eq3A_942 = arith.cmpf oeq, %get3A_763, %select_n3A_893 : vector<16xf32>
    %ne3A_943 = arith.constant 4 : i32
    %ne3A_944 = vector.broadcast %ne3A_943 : i32 to vector<16xi32>
    %ne3A_945 = arith.cmpi ne, %select_n3A_851, %ne3A_944 : vector<16xi32>
    %and3A_946 = arith.andi %eq3A_942, %ne3A_945 : vector<16xi1>
    %eq3A_947 = arith.constant 99 : i32
    %eq3A_948 = vector.broadcast %eq3A_947 : i32 to vector<16xi32>
    %eq3A_949 = arith.cmpi eq, %select_n3A_941, %eq3A_948 : vector<16xi32>
    %and3A_950 = arith.andi %and3A_946, %eq3A_949 : vector<16xi1>
    %jit3A_951 = arith.constant 4 : i32
    %broadcast_in_dim3A_952 = vector.broadcast %jit3A_951 : i32 to vector<16xi32>
    %select_n3A_953 = arith.select %and3A_950, %broadcast_in_dim3A_952, %select_n3A_941 : vector<16xi1>, vector<16xi32>
    %eq3A_954 = arith.cmpf oeq, %get3A_768, %select_n3A_893 : vector<16xf32>
    %ne3A_955 = arith.constant 5 : i32
    %ne3A_956 = vector.broadcast %ne3A_955 : i32 to vector<16xi32>
    %ne3A_957 = arith.cmpi ne, %select_n3A_851, %ne3A_956 : vector<16xi32>
    %and3A_958 = arith.andi %eq3A_954, %ne3A_957 : vector<16xi1>
    %eq3A_959 = arith.constant 99 : i32
    %eq3A_960 = vector.broadcast %eq3A_959 : i32 to vector<16xi32>
    %eq3A_961 = arith.cmpi eq, %select_n3A_953, %eq3A_960 : vector<16xi32>
    %and3A_962 = arith.andi %and3A_958, %eq3A_961 : vector<16xi1>
    %jit3A_963 = arith.constant 5 : i32
    %broadcast_in_dim3A_964 = vector.broadcast %jit3A_963 : i32 to vector<16xi32>
    %select_n3A_965 = arith.select %and3A_962, %broadcast_in_dim3A_964, %select_n3A_953 : vector<16xi1>, vector<16xi32>
    %eq3A_966 = arith.cmpf oeq, %get3A_773, %select_n3A_893 : vector<16xf32>
    %ne3A_967 = arith.constant 6 : i32
    %ne3A_968 = vector.broadcast %ne3A_967 : i32 to vector<16xi32>
    %ne3A_969 = arith.cmpi ne, %select_n3A_851, %ne3A_968 : vector<16xi32>
    %and3A_970 = arith.andi %eq3A_966, %ne3A_969 : vector<16xi1>
    %eq3A_971 = arith.constant 99 : i32
    %eq3A_972 = vector.broadcast %eq3A_971 : i32 to vector<16xi32>
    %eq3A_973 = arith.cmpi eq, %select_n3A_965, %eq3A_972 : vector<16xi32>
    %and3A_974 = arith.andi %and3A_970, %eq3A_973 : vector<16xi1>
    %jit3A_975 = arith.constant 6 : i32
    %broadcast_in_dim3A_976 = vector.broadcast %jit3A_975 : i32 to vector<16xi32>
    %select_n3A_977 = arith.select %and3A_974, %broadcast_in_dim3A_976, %select_n3A_965 : vector<16xi1>, vector<16xi32>
    %eq3A_978 = arith.cmpf oeq, %get3A_778, %select_n3A_893 : vector<16xf32>
    %ne3A_979 = arith.constant 7 : i32
    %ne3A_980 = vector.broadcast %ne3A_979 : i32 to vector<16xi32>
    %ne3A_981 = arith.cmpi ne, %select_n3A_851, %ne3A_980 : vector<16xi32>
    %and3A_982 = arith.andi %eq3A_978, %ne3A_981 : vector<16xi1>
    %eq3A_983 = arith.constant 99 : i32
    %eq3A_984 = vector.broadcast %eq3A_983 : i32 to vector<16xi32>
    %eq3A_985 = arith.cmpi eq, %select_n3A_977, %eq3A_984 : vector<16xi32>
    %and3A_986 = arith.andi %and3A_982, %eq3A_985 : vector<16xi1>
    %jit3A_987 = arith.constant 7 : i32
    %broadcast_in_dim3A_988 = vector.broadcast %jit3A_987 : i32 to vector<16xi32>
    %select_n3A_989 = arith.select %and3A_986, %broadcast_in_dim3A_988, %select_n3A_977 : vector<16xi1>, vector<16xi32>
    %sub3A_990 = arith.subf %select_n3A_893, %max3A_785 : vector<16xf32>
    %exp3A_991 = math.exp %sub3A_990 : vector<16xf32>
    %add3A_992 = arith.constant 1.000000e+00 : f32
    %add3A_993 = vector.broadcast %add3A_992 : f32 to vector<16xf32>
    %add3A_994 = arith.addf %add3A_993, %exp3A_991 : vector<16xf32>
    %div3A_995 = arith.constant 1.000000e+00 : f32
    %div3A_996 = vector.broadcast %div3A_995 : f32 to vector<16xf32>
    %div3A_997 = arith.divf %div3A_996, %add3A_994 : vector<16xf32>
    %mul3A_998 = arith.mulf %exp3A_991, %div3A_997 : vector<16xf32>
    %broadcast_in_dim3A_999 = arith.constant 0.000000e+00 : f32
    %broadcast_in_dim3A_1000 = vector.broadcast %broadcast_in_dim3A_999 : f32 to vector<16xf32>
    %eq3A_1001 = arith.constant 0 : i32
    %eq3A_1002 = vector.broadcast %eq3A_1001 : i32 to vector<16xi32>
    %eq3A_1003 = arith.cmpi eq, %select_n3A_851, %eq3A_1002 : vector<16xi32>
    %eq3A_1004 = arith.constant 0 : i32
    %eq3A_1005 = vector.broadcast %eq3A_1004 : i32 to vector<16xi32>
    %eq3A_1006 = arith.cmpi eq, %select_n3A_989, %eq3A_1005 : vector<16xi32>
    %select_n3A_1007 = arith.select %eq3A_1006, %mul3A_998, %broadcast_in_dim3A_1000 : vector<16xi1>, vector<16xf32>
    %select_n3A_1008 = arith.select %eq3A_1003, %div3A_997, %select_n3A_1007 : vector<16xi1>, vector<16xf32>
    %swap3A_1009 = arith.constant 0 : i32
    %swap3A_1010 = arith.index_cast %swap3A_1009 : i32 to index
    %swap3A_1011 = arith.constant 32 : index
    %swap3A_1012 = tpu.vector_load %arg5[%swap3A_1010, %swap3A_1011] {strides = array<i32>} : memref<8x128xf32, #tpu.memory_space<vmem>>, vector<1x16xf32>,
    %swap3A_1013 = vector.shape_cast %swap3A_1012 : vector<1x16xf32> to vector<16xf32>
    %swap3A_1014 = vector.shape_cast %select_n3A_1008 : vector<16xf32> to vector<1x16xf32>
    tpu.vector_store %arg5[%swap3A_1010, %swap3A_1011], %swap3A_1014 {strides = array<i32>} : memref<8x128xf32, #tpu.memory_space<vmem>>, vector<1x16xf32>,
    %eq3A_1015 = arith.constant 1 : i32
    %eq3A_1016 = vector.broadcast %eq3A_1015 : i32 to vector<16xi32>
    %eq3A_1017 = arith.cmpi eq, %select_n3A_851, %eq3A_1016 : vector<16xi32>
    %eq3A_1018 = arith.constant 1 : i32
    %eq3A_1019 = vector.broadcast %eq3A_1018 : i32 to vector<16xi32>
    %eq3A_1020 = arith.cmpi eq, %select_n3A_989, %eq3A_1019 : vector<16xi32>
    %select_n3A_1021 = arith.select %eq3A_1020, %mul3A_998, %broadcast_in_dim3A_1000 : vector<16xi1>, vector<16xf32>
    %select_n3A_1022 = arith.select %eq3A_1017, %div3A_997, %select_n3A_1021 : vector<16xi1>, vector<16xf32>
    %swap3A_1023 = arith.constant 1 : i32
    %swap3A_1024 = arith.index_cast %swap3A_1023 : i32 to index
    %swap3A_1025 = arith.constant 32 : index
    %swap3A_1026 = tpu.vector_load %arg5[%swap3A_1024, %swap3A_1025] {strides = array<i32>} : memref<8x128xf32, #tpu.memory_space<vmem>>, vector<1x16xf32>,
    %swap3A_1027 = vector.shape_cast %swap3A_1026 : vector<1x16xf32> to vector<16xf32>
    %swap3A_1028 = vector.shape_cast %select_n3A_1022 : vector<16xf32> to vector<1x16xf32>
    tpu.vector_store %arg5[%swap3A_1024, %swap3A_1025], %swap3A_1028 {strides = array<i32>} : memref<8x128xf32, #tpu.memory_space<vmem>>, vector<1x16xf32>,
    %eq3A_1029 = arith.constant 2 : i32
    %eq3A_1030 = vector.broadcast %eq3A_1029 : i32 to vector<16xi32>
    %eq3A_1031 = arith.cmpi eq, %select_n3A_851, %eq3A_1030 : vector<16xi32>
    %eq3A_1032 = arith.constant 2 : i32
    %eq3A_1033 = vector.broadcast %eq3A_1032 : i32 to vector<16xi32>
    %eq3A_1034 = arith.cmpi eq, %select_n3A_989, %eq3A_1033 : vector<16xi32>
    %select_n3A_1035 = arith.select %eq3A_1034, %mul3A_998, %broadcast_in_dim3A_1000 : vector<16xi1>, vector<16xf32>
    %select_n3A_1036 = arith.select %eq3A_1031, %div3A_997, %select_n3A_1035 : vector<16xi1>, vector<16xf32>
    %swap3A_1037 = arith.constant 2 : i32
    %swap3A_1038 = arith.index_cast %swap3A_1037 : i32 to index
    %swap3A_1039 = arith.constant 32 : index
    %swap3A_1040 = tpu.vector_load %arg5[%swap3A_1038, %swap3A_1039] {strides = array<i32>} : memref<8x128xf32, #tpu.memory_space<vmem>>, vector<1x16xf32>,
    %swap3A_1041 = vector.shape_cast %swap3A_1040 : vector<1x16xf32> to vector<16xf32>
    %swap3A_1042 = vector.shape_cast %select_n3A_1036 : vector<16xf32> to vector<1x16xf32>
    tpu.vector_store %arg5[%swap3A_1038, %swap3A_1039], %swap3A_1042 {strides = array<i32>} : memref<8x128xf32, #tpu.memory_space<vmem>>, vector<1x16xf32>,
    %eq3A_1043 = arith.constant 3 : i32
    %eq3A_1044 = vector.broadcast %eq3A_1043 : i32 to vector<16xi32>
    %eq3A_1045 = arith.cmpi eq, %select_n3A_851, %eq3A_1044 : vector<16xi32>
    %eq3A_1046 = arith.constant 3 : i32
    %eq3A_1047 = vector.broadcast %eq3A_1046 : i32 to vector<16xi32>
    %eq3A_1048 = arith.cmpi eq, %select_n3A_989, %eq3A_1047 : vector<16xi32>
    %select_n3A_1049 = arith.select %eq3A_1048, %mul3A_998, %broadcast_in_dim3A_1000 : vector<16xi1>, vector<16xf32>
    %select_n3A_1050 = arith.select %eq3A_1045, %div3A_997, %select_n3A_1049 : vector<16xi1>, vector<16xf32>
    %swap3A_1051 = arith.constant 3 : i32
    %swap3A_1052 = arith.index_cast %swap3A_1051 : i32 to index
    %swap3A_1053 = arith.constant 32 : index
    %swap3A_1054 = tpu.vector_load %arg5[%swap3A_1052, %swap3A_1053] {strides = array<i32>} : memref<8x128xf32, #tpu.memory_space<vmem>>, vector<1x16xf32>,
    %swap3A_1055 = vector.shape_cast %swap3A_1054 : vector<1x16xf32> to vector<16xf32>
    %swap3A_1056 = vector.shape_cast %select_n3A_1050 : vector<16xf32> to vector<1x16xf32>
    tpu.vector_store %arg5[%swap3A_1052, %swap3A_1053], %swap3A_1056 {strides = array<i32>} : memref<8x128xf32, #tpu.memory_space<vmem>>, vector<1x16xf32>,
    %eq3A_1057 = arith.constant 4 : i32
    %eq3A_1058 = vector.broadcast %eq3A_1057 : i32 to vector<16xi32>
    %eq3A_1059 = arith.cmpi eq, %select_n3A_851, %eq3A_1058 : vector<16xi32>
    %eq3A_1060 = arith.constant 4 : i32
    %eq3A_1061 = vector.broadcast %eq3A_1060 : i32 to vector<16xi32>
    %eq3A_1062 = arith.cmpi eq, %select_n3A_989, %eq3A_1061 : vector<16xi32>
    %select_n3A_1063 = arith.select %eq3A_1062, %mul3A_998, %broadcast_in_dim3A_1000 : vector<16xi1>, vector<16xf32>
    %select_n3A_1064 = arith.select %eq3A_1059, %div3A_997, %select_n3A_1063 : vector<16xi1>, vector<16xf32>
    %swap3A_1065 = arith.constant 4 : i32
    %swap3A_1066 = arith.index_cast %swap3A_1065 : i32 to index
    %swap3A_1067 = arith.constant 32 : index
    %swap3A_1068 = tpu.vector_load %arg5[%swap3A_1066, %swap3A_1067] {strides = array<i32>} : memref<8x128xf32, #tpu.memory_space<vmem>>, vector<1x16xf32>,
    %swap3A_1069 = vector.shape_cast %swap3A_1068 : vector<1x16xf32> to vector<16xf32>
    %swap3A_1070 = vector.shape_cast %select_n3A_1064 : vector<16xf32> to vector<1x16xf32>
    tpu.vector_store %arg5[%swap3A_1066, %swap3A_1067], %swap3A_1070 {strides = array<i32>} : memref<8x128xf32, #tpu.memory_space<vmem>>, vector<1x16xf32>,
    %eq3A_1071 = arith.constant 5 : i32
    %eq3A_1072 = vector.broadcast %eq3A_1071 : i32 to vector<16xi32>
    %eq3A_1073 = arith.cmpi eq, %select_n3A_851, %eq3A_1072 : vector<16xi32>
    %eq3A_1074 = arith.constant 5 : i32
    %eq3A_1075 = vector.broadcast %eq3A_1074 : i32 to vector<16xi32>
    %eq3A_1076 = arith.cmpi eq, %select_n3A_989, %eq3A_1075 : vector<16xi32>
    %select_n3A_1077 = arith.select %eq3A_1076, %mul3A_998, %broadcast_in_dim3A_1000 : vector<16xi1>, vector<16xf32>
    %select_n3A_1078 = arith.select %eq3A_1073, %div3A_997, %select_n3A_1077 : vector<16xi1>, vector<16xf32>
    %swap3A_1079 = arith.constant 5 : i32
    %swap3A_1080 = arith.index_cast %swap3A_1079 : i32 to index
    %swap3A_1081 = arith.constant 32 : index
    %swap3A_1082 = tpu.vector_load %arg5[%swap3A_1080, %swap3A_1081] {strides = array<i32>} : memref<8x128xf32, #tpu.memory_space<vmem>>, vector<1x16xf32>,
    %swap3A_1083 = vector.shape_cast %swap3A_1082 : vector<1x16xf32> to vector<16xf32>
    %swap3A_1084 = vector.shape_cast %select_n3A_1078 : vector<16xf32> to vector<1x16xf32>
    tpu.vector_store %arg5[%swap3A_1080, %swap3A_1081], %swap3A_1084 {strides = array<i32>} : memref<8x128xf32, #tpu.memory_space<vmem>>, vector<1x16xf32>,
    %eq3A_1085 = arith.constant 6 : i32
    %eq3A_1086 = vector.broadcast %eq3A_1085 : i32 to vector<16xi32>
    %eq3A_1087 = arith.cmpi eq, %select_n3A_851, %eq3A_1086 : vector<16xi32>
    %eq3A_1088 = arith.constant 6 : i32
    %eq3A_1089 = vector.broadcast %eq3A_1088 : i32 to vector<16xi32>
    %eq3A_1090 = arith.cmpi eq, %select_n3A_989, %eq3A_1089 : vector<16xi32>
    %select_n3A_1091 = arith.select %eq3A_1090, %mul3A_998, %broadcast_in_dim3A_1000 : vector<16xi1>, vector<16xf32>
    %select_n3A_1092 = arith.select %eq3A_1087, %div3A_997, %select_n3A_1091 : vector<16xi1>, vector<16xf32>
    %swap3A_1093 = arith.constant 6 : i32
    %swap3A_1094 = arith.index_cast %swap3A_1093 : i32 to index
    %swap3A_1095 = arith.constant 32 : index
    %swap3A_1096 = tpu.vector_load %arg5[%swap3A_1094, %swap3A_1095] {strides = array<i32>} : memref<8x128xf32, #tpu.memory_space<vmem>>, vector<1x16xf32>,
    %swap3A_1097 = vector.shape_cast %swap3A_1096 : vector<1x16xf32> to vector<16xf32>
    %swap3A_1098 = vector.shape_cast %select_n3A_1092 : vector<16xf32> to vector<1x16xf32>
    tpu.vector_store %arg5[%swap3A_1094, %swap3A_1095], %swap3A_1098 {strides = array<i32>} : memref<8x128xf32, #tpu.memory_space<vmem>>, vector<1x16xf32>,
    %eq3A_1099 = arith.constant 7 : i32
    %eq3A_1100 = vector.broadcast %eq3A_1099 : i32 to vector<16xi32>
    %eq3A_1101 = arith.cmpi eq, %select_n3A_851, %eq3A_1100 : vector<16xi32>
    %eq3A_1102 = arith.constant 7 : i32
    %eq3A_1103 = vector.broadcast %eq3A_1102 : i32 to vector<16xi32>
    %eq3A_1104 = arith.cmpi eq, %select_n3A_989, %eq3A_1103 : vector<16xi32>
    %select_n3A_1105 = arith.select %eq3A_1104, %mul3A_998, %broadcast_in_dim3A_1000 : vector<16xi1>, vector<16xf32>
    %select_n3A_1106 = arith.select %eq3A_1101, %div3A_997, %select_n3A_1105 : vector<16xi1>, vector<16xf32>
    %swap3A_1107 = arith.constant 7 : i32
    %swap3A_1108 = arith.index_cast %swap3A_1107 : i32 to index
    %swap3A_1109 = arith.constant 32 : index
    %swap3A_1110 = tpu.vector_load %arg5[%swap3A_1108, %swap3A_1109] {strides = array<i32>} : memref<8x128xf32, #tpu.memory_space<vmem>>, vector<1x16xf32>,
    %swap3A_1111 = vector.shape_cast %swap3A_1110 : vector<1x16xf32> to vector<16xf32>
    %swap3A_1112 = vector.shape_cast %select_n3A_1106 : vector<16xf32> to vector<1x16xf32>
    tpu.vector_store %arg5[%swap3A_1108, %swap3A_1109], %swap3A_1112 {strides = array<i32>} : memref<8x128xf32, #tpu.memory_space<vmem>>, vector<1x16xf32>,
    %get3A_1113 = arith.constant 0 : i32
    %get3A_1114 = arith.index_cast %get3A_1113 : i32 to index
    %get3A_1115 = arith.constant 48 : index
    %get3A_1116 = tpu.vector_load %arg4[%get3A_1114, %get3A_1115] {strides = array<i32>} : memref<8x128xf32, #tpu.memory_space<vmem>>, vector<1x16xf32>,
    %get3A_1117 = vector.shape_cast %get3A_1116 : vector<1x16xf32> to vector<16xf32>
    %get3A_1118 = arith.constant 1 : i32
    %get3A_1119 = arith.index_cast %get3A_1118 : i32 to index
    %get3A_1120 = arith.constant 48 : index
    %get3A_1121 = tpu.vector_load %arg4[%get3A_1119, %get3A_1120] {strides = array<i32>} : memref<8x128xf32, #tpu.memory_space<vmem>>, vector<1x16xf32>,
    %get3A_1122 = vector.shape_cast %get3A_1121 : vector<1x16xf32> to vector<16xf32>
    %get3A_1123 = arith.constant 2 : i32
    %get3A_1124 = arith.index_cast %get3A_1123 : i32 to index
    %get3A_1125 = arith.constant 48 : index
    %get3A_1126 = tpu.vector_load %arg4[%get3A_1124, %get3A_1125] {strides = array<i32>} : memref<8x128xf32, #tpu.memory_space<vmem>>, vector<1x16xf32>,
    %get3A_1127 = vector.shape_cast %get3A_1126 : vector<1x16xf32> to vector<16xf32>
    %get3A_1128 = arith.constant 3 : i32
    %get3A_1129 = arith.index_cast %get3A_1128 : i32 to index
    %get3A_1130 = arith.constant 48 : index
    %get3A_1131 = tpu.vector_load %arg4[%get3A_1129, %get3A_1130] {strides = array<i32>} : memref<8x128xf32, #tpu.memory_space<vmem>>, vector<1x16xf32>,
    %get3A_1132 = vector.shape_cast %get3A_1131 : vector<1x16xf32> to vector<16xf32>
    %get3A_1133 = arith.constant 4 : i32
    %get3A_1134 = arith.index_cast %get3A_1133 : i32 to index
    %get3A_1135 = arith.constant 48 : index
    %get3A_1136 = tpu.vector_load %arg4[%get3A_1134, %get3A_1135] {strides = array<i32>} : memref<8x128xf32, #tpu.memory_space<vmem>>, vector<1x16xf32>,
    %get3A_1137 = vector.shape_cast %get3A_1136 : vector<1x16xf32> to vector<16xf32>
    %get3A_1138 = arith.constant 5 : i32
    %get3A_1139 = arith.index_cast %get3A_1138 : i32 to index
    %get3A_1140 = arith.constant 48 : index
    %get3A_1141 = tpu.vector_load %arg4[%get3A_1139, %get3A_1140] {strides = array<i32>} : memref<8x128xf32, #tpu.memory_space<vmem>>, vector<1x16xf32>,
    %get3A_1142 = vector.shape_cast %get3A_1141 : vector<1x16xf32> to vector<16xf32>
    %get3A_1143 = arith.constant 6 : i32
    %get3A_1144 = arith.index_cast %get3A_1143 : i32 to index
    %get3A_1145 = arith.constant 48 : index
    %get3A_1146 = tpu.vector_load %arg4[%get3A_1144, %get3A_1145] {strides = array<i32>} : memref<8x128xf32, #tpu.memory_space<vmem>>, vector<1x16xf32>,
    %get3A_1147 = vector.shape_cast %get3A_1146 : vector<1x16xf32> to vector<16xf32>
    %get3A_1148 = arith.constant 7 : i32
    %get3A_1149 = arith.index_cast %get3A_1148 : i32 to index
    %get3A_1150 = arith.constant 48 : index
    %get3A_1151 = tpu.vector_load %arg4[%get3A_1149, %get3A_1150] {strides = array<i32>} : memref<8x128xf32, #tpu.memory_space<vmem>>, vector<1x16xf32>,
    %get3A_1152 = vector.shape_cast %get3A_1151 : vector<1x16xf32> to vector<16xf32>
    %max3A_1153 = arith.maximumf %get3A_1117, %get3A_1122 : vector<16xf32>
    %max3A_1154 = arith.maximumf %max3A_1153, %get3A_1127 : vector<16xf32>
    %max3A_1155 = arith.maximumf %max3A_1154, %get3A_1132 : vector<16xf32>
    %max3A_1156 = arith.maximumf %max3A_1155, %get3A_1137 : vector<16xf32>
    %max3A_1157 = arith.maximumf %max3A_1156, %get3A_1142 : vector<16xf32>
    %max3A_1158 = arith.maximumf %max3A_1157, %get3A_1147 : vector<16xf32>
    %max3A_1159 = arith.maximumf %max3A_1158, %get3A_1152 : vector<16xf32>
    %broadcast_in_dim3A_1160 = arith.constant 99 : i32
    %broadcast_in_dim3A_1161 = vector.broadcast %broadcast_in_dim3A_1160 : i32 to vector<16xi32>
    %eq3A_1162 = arith.cmpf oeq, %get3A_1117, %max3A_1159 : vector<16xf32>
    %eq3A_1163 = arith.constant 99 : i32
    %eq3A_1164 = vector.broadcast %eq3A_1163 : i32 to vector<16xi32>
    %eq3A_1165 = arith.cmpi eq, %broadcast_in_dim3A_1161, %eq3A_1164 : vector<16xi32>
    %and3A_1166 = arith.andi %eq3A_1162, %eq3A_1165 : vector<16xi1>
    %jit3A_1167 = arith.constant 0 : i32
    %broadcast_in_dim3A_1168 = vector.broadcast %jit3A_1167 : i32 to vector<16xi32>
    %select_n3A_1169 = arith.select %and3A_1166, %broadcast_in_dim3A_1168, %broadcast_in_dim3A_1161 : vector<16xi1>, vector<16xi32>
    %eq3A_1170 = arith.cmpf oeq, %get3A_1122, %max3A_1159 : vector<16xf32>
    %eq3A_1171 = arith.constant 99 : i32
    %eq3A_1172 = vector.broadcast %eq3A_1171 : i32 to vector<16xi32>
    %eq3A_1173 = arith.cmpi eq, %select_n3A_1169, %eq3A_1172 : vector<16xi32>
    %and3A_1174 = arith.andi %eq3A_1170, %eq3A_1173 : vector<16xi1>
    %jit3A_1175 = arith.constant 1 : i32
    %broadcast_in_dim3A_1176 = vector.broadcast %jit3A_1175 : i32 to vector<16xi32>
    %select_n3A_1177 = arith.select %and3A_1174, %broadcast_in_dim3A_1176, %select_n3A_1169 : vector<16xi1>, vector<16xi32>
    %eq3A_1178 = arith.cmpf oeq, %get3A_1127, %max3A_1159 : vector<16xf32>
    %eq3A_1179 = arith.constant 99 : i32
    %eq3A_1180 = vector.broadcast %eq3A_1179 : i32 to vector<16xi32>
    %eq3A_1181 = arith.cmpi eq, %select_n3A_1177, %eq3A_1180 : vector<16xi32>
    %and3A_1182 = arith.andi %eq3A_1178, %eq3A_1181 : vector<16xi1>
    %jit3A_1183 = arith.constant 2 : i32
    %broadcast_in_dim3A_1184 = vector.broadcast %jit3A_1183 : i32 to vector<16xi32>
    %select_n3A_1185 = arith.select %and3A_1182, %broadcast_in_dim3A_1184, %select_n3A_1177 : vector<16xi1>, vector<16xi32>
    %eq3A_1186 = arith.cmpf oeq, %get3A_1132, %max3A_1159 : vector<16xf32>
    %eq3A_1187 = arith.constant 99 : i32
    %eq3A_1188 = vector.broadcast %eq3A_1187 : i32 to vector<16xi32>
    %eq3A_1189 = arith.cmpi eq, %select_n3A_1185, %eq3A_1188 : vector<16xi32>
    %and3A_1190 = arith.andi %eq3A_1186, %eq3A_1189 : vector<16xi1>
    %jit3A_1191 = arith.constant 3 : i32
    %broadcast_in_dim3A_1192 = vector.broadcast %jit3A_1191 : i32 to vector<16xi32>
    %select_n3A_1193 = arith.select %and3A_1190, %broadcast_in_dim3A_1192, %select_n3A_1185 : vector<16xi1>, vector<16xi32>
    %eq3A_1194 = arith.cmpf oeq, %get3A_1137, %max3A_1159 : vector<16xf32>
    %eq3A_1195 = arith.constant 99 : i32
    %eq3A_1196 = vector.broadcast %eq3A_1195 : i32 to vector<16xi32>
    %eq3A_1197 = arith.cmpi eq, %select_n3A_1193, %eq3A_1196 : vector<16xi32>
    %and3A_1198 = arith.andi %eq3A_1194, %eq3A_1197 : vector<16xi1>
    %jit3A_1199 = arith.constant 4 : i32
    %broadcast_in_dim3A_1200 = vector.broadcast %jit3A_1199 : i32 to vector<16xi32>
    %select_n3A_1201 = arith.select %and3A_1198, %broadcast_in_dim3A_1200, %select_n3A_1193 : vector<16xi1>, vector<16xi32>
    %eq3A_1202 = arith.cmpf oeq, %get3A_1142, %max3A_1159 : vector<16xf32>
    %eq3A_1203 = arith.constant 99 : i32
    %eq3A_1204 = vector.broadcast %eq3A_1203 : i32 to vector<16xi32>
    %eq3A_1205 = arith.cmpi eq, %select_n3A_1201, %eq3A_1204 : vector<16xi32>
    %and3A_1206 = arith.andi %eq3A_1202, %eq3A_1205 : vector<16xi1>
    %jit3A_1207 = arith.constant 5 : i32
    %broadcast_in_dim3A_1208 = vector.broadcast %jit3A_1207 : i32 to vector<16xi32>
    %select_n3A_1209 = arith.select %and3A_1206, %broadcast_in_dim3A_1208, %select_n3A_1201 : vector<16xi1>, vector<16xi32>
    %eq3A_1210 = arith.cmpf oeq, %get3A_1147, %max3A_1159 : vector<16xf32>
    %eq3A_1211 = arith.constant 99 : i32
    %eq3A_1212 = vector.broadcast %eq3A_1211 : i32 to vector<16xi32>
    %eq3A_1213 = arith.cmpi eq, %select_n3A_1209, %eq3A_1212 : vector<16xi32>
    %and3A_1214 = arith.andi %eq3A_1210, %eq3A_1213 : vector<16xi1>
    %jit3A_1215 = arith.constant 6 : i32
    %broadcast_in_dim3A_1216 = vector.broadcast %jit3A_1215 : i32 to vector<16xi32>
    %select_n3A_1217 = arith.select %and3A_1214, %broadcast_in_dim3A_1216, %select_n3A_1209 : vector<16xi1>, vector<16xi32>
    %eq3A_1218 = arith.cmpf oeq, %get3A_1152, %max3A_1159 : vector<16xf32>
    %eq3A_1219 = arith.constant 99 : i32
    %eq3A_1220 = vector.broadcast %eq3A_1219 : i32 to vector<16xi32>
    %eq3A_1221 = arith.cmpi eq, %select_n3A_1217, %eq3A_1220 : vector<16xi32>
    %and3A_1222 = arith.andi %eq3A_1218, %eq3A_1221 : vector<16xi1>
    %jit3A_1223 = arith.constant 7 : i32
    %broadcast_in_dim3A_1224 = vector.broadcast %jit3A_1223 : i32 to vector<16xi32>
    %select_n3A_1225 = arith.select %and3A_1222, %broadcast_in_dim3A_1224, %select_n3A_1217 : vector<16xi1>, vector<16xi32>
    %broadcast_in_dim3A_1226 = arith.constant 0xFF800000 : f32
    %broadcast_in_dim3A_1227 = vector.broadcast %broadcast_in_dim3A_1226 : f32 to vector<16xf32>
    %eq3A_1228 = arith.constant 0 : i32
    %eq3A_1229 = vector.broadcast %eq3A_1228 : i32 to vector<16xi32>
    %eq3A_1230 = arith.cmpi eq, %select_n3A_1225, %eq3A_1229 : vector<16xi32>
    %max3A_1231 = arith.maximumf %broadcast_in_dim3A_1227, %get3A_1117 : vector<16xf32>
    %select_n3A_1232 = arith.select %eq3A_1230, %broadcast_in_dim3A_1227, %max3A_1231 : vector<16xi1>, vector<16xf32>
    %eq3A_1233 = arith.constant 1 : i32
    %eq3A_1234 = vector.broadcast %eq3A_1233 : i32 to vector<16xi32>
    %eq3A_1235 = arith.cmpi eq, %select_n3A_1225, %eq3A_1234 : vector<16xi32>
    %max3A_1236 = arith.maximumf %select_n3A_1232, %get3A_1122 : vector<16xf32>
    %select_n3A_1237 = arith.select %eq3A_1235, %select_n3A_1232, %max3A_1236 : vector<16xi1>, vector<16xf32>
    %eq3A_1238 = arith.constant 2 : i32
    %eq3A_1239 = vector.broadcast %eq3A_1238 : i32 to vector<16xi32>
    %eq3A_1240 = arith.cmpi eq, %select_n3A_1225, %eq3A_1239 : vector<16xi32>
    %max3A_1241 = arith.maximumf %select_n3A_1237, %get3A_1127 : vector<16xf32>
    %select_n3A_1242 = arith.select %eq3A_1240, %select_n3A_1237, %max3A_1241 : vector<16xi1>, vector<16xf32>
    %eq3A_1243 = arith.constant 3 : i32
    %eq3A_1244 = vector.broadcast %eq3A_1243 : i32 to vector<16xi32>
    %eq3A_1245 = arith.cmpi eq, %select_n3A_1225, %eq3A_1244 : vector<16xi32>
    %max3A_1246 = arith.maximumf %select_n3A_1242, %get3A_1132 : vector<16xf32>
    %select_n3A_1247 = arith.select %eq3A_1245, %select_n3A_1242, %max3A_1246 : vector<16xi1>, vector<16xf32>
    %eq3A_1248 = arith.constant 4 : i32
    %eq3A_1249 = vector.broadcast %eq3A_1248 : i32 to vector<16xi32>
    %eq3A_1250 = arith.cmpi eq, %select_n3A_1225, %eq3A_1249 : vector<16xi32>
    %max3A_1251 = arith.maximumf %select_n3A_1247, %get3A_1137 : vector<16xf32>
    %select_n3A_1252 = arith.select %eq3A_1250, %select_n3A_1247, %max3A_1251 : vector<16xi1>, vector<16xf32>
    %eq3A_1253 = arith.constant 5 : i32
    %eq3A_1254 = vector.broadcast %eq3A_1253 : i32 to vector<16xi32>
    %eq3A_1255 = arith.cmpi eq, %select_n3A_1225, %eq3A_1254 : vector<16xi32>
    %max3A_1256 = arith.maximumf %select_n3A_1252, %get3A_1142 : vector<16xf32>
    %select_n3A_1257 = arith.select %eq3A_1255, %select_n3A_1252, %max3A_1256 : vector<16xi1>, vector<16xf32>
    %eq3A_1258 = arith.constant 6 : i32
    %eq3A_1259 = vector.broadcast %eq3A_1258 : i32 to vector<16xi32>
    %eq3A_1260 = arith.cmpi eq, %select_n3A_1225, %eq3A_1259 : vector<16xi32>
    %max3A_1261 = arith.maximumf %select_n3A_1257, %get3A_1147 : vector<16xf32>
    %select_n3A_1262 = arith.select %eq3A_1260, %select_n3A_1257, %max3A_1261 : vector<16xi1>, vector<16xf32>
    %eq3A_1263 = arith.constant 7 : i32
    %eq3A_1264 = vector.broadcast %eq3A_1263 : i32 to vector<16xi32>
    %eq3A_1265 = arith.cmpi eq, %select_n3A_1225, %eq3A_1264 : vector<16xi32>
    %max3A_1266 = arith.maximumf %select_n3A_1262, %get3A_1152 : vector<16xf32>
    %select_n3A_1267 = arith.select %eq3A_1265, %select_n3A_1262, %max3A_1266 : vector<16xi1>, vector<16xf32>
    %eq3A_1268 = arith.cmpf oeq, %get3A_1117, %select_n3A_1267 : vector<16xf32>
    %ne3A_1269 = arith.constant 0 : i32
    %ne3A_1270 = vector.broadcast %ne3A_1269 : i32 to vector<16xi32>
    %ne3A_1271 = arith.cmpi ne, %select_n3A_1225, %ne3A_1270 : vector<16xi32>
    %and3A_1272 = arith.andi %eq3A_1268, %ne3A_1271 : vector<16xi1>
    %eq3A_1273 = arith.constant 99 : i32
    %eq3A_1274 = vector.broadcast %eq3A_1273 : i32 to vector<16xi32>
    %eq3A_1275 = arith.cmpi eq, %broadcast_in_dim3A_1161, %eq3A_1274 : vector<16xi32>
    %and3A_1276 = arith.andi %and3A_1272, %eq3A_1275 : vector<16xi1>
    %jit3A_1277 = arith.constant 0 : i32
    %broadcast_in_dim3A_1278 = vector.broadcast %jit3A_1277 : i32 to vector<16xi32>
    %select_n3A_1279 = arith.select %and3A_1276, %broadcast_in_dim3A_1278, %broadcast_in_dim3A_1161 : vector<16xi1>, vector<16xi32>
    %eq3A_1280 = arith.cmpf oeq, %get3A_1122, %select_n3A_1267 : vector<16xf32>
    %ne3A_1281 = arith.constant 1 : i32
    %ne3A_1282 = vector.broadcast %ne3A_1281 : i32 to vector<16xi32>
    %ne3A_1283 = arith.cmpi ne, %select_n3A_1225, %ne3A_1282 : vector<16xi32>
    %and3A_1284 = arith.andi %eq3A_1280, %ne3A_1283 : vector<16xi1>
    %eq3A_1285 = arith.constant 99 : i32
    %eq3A_1286 = vector.broadcast %eq3A_1285 : i32 to vector<16xi32>
    %eq3A_1287 = arith.cmpi eq, %select_n3A_1279, %eq3A_1286 : vector<16xi32>
    %and3A_1288 = arith.andi %and3A_1284, %eq3A_1287 : vector<16xi1>
    %jit3A_1289 = arith.constant 1 : i32
    %broadcast_in_dim3A_1290 = vector.broadcast %jit3A_1289 : i32 to vector<16xi32>
    %select_n3A_1291 = arith.select %and3A_1288, %broadcast_in_dim3A_1290, %select_n3A_1279 : vector<16xi1>, vector<16xi32>
    %eq3A_1292 = arith.cmpf oeq, %get3A_1127, %select_n3A_1267 : vector<16xf32>
    %ne3A_1293 = arith.constant 2 : i32
    %ne3A_1294 = vector.broadcast %ne3A_1293 : i32 to vector<16xi32>
    %ne3A_1295 = arith.cmpi ne, %select_n3A_1225, %ne3A_1294 : vector<16xi32>
    %and3A_1296 = arith.andi %eq3A_1292, %ne3A_1295 : vector<16xi1>
    %eq3A_1297 = arith.constant 99 : i32
    %eq3A_1298 = vector.broadcast %eq3A_1297 : i32 to vector<16xi32>
    %eq3A_1299 = arith.cmpi eq, %select_n3A_1291, %eq3A_1298 : vector<16xi32>
    %and3A_1300 = arith.andi %and3A_1296, %eq3A_1299 : vector<16xi1>
    %jit3A_1301 = arith.constant 2 : i32
    %broadcast_in_dim3A_1302 = vector.broadcast %jit3A_1301 : i32 to vector<16xi32>
    %select_n3A_1303 = arith.select %and3A_1300, %broadcast_in_dim3A_1302, %select_n3A_1291 : vector<16xi1>, vector<16xi32>
    %eq3A_1304 = arith.cmpf oeq, %get3A_1132, %select_n3A_1267 : vector<16xf32>
    %ne3A_1305 = arith.constant 3 : i32
    %ne3A_1306 = vector.broadcast %ne3A_1305 : i32 to vector<16xi32>
    %ne3A_1307 = arith.cmpi ne, %select_n3A_1225, %ne3A_1306 : vector<16xi32>
    %and3A_1308 = arith.andi %eq3A_1304, %ne3A_1307 : vector<16xi1>
    %eq3A_1309 = arith.constant 99 : i32
    %eq3A_1310 = vector.broadcast %eq3A_1309 : i32 to vector<16xi32>
    %eq3A_1311 = arith.cmpi eq, %select_n3A_1303, %eq3A_1310 : vector<16xi32>
    %and3A_1312 = arith.andi %and3A_1308, %eq3A_1311 : vector<16xi1>
    %jit3A_1313 = arith.constant 3 : i32
    %broadcast_in_dim3A_1314 = vector.broadcast %jit3A_1313 : i32 to vector<16xi32>
    %select_n3A_1315 = arith.select %and3A_1312, %broadcast_in_dim3A_1314, %select_n3A_1303 : vector<16xi1>, vector<16xi32>
    %eq3A_1316 = arith.cmpf oeq, %get3A_1137, %select_n3A_1267 : vector<16xf32>
    %ne3A_1317 = arith.constant 4 : i32
    %ne3A_1318 = vector.broadcast %ne3A_1317 : i32 to vector<16xi32>
    %ne3A_1319 = arith.cmpi ne, %select_n3A_1225, %ne3A_1318 : vector<16xi32>
    %and3A_1320 = arith.andi %eq3A_1316, %ne3A_1319 : vector<16xi1>
    %eq3A_1321 = arith.constant 99 : i32
    %eq3A_1322 = vector.broadcast %eq3A_1321 : i32 to vector<16xi32>
    %eq3A_1323 = arith.cmpi eq, %select_n3A_1315, %eq3A_1322 : vector<16xi32>
    %and3A_1324 = arith.andi %and3A_1320, %eq3A_1323 : vector<16xi1>
    %jit3A_1325 = arith.constant 4 : i32
    %broadcast_in_dim3A_1326 = vector.broadcast %jit3A_1325 : i32 to vector<16xi32>
    %select_n3A_1327 = arith.select %and3A_1324, %broadcast_in_dim3A_1326, %select_n3A_1315 : vector<16xi1>, vector<16xi32>
    %eq3A_1328 = arith.cmpf oeq, %get3A_1142, %select_n3A_1267 : vector<16xf32>
    %ne3A_1329 = arith.constant 5 : i32
    %ne3A_1330 = vector.broadcast %ne3A_1329 : i32 to vector<16xi32>
    %ne3A_1331 = arith.cmpi ne, %select_n3A_1225, %ne3A_1330 : vector<16xi32>
    %and3A_1332 = arith.andi %eq3A_1328, %ne3A_1331 : vector<16xi1>
    %eq3A_1333 = arith.constant 99 : i32
    %eq3A_1334 = vector.broadcast %eq3A_1333 : i32 to vector<16xi32>
    %eq3A_1335 = arith.cmpi eq, %select_n3A_1327, %eq3A_1334 : vector<16xi32>
    %and3A_1336 = arith.andi %and3A_1332, %eq3A_1335 : vector<16xi1>
    %jit3A_1337 = arith.constant 5 : i32
    %broadcast_in_dim3A_1338 = vector.broadcast %jit3A_1337 : i32 to vector<16xi32>
    %select_n3A_1339 = arith.select %and3A_1336, %broadcast_in_dim3A_1338, %select_n3A_1327 : vector<16xi1>, vector<16xi32>
    %eq3A_1340 = arith.cmpf oeq, %get3A_1147, %select_n3A_1267 : vector<16xf32>
    %ne3A_1341 = arith.constant 6 : i32
    %ne3A_1342 = vector.broadcast %ne3A_1341 : i32 to vector<16xi32>
    %ne3A_1343 = arith.cmpi ne, %select_n3A_1225, %ne3A_1342 : vector<16xi32>
    %and3A_1344 = arith.andi %eq3A_1340, %ne3A_1343 : vector<16xi1>
    %eq3A_1345 = arith.constant 99 : i32
    %eq3A_1346 = vector.broadcast %eq3A_1345 : i32 to vector<16xi32>
    %eq3A_1347 = arith.cmpi eq, %select_n3A_1339, %eq3A_1346 : vector<16xi32>
    %and3A_1348 = arith.andi %and3A_1344, %eq3A_1347 : vector<16xi1>
    %jit3A_1349 = arith.constant 6 : i32
    %broadcast_in_dim3A_1350 = vector.broadcast %jit3A_1349 : i32 to vector<16xi32>
    %select_n3A_1351 = arith.select %and3A_1348, %broadcast_in_dim3A_1350, %select_n3A_1339 : vector<16xi1>, vector<16xi32>
    %eq3A_1352 = arith.cmpf oeq, %get3A_1152, %select_n3A_1267 : vector<16xf32>
    %ne3A_1353 = arith.constant 7 : i32
    %ne3A_1354 = vector.broadcast %ne3A_1353 : i32 to vector<16xi32>
    %ne3A_1355 = arith.cmpi ne, %select_n3A_1225, %ne3A_1354 : vector<16xi32>
    %and3A_1356 = arith.andi %eq3A_1352, %ne3A_1355 : vector<16xi1>
    %eq3A_1357 = arith.constant 99 : i32
    %eq3A_1358 = vector.broadcast %eq3A_1357 : i32 to vector<16xi32>
    %eq3A_1359 = arith.cmpi eq, %select_n3A_1351, %eq3A_1358 : vector<16xi32>
    %and3A_1360 = arith.andi %and3A_1356, %eq3A_1359 : vector<16xi1>
    %jit3A_1361 = arith.constant 7 : i32
    %broadcast_in_dim3A_1362 = vector.broadcast %jit3A_1361 : i32 to vector<16xi32>
    %select_n3A_1363 = arith.select %and3A_1360, %broadcast_in_dim3A_1362, %select_n3A_1351 : vector<16xi1>, vector<16xi32>
    %sub3A_1364 = arith.subf %select_n3A_1267, %max3A_1159 : vector<16xf32>
    %exp3A_1365 = math.exp %sub3A_1364 : vector<16xf32>
    %add3A_1366 = arith.constant 1.000000e+00 : f32
    %add3A_1367 = vector.broadcast %add3A_1366 : f32 to vector<16xf32>
    %add3A_1368 = arith.addf %add3A_1367, %exp3A_1365 : vector<16xf32>
    %div3A_1369 = arith.constant 1.000000e+00 : f32
    %div3A_1370 = vector.broadcast %div3A_1369 : f32 to vector<16xf32>
    %div3A_1371 = arith.divf %div3A_1370, %add3A_1368 : vector<16xf32>
    %mul3A_1372 = arith.mulf %exp3A_1365, %div3A_1371 : vector<16xf32>
    %broadcast_in_dim3A_1373 = arith.constant 0.000000e+00 : f32
    %broadcast_in_dim3A_1374 = vector.broadcast %broadcast_in_dim3A_1373 : f32 to vector<16xf32>
    %eq3A_1375 = arith.constant 0 : i32
    %eq3A_1376 = vector.broadcast %eq3A_1375 : i32 to vector<16xi32>
    %eq3A_1377 = arith.cmpi eq, %select_n3A_1225, %eq3A_1376 : vector<16xi32>
    %eq3A_1378 = arith.constant 0 : i32
    %eq3A_1379 = vector.broadcast %eq3A_1378 : i32 to vector<16xi32>
    %eq3A_1380 = arith.cmpi eq, %select_n3A_1363, %eq3A_1379 : vector<16xi32>
    %select_n3A_1381 = arith.select %eq3A_1380, %mul3A_1372, %broadcast_in_dim3A_1374 : vector<16xi1>, vector<16xf32>
    %select_n3A_1382 = arith.select %eq3A_1377, %div3A_1371, %select_n3A_1381 : vector<16xi1>, vector<16xf32>
    %swap3A_1383 = arith.constant 0 : i32
    %swap3A_1384 = arith.index_cast %swap3A_1383 : i32 to index
    %swap3A_1385 = arith.constant 48 : index
    %swap3A_1386 = tpu.vector_load %arg5[%swap3A_1384, %swap3A_1385] {strides = array<i32>} : memref<8x128xf32, #tpu.memory_space<vmem>>, vector<1x16xf32>,
    %swap3A_1387 = vector.shape_cast %swap3A_1386 : vector<1x16xf32> to vector<16xf32>
    %swap3A_1388 = vector.shape_cast %select_n3A_1382 : vector<16xf32> to vector<1x16xf32>
    tpu.vector_store %arg5[%swap3A_1384, %swap3A_1385], %swap3A_1388 {strides = array<i32>} : memref<8x128xf32, #tpu.memory_space<vmem>>, vector<1x16xf32>,
    %eq3A_1389 = arith.constant 1 : i32
    %eq3A_1390 = vector.broadcast %eq3A_1389 : i32 to vector<16xi32>
    %eq3A_1391 = arith.cmpi eq, %select_n3A_1225, %eq3A_1390 : vector<16xi32>
    %eq3A_1392 = arith.constant 1 : i32
    %eq3A_1393 = vector.broadcast %eq3A_1392 : i32 to vector<16xi32>
    %eq3A_1394 = arith.cmpi eq, %select_n3A_1363, %eq3A_1393 : vector<16xi32>
    %select_n3A_1395 = arith.select %eq3A_1394, %mul3A_1372, %broadcast_in_dim3A_1374 : vector<16xi1>, vector<16xf32>
    %select_n3A_1396 = arith.select %eq3A_1391, %div3A_1371, %select_n3A_1395 : vector<16xi1>, vector<16xf32>
    %swap3A_1397 = arith.constant 1 : i32
    %swap3A_1398 = arith.index_cast %swap3A_1397 : i32 to index
    %swap3A_1399 = arith.constant 48 : index
    %swap3A_1400 = tpu.vector_load %arg5[%swap3A_1398, %swap3A_1399] {strides = array<i32>} : memref<8x128xf32, #tpu.memory_space<vmem>>, vector<1x16xf32>,
    %swap3A_1401 = vector.shape_cast %swap3A_1400 : vector<1x16xf32> to vector<16xf32>
    %swap3A_1402 = vector.shape_cast %select_n3A_1396 : vector<16xf32> to vector<1x16xf32>
    tpu.vector_store %arg5[%swap3A_1398, %swap3A_1399], %swap3A_1402 {strides = array<i32>} : memref<8x128xf32, #tpu.memory_space<vmem>>, vector<1x16xf32>,
    %eq3A_1403 = arith.constant 2 : i32
    %eq3A_1404 = vector.broadcast %eq3A_1403 : i32 to vector<16xi32>
    %eq3A_1405 = arith.cmpi eq, %select_n3A_1225, %eq3A_1404 : vector<16xi32>
    %eq3A_1406 = arith.constant 2 : i32
    %eq3A_1407 = vector.broadcast %eq3A_1406 : i32 to vector<16xi32>
    %eq3A_1408 = arith.cmpi eq, %select_n3A_1363, %eq3A_1407 : vector<16xi32>
    %select_n3A_1409 = arith.select %eq3A_1408, %mul3A_1372, %broadcast_in_dim3A_1374 : vector<16xi1>, vector<16xf32>
    %select_n3A_1410 = arith.select %eq3A_1405, %div3A_1371, %select_n3A_1409 : vector<16xi1>, vector<16xf32>
    %swap3A_1411 = arith.constant 2 : i32
    %swap3A_1412 = arith.index_cast %swap3A_1411 : i32 to index
    %swap3A_1413 = arith.constant 48 : index
    %swap3A_1414 = tpu.vector_load %arg5[%swap3A_1412, %swap3A_1413] {strides = array<i32>} : memref<8x128xf32, #tpu.memory_space<vmem>>, vector<1x16xf32>,
    %swap3A_1415 = vector.shape_cast %swap3A_1414 : vector<1x16xf32> to vector<16xf32>
    %swap3A_1416 = vector.shape_cast %select_n3A_1410 : vector<16xf32> to vector<1x16xf32>
    tpu.vector_store %arg5[%swap3A_1412, %swap3A_1413], %swap3A_1416 {strides = array<i32>} : memref<8x128xf32, #tpu.memory_space<vmem>>, vector<1x16xf32>,
    %eq3A_1417 = arith.constant 3 : i32
    %eq3A_1418 = vector.broadcast %eq3A_1417 : i32 to vector<16xi32>
    %eq3A_1419 = arith.cmpi eq, %select_n3A_1225, %eq3A_1418 : vector<16xi32>
    %eq3A_1420 = arith.constant 3 : i32
    %eq3A_1421 = vector.broadcast %eq3A_1420 : i32 to vector<16xi32>
    %eq3A_1422 = arith.cmpi eq, %select_n3A_1363, %eq3A_1421 : vector<16xi32>
    %select_n3A_1423 = arith.select %eq3A_1422, %mul3A_1372, %broadcast_in_dim3A_1374 : vector<16xi1>, vector<16xf32>
    %select_n3A_1424 = arith.select %eq3A_1419, %div3A_1371, %select_n3A_1423 : vector<16xi1>, vector<16xf32>
    %swap3A_1425 = arith.constant 3 : i32
    %swap3A_1426 = arith.index_cast %swap3A_1425 : i32 to index
    %swap3A_1427 = arith.constant 48 : index
    %swap3A_1428 = tpu.vector_load %arg5[%swap3A_1426, %swap3A_1427] {strides = array<i32>} : memref<8x128xf32, #tpu.memory_space<vmem>>, vector<1x16xf32>,
    %swap3A_1429 = vector.shape_cast %swap3A_1428 : vector<1x16xf32> to vector<16xf32>
    %swap3A_1430 = vector.shape_cast %select_n3A_1424 : vector<16xf32> to vector<1x16xf32>
    tpu.vector_store %arg5[%swap3A_1426, %swap3A_1427], %swap3A_1430 {strides = array<i32>} : memref<8x128xf32, #tpu.memory_space<vmem>>, vector<1x16xf32>,
    %eq3A_1431 = arith.constant 4 : i32
    %eq3A_1432 = vector.broadcast %eq3A_1431 : i32 to vector<16xi32>
    %eq3A_1433 = arith.cmpi eq, %select_n3A_1225, %eq3A_1432 : vector<16xi32>
    %eq3A_1434 = arith.constant 4 : i32
    %eq3A_1435 = vector.broadcast %eq3A_1434 : i32 to vector<16xi32>
    %eq3A_1436 = arith.cmpi eq, %select_n3A_1363, %eq3A_1435 : vector<16xi32>
    %select_n3A_1437 = arith.select %eq3A_1436, %mul3A_1372, %broadcast_in_dim3A_1374 : vector<16xi1>, vector<16xf32>
    %select_n3A_1438 = arith.select %eq3A_1433, %div3A_1371, %select_n3A_1437 : vector<16xi1>, vector<16xf32>
    %swap3A_1439 = arith.constant 4 : i32
    %swap3A_1440 = arith.index_cast %swap3A_1439 : i32 to index
    %swap3A_1441 = arith.constant 48 : index
    %swap3A_1442 = tpu.vector_load %arg5[%swap3A_1440, %swap3A_1441] {strides = array<i32>} : memref<8x128xf32, #tpu.memory_space<vmem>>, vector<1x16xf32>,
    %swap3A_1443 = vector.shape_cast %swap3A_1442 : vector<1x16xf32> to vector<16xf32>
    %swap3A_1444 = vector.shape_cast %select_n3A_1438 : vector<16xf32> to vector<1x16xf32>
    tpu.vector_store %arg5[%swap3A_1440, %swap3A_1441], %swap3A_1444 {strides = array<i32>} : memref<8x128xf32, #tpu.memory_space<vmem>>, vector<1x16xf32>,
    %eq3A_1445 = arith.constant 5 : i32
    %eq3A_1446 = vector.broadcast %eq3A_1445 : i32 to vector<16xi32>
    %eq3A_1447 = arith.cmpi eq, %select_n3A_1225, %eq3A_1446 : vector<16xi32>
    %eq3A_1448 = arith.constant 5 : i32
    %eq3A_1449 = vector.broadcast %eq3A_1448 : i32 to vector<16xi32>
    %eq3A_1450 = arith.cmpi eq, %select_n3A_1363, %eq3A_1449 : vector<16xi32>
    %select_n3A_1451 = arith.select %eq3A_1450, %mul3A_1372, %broadcast_in_dim3A_1374 : vector<16xi1>, vector<16xf32>
    %select_n3A_1452 = arith.select %eq3A_1447, %div3A_1371, %select_n3A_1451 : vector<16xi1>, vector<16xf32>
    %swap3A_1453 = arith.constant 5 : i32
    %swap3A_1454 = arith.index_cast %swap3A_1453 : i32 to index
    %swap3A_1455 = arith.constant 48 : index
    %swap3A_1456 = tpu.vector_load %arg5[%swap3A_1454, %swap3A_1455] {strides = array<i32>} : memref<8x128xf32, #tpu.memory_space<vmem>>, vector<1x16xf32>,
    %swap3A_1457 = vector.shape_cast %swap3A_1456 : vector<1x16xf32> to vector<16xf32>
    %swap3A_1458 = vector.shape_cast %select_n3A_1452 : vector<16xf32> to vector<1x16xf32>
    tpu.vector_store %arg5[%swap3A_1454, %swap3A_1455], %swap3A_1458 {strides = array<i32>} : memref<8x128xf32, #tpu.memory_space<vmem>>, vector<1x16xf32>,
    %eq3A_1459 = arith.constant 6 : i32
    %eq3A_1460 = vector.broadcast %eq3A_1459 : i32 to vector<16xi32>
    %eq3A_1461 = arith.cmpi eq, %select_n3A_1225, %eq3A_1460 : vector<16xi32>
    %eq3A_1462 = arith.constant 6 : i32
    %eq3A_1463 = vector.broadcast %eq3A_1462 : i32 to vector<16xi32>
    %eq3A_1464 = arith.cmpi eq, %select_n3A_1363, %eq3A_1463 : vector<16xi32>
    %select_n3A_1465 = arith.select %eq3A_1464, %mul3A_1372, %broadcast_in_dim3A_1374 : vector<16xi1>, vector<16xf32>
    %select_n3A_1466 = arith.select %eq3A_1461, %div3A_1371, %select_n3A_1465 : vector<16xi1>, vector<16xf32>
    %swap3A_1467 = arith.constant 6 : i32
    %swap3A_1468 = arith.index_cast %swap3A_1467 : i32 to index
    %swap3A_1469 = arith.constant 48 : index
    %swap3A_1470 = tpu.vector_load %arg5[%swap3A_1468, %swap3A_1469] {strides = array<i32>} : memref<8x128xf32, #tpu.memory_space<vmem>>, vector<1x16xf32>,
    %swap3A_1471 = vector.shape_cast %swap3A_1470 : vector<1x16xf32> to vector<16xf32>
    %swap3A_1472 = vector.shape_cast %select_n3A_1466 : vector<16xf32> to vector<1x16xf32>
    tpu.vector_store %arg5[%swap3A_1468, %swap3A_1469], %swap3A_1472 {strides = array<i32>} : memref<8x128xf32, #tpu.memory_space<vmem>>, vector<1x16xf32>,
    %eq3A_1473 = arith.constant 7 : i32
    %eq3A_1474 = vector.broadcast %eq3A_1473 : i32 to vector<16xi32>
    %eq3A_1475 = arith.cmpi eq, %select_n3A_1225, %eq3A_1474 : vector<16xi32>
    %eq3A_1476 = arith.constant 7 : i32
    %eq3A_1477 = vector.broadcast %eq3A_1476 : i32 to vector<16xi32>
    %eq3A_1478 = arith.cmpi eq, %select_n3A_1363, %eq3A_1477 : vector<16xi32>
    %select_n3A_1479 = arith.select %eq3A_1478, %mul3A_1372, %broadcast_in_dim3A_1374 : vector<16xi1>, vector<16xf32>
    %select_n3A_1480 = arith.select %eq3A_1475, %div3A_1371, %select_n3A_1479 : vector<16xi1>, vector<16xf32>
    %swap3A_1481 = arith.constant 7 : i32
    %swap3A_1482 = arith.index_cast %swap3A_1481 : i32 to index
    %swap3A_1483 = arith.constant 48 : index
    %swap3A_1484 = tpu.vector_load %arg5[%swap3A_1482, %swap3A_1483] {strides = array<i32>} : memref<8x128xf32, #tpu.memory_space<vmem>>, vector<1x16xf32>,
    %swap3A_1485 = vector.shape_cast %swap3A_1484 : vector<1x16xf32> to vector<16xf32>
    %swap3A_1486 = vector.shape_cast %select_n3A_1480 : vector<16xf32> to vector<1x16xf32>
    tpu.vector_store %arg5[%swap3A_1482, %swap3A_1483], %swap3A_1486 {strides = array<i32>} : memref<8x128xf32, #tpu.memory_space<vmem>>, vector<1x16xf32>,
    %get3A_1487 = arith.constant 0 : i32
    %get3A_1488 = arith.index_cast %get3A_1487 : i32 to index
    %get3A_1489 = arith.constant 64 : index
    %get3A_1490 = tpu.vector_load %arg4[%get3A_1488, %get3A_1489] {strides = array<i32>} : memref<8x128xf32, #tpu.memory_space<vmem>>, vector<1x16xf32>,
    %get3A_1491 = vector.shape_cast %get3A_1490 : vector<1x16xf32> to vector<16xf32>
    %get3A_1492 = arith.constant 1 : i32
    %get3A_1493 = arith.index_cast %get3A_1492 : i32 to index
    %get3A_1494 = arith.constant 64 : index
    %get3A_1495 = tpu.vector_load %arg4[%get3A_1493, %get3A_1494] {strides = array<i32>} : memref<8x128xf32, #tpu.memory_space<vmem>>, vector<1x16xf32>,
    %get3A_1496 = vector.shape_cast %get3A_1495 : vector<1x16xf32> to vector<16xf32>
    %get3A_1497 = arith.constant 2 : i32
    %get3A_1498 = arith.index_cast %get3A_1497 : i32 to index
    %get3A_1499 = arith.constant 64 : index
    %get3A_1500 = tpu.vector_load %arg4[%get3A_1498, %get3A_1499] {strides = array<i32>} : memref<8x128xf32, #tpu.memory_space<vmem>>, vector<1x16xf32>,
    %get3A_1501 = vector.shape_cast %get3A_1500 : vector<1x16xf32> to vector<16xf32>
    %get3A_1502 = arith.constant 3 : i32
    %get3A_1503 = arith.index_cast %get3A_1502 : i32 to index
    %get3A_1504 = arith.constant 64 : index
    %get3A_1505 = tpu.vector_load %arg4[%get3A_1503, %get3A_1504] {strides = array<i32>} : memref<8x128xf32, #tpu.memory_space<vmem>>, vector<1x16xf32>,
    %get3A_1506 = vector.shape_cast %get3A_1505 : vector<1x16xf32> to vector<16xf32>
    %get3A_1507 = arith.constant 4 : i32
    %get3A_1508 = arith.index_cast %get3A_1507 : i32 to index
    %get3A_1509 = arith.constant 64 : index
    %get3A_1510 = tpu.vector_load %arg4[%get3A_1508, %get3A_1509] {strides = array<i32>} : memref<8x128xf32, #tpu.memory_space<vmem>>, vector<1x16xf32>,
    %get3A_1511 = vector.shape_cast %get3A_1510 : vector<1x16xf32> to vector<16xf32>
    %get3A_1512 = arith.constant 5 : i32
    %get3A_1513 = arith.index_cast %get3A_1512 : i32 to index
    %get3A_1514 = arith.constant 64 : index
    %get3A_1515 = tpu.vector_load %arg4[%get3A_1513, %get3A_1514] {strides = array<i32>} : memref<8x128xf32, #tpu.memory_space<vmem>>, vector<1x16xf32>,
    %get3A_1516 = vector.shape_cast %get3A_1515 : vector<1x16xf32> to vector<16xf32>
    %get3A_1517 = arith.constant 6 : i32
    %get3A_1518 = arith.index_cast %get3A_1517 : i32 to index
    %get3A_1519 = arith.constant 64 : index
    %get3A_1520 = tpu.vector_load %arg4[%get3A_1518, %get3A_1519] {strides = array<i32>} : memref<8x128xf32, #tpu.memory_space<vmem>>, vector<1x16xf32>,
    %get3A_1521 = vector.shape_cast %get3A_1520 : vector<1x16xf32> to vector<16xf32>
    %get3A_1522 = arith.constant 7 : i32
    %get3A_1523 = arith.index_cast %get3A_1522 : i32 to index
    %get3A_1524 = arith.constant 64 : index
    %get3A_1525 = tpu.vector_load %arg4[%get3A_1523, %get3A_1524] {strides = array<i32>} : memref<8x128xf32, #tpu.memory_space<vmem>>, vector<1x16xf32>,
    %get3A_1526 = vector.shape_cast %get3A_1525 : vector<1x16xf32> to vector<16xf32>
    %max3A_1527 = arith.maximumf %get3A_1491, %get3A_1496 : vector<16xf32>
    %max3A_1528 = arith.maximumf %max3A_1527, %get3A_1501 : vector<16xf32>
    %max3A_1529 = arith.maximumf %max3A_1528, %get3A_1506 : vector<16xf32>
    %max3A_1530 = arith.maximumf %max3A_1529, %get3A_1511 : vector<16xf32>
    %max3A_1531 = arith.maximumf %max3A_1530, %get3A_1516 : vector<16xf32>
    %max3A_1532 = arith.maximumf %max3A_1531, %get3A_1521 : vector<16xf32>
    %max3A_1533 = arith.maximumf %max3A_1532, %get3A_1526 : vector<16xf32>
    %broadcast_in_dim3A_1534 = arith.constant 99 : i32
    %broadcast_in_dim3A_1535 = vector.broadcast %broadcast_in_dim3A_1534 : i32 to vector<16xi32>
    %eq3A_1536 = arith.cmpf oeq, %get3A_1491, %max3A_1533 : vector<16xf32>
    %eq3A_1537 = arith.constant 99 : i32
    %eq3A_1538 = vector.broadcast %eq3A_1537 : i32 to vector<16xi32>
    %eq3A_1539 = arith.cmpi eq, %broadcast_in_dim3A_1535, %eq3A_1538 : vector<16xi32>
    %and3A_1540 = arith.andi %eq3A_1536, %eq3A_1539 : vector<16xi1>
    %jit3A_1541 = arith.constant 0 : i32
    %broadcast_in_dim3A_1542 = vector.broadcast %jit3A_1541 : i32 to vector<16xi32>
    %select_n3A_1543 = arith.select %and3A_1540, %broadcast_in_dim3A_1542, %broadcast_in_dim3A_1535 : vector<16xi1>, vector<16xi32>
    %eq3A_1544 = arith.cmpf oeq, %get3A_1496, %max3A_1533 : vector<16xf32>
    %eq3A_1545 = arith.constant 99 : i32
    %eq3A_1546 = vector.broadcast %eq3A_1545 : i32 to vector<16xi32>
    %eq3A_1547 = arith.cmpi eq, %select_n3A_1543, %eq3A_1546 : vector<16xi32>
    %and3A_1548 = arith.andi %eq3A_1544, %eq3A_1547 : vector<16xi1>
    %jit3A_1549 = arith.constant 1 : i32
    %broadcast_in_dim3A_1550 = vector.broadcast %jit3A_1549 : i32 to vector<16xi32>
    %select_n3A_1551 = arith.select %and3A_1548, %broadcast_in_dim3A_1550, %select_n3A_1543 : vector<16xi1>, vector<16xi32>
    %eq3A_1552 = arith.cmpf oeq, %get3A_1501, %max3A_1533 : vector<16xf32>
    %eq3A_1553 = arith.constant 99 : i32
    %eq3A_1554 = vector.broadcast %eq3A_1553 : i32 to vector<16xi32>
    %eq3A_1555 = arith.cmpi eq, %select_n3A_1551, %eq3A_1554 : vector<16xi32>
    %and3A_1556 = arith.andi %eq3A_1552, %eq3A_1555 : vector<16xi1>
    %jit3A_1557 = arith.constant 2 : i32
    %broadcast_in_dim3A_1558 = vector.broadcast %jit3A_1557 : i32 to vector<16xi32>
    %select_n3A_1559 = arith.select %and3A_1556, %broadcast_in_dim3A_1558, %select_n3A_1551 : vector<16xi1>, vector<16xi32>
    %eq3A_1560 = arith.cmpf oeq, %get3A_1506, %max3A_1533 : vector<16xf32>
    %eq3A_1561 = arith.constant 99 : i32
    %eq3A_1562 = vector.broadcast %eq3A_1561 : i32 to vector<16xi32>
    %eq3A_1563 = arith.cmpi eq, %select_n3A_1559, %eq3A_1562 : vector<16xi32>
    %and3A_1564 = arith.andi %eq3A_1560, %eq3A_1563 : vector<16xi1>
    %jit3A_1565 = arith.constant 3 : i32
    %broadcast_in_dim3A_1566 = vector.broadcast %jit3A_1565 : i32 to vector<16xi32>
    %select_n3A_1567 = arith.select %and3A_1564, %broadcast_in_dim3A_1566, %select_n3A_1559 : vector<16xi1>, vector<16xi32>
    %eq3A_1568 = arith.cmpf oeq, %get3A_1511, %max3A_1533 : vector<16xf32>
    %eq3A_1569 = arith.constant 99 : i32
    %eq3A_1570 = vector.broadcast %eq3A_1569 : i32 to vector<16xi32>
    %eq3A_1571 = arith.cmpi eq, %select_n3A_1567, %eq3A_1570 : vector<16xi32>
    %and3A_1572 = arith.andi %eq3A_1568, %eq3A_1571 : vector<16xi1>
    %jit3A_1573 = arith.constant 4 : i32
    %broadcast_in_dim3A_1574 = vector.broadcast %jit3A_1573 : i32 to vector<16xi32>
    %select_n3A_1575 = arith.select %and3A_1572, %broadcast_in_dim3A_1574, %select_n3A_1567 : vector<16xi1>, vector<16xi32>
    %eq3A_1576 = arith.cmpf oeq, %get3A_1516, %max3A_1533 : vector<16xf32>
    %eq3A_1577 = arith.constant 99 : i32
    %eq3A_1578 = vector.broadcast %eq3A_1577 : i32 to vector<16xi32>
    %eq3A_1579 = arith.cmpi eq, %select_n3A_1575, %eq3A_1578 : vector<16xi32>
    %and3A_1580 = arith.andi %eq3A_1576, %eq3A_1579 : vector<16xi1>
    %jit3A_1581 = arith.constant 5 : i32
    %broadcast_in_dim3A_1582 = vector.broadcast %jit3A_1581 : i32 to vector<16xi32>
    %select_n3A_1583 = arith.select %and3A_1580, %broadcast_in_dim3A_1582, %select_n3A_1575 : vector<16xi1>, vector<16xi32>
    %eq3A_1584 = arith.cmpf oeq, %get3A_1521, %max3A_1533 : vector<16xf32>
    %eq3A_1585 = arith.constant 99 : i32
    %eq3A_1586 = vector.broadcast %eq3A_1585 : i32 to vector<16xi32>
    %eq3A_1587 = arith.cmpi eq, %select_n3A_1583, %eq3A_1586 : vector<16xi32>
    %and3A_1588 = arith.andi %eq3A_1584, %eq3A_1587 : vector<16xi1>
    %jit3A_1589 = arith.constant 6 : i32
    %broadcast_in_dim3A_1590 = vector.broadcast %jit3A_1589 : i32 to vector<16xi32>
    %select_n3A_1591 = arith.select %and3A_1588, %broadcast_in_dim3A_1590, %select_n3A_1583 : vector<16xi1>, vector<16xi32>
    %eq3A_1592 = arith.cmpf oeq, %get3A_1526, %max3A_1533 : vector<16xf32>
    %eq3A_1593 = arith.constant 99 : i32
    %eq3A_1594 = vector.broadcast %eq3A_1593 : i32 to vector<16xi32>
    %eq3A_1595 = arith.cmpi eq, %select_n3A_1591, %eq3A_1594 : vector<16xi32>
    %and3A_1596 = arith.andi %eq3A_1592, %eq3A_1595 : vector<16xi1>
    %jit3A_1597 = arith.constant 7 : i32
    %broadcast_in_dim3A_1598 = vector.broadcast %jit3A_1597 : i32 to vector<16xi32>
    %select_n3A_1599 = arith.select %and3A_1596, %broadcast_in_dim3A_1598, %select_n3A_1591 : vector<16xi1>, vector<16xi32>
    %broadcast_in_dim3A_1600 = arith.constant 0xFF800000 : f32
    %broadcast_in_dim3A_1601 = vector.broadcast %broadcast_in_dim3A_1600 : f32 to vector<16xf32>
    %eq3A_1602 = arith.constant 0 : i32
    %eq3A_1603 = vector.broadcast %eq3A_1602 : i32 to vector<16xi32>
    %eq3A_1604 = arith.cmpi eq, %select_n3A_1599, %eq3A_1603 : vector<16xi32>
    %max3A_1605 = arith.maximumf %broadcast_in_dim3A_1601, %get3A_1491 : vector<16xf32>
    %select_n3A_1606 = arith.select %eq3A_1604, %broadcast_in_dim3A_1601, %max3A_1605 : vector<16xi1>, vector<16xf32>
    %eq3A_1607 = arith.constant 1 : i32
    %eq3A_1608 = vector.broadcast %eq3A_1607 : i32 to vector<16xi32>
    %eq3A_1609 = arith.cmpi eq, %select_n3A_1599, %eq3A_1608 : vector<16xi32>
    %max3A_1610 = arith.maximumf %select_n3A_1606, %get3A_1496 : vector<16xf32>
    %select_n3A_1611 = arith.select %eq3A_1609, %select_n3A_1606, %max3A_1610 : vector<16xi1>, vector<16xf32>
    %eq3A_1612 = arith.constant 2 : i32
    %eq3A_1613 = vector.broadcast %eq3A_1612 : i32 to vector<16xi32>
    %eq3A_1614 = arith.cmpi eq, %select_n3A_1599, %eq3A_1613 : vector<16xi32>
    %max3A_1615 = arith.maximumf %select_n3A_1611, %get3A_1501 : vector<16xf32>
    %select_n3A_1616 = arith.select %eq3A_1614, %select_n3A_1611, %max3A_1615 : vector<16xi1>, vector<16xf32>
    %eq3A_1617 = arith.constant 3 : i32
    %eq3A_1618 = vector.broadcast %eq3A_1617 : i32 to vector<16xi32>
    %eq3A_1619 = arith.cmpi eq, %select_n3A_1599, %eq3A_1618 : vector<16xi32>
    %max3A_1620 = arith.maximumf %select_n3A_1616, %get3A_1506 : vector<16xf32>
    %select_n3A_1621 = arith.select %eq3A_1619, %select_n3A_1616, %max3A_1620 : vector<16xi1>, vector<16xf32>
    %eq3A_1622 = arith.constant 4 : i32
    %eq3A_1623 = vector.broadcast %eq3A_1622 : i32 to vector<16xi32>
    %eq3A_1624 = arith.cmpi eq, %select_n3A_1599, %eq3A_1623 : vector<16xi32>
    %max3A_1625 = arith.maximumf %select_n3A_1621, %get3A_1511 : vector<16xf32>
    %select_n3A_1626 = arith.select %eq3A_1624, %select_n3A_1621, %max3A_1625 : vector<16xi1>, vector<16xf32>
    %eq3A_1627 = arith.constant 5 : i32
    %eq3A_1628 = vector.broadcast %eq3A_1627 : i32 to vector<16xi32>
    %eq3A_1629 = arith.cmpi eq, %select_n3A_1599, %eq3A_1628 : vector<16xi32>
    %max3A_1630 = arith.maximumf %select_n3A_1626, %get3A_1516 : vector<16xf32>
    %select_n3A_1631 = arith.select %eq3A_1629, %select_n3A_1626, %max3A_1630 : vector<16xi1>, vector<16xf32>
    %eq3A_1632 = arith.constant 6 : i32
    %eq3A_1633 = vector.broadcast %eq3A_1632 : i32 to vector<16xi32>
    %eq3A_1634 = arith.cmpi eq, %select_n3A_1599, %eq3A_1633 : vector<16xi32>
    %max3A_1635 = arith.maximumf %select_n3A_1631, %get3A_1521 : vector<16xf32>
    %select_n3A_1636 = arith.select %eq3A_1634, %select_n3A_1631, %max3A_1635 : vector<16xi1>, vector<16xf32>
    %eq3A_1637 = arith.constant 7 : i32
    %eq3A_1638 = vector.broadcast %eq3A_1637 : i32 to vector<16xi32>
    %eq3A_1639 = arith.cmpi eq, %select_n3A_1599, %eq3A_1638 : vector<16xi32>
    %max3A_1640 = arith.maximumf %select_n3A_1636, %get3A_1526 : vector<16xf32>
    %select_n3A_1641 = arith.select %eq3A_1639, %select_n3A_1636, %max3A_1640 : vector<16xi1>, vector<16xf32>
    %eq3A_1642 = arith.cmpf oeq, %get3A_1491, %select_n3A_1641 : vector<16xf32>
    %ne3A_1643 = arith.constant 0 : i32
    %ne3A_1644 = vector.broadcast %ne3A_1643 : i32 to vector<16xi32>
    %ne3A_1645 = arith.cmpi ne, %select_n3A_1599, %ne3A_1644 : vector<16xi32>
    %and3A_1646 = arith.andi %eq3A_1642, %ne3A_1645 : vector<16xi1>
    %eq3A_1647 = arith.constant 99 : i32
    %eq3A_1648 = vector.broadcast %eq3A_1647 : i32 to vector<16xi32>
    %eq3A_1649 = arith.cmpi eq, %broadcast_in_dim3A_1535, %eq3A_1648 : vector<16xi32>
    %and3A_1650 = arith.andi %and3A_1646, %eq3A_1649 : vector<16xi1>
    %jit3A_1651 = arith.constant 0 : i32
    %broadcast_in_dim3A_1652 = vector.broadcast %jit3A_1651 : i32 to vector<16xi32>
    %select_n3A_1653 = arith.select %and3A_1650, %broadcast_in_dim3A_1652, %broadcast_in_dim3A_1535 : vector<16xi1>, vector<16xi32>
    %eq3A_1654 = arith.cmpf oeq, %get3A_1496, %select_n3A_1641 : vector<16xf32>
    %ne3A_1655 = arith.constant 1 : i32
    %ne3A_1656 = vector.broadcast %ne3A_1655 : i32 to vector<16xi32>
    %ne3A_1657 = arith.cmpi ne, %select_n3A_1599, %ne3A_1656 : vector<16xi32>
    %and3A_1658 = arith.andi %eq3A_1654, %ne3A_1657 : vector<16xi1>
    %eq3A_1659 = arith.constant 99 : i32
    %eq3A_1660 = vector.broadcast %eq3A_1659 : i32 to vector<16xi32>
    %eq3A_1661 = arith.cmpi eq, %select_n3A_1653, %eq3A_1660 : vector<16xi32>
    %and3A_1662 = arith.andi %and3A_1658, %eq3A_1661 : vector<16xi1>
    %jit3A_1663 = arith.constant 1 : i32
    %broadcast_in_dim3A_1664 = vector.broadcast %jit3A_1663 : i32 to vector<16xi32>
    %select_n3A_1665 = arith.select %and3A_1662, %broadcast_in_dim3A_1664, %select_n3A_1653 : vector<16xi1>, vector<16xi32>
    %eq3A_1666 = arith.cmpf oeq, %get3A_1501, %select_n3A_1641 : vector<16xf32>
    %ne3A_1667 = arith.constant 2 : i32
    %ne3A_1668 = vector.broadcast %ne3A_1667 : i32 to vector<16xi32>
    %ne3A_1669 = arith.cmpi ne, %select_n3A_1599, %ne3A_1668 : vector<16xi32>
    %and3A_1670 = arith.andi %eq3A_1666, %ne3A_1669 : vector<16xi1>
    %eq3A_1671 = arith.constant 99 : i32
    %eq3A_1672 = vector.broadcast %eq3A_1671 : i32 to vector<16xi32>
    %eq3A_1673 = arith.cmpi eq, %select_n3A_1665, %eq3A_1672 : vector<16xi32>
    %and3A_1674 = arith.andi %and3A_1670, %eq3A_1673 : vector<16xi1>
    %jit3A_1675 = arith.constant 2 : i32
    %broadcast_in_dim3A_1676 = vector.broadcast %jit3A_1675 : i32 to vector<16xi32>
    %select_n3A_1677 = arith.select %and3A_1674, %broadcast_in_dim3A_1676, %select_n3A_1665 : vector<16xi1>, vector<16xi32>
    %eq3A_1678 = arith.cmpf oeq, %get3A_1506, %select_n3A_1641 : vector<16xf32>
    %ne3A_1679 = arith.constant 3 : i32
    %ne3A_1680 = vector.broadcast %ne3A_1679 : i32 to vector<16xi32>
    %ne3A_1681 = arith.cmpi ne, %select_n3A_1599, %ne3A_1680 : vector<16xi32>
    %and3A_1682 = arith.andi %eq3A_1678, %ne3A_1681 : vector<16xi1>
    %eq3A_1683 = arith.constant 99 : i32
    %eq3A_1684 = vector.broadcast %eq3A_1683 : i32 to vector<16xi32>
    %eq3A_1685 = arith.cmpi eq, %select_n3A_1677, %eq3A_1684 : vector<16xi32>
    %and3A_1686 = arith.andi %and3A_1682, %eq3A_1685 : vector<16xi1>
    %jit3A_1687 = arith.constant 3 : i32
    %broadcast_in_dim3A_1688 = vector.broadcast %jit3A_1687 : i32 to vector<16xi32>
    %select_n3A_1689 = arith.select %and3A_1686, %broadcast_in_dim3A_1688, %select_n3A_1677 : vector<16xi1>, vector<16xi32>
    %eq3A_1690 = arith.cmpf oeq, %get3A_1511, %select_n3A_1641 : vector<16xf32>
    %ne3A_1691 = arith.constant 4 : i32
    %ne3A_1692 = vector.broadcast %ne3A_1691 : i32 to vector<16xi32>
    %ne3A_1693 = arith.cmpi ne, %select_n3A_1599, %ne3A_1692 : vector<16xi32>
    %and3A_1694 = arith.andi %eq3A_1690, %ne3A_1693 : vector<16xi1>
    %eq3A_1695 = arith.constant 99 : i32
    %eq3A_1696 = vector.broadcast %eq3A_1695 : i32 to vector<16xi32>
    %eq3A_1697 = arith.cmpi eq, %select_n3A_1689, %eq3A_1696 : vector<16xi32>
    %and3A_1698 = arith.andi %and3A_1694, %eq3A_1697 : vector<16xi1>
    %jit3A_1699 = arith.constant 4 : i32
    %broadcast_in_dim3A_1700 = vector.broadcast %jit3A_1699 : i32 to vector<16xi32>
    %select_n3A_1701 = arith.select %and3A_1698, %broadcast_in_dim3A_1700, %select_n3A_1689 : vector<16xi1>, vector<16xi32>
    %eq3A_1702 = arith.cmpf oeq, %get3A_1516, %select_n3A_1641 : vector<16xf32>
    %ne3A_1703 = arith.constant 5 : i32
    %ne3A_1704 = vector.broadcast %ne3A_1703 : i32 to vector<16xi32>
    %ne3A_1705 = arith.cmpi ne, %select_n3A_1599, %ne3A_1704 : vector<16xi32>
    %and3A_1706 = arith.andi %eq3A_1702, %ne3A_1705 : vector<16xi1>
    %eq3A_1707 = arith.constant 99 : i32
    %eq3A_1708 = vector.broadcast %eq3A_1707 : i32 to vector<16xi32>
    %eq3A_1709 = arith.cmpi eq, %select_n3A_1701, %eq3A_1708 : vector<16xi32>
    %and3A_1710 = arith.andi %and3A_1706, %eq3A_1709 : vector<16xi1>
    %jit3A_1711 = arith.constant 5 : i32
    %broadcast_in_dim3A_1712 = vector.broadcast %jit3A_1711 : i32 to vector<16xi32>
    %select_n3A_1713 = arith.select %and3A_1710, %broadcast_in_dim3A_1712, %select_n3A_1701 : vector<16xi1>, vector<16xi32>
    %eq3A_1714 = arith.cmpf oeq, %get3A_1521, %select_n3A_1641 : vector<16xf32>
    %ne3A_1715 = arith.constant 6 : i32
    %ne3A_1716 = vector.broadcast %ne3A_1715 : i32 to vector<16xi32>
    %ne3A_1717 = arith.cmpi ne, %select_n3A_1599, %ne3A_1716 : vector<16xi32>
    %and3A_1718 = arith.andi %eq3A_1714, %ne3A_1717 : vector<16xi1>
    %eq3A_1719 = arith.constant 99 : i32
    %eq3A_1720 = vector.broadcast %eq3A_1719 : i32 to vector<16xi32>
    %eq3A_1721 = arith.cmpi eq, %select_n3A_1713, %eq3A_1720 : vector<16xi32>
    %and3A_1722 = arith.andi %and3A_1718, %eq3A_1721 : vector<16xi1>
    %jit3A_1723 = arith.constant 6 : i32
    %broadcast_in_dim3A_1724 = vector.broadcast %jit3A_1723 : i32 to vector<16xi32>
    %select_n3A_1725 = arith.select %and3A_1722, %broadcast_in_dim3A_1724, %select_n3A_1713 : vector<16xi1>, vector<16xi32>
    %eq3A_1726 = arith.cmpf oeq, %get3A_1526, %select_n3A_1641 : vector<16xf32>
    %ne3A_1727 = arith.constant 7 : i32
    %ne3A_1728 = vector.broadcast %ne3A_1727 : i32 to vector<16xi32>
    %ne3A_1729 = arith.cmpi ne, %select_n3A_1599, %ne3A_1728 : vector<16xi32>
    %and3A_1730 = arith.andi %eq3A_1726, %ne3A_1729 : vector<16xi1>
    %eq3A_1731 = arith.constant 99 : i32
    %eq3A_1732 = vector.broadcast %eq3A_1731 : i32 to vector<16xi32>
    %eq3A_1733 = arith.cmpi eq, %select_n3A_1725, %eq3A_1732 : vector<16xi32>
    %and3A_1734 = arith.andi %and3A_1730, %eq3A_1733 : vector<16xi1>
    %jit3A_1735 = arith.constant 7 : i32
    %broadcast_in_dim3A_1736 = vector.broadcast %jit3A_1735 : i32 to vector<16xi32>
    %select_n3A_1737 = arith.select %and3A_1734, %broadcast_in_dim3A_1736, %select_n3A_1725 : vector<16xi1>, vector<16xi32>
    %sub3A_1738 = arith.subf %select_n3A_1641, %max3A_1533 : vector<16xf32>
    %exp3A_1739 = math.exp %sub3A_1738 : vector<16xf32>
    %add3A_1740 = arith.constant 1.000000e+00 : f32
    %add3A_1741 = vector.broadcast %add3A_1740 : f32 to vector<16xf32>
    %add3A_1742 = arith.addf %add3A_1741, %exp3A_1739 : vector<16xf32>
    %div3A_1743 = arith.constant 1.000000e+00 : f32
    %div3A_1744 = vector.broadcast %div3A_1743 : f32 to vector<16xf32>
    %div3A_1745 = arith.divf %div3A_1744, %add3A_1742 : vector<16xf32>
    %mul3A_1746 = arith.mulf %exp3A_1739, %div3A_1745 : vector<16xf32>
    %broadcast_in_dim3A_1747 = arith.constant 0.000000e+00 : f32
    %broadcast_in_dim3A_1748 = vector.broadcast %broadcast_in_dim3A_1747 : f32 to vector<16xf32>
    %eq3A_1749 = arith.constant 0 : i32
    %eq3A_1750 = vector.broadcast %eq3A_1749 : i32 to vector<16xi32>
    %eq3A_1751 = arith.cmpi eq, %select_n3A_1599, %eq3A_1750 : vector<16xi32>
    %eq3A_1752 = arith.constant 0 : i32
    %eq3A_1753 = vector.broadcast %eq3A_1752 : i32 to vector<16xi32>
    %eq3A_1754 = arith.cmpi eq, %select_n3A_1737, %eq3A_1753 : vector<16xi32>
    %select_n3A_1755 = arith.select %eq3A_1754, %mul3A_1746, %broadcast_in_dim3A_1748 : vector<16xi1>, vector<16xf32>
    %select_n3A_1756 = arith.select %eq3A_1751, %div3A_1745, %select_n3A_1755 : vector<16xi1>, vector<16xf32>
    %swap3A_1757 = arith.constant 0 : i32
    %swap3A_1758 = arith.index_cast %swap3A_1757 : i32 to index
    %swap3A_1759 = arith.constant 64 : index
    %swap3A_1760 = tpu.vector_load %arg5[%swap3A_1758, %swap3A_1759] {strides = array<i32>} : memref<8x128xf32, #tpu.memory_space<vmem>>, vector<1x16xf32>,
    %swap3A_1761 = vector.shape_cast %swap3A_1760 : vector<1x16xf32> to vector<16xf32>
    %swap3A_1762 = vector.shape_cast %select_n3A_1756 : vector<16xf32> to vector<1x16xf32>
    tpu.vector_store %arg5[%swap3A_1758, %swap3A_1759], %swap3A_1762 {strides = array<i32>} : memref<8x128xf32, #tpu.memory_space<vmem>>, vector<1x16xf32>,
    %eq3A_1763 = arith.constant 1 : i32
    %eq3A_1764 = vector.broadcast %eq3A_1763 : i32 to vector<16xi32>
    %eq3A_1765 = arith.cmpi eq, %select_n3A_1599, %eq3A_1764 : vector<16xi32>
    %eq3A_1766 = arith.constant 1 : i32
    %eq3A_1767 = vector.broadcast %eq3A_1766 : i32 to vector<16xi32>
    %eq3A_1768 = arith.cmpi eq, %select_n3A_1737, %eq3A_1767 : vector<16xi32>
    %select_n3A_1769 = arith.select %eq3A_1768, %mul3A_1746, %broadcast_in_dim3A_1748 : vector<16xi1>, vector<16xf32>
    %select_n3A_1770 = arith.select %eq3A_1765, %div3A_1745, %select_n3A_1769 : vector<16xi1>, vector<16xf32>
    %swap3A_1771 = arith.constant 1 : i32
    %swap3A_1772 = arith.index_cast %swap3A_1771 : i32 to index
    %swap3A_1773 = arith.constant 64 : index
    %swap3A_1774 = tpu.vector_load %arg5[%swap3A_1772, %swap3A_1773] {strides = array<i32>} : memref<8x128xf32, #tpu.memory_space<vmem>>, vector<1x16xf32>,
    %swap3A_1775 = vector.shape_cast %swap3A_1774 : vector<1x16xf32> to vector<16xf32>
    %swap3A_1776 = vector.shape_cast %select_n3A_1770 : vector<16xf32> to vector<1x16xf32>
    tpu.vector_store %arg5[%swap3A_1772, %swap3A_1773], %swap3A_1776 {strides = array<i32>} : memref<8x128xf32, #tpu.memory_space<vmem>>, vector<1x16xf32>,
    %eq3A_1777 = arith.constant 2 : i32
    %eq3A_1778 = vector.broadcast %eq3A_1777 : i32 to vector<16xi32>
    %eq3A_1779 = arith.cmpi eq, %select_n3A_1599, %eq3A_1778 : vector<16xi32>
    %eq3A_1780 = arith.constant 2 : i32
    %eq3A_1781 = vector.broadcast %eq3A_1780 : i32 to vector<16xi32>
    %eq3A_1782 = arith.cmpi eq, %select_n3A_1737, %eq3A_1781 : vector<16xi32>
    %select_n3A_1783 = arith.select %eq3A_1782, %mul3A_1746, %broadcast_in_dim3A_1748 : vector<16xi1>, vector<16xf32>
    %select_n3A_1784 = arith.select %eq3A_1779, %div3A_1745, %select_n3A_1783 : vector<16xi1>, vector<16xf32>
    %swap3A_1785 = arith.constant 2 : i32
    %swap3A_1786 = arith.index_cast %swap3A_1785 : i32 to index
    %swap3A_1787 = arith.constant 64 : index
    %swap3A_1788 = tpu.vector_load %arg5[%swap3A_1786, %swap3A_1787] {strides = array<i32>} : memref<8x128xf32, #tpu.memory_space<vmem>>, vector<1x16xf32>,
    %swap3A_1789 = vector.shape_cast %swap3A_1788 : vector<1x16xf32> to vector<16xf32>
    %swap3A_1790 = vector.shape_cast %select_n3A_1784 : vector<16xf32> to vector<1x16xf32>
    tpu.vector_store %arg5[%swap3A_1786, %swap3A_1787], %swap3A_1790 {strides = array<i32>} : memref<8x128xf32, #tpu.memory_space<vmem>>, vector<1x16xf32>,
    %eq3A_1791 = arith.constant 3 : i32
    %eq3A_1792 = vector.broadcast %eq3A_1791 : i32 to vector<16xi32>
    %eq3A_1793 = arith.cmpi eq, %select_n3A_1599, %eq3A_1792 : vector<16xi32>
    %eq3A_1794 = arith.constant 3 : i32
    %eq3A_1795 = vector.broadcast %eq3A_1794 : i32 to vector<16xi32>
    %eq3A_1796 = arith.cmpi eq, %select_n3A_1737, %eq3A_1795 : vector<16xi32>
    %select_n3A_1797 = arith.select %eq3A_1796, %mul3A_1746, %broadcast_in_dim3A_1748 : vector<16xi1>, vector<16xf32>
    %select_n3A_1798 = arith.select %eq3A_1793, %div3A_1745, %select_n3A_1797 : vector<16xi1>, vector<16xf32>
    %swap3A_1799 = arith.constant 3 : i32
    %swap3A_1800 = arith.index_cast %swap3A_1799 : i32 to index
    %swap3A_1801 = arith.constant 64 : index
    %swap3A_1802 = tpu.vector_load %arg5[%swap3A_1800, %swap3A_1801] {strides = array<i32>} : memref<8x128xf32, #tpu.memory_space<vmem>>, vector<1x16xf32>,
    %swap3A_1803 = vector.shape_cast %swap3A_1802 : vector<1x16xf32> to vector<16xf32>
    %swap3A_1804 = vector.shape_cast %select_n3A_1798 : vector<16xf32> to vector<1x16xf32>
    tpu.vector_store %arg5[%swap3A_1800, %swap3A_1801], %swap3A_1804 {strides = array<i32>} : memref<8x128xf32, #tpu.memory_space<vmem>>, vector<1x16xf32>,
    %eq3A_1805 = arith.constant 4 : i32
    %eq3A_1806 = vector.broadcast %eq3A_1805 : i32 to vector<16xi32>
    %eq3A_1807 = arith.cmpi eq, %select_n3A_1599, %eq3A_1806 : vector<16xi32>
    %eq3A_1808 = arith.constant 4 : i32
    %eq3A_1809 = vector.broadcast %eq3A_1808 : i32 to vector<16xi32>
    %eq3A_1810 = arith.cmpi eq, %select_n3A_1737, %eq3A_1809 : vector<16xi32>
    %select_n3A_1811 = arith.select %eq3A_1810, %mul3A_1746, %broadcast_in_dim3A_1748 : vector<16xi1>, vector<16xf32>
    %select_n3A_1812 = arith.select %eq3A_1807, %div3A_1745, %select_n3A_1811 : vector<16xi1>, vector<16xf32>
    %swap3A_1813 = arith.constant 4 : i32
    %swap3A_1814 = arith.index_cast %swap3A_1813 : i32 to index
    %swap3A_1815 = arith.constant 64 : index
    %swap3A_1816 = tpu.vector_load %arg5[%swap3A_1814, %swap3A_1815] {strides = array<i32>} : memref<8x128xf32, #tpu.memory_space<vmem>>, vector<1x16xf32>,
    %swap3A_1817 = vector.shape_cast %swap3A_1816 : vector<1x16xf32> to vector<16xf32>
    %swap3A_1818 = vector.shape_cast %select_n3A_1812 : vector<16xf32> to vector<1x16xf32>
    tpu.vector_store %arg5[%swap3A_1814, %swap3A_1815], %swap3A_1818 {strides = array<i32>} : memref<8x128xf32, #tpu.memory_space<vmem>>, vector<1x16xf32>,
    %eq3A_1819 = arith.constant 5 : i32
    %eq3A_1820 = vector.broadcast %eq3A_1819 : i32 to vector<16xi32>
    %eq3A_1821 = arith.cmpi eq, %select_n3A_1599, %eq3A_1820 : vector<16xi32>
    %eq3A_1822 = arith.constant 5 : i32
    %eq3A_1823 = vector.broadcast %eq3A_1822 : i32 to vector<16xi32>
    %eq3A_1824 = arith.cmpi eq, %select_n3A_1737, %eq3A_1823 : vector<16xi32>
    %select_n3A_1825 = arith.select %eq3A_1824, %mul3A_1746, %broadcast_in_dim3A_1748 : vector<16xi1>, vector<16xf32>
    %select_n3A_1826 = arith.select %eq3A_1821, %div3A_1745, %select_n3A_1825 : vector<16xi1>, vector<16xf32>
    %swap3A_1827 = arith.constant 5 : i32
    %swap3A_1828 = arith.index_cast %swap3A_1827 : i32 to index
    %swap3A_1829 = arith.constant 64 : index
    %swap3A_1830 = tpu.vector_load %arg5[%swap3A_1828, %swap3A_1829] {strides = array<i32>} : memref<8x128xf32, #tpu.memory_space<vmem>>, vector<1x16xf32>,
    %swap3A_1831 = vector.shape_cast %swap3A_1830 : vector<1x16xf32> to vector<16xf32>
    %swap3A_1832 = vector.shape_cast %select_n3A_1826 : vector<16xf32> to vector<1x16xf32>
    tpu.vector_store %arg5[%swap3A_1828, %swap3A_1829], %swap3A_1832 {strides = array<i32>} : memref<8x128xf32, #tpu.memory_space<vmem>>, vector<1x16xf32>,
    %eq3A_1833 = arith.constant 6 : i32
    %eq3A_1834 = vector.broadcast %eq3A_1833 : i32 to vector<16xi32>
    %eq3A_1835 = arith.cmpi eq, %select_n3A_1599, %eq3A_1834 : vector<16xi32>
    %eq3A_1836 = arith.constant 6 : i32
    %eq3A_1837 = vector.broadcast %eq3A_1836 : i32 to vector<16xi32>
    %eq3A_1838 = arith.cmpi eq, %select_n3A_1737, %eq3A_1837 : vector<16xi32>
    %select_n3A_1839 = arith.select %eq3A_1838, %mul3A_1746, %broadcast_in_dim3A_1748 : vector<16xi1>, vector<16xf32>
    %select_n3A_1840 = arith.select %eq3A_1835, %div3A_1745, %select_n3A_1839 : vector<16xi1>, vector<16xf32>
    %swap3A_1841 = arith.constant 6 : i32
    %swap3A_1842 = arith.index_cast %swap3A_1841 : i32 to index
    %swap3A_1843 = arith.constant 64 : index
    %swap3A_1844 = tpu.vector_load %arg5[%swap3A_1842, %swap3A_1843] {strides = array<i32>} : memref<8x128xf32, #tpu.memory_space<vmem>>, vector<1x16xf32>,
    %swap3A_1845 = vector.shape_cast %swap3A_1844 : vector<1x16xf32> to vector<16xf32>
    %swap3A_1846 = vector.shape_cast %select_n3A_1840 : vector<16xf32> to vector<1x16xf32>
    tpu.vector_store %arg5[%swap3A_1842, %swap3A_1843], %swap3A_1846 {strides = array<i32>} : memref<8x128xf32, #tpu.memory_space<vmem>>, vector<1x16xf32>,
    %eq3A_1847 = arith.constant 7 : i32
    %eq3A_1848 = vector.broadcast %eq3A_1847 : i32 to vector<16xi32>
    %eq3A_1849 = arith.cmpi eq, %select_n3A_1599, %eq3A_1848 : vector<16xi32>
    %eq3A_1850 = arith.constant 7 : i32
    %eq3A_1851 = vector.broadcast %eq3A_1850 : i32 to vector<16xi32>
    %eq3A_1852 = arith.cmpi eq, %select_n3A_1737, %eq3A_1851 : vector<16xi32>
    %select_n3A_1853 = arith.select %eq3A_1852, %mul3A_1746, %broadcast_in_dim3A_1748 : vector<16xi1>, vector<16xf32>
    %select_n3A_1854 = arith.select %eq3A_1849, %div3A_1745, %select_n3A_1853 : vector<16xi1>, vector<16xf32>
    %swap3A_1855 = arith.constant 7 : i32
    %swap3A_1856 = arith.index_cast %swap3A_1855 : i32 to index
    %swap3A_1857 = arith.constant 64 : index
    %swap3A_1858 = tpu.vector_load %arg5[%swap3A_1856, %swap3A_1857] {strides = array<i32>} : memref<8x128xf32, #tpu.memory_space<vmem>>, vector<1x16xf32>,
    %swap3A_1859 = vector.shape_cast %swap3A_1858 : vector<1x16xf32> to vector<16xf32>
    %swap3A_1860 = vector.shape_cast %select_n3A_1854 : vector<16xf32> to vector<1x16xf32>
    tpu.vector_store %arg5[%swap3A_1856, %swap3A_1857], %swap3A_1860 {strides = array<i32>} : memref<8x128xf32, #tpu.memory_space<vmem>>, vector<1x16xf32>,
    %get3A_1861 = arith.constant 0 : i32
    %get3A_1862 = arith.index_cast %get3A_1861 : i32 to index
    %get3A_1863 = arith.constant 80 : index
    %get3A_1864 = tpu.vector_load %arg4[%get3A_1862, %get3A_1863] {strides = array<i32>} : memref<8x128xf32, #tpu.memory_space<vmem>>, vector<1x16xf32>,
    %get3A_1865 = vector.shape_cast %get3A_1864 : vector<1x16xf32> to vector<16xf32>
    %get3A_1866 = arith.constant 1 : i32
    %get3A_1867 = arith.index_cast %get3A_1866 : i32 to index
    %get3A_1868 = arith.constant 80 : index
    %get3A_1869 = tpu.vector_load %arg4[%get3A_1867, %get3A_1868] {strides = array<i32>} : memref<8x128xf32, #tpu.memory_space<vmem>>, vector<1x16xf32>,
    %get3A_1870 = vector.shape_cast %get3A_1869 : vector<1x16xf32> to vector<16xf32>
    %get3A_1871 = arith.constant 2 : i32
    %get3A_1872 = arith.index_cast %get3A_1871 : i32 to index
    %get3A_1873 = arith.constant 80 : index
    %get3A_1874 = tpu.vector_load %arg4[%get3A_1872, %get3A_1873] {strides = array<i32>} : memref<8x128xf32, #tpu.memory_space<vmem>>, vector<1x16xf32>,
    %get3A_1875 = vector.shape_cast %get3A_1874 : vector<1x16xf32> to vector<16xf32>
    %get3A_1876 = arith.constant 3 : i32
    %get3A_1877 = arith.index_cast %get3A_1876 : i32 to index
    %get3A_1878 = arith.constant 80 : index
    %get3A_1879 = tpu.vector_load %arg4[%get3A_1877, %get3A_1878] {strides = array<i32>} : memref<8x128xf32, #tpu.memory_space<vmem>>, vector<1x16xf32>,
    %get3A_1880 = vector.shape_cast %get3A_1879 : vector<1x16xf32> to vector<16xf32>
    %get3A_1881 = arith.constant 4 : i32
    %get3A_1882 = arith.index_cast %get3A_1881 : i32 to index
    %get3A_1883 = arith.constant 80 : index
    %get3A_1884 = tpu.vector_load %arg4[%get3A_1882, %get3A_1883] {strides = array<i32>} : memref<8x128xf32, #tpu.memory_space<vmem>>, vector<1x16xf32>,
    %get3A_1885 = vector.shape_cast %get3A_1884 : vector<1x16xf32> to vector<16xf32>
    %get3A_1886 = arith.constant 5 : i32
    %get3A_1887 = arith.index_cast %get3A_1886 : i32 to index
    %get3A_1888 = arith.constant 80 : index
    %get3A_1889 = tpu.vector_load %arg4[%get3A_1887, %get3A_1888] {strides = array<i32>} : memref<8x128xf32, #tpu.memory_space<vmem>>, vector<1x16xf32>,
    %get3A_1890 = vector.shape_cast %get3A_1889 : vector<1x16xf32> to vector<16xf32>
    %get3A_1891 = arith.constant 6 : i32
    %get3A_1892 = arith.index_cast %get3A_1891 : i32 to index
    %get3A_1893 = arith.constant 80 : index
    %get3A_1894 = tpu.vector_load %arg4[%get3A_1892, %get3A_1893] {strides = array<i32>} : memref<8x128xf32, #tpu.memory_space<vmem>>, vector<1x16xf32>,
    %get3A_1895 = vector.shape_cast %get3A_1894 : vector<1x16xf32> to vector<16xf32>
    %get3A_1896 = arith.constant 7 : i32
    %get3A_1897 = arith.index_cast %get3A_1896 : i32 to index
    %get3A_1898 = arith.constant 80 : index
    %get3A_1899 = tpu.vector_load %arg4[%get3A_1897, %get3A_1898] {strides = array<i32>} : memref<8x128xf32, #tpu.memory_space<vmem>>, vector<1x16xf32>,
    %get3A_1900 = vector.shape_cast %get3A_1899 : vector<1x16xf32> to vector<16xf32>
    %max3A_1901 = arith.maximumf %get3A_1865, %get3A_1870 : vector<16xf32>
    %max3A_1902 = arith.maximumf %max3A_1901, %get3A_1875 : vector<16xf32>
    %max3A_1903 = arith.maximumf %max3A_1902, %get3A_1880 : vector<16xf32>
    %max3A_1904 = arith.maximumf %max3A_1903, %get3A_1885 : vector<16xf32>
    %max3A_1905 = arith.maximumf %max3A_1904, %get3A_1890 : vector<16xf32>
    %max3A_1906 = arith.maximumf %max3A_1905, %get3A_1895 : vector<16xf32>
    %max3A_1907 = arith.maximumf %max3A_1906, %get3A_1900 : vector<16xf32>
    %broadcast_in_dim3A_1908 = arith.constant 99 : i32
    %broadcast_in_dim3A_1909 = vector.broadcast %broadcast_in_dim3A_1908 : i32 to vector<16xi32>
    %eq3A_1910 = arith.cmpf oeq, %get3A_1865, %max3A_1907 : vector<16xf32>
    %eq3A_1911 = arith.constant 99 : i32
    %eq3A_1912 = vector.broadcast %eq3A_1911 : i32 to vector<16xi32>
    %eq3A_1913 = arith.cmpi eq, %broadcast_in_dim3A_1909, %eq3A_1912 : vector<16xi32>
    %and3A_1914 = arith.andi %eq3A_1910, %eq3A_1913 : vector<16xi1>
    %jit3A_1915 = arith.constant 0 : i32
    %broadcast_in_dim3A_1916 = vector.broadcast %jit3A_1915 : i32 to vector<16xi32>
    %select_n3A_1917 = arith.select %and3A_1914, %broadcast_in_dim3A_1916, %broadcast_in_dim3A_1909 : vector<16xi1>, vector<16xi32>
    %eq3A_1918 = arith.cmpf oeq, %get3A_1870, %max3A_1907 : vector<16xf32>
    %eq3A_1919 = arith.constant 99 : i32
    %eq3A_1920 = vector.broadcast %eq3A_1919 : i32 to vector<16xi32>
    %eq3A_1921 = arith.cmpi eq, %select_n3A_1917, %eq3A_1920 : vector<16xi32>
    %and3A_1922 = arith.andi %eq3A_1918, %eq3A_1921 : vector<16xi1>
    %jit3A_1923 = arith.constant 1 : i32
    %broadcast_in_dim3A_1924 = vector.broadcast %jit3A_1923 : i32 to vector<16xi32>
    %select_n3A_1925 = arith.select %and3A_1922, %broadcast_in_dim3A_1924, %select_n3A_1917 : vector<16xi1>, vector<16xi32>
    %eq3A_1926 = arith.cmpf oeq, %get3A_1875, %max3A_1907 : vector<16xf32>
    %eq3A_1927 = arith.constant 99 : i32
    %eq3A_1928 = vector.broadcast %eq3A_1927 : i32 to vector<16xi32>
    %eq3A_1929 = arith.cmpi eq, %select_n3A_1925, %eq3A_1928 : vector<16xi32>
    %and3A_1930 = arith.andi %eq3A_1926, %eq3A_1929 : vector<16xi1>
    %jit3A_1931 = arith.constant 2 : i32
    %broadcast_in_dim3A_1932 = vector.broadcast %jit3A_1931 : i32 to vector<16xi32>
    %select_n3A_1933 = arith.select %and3A_1930, %broadcast_in_dim3A_1932, %select_n3A_1925 : vector<16xi1>, vector<16xi32>
    %eq3A_1934 = arith.cmpf oeq, %get3A_1880, %max3A_1907 : vector<16xf32>
    %eq3A_1935 = arith.constant 99 : i32
    %eq3A_1936 = vector.broadcast %eq3A_1935 : i32 to vector<16xi32>
    %eq3A_1937 = arith.cmpi eq, %select_n3A_1933, %eq3A_1936 : vector<16xi32>
    %and3A_1938 = arith.andi %eq3A_1934, %eq3A_1937 : vector<16xi1>
    %jit3A_1939 = arith.constant 3 : i32
    %broadcast_in_dim3A_1940 = vector.broadcast %jit3A_1939 : i32 to vector<16xi32>
    %select_n3A_1941 = arith.select %and3A_1938, %broadcast_in_dim3A_1940, %select_n3A_1933 : vector<16xi1>, vector<16xi32>
    %eq3A_1942 = arith.cmpf oeq, %get3A_1885, %max3A_1907 : vector<16xf32>
    %eq3A_1943 = arith.constant 99 : i32
    %eq3A_1944 = vector.broadcast %eq3A_1943 : i32 to vector<16xi32>
    %eq3A_1945 = arith.cmpi eq, %select_n3A_1941, %eq3A_1944 : vector<16xi32>
    %and3A_1946 = arith.andi %eq3A_1942, %eq3A_1945 : vector<16xi1>
    %jit3A_1947 = arith.constant 4 : i32
    %broadcast_in_dim3A_1948 = vector.broadcast %jit3A_1947 : i32 to vector<16xi32>
    %select_n3A_1949 = arith.select %and3A_1946, %broadcast_in_dim3A_1948, %select_n3A_1941 : vector<16xi1>, vector<16xi32>
    %eq3A_1950 = arith.cmpf oeq, %get3A_1890, %max3A_1907 : vector<16xf32>
    %eq3A_1951 = arith.constant 99 : i32
    %eq3A_1952 = vector.broadcast %eq3A_1951 : i32 to vector<16xi32>
    %eq3A_1953 = arith.cmpi eq, %select_n3A_1949, %eq3A_1952 : vector<16xi32>
    %and3A_1954 = arith.andi %eq3A_1950, %eq3A_1953 : vector<16xi1>
    %jit3A_1955 = arith.constant 5 : i32
    %broadcast_in_dim3A_1956 = vector.broadcast %jit3A_1955 : i32 to vector<16xi32>
    %select_n3A_1957 = arith.select %and3A_1954, %broadcast_in_dim3A_1956, %select_n3A_1949 : vector<16xi1>, vector<16xi32>
    %eq3A_1958 = arith.cmpf oeq, %get3A_1895, %max3A_1907 : vector<16xf32>
    %eq3A_1959 = arith.constant 99 : i32
    %eq3A_1960 = vector.broadcast %eq3A_1959 : i32 to vector<16xi32>
    %eq3A_1961 = arith.cmpi eq, %select_n3A_1957, %eq3A_1960 : vector<16xi32>
    %and3A_1962 = arith.andi %eq3A_1958, %eq3A_1961 : vector<16xi1>
    %jit3A_1963 = arith.constant 6 : i32
    %broadcast_in_dim3A_1964 = vector.broadcast %jit3A_1963 : i32 to vector<16xi32>
    %select_n3A_1965 = arith.select %and3A_1962, %broadcast_in_dim3A_1964, %select_n3A_1957 : vector<16xi1>, vector<16xi32>
    %eq3A_1966 = arith.cmpf oeq, %get3A_1900, %max3A_1907 : vector<16xf32>
    %eq3A_1967 = arith.constant 99 : i32
    %eq3A_1968 = vector.broadcast %eq3A_1967 : i32 to vector<16xi32>
    %eq3A_1969 = arith.cmpi eq, %select_n3A_1965, %eq3A_1968 : vector<16xi32>
    %and3A_1970 = arith.andi %eq3A_1966, %eq3A_1969 : vector<16xi1>
    %jit3A_1971 = arith.constant 7 : i32
    %broadcast_in_dim3A_1972 = vector.broadcast %jit3A_1971 : i32 to vector<16xi32>
    %select_n3A_1973 = arith.select %and3A_1970, %broadcast_in_dim3A_1972, %select_n3A_1965 : vector<16xi1>, vector<16xi32>
    %broadcast_in_dim3A_1974 = arith.constant 0xFF800000 : f32
    %broadcast_in_dim3A_1975 = vector.broadcast %broadcast_in_dim3A_1974 : f32 to vector<16xf32>
    %eq3A_1976 = arith.constant 0 : i32
    %eq3A_1977 = vector.broadcast %eq3A_1976 : i32 to vector<16xi32>
    %eq3A_1978 = arith.cmpi eq, %select_n3A_1973, %eq3A_1977 : vector<16xi32>
    %max3A_1979 = arith.maximumf %broadcast_in_dim3A_1975, %get3A_1865 : vector<16xf32>
    %select_n3A_1980 = arith.select %eq3A_1978, %broadcast_in_dim3A_1975, %max3A_1979 : vector<16xi1>, vector<16xf32>
    %eq3A_1981 = arith.constant 1 : i32
    %eq3A_1982 = vector.broadcast %eq3A_1981 : i32 to vector<16xi32>
    %eq3A_1983 = arith.cmpi eq, %select_n3A_1973, %eq3A_1982 : vector<16xi32>
    %max3A_1984 = arith.maximumf %select_n3A_1980, %get3A_1870 : vector<16xf32>
    %select_n3A_1985 = arith.select %eq3A_1983, %select_n3A_1980, %max3A_1984 : vector<16xi1>, vector<16xf32>
    %eq3A_1986 = arith.constant 2 : i32
    %eq3A_1987 = vector.broadcast %eq3A_1986 : i32 to vector<16xi32>
    %eq3A_1988 = arith.cmpi eq, %select_n3A_1973, %eq3A_1987 : vector<16xi32>
    %max3A_1989 = arith.maximumf %select_n3A_1985, %get3A_1875 : vector<16xf32>
    %select_n3A_1990 = arith.select %eq3A_1988, %select_n3A_1985, %max3A_1989 : vector<16xi1>, vector<16xf32>
    %eq3A_1991 = arith.constant 3 : i32
    %eq3A_1992 = vector.broadcast %eq3A_1991 : i32 to vector<16xi32>
    %eq3A_1993 = arith.cmpi eq, %select_n3A_1973, %eq3A_1992 : vector<16xi32>
    %max3A_1994 = arith.maximumf %select_n3A_1990, %get3A_1880 : vector<16xf32>
    %select_n3A_1995 = arith.select %eq3A_1993, %select_n3A_1990, %max3A_1994 : vector<16xi1>, vector<16xf32>
    %eq3A_1996 = arith.constant 4 : i32
    %eq3A_1997 = vector.broadcast %eq3A_1996 : i32 to vector<16xi32>
    %eq3A_1998 = arith.cmpi eq, %select_n3A_1973, %eq3A_1997 : vector<16xi32>
    %max3A_1999 = arith.maximumf %select_n3A_1995, %get3A_1885 : vector<16xf32>
    %select_n3A_2000 = arith.select %eq3A_1998, %select_n3A_1995, %max3A_1999 : vector<16xi1>, vector<16xf32>
    %eq3A_2001 = arith.constant 5 : i32
    %eq3A_2002 = vector.broadcast %eq3A_2001 : i32 to vector<16xi32>
    %eq3A_2003 = arith.cmpi eq, %select_n3A_1973, %eq3A_2002 : vector<16xi32>
    %max3A_2004 = arith.maximumf %select_n3A_2000, %get3A_1890 : vector<16xf32>
    %select_n3A_2005 = arith.select %eq3A_2003, %select_n3A_2000, %max3A_2004 : vector<16xi1>, vector<16xf32>
    %eq3A_2006 = arith.constant 6 : i32
    %eq3A_2007 = vector.broadcast %eq3A_2006 : i32 to vector<16xi32>
    %eq3A_2008 = arith.cmpi eq, %select_n3A_1973, %eq3A_2007 : vector<16xi32>
    %max3A_2009 = arith.maximumf %select_n3A_2005, %get3A_1895 : vector<16xf32>
    %select_n3A_2010 = arith.select %eq3A_2008, %select_n3A_2005, %max3A_2009 : vector<16xi1>, vector<16xf32>
    %eq3A_2011 = arith.constant 7 : i32
    %eq3A_2012 = vector.broadcast %eq3A_2011 : i32 to vector<16xi32>
    %eq3A_2013 = arith.cmpi eq, %select_n3A_1973, %eq3A_2012 : vector<16xi32>
    %max3A_2014 = arith.maximumf %select_n3A_2010, %get3A_1900 : vector<16xf32>
    %select_n3A_2015 = arith.select %eq3A_2013, %select_n3A_2010, %max3A_2014 : vector<16xi1>, vector<16xf32>
    %eq3A_2016 = arith.cmpf oeq, %get3A_1865, %select_n3A_2015 : vector<16xf32>
    %ne3A_2017 = arith.constant 0 : i32
    %ne3A_2018 = vector.broadcast %ne3A_2017 : i32 to vector<16xi32>
    %ne3A_2019 = arith.cmpi ne, %select_n3A_1973, %ne3A_2018 : vector<16xi32>
    %and3A_2020 = arith.andi %eq3A_2016, %ne3A_2019 : vector<16xi1>
    %eq3A_2021 = arith.constant 99 : i32
    %eq3A_2022 = vector.broadcast %eq3A_2021 : i32 to vector<16xi32>
    %eq3A_2023 = arith.cmpi eq, %broadcast_in_dim3A_1909, %eq3A_2022 : vector<16xi32>
    %and3A_2024 = arith.andi %and3A_2020, %eq3A_2023 : vector<16xi1>
    %jit3A_2025 = arith.constant 0 : i32
    %broadcast_in_dim3A_2026 = vector.broadcast %jit3A_2025 : i32 to vector<16xi32>
    %select_n3A_2027 = arith.select %and3A_2024, %broadcast_in_dim3A_2026, %broadcast_in_dim3A_1909 : vector<16xi1>, vector<16xi32>
    %eq3A_2028 = arith.cmpf oeq, %get3A_1870, %select_n3A_2015 : vector<16xf32>
    %ne3A_2029 = arith.constant 1 : i32
    %ne3A_2030 = vector.broadcast %ne3A_2029 : i32 to vector<16xi32>
    %ne3A_2031 = arith.cmpi ne, %select_n3A_1973, %ne3A_2030 : vector<16xi32>
    %and3A_2032 = arith.andi %eq3A_2028, %ne3A_2031 : vector<16xi1>
    %eq3A_2033 = arith.constant 99 : i32
    %eq3A_2034 = vector.broadcast %eq3A_2033 : i32 to vector<16xi32>
    %eq3A_2035 = arith.cmpi eq, %select_n3A_2027, %eq3A_2034 : vector<16xi32>
    %and3A_2036 = arith.andi %and3A_2032, %eq3A_2035 : vector<16xi1>
    %jit3A_2037 = arith.constant 1 : i32
    %broadcast_in_dim3A_2038 = vector.broadcast %jit3A_2037 : i32 to vector<16xi32>
    %select_n3A_2039 = arith.select %and3A_2036, %broadcast_in_dim3A_2038, %select_n3A_2027 : vector<16xi1>, vector<16xi32>
    %eq3A_2040 = arith.cmpf oeq, %get3A_1875, %select_n3A_2015 : vector<16xf32>
    %ne3A_2041 = arith.constant 2 : i32
    %ne3A_2042 = vector.broadcast %ne3A_2041 : i32 to vector<16xi32>
    %ne3A_2043 = arith.cmpi ne, %select_n3A_1973, %ne3A_2042 : vector<16xi32>
    %and3A_2044 = arith.andi %eq3A_2040, %ne3A_2043 : vector<16xi1>
    %eq3A_2045 = arith.constant 99 : i32
    %eq3A_2046 = vector.broadcast %eq3A_2045 : i32 to vector<16xi32>
    %eq3A_2047 = arith.cmpi eq, %select_n3A_2039, %eq3A_2046 : vector<16xi32>
    %and3A_2048 = arith.andi %and3A_2044, %eq3A_2047 : vector<16xi1>
    %jit3A_2049 = arith.constant 2 : i32
    %broadcast_in_dim3A_2050 = vector.broadcast %jit3A_2049 : i32 to vector<16xi32>
    %select_n3A_2051 = arith.select %and3A_2048, %broadcast_in_dim3A_2050, %select_n3A_2039 : vector<16xi1>, vector<16xi32>
    %eq3A_2052 = arith.cmpf oeq, %get3A_1880, %select_n3A_2015 : vector<16xf32>
    %ne3A_2053 = arith.constant 3 : i32
    %ne3A_2054 = vector.broadcast %ne3A_2053 : i32 to vector<16xi32>
    %ne3A_2055 = arith.cmpi ne, %select_n3A_1973, %ne3A_2054 : vector<16xi32>
    %and3A_2056 = arith.andi %eq3A_2052, %ne3A_2055 : vector<16xi1>
    %eq3A_2057 = arith.constant 99 : i32
    %eq3A_2058 = vector.broadcast %eq3A_2057 : i32 to vector<16xi32>
    %eq3A_2059 = arith.cmpi eq, %select_n3A_2051, %eq3A_2058 : vector<16xi32>
    %and3A_2060 = arith.andi %and3A_2056, %eq3A_2059 : vector<16xi1>
    %jit3A_2061 = arith.constant 3 : i32
    %broadcast_in_dim3A_2062 = vector.broadcast %jit3A_2061 : i32 to vector<16xi32>
    %select_n3A_2063 = arith.select %and3A_2060, %broadcast_in_dim3A_2062, %select_n3A_2051 : vector<16xi1>, vector<16xi32>
    %eq3A_2064 = arith.cmpf oeq, %get3A_1885, %select_n3A_2015 : vector<16xf32>
    %ne3A_2065 = arith.constant 4 : i32
    %ne3A_2066 = vector.broadcast %ne3A_2065 : i32 to vector<16xi32>
    %ne3A_2067 = arith.cmpi ne, %select_n3A_1973, %ne3A_2066 : vector<16xi32>
    %and3A_2068 = arith.andi %eq3A_2064, %ne3A_2067 : vector<16xi1>
    %eq3A_2069 = arith.constant 99 : i32
    %eq3A_2070 = vector.broadcast %eq3A_2069 : i32 to vector<16xi32>
    %eq3A_2071 = arith.cmpi eq, %select_n3A_2063, %eq3A_2070 : vector<16xi32>
    %and3A_2072 = arith.andi %and3A_2068, %eq3A_2071 : vector<16xi1>
    %jit3A_2073 = arith.constant 4 : i32
    %broadcast_in_dim3A_2074 = vector.broadcast %jit3A_2073 : i32 to vector<16xi32>
    %select_n3A_2075 = arith.select %and3A_2072, %broadcast_in_dim3A_2074, %select_n3A_2063 : vector<16xi1>, vector<16xi32>
    %eq3A_2076 = arith.cmpf oeq, %get3A_1890, %select_n3A_2015 : vector<16xf32>
    %ne3A_2077 = arith.constant 5 : i32
    %ne3A_2078 = vector.broadcast %ne3A_2077 : i32 to vector<16xi32>
    %ne3A_2079 = arith.cmpi ne, %select_n3A_1973, %ne3A_2078 : vector<16xi32>
    %and3A_2080 = arith.andi %eq3A_2076, %ne3A_2079 : vector<16xi1>
    %eq3A_2081 = arith.constant 99 : i32
    %eq3A_2082 = vector.broadcast %eq3A_2081 : i32 to vector<16xi32>
    %eq3A_2083 = arith.cmpi eq, %select_n3A_2075, %eq3A_2082 : vector<16xi32>
    %and3A_2084 = arith.andi %and3A_2080, %eq3A_2083 : vector<16xi1>
    %jit3A_2085 = arith.constant 5 : i32
    %broadcast_in_dim3A_2086 = vector.broadcast %jit3A_2085 : i32 to vector<16xi32>
    %select_n3A_2087 = arith.select %and3A_2084, %broadcast_in_dim3A_2086, %select_n3A_2075 : vector<16xi1>, vector<16xi32>
    %eq3A_2088 = arith.cmpf oeq, %get3A_1895, %select_n3A_2015 : vector<16xf32>
    %ne3A_2089 = arith.constant 6 : i32
    %ne3A_2090 = vector.broadcast %ne3A_2089 : i32 to vector<16xi32>
    %ne3A_2091 = arith.cmpi ne, %select_n3A_1973, %ne3A_2090 : vector<16xi32>
    %and3A_2092 = arith.andi %eq3A_2088, %ne3A_2091 : vector<16xi1>
    %eq3A_2093 = arith.constant 99 : i32
    %eq3A_2094 = vector.broadcast %eq3A_2093 : i32 to vector<16xi32>
    %eq3A_2095 = arith.cmpi eq, %select_n3A_2087, %eq3A_2094 : vector<16xi32>
    %and3A_2096 = arith.andi %and3A_2092, %eq3A_2095 : vector<16xi1>
    %jit3A_2097 = arith.constant 6 : i32
    %broadcast_in_dim3A_2098 = vector.broadcast %jit3A_2097 : i32 to vector<16xi32>
    %select_n3A_2099 = arith.select %and3A_2096, %broadcast_in_dim3A_2098, %select_n3A_2087 : vector<16xi1>, vector<16xi32>
    %eq3A_2100 = arith.cmpf oeq, %get3A_1900, %select_n3A_2015 : vector<16xf32>
    %ne3A_2101 = arith.constant 7 : i32
    %ne3A_2102 = vector.broadcast %ne3A_2101 : i32 to vector<16xi32>
    %ne3A_2103 = arith.cmpi ne, %select_n3A_1973, %ne3A_2102 : vector<16xi32>
    %and3A_2104 = arith.andi %eq3A_2100, %ne3A_2103 : vector<16xi1>
    %eq3A_2105 = arith.constant 99 : i32
    %eq3A_2106 = vector.broadcast %eq3A_2105 : i32 to vector<16xi32>
    %eq3A_2107 = arith.cmpi eq, %select_n3A_2099, %eq3A_2106 : vector<16xi32>
    %and3A_2108 = arith.andi %and3A_2104, %eq3A_2107 : vector<16xi1>
    %jit3A_2109 = arith.constant 7 : i32
    %broadcast_in_dim3A_2110 = vector.broadcast %jit3A_2109 : i32 to vector<16xi32>
    %select_n3A_2111 = arith.select %and3A_2108, %broadcast_in_dim3A_2110, %select_n3A_2099 : vector<16xi1>, vector<16xi32>
    %sub3A_2112 = arith.subf %select_n3A_2015, %max3A_1907 : vector<16xf32>
    %exp3A_2113 = math.exp %sub3A_2112 : vector<16xf32>
    %add3A_2114 = arith.constant 1.000000e+00 : f32
    %add3A_2115 = vector.broadcast %add3A_2114 : f32 to vector<16xf32>
    %add3A_2116 = arith.addf %add3A_2115, %exp3A_2113 : vector<16xf32>
    %div3A_2117 = arith.constant 1.000000e+00 : f32
    %div3A_2118 = vector.broadcast %div3A_2117 : f32 to vector<16xf32>
    %div3A_2119 = arith.divf %div3A_2118, %add3A_2116 : vector<16xf32>
    %mul3A_2120 = arith.mulf %exp3A_2113, %div3A_2119 : vector<16xf32>
    %broadcast_in_dim3A_2121 = arith.constant 0.000000e+00 : f32
    %broadcast_in_dim3A_2122 = vector.broadcast %broadcast_in_dim3A_2121 : f32 to vector<16xf32>
    %eq3A_2123 = arith.constant 0 : i32
    %eq3A_2124 = vector.broadcast %eq3A_2123 : i32 to vector<16xi32>
    %eq3A_2125 = arith.cmpi eq, %select_n3A_1973, %eq3A_2124 : vector<16xi32>
    %eq3A_2126 = arith.constant 0 : i32
    %eq3A_2127 = vector.broadcast %eq3A_2126 : i32 to vector<16xi32>
    %eq3A_2128 = arith.cmpi eq, %select_n3A_2111, %eq3A_2127 : vector<16xi32>
    %select_n3A_2129 = arith.select %eq3A_2128, %mul3A_2120, %broadcast_in_dim3A_2122 : vector<16xi1>, vector<16xf32>
    %select_n3A_2130 = arith.select %eq3A_2125, %div3A_2119, %select_n3A_2129 : vector<16xi1>, vector<16xf32>
    %swap3A_2131 = arith.constant 0 : i32
    %swap3A_2132 = arith.index_cast %swap3A_2131 : i32 to index
    %swap3A_2133 = arith.constant 80 : index
    %swap3A_2134 = tpu.vector_load %arg5[%swap3A_2132, %swap3A_2133] {strides = array<i32>} : memref<8x128xf32, #tpu.memory_space<vmem>>, vector<1x16xf32>,
    %swap3A_2135 = vector.shape_cast %swap3A_2134 : vector<1x16xf32> to vector<16xf32>
    %swap3A_2136 = vector.shape_cast %select_n3A_2130 : vector<16xf32> to vector<1x16xf32>
    tpu.vector_store %arg5[%swap3A_2132, %swap3A_2133], %swap3A_2136 {strides = array<i32>} : memref<8x128xf32, #tpu.memory_space<vmem>>, vector<1x16xf32>,
    %eq3A_2137 = arith.constant 1 : i32
    %eq3A_2138 = vector.broadcast %eq3A_2137 : i32 to vector<16xi32>
    %eq3A_2139 = arith.cmpi eq, %select_n3A_1973, %eq3A_2138 : vector<16xi32>
    %eq3A_2140 = arith.constant 1 : i32
    %eq3A_2141 = vector.broadcast %eq3A_2140 : i32 to vector<16xi32>
    %eq3A_2142 = arith.cmpi eq, %select_n3A_2111, %eq3A_2141 : vector<16xi32>
    %select_n3A_2143 = arith.select %eq3A_2142, %mul3A_2120, %broadcast_in_dim3A_2122 : vector<16xi1>, vector<16xf32>
    %select_n3A_2144 = arith.select %eq3A_2139, %div3A_2119, %select_n3A_2143 : vector<16xi1>, vector<16xf32>
    %swap3A_2145 = arith.constant 1 : i32
    %swap3A_2146 = arith.index_cast %swap3A_2145 : i32 to index
    %swap3A_2147 = arith.constant 80 : index
    %swap3A_2148 = tpu.vector_load %arg5[%swap3A_2146, %swap3A_2147] {strides = array<i32>} : memref<8x128xf32, #tpu.memory_space<vmem>>, vector<1x16xf32>,
    %swap3A_2149 = vector.shape_cast %swap3A_2148 : vector<1x16xf32> to vector<16xf32>
    %swap3A_2150 = vector.shape_cast %select_n3A_2144 : vector<16xf32> to vector<1x16xf32>
    tpu.vector_store %arg5[%swap3A_2146, %swap3A_2147], %swap3A_2150 {strides = array<i32>} : memref<8x128xf32, #tpu.memory_space<vmem>>, vector<1x16xf32>,
    %eq3A_2151 = arith.constant 2 : i32
    %eq3A_2152 = vector.broadcast %eq3A_2151 : i32 to vector<16xi32>
    %eq3A_2153 = arith.cmpi eq, %select_n3A_1973, %eq3A_2152 : vector<16xi32>
    %eq3A_2154 = arith.constant 2 : i32
    %eq3A_2155 = vector.broadcast %eq3A_2154 : i32 to vector<16xi32>
    %eq3A_2156 = arith.cmpi eq, %select_n3A_2111, %eq3A_2155 : vector<16xi32>
    %select_n3A_2157 = arith.select %eq3A_2156, %mul3A_2120, %broadcast_in_dim3A_2122 : vector<16xi1>, vector<16xf32>
    %select_n3A_2158 = arith.select %eq3A_2153, %div3A_2119, %select_n3A_2157 : vector<16xi1>, vector<16xf32>
    %swap3A_2159 = arith.constant 2 : i32
    %swap3A_2160 = arith.index_cast %swap3A_2159 : i32 to index
    %swap3A_2161 = arith.constant 80 : index
    %swap3A_2162 = tpu.vector_load %arg5[%swap3A_2160, %swap3A_2161] {strides = array<i32>} : memref<8x128xf32, #tpu.memory_space<vmem>>, vector<1x16xf32>,
    %swap3A_2163 = vector.shape_cast %swap3A_2162 : vector<1x16xf32> to vector<16xf32>
    %swap3A_2164 = vector.shape_cast %select_n3A_2158 : vector<16xf32> to vector<1x16xf32>
    tpu.vector_store %arg5[%swap3A_2160, %swap3A_2161], %swap3A_2164 {strides = array<i32>} : memref<8x128xf32, #tpu.memory_space<vmem>>, vector<1x16xf32>,
    %eq3A_2165 = arith.constant 3 : i32
    %eq3A_2166 = vector.broadcast %eq3A_2165 : i32 to vector<16xi32>
    %eq3A_2167 = arith.cmpi eq, %select_n3A_1973, %eq3A_2166 : vector<16xi32>
    %eq3A_2168 = arith.constant 3 : i32
    %eq3A_2169 = vector.broadcast %eq3A_2168 : i32 to vector<16xi32>
    %eq3A_2170 = arith.cmpi eq, %select_n3A_2111, %eq3A_2169 : vector<16xi32>
    %select_n3A_2171 = arith.select %eq3A_2170, %mul3A_2120, %broadcast_in_dim3A_2122 : vector<16xi1>, vector<16xf32>
    %select_n3A_2172 = arith.select %eq3A_2167, %div3A_2119, %select_n3A_2171 : vector<16xi1>, vector<16xf32>
    %swap3A_2173 = arith.constant 3 : i32
    %swap3A_2174 = arith.index_cast %swap3A_2173 : i32 to index
    %swap3A_2175 = arith.constant 80 : index
    %swap3A_2176 = tpu.vector_load %arg5[%swap3A_2174, %swap3A_2175] {strides = array<i32>} : memref<8x128xf32, #tpu.memory_space<vmem>>, vector<1x16xf32>,
    %swap3A_2177 = vector.shape_cast %swap3A_2176 : vector<1x16xf32> to vector<16xf32>
    %swap3A_2178 = vector.shape_cast %select_n3A_2172 : vector<16xf32> to vector<1x16xf32>
    tpu.vector_store %arg5[%swap3A_2174, %swap3A_2175], %swap3A_2178 {strides = array<i32>} : memref<8x128xf32, #tpu.memory_space<vmem>>, vector<1x16xf32>,
    %eq3A_2179 = arith.constant 4 : i32
    %eq3A_2180 = vector.broadcast %eq3A_2179 : i32 to vector<16xi32>
    %eq3A_2181 = arith.cmpi eq, %select_n3A_1973, %eq3A_2180 : vector<16xi32>
    %eq3A_2182 = arith.constant 4 : i32
    %eq3A_2183 = vector.broadcast %eq3A_2182 : i32 to vector<16xi32>
    %eq3A_2184 = arith.cmpi eq, %select_n3A_2111, %eq3A_2183 : vector<16xi32>
    %select_n3A_2185 = arith.select %eq3A_2184, %mul3A_2120, %broadcast_in_dim3A_2122 : vector<16xi1>, vector<16xf32>
    %select_n3A_2186 = arith.select %eq3A_2181, %div3A_2119, %select_n3A_2185 : vector<16xi1>, vector<16xf32>
    %swap3A_2187 = arith.constant 4 : i32
    %swap3A_2188 = arith.index_cast %swap3A_2187 : i32 to index
    %swap3A_2189 = arith.constant 80 : index
    %swap3A_2190 = tpu.vector_load %arg5[%swap3A_2188, %swap3A_2189] {strides = array<i32>} : memref<8x128xf32, #tpu.memory_space<vmem>>, vector<1x16xf32>,
    %swap3A_2191 = vector.shape_cast %swap3A_2190 : vector<1x16xf32> to vector<16xf32>
    %swap3A_2192 = vector.shape_cast %select_n3A_2186 : vector<16xf32> to vector<1x16xf32>
    tpu.vector_store %arg5[%swap3A_2188, %swap3A_2189], %swap3A_2192 {strides = array<i32>} : memref<8x128xf32, #tpu.memory_space<vmem>>, vector<1x16xf32>,
    %eq3A_2193 = arith.constant 5 : i32
    %eq3A_2194 = vector.broadcast %eq3A_2193 : i32 to vector<16xi32>
    %eq3A_2195 = arith.cmpi eq, %select_n3A_1973, %eq3A_2194 : vector<16xi32>
    %eq3A_2196 = arith.constant 5 : i32
    %eq3A_2197 = vector.broadcast %eq3A_2196 : i32 to vector<16xi32>
    %eq3A_2198 = arith.cmpi eq, %select_n3A_2111, %eq3A_2197 : vector<16xi32>
    %select_n3A_2199 = arith.select %eq3A_2198, %mul3A_2120, %broadcast_in_dim3A_2122 : vector<16xi1>, vector<16xf32>
    %select_n3A_2200 = arith.select %eq3A_2195, %div3A_2119, %select_n3A_2199 : vector<16xi1>, vector<16xf32>
    %swap3A_2201 = arith.constant 5 : i32
    %swap3A_2202 = arith.index_cast %swap3A_2201 : i32 to index
    %swap3A_2203 = arith.constant 80 : index
    %swap3A_2204 = tpu.vector_load %arg5[%swap3A_2202, %swap3A_2203] {strides = array<i32>} : memref<8x128xf32, #tpu.memory_space<vmem>>, vector<1x16xf32>,
    %swap3A_2205 = vector.shape_cast %swap3A_2204 : vector<1x16xf32> to vector<16xf32>
    %swap3A_2206 = vector.shape_cast %select_n3A_2200 : vector<16xf32> to vector<1x16xf32>
    tpu.vector_store %arg5[%swap3A_2202, %swap3A_2203], %swap3A_2206 {strides = array<i32>} : memref<8x128xf32, #tpu.memory_space<vmem>>, vector<1x16xf32>,
    %eq3A_2207 = arith.constant 6 : i32
    %eq3A_2208 = vector.broadcast %eq3A_2207 : i32 to vector<16xi32>
    %eq3A_2209 = arith.cmpi eq, %select_n3A_1973, %eq3A_2208 : vector<16xi32>
    %eq3A_2210 = arith.constant 6 : i32
    %eq3A_2211 = vector.broadcast %eq3A_2210 : i32 to vector<16xi32>
    %eq3A_2212 = arith.cmpi eq, %select_n3A_2111, %eq3A_2211 : vector<16xi32>
    %select_n3A_2213 = arith.select %eq3A_2212, %mul3A_2120, %broadcast_in_dim3A_2122 : vector<16xi1>, vector<16xf32>
    %select_n3A_2214 = arith.select %eq3A_2209, %div3A_2119, %select_n3A_2213 : vector<16xi1>, vector<16xf32>
    %swap3A_2215 = arith.constant 6 : i32
    %swap3A_2216 = arith.index_cast %swap3A_2215 : i32 to index
    %swap3A_2217 = arith.constant 80 : index
    %swap3A_2218 = tpu.vector_load %arg5[%swap3A_2216, %swap3A_2217] {strides = array<i32>} : memref<8x128xf32, #tpu.memory_space<vmem>>, vector<1x16xf32>,
    %swap3A_2219 = vector.shape_cast %swap3A_2218 : vector<1x16xf32> to vector<16xf32>
    %swap3A_2220 = vector.shape_cast %select_n3A_2214 : vector<16xf32> to vector<1x16xf32>
    tpu.vector_store %arg5[%swap3A_2216, %swap3A_2217], %swap3A_2220 {strides = array<i32>} : memref<8x128xf32, #tpu.memory_space<vmem>>, vector<1x16xf32>,
    %eq3A_2221 = arith.constant 7 : i32
    %eq3A_2222 = vector.broadcast %eq3A_2221 : i32 to vector<16xi32>
    %eq3A_2223 = arith.cmpi eq, %select_n3A_1973, %eq3A_2222 : vector<16xi32>
    %eq3A_2224 = arith.constant 7 : i32
    %eq3A_2225 = vector.broadcast %eq3A_2224 : i32 to vector<16xi32>
    %eq3A_2226 = arith.cmpi eq, %select_n3A_2111, %eq3A_2225 : vector<16xi32>
    %select_n3A_2227 = arith.select %eq3A_2226, %mul3A_2120, %broadcast_in_dim3A_2122 : vector<16xi1>, vector<16xf32>
    %select_n3A_2228 = arith.select %eq3A_2223, %div3A_2119, %select_n3A_2227 : vector<16xi1>, vector<16xf32>
    %swap3A_2229 = arith.constant 7 : i32
    %swap3A_2230 = arith.index_cast %swap3A_2229 : i32 to index
    %swap3A_2231 = arith.constant 80 : index
    %swap3A_2232 = tpu.vector_load %arg5[%swap3A_2230, %swap3A_2231] {strides = array<i32>} : memref<8x128xf32, #tpu.memory_space<vmem>>, vector<1x16xf32>,
    %swap3A_2233 = vector.shape_cast %swap3A_2232 : vector<1x16xf32> to vector<16xf32>
    %swap3A_2234 = vector.shape_cast %select_n3A_2228 : vector<16xf32> to vector<1x16xf32>
    tpu.vector_store %arg5[%swap3A_2230, %swap3A_2231], %swap3A_2234 {strides = array<i32>} : memref<8x128xf32, #tpu.memory_space<vmem>>, vector<1x16xf32>,
    %get3A_2235 = arith.constant 0 : i32
    %get3A_2236 = arith.index_cast %get3A_2235 : i32 to index
    %get3A_2237 = arith.constant 96 : index
    %get3A_2238 = tpu.vector_load %arg4[%get3A_2236, %get3A_2237] {strides = array<i32>} : memref<8x128xf32, #tpu.memory_space<vmem>>, vector<1x16xf32>,
    %get3A_2239 = vector.shape_cast %get3A_2238 : vector<1x16xf32> to vector<16xf32>
    %get3A_2240 = arith.constant 1 : i32
    %get3A_2241 = arith.index_cast %get3A_2240 : i32 to index
    %get3A_2242 = arith.constant 96 : index
    %get3A_2243 = tpu.vector_load %arg4[%get3A_2241, %get3A_2242] {strides = array<i32>} : memref<8x128xf32, #tpu.memory_space<vmem>>, vector<1x16xf32>,
    %get3A_2244 = vector.shape_cast %get3A_2243 : vector<1x16xf32> to vector<16xf32>
    %get3A_2245 = arith.constant 2 : i32
    %get3A_2246 = arith.index_cast %get3A_2245 : i32 to index
    %get3A_2247 = arith.constant 96 : index
    %get3A_2248 = tpu.vector_load %arg4[%get3A_2246, %get3A_2247] {strides = array<i32>} : memref<8x128xf32, #tpu.memory_space<vmem>>, vector<1x16xf32>,
    %get3A_2249 = vector.shape_cast %get3A_2248 : vector<1x16xf32> to vector<16xf32>
    %get3A_2250 = arith.constant 3 : i32
    %get3A_2251 = arith.index_cast %get3A_2250 : i32 to index
    %get3A_2252 = arith.constant 96 : index
    %get3A_2253 = tpu.vector_load %arg4[%get3A_2251, %get3A_2252] {strides = array<i32>} : memref<8x128xf32, #tpu.memory_space<vmem>>, vector<1x16xf32>,
    %get3A_2254 = vector.shape_cast %get3A_2253 : vector<1x16xf32> to vector<16xf32>
    %get3A_2255 = arith.constant 4 : i32
    %get3A_2256 = arith.index_cast %get3A_2255 : i32 to index
    %get3A_2257 = arith.constant 96 : index
    %get3A_2258 = tpu.vector_load %arg4[%get3A_2256, %get3A_2257] {strides = array<i32>} : memref<8x128xf32, #tpu.memory_space<vmem>>, vector<1x16xf32>,
    %get3A_2259 = vector.shape_cast %get3A_2258 : vector<1x16xf32> to vector<16xf32>
    %get3A_2260 = arith.constant 5 : i32
    %get3A_2261 = arith.index_cast %get3A_2260 : i32 to index
    %get3A_2262 = arith.constant 96 : index
    %get3A_2263 = tpu.vector_load %arg4[%get3A_2261, %get3A_2262] {strides = array<i32>} : memref<8x128xf32, #tpu.memory_space<vmem>>, vector<1x16xf32>,
    %get3A_2264 = vector.shape_cast %get3A_2263 : vector<1x16xf32> to vector<16xf32>
    %get3A_2265 = arith.constant 6 : i32
    %get3A_2266 = arith.index_cast %get3A_2265 : i32 to index
    %get3A_2267 = arith.constant 96 : index
    %get3A_2268 = tpu.vector_load %arg4[%get3A_2266, %get3A_2267] {strides = array<i32>} : memref<8x128xf32, #tpu.memory_space<vmem>>, vector<1x16xf32>,
    %get3A_2269 = vector.shape_cast %get3A_2268 : vector<1x16xf32> to vector<16xf32>
    %get3A_2270 = arith.constant 7 : i32
    %get3A_2271 = arith.index_cast %get3A_2270 : i32 to index
    %get3A_2272 = arith.constant 96 : index
    %get3A_2273 = tpu.vector_load %arg4[%get3A_2271, %get3A_2272] {strides = array<i32>} : memref<8x128xf32, #tpu.memory_space<vmem>>, vector<1x16xf32>,
    %get3A_2274 = vector.shape_cast %get3A_2273 : vector<1x16xf32> to vector<16xf32>
    %max3A_2275 = arith.maximumf %get3A_2239, %get3A_2244 : vector<16xf32>
    %max3A_2276 = arith.maximumf %max3A_2275, %get3A_2249 : vector<16xf32>
    %max3A_2277 = arith.maximumf %max3A_2276, %get3A_2254 : vector<16xf32>
    %max3A_2278 = arith.maximumf %max3A_2277, %get3A_2259 : vector<16xf32>
    %max3A_2279 = arith.maximumf %max3A_2278, %get3A_2264 : vector<16xf32>
    %max3A_2280 = arith.maximumf %max3A_2279, %get3A_2269 : vector<16xf32>
    %max3A_2281 = arith.maximumf %max3A_2280, %get3A_2274 : vector<16xf32>
    %broadcast_in_dim3A_2282 = arith.constant 99 : i32
    %broadcast_in_dim3A_2283 = vector.broadcast %broadcast_in_dim3A_2282 : i32 to vector<16xi32>
    %eq3A_2284 = arith.cmpf oeq, %get3A_2239, %max3A_2281 : vector<16xf32>
    %eq3A_2285 = arith.constant 99 : i32
    %eq3A_2286 = vector.broadcast %eq3A_2285 : i32 to vector<16xi32>
    %eq3A_2287 = arith.cmpi eq, %broadcast_in_dim3A_2283, %eq3A_2286 : vector<16xi32>
    %and3A_2288 = arith.andi %eq3A_2284, %eq3A_2287 : vector<16xi1>
    %jit3A_2289 = arith.constant 0 : i32
    %broadcast_in_dim3A_2290 = vector.broadcast %jit3A_2289 : i32 to vector<16xi32>
    %select_n3A_2291 = arith.select %and3A_2288, %broadcast_in_dim3A_2290, %broadcast_in_dim3A_2283 : vector<16xi1>, vector<16xi32>
    %eq3A_2292 = arith.cmpf oeq, %get3A_2244, %max3A_2281 : vector<16xf32>
    %eq3A_2293 = arith.constant 99 : i32
    %eq3A_2294 = vector.broadcast %eq3A_2293 : i32 to vector<16xi32>
    %eq3A_2295 = arith.cmpi eq, %select_n3A_2291, %eq3A_2294 : vector<16xi32>
    %and3A_2296 = arith.andi %eq3A_2292, %eq3A_2295 : vector<16xi1>
    %jit3A_2297 = arith.constant 1 : i32
    %broadcast_in_dim3A_2298 = vector.broadcast %jit3A_2297 : i32 to vector<16xi32>
    %select_n3A_2299 = arith.select %and3A_2296, %broadcast_in_dim3A_2298, %select_n3A_2291 : vector<16xi1>, vector<16xi32>
    %eq3A_2300 = arith.cmpf oeq, %get3A_2249, %max3A_2281 : vector<16xf32>
    %eq3A_2301 = arith.constant 99 : i32
    %eq3A_2302 = vector.broadcast %eq3A_2301 : i32 to vector<16xi32>
    %eq3A_2303 = arith.cmpi eq, %select_n3A_2299, %eq3A_2302 : vector<16xi32>
    %and3A_2304 = arith.andi %eq3A_2300, %eq3A_2303 : vector<16xi1>
    %jit3A_2305 = arith.constant 2 : i32
    %broadcast_in_dim3A_2306 = vector.broadcast %jit3A_2305 : i32 to vector<16xi32>
    %select_n3A_2307 = arith.select %and3A_2304, %broadcast_in_dim3A_2306, %select_n3A_2299 : vector<16xi1>, vector<16xi32>
    %eq3A_2308 = arith.cmpf oeq, %get3A_2254, %max3A_2281 : vector<16xf32>
    %eq3A_2309 = arith.constant 99 : i32
    %eq3A_2310 = vector.broadcast %eq3A_2309 : i32 to vector<16xi32>
    %eq3A_2311 = arith.cmpi eq, %select_n3A_2307, %eq3A_2310 : vector<16xi32>
    %and3A_2312 = arith.andi %eq3A_2308, %eq3A_2311 : vector<16xi1>
    %jit3A_2313 = arith.constant 3 : i32
    %broadcast_in_dim3A_2314 = vector.broadcast %jit3A_2313 : i32 to vector<16xi32>
    %select_n3A_2315 = arith.select %and3A_2312, %broadcast_in_dim3A_2314, %select_n3A_2307 : vector<16xi1>, vector<16xi32>
    %eq3A_2316 = arith.cmpf oeq, %get3A_2259, %max3A_2281 : vector<16xf32>
    %eq3A_2317 = arith.constant 99 : i32
    %eq3A_2318 = vector.broadcast %eq3A_2317 : i32 to vector<16xi32>
    %eq3A_2319 = arith.cmpi eq, %select_n3A_2315, %eq3A_2318 : vector<16xi32>
    %and3A_2320 = arith.andi %eq3A_2316, %eq3A_2319 : vector<16xi1>
    %jit3A_2321 = arith.constant 4 : i32
    %broadcast_in_dim3A_2322 = vector.broadcast %jit3A_2321 : i32 to vector<16xi32>
    %select_n3A_2323 = arith.select %and3A_2320, %broadcast_in_dim3A_2322, %select_n3A_2315 : vector<16xi1>, vector<16xi32>
    %eq3A_2324 = arith.cmpf oeq, %get3A_2264, %max3A_2281 : vector<16xf32>
    %eq3A_2325 = arith.constant 99 : i32
    %eq3A_2326 = vector.broadcast %eq3A_2325 : i32 to vector<16xi32>
    %eq3A_2327 = arith.cmpi eq, %select_n3A_2323, %eq3A_2326 : vector<16xi32>
    %and3A_2328 = arith.andi %eq3A_2324, %eq3A_2327 : vector<16xi1>
    %jit3A_2329 = arith.constant 5 : i32
    %broadcast_in_dim3A_2330 = vector.broadcast %jit3A_2329 : i32 to vector<16xi32>
    %select_n3A_2331 = arith.select %and3A_2328, %broadcast_in_dim3A_2330, %select_n3A_2323 : vector<16xi1>, vector<16xi32>
    %eq3A_2332 = arith.cmpf oeq, %get3A_2269, %max3A_2281 : vector<16xf32>
    %eq3A_2333 = arith.constant 99 : i32
    %eq3A_2334 = vector.broadcast %eq3A_2333 : i32 to vector<16xi32>
    %eq3A_2335 = arith.cmpi eq, %select_n3A_2331, %eq3A_2334 : vector<16xi32>
    %and3A_2336 = arith.andi %eq3A_2332, %eq3A_2335 : vector<16xi1>
    %jit3A_2337 = arith.constant 6 : i32
    %broadcast_in_dim3A_2338 = vector.broadcast %jit3A_2337 : i32 to vector<16xi32>
    %select_n3A_2339 = arith.select %and3A_2336, %broadcast_in_dim3A_2338, %select_n3A_2331 : vector<16xi1>, vector<16xi32>
    %eq3A_2340 = arith.cmpf oeq, %get3A_2274, %max3A_2281 : vector<16xf32>
    %eq3A_2341 = arith.constant 99 : i32
    %eq3A_2342 = vector.broadcast %eq3A_2341 : i32 to vector<16xi32>
    %eq3A_2343 = arith.cmpi eq, %select_n3A_2339, %eq3A_2342 : vector<16xi32>
    %and3A_2344 = arith.andi %eq3A_2340, %eq3A_2343 : vector<16xi1>
    %jit3A_2345 = arith.constant 7 : i32
    %broadcast_in_dim3A_2346 = vector.broadcast %jit3A_2345 : i32 to vector<16xi32>
    %select_n3A_2347 = arith.select %and3A_2344, %broadcast_in_dim3A_2346, %select_n3A_2339 : vector<16xi1>, vector<16xi32>
    %broadcast_in_dim3A_2348 = arith.constant 0xFF800000 : f32
    %broadcast_in_dim3A_2349 = vector.broadcast %broadcast_in_dim3A_2348 : f32 to vector<16xf32>
    %eq3A_2350 = arith.constant 0 : i32
    %eq3A_2351 = vector.broadcast %eq3A_2350 : i32 to vector<16xi32>
    %eq3A_2352 = arith.cmpi eq, %select_n3A_2347, %eq3A_2351 : vector<16xi32>
    %max3A_2353 = arith.maximumf %broadcast_in_dim3A_2349, %get3A_2239 : vector<16xf32>
    %select_n3A_2354 = arith.select %eq3A_2352, %broadcast_in_dim3A_2349, %max3A_2353 : vector<16xi1>, vector<16xf32>
    %eq3A_2355 = arith.constant 1 : i32
    %eq3A_2356 = vector.broadcast %eq3A_2355 : i32 to vector<16xi32>
    %eq3A_2357 = arith.cmpi eq, %select_n3A_2347, %eq3A_2356 : vector<16xi32>
    %max3A_2358 = arith.maximumf %select_n3A_2354, %get3A_2244 : vector<16xf32>
    %select_n3A_2359 = arith.select %eq3A_2357, %select_n3A_2354, %max3A_2358 : vector<16xi1>, vector<16xf32>
    %eq3A_2360 = arith.constant 2 : i32
    %eq3A_2361 = vector.broadcast %eq3A_2360 : i32 to vector<16xi32>
    %eq3A_2362 = arith.cmpi eq, %select_n3A_2347, %eq3A_2361 : vector<16xi32>
    %max3A_2363 = arith.maximumf %select_n3A_2359, %get3A_2249 : vector<16xf32>
    %select_n3A_2364 = arith.select %eq3A_2362, %select_n3A_2359, %max3A_2363 : vector<16xi1>, vector<16xf32>
    %eq3A_2365 = arith.constant 3 : i32
    %eq3A_2366 = vector.broadcast %eq3A_2365 : i32 to vector<16xi32>
    %eq3A_2367 = arith.cmpi eq, %select_n3A_2347, %eq3A_2366 : vector<16xi32>
    %max3A_2368 = arith.maximumf %select_n3A_2364, %get3A_2254 : vector<16xf32>
    %select_n3A_2369 = arith.select %eq3A_2367, %select_n3A_2364, %max3A_2368 : vector<16xi1>, vector<16xf32>
    %eq3A_2370 = arith.constant 4 : i32
    %eq3A_2371 = vector.broadcast %eq3A_2370 : i32 to vector<16xi32>
    %eq3A_2372 = arith.cmpi eq, %select_n3A_2347, %eq3A_2371 : vector<16xi32>
    %max3A_2373 = arith.maximumf %select_n3A_2369, %get3A_2259 : vector<16xf32>
    %select_n3A_2374 = arith.select %eq3A_2372, %select_n3A_2369, %max3A_2373 : vector<16xi1>, vector<16xf32>
    %eq3A_2375 = arith.constant 5 : i32
    %eq3A_2376 = vector.broadcast %eq3A_2375 : i32 to vector<16xi32>
    %eq3A_2377 = arith.cmpi eq, %select_n3A_2347, %eq3A_2376 : vector<16xi32>
    %max3A_2378 = arith.maximumf %select_n3A_2374, %get3A_2264 : vector<16xf32>
    %select_n3A_2379 = arith.select %eq3A_2377, %select_n3A_2374, %max3A_2378 : vector<16xi1>, vector<16xf32>
    %eq3A_2380 = arith.constant 6 : i32
    %eq3A_2381 = vector.broadcast %eq3A_2380 : i32 to vector<16xi32>
    %eq3A_2382 = arith.cmpi eq, %select_n3A_2347, %eq3A_2381 : vector<16xi32>
    %max3A_2383 = arith.maximumf %select_n3A_2379, %get3A_2269 : vector<16xf32>
    %select_n3A_2384 = arith.select %eq3A_2382, %select_n3A_2379, %max3A_2383 : vector<16xi1>, vector<16xf32>
    %eq3A_2385 = arith.constant 7 : i32
    %eq3A_2386 = vector.broadcast %eq3A_2385 : i32 to vector<16xi32>
    %eq3A_2387 = arith.cmpi eq, %select_n3A_2347, %eq3A_2386 : vector<16xi32>
    %max3A_2388 = arith.maximumf %select_n3A_2384, %get3A_2274 : vector<16xf32>
    %select_n3A_2389 = arith.select %eq3A_2387, %select_n3A_2384, %max3A_2388 : vector<16xi1>, vector<16xf32>
    %eq3A_2390 = arith.cmpf oeq, %get3A_2239, %select_n3A_2389 : vector<16xf32>
    %ne3A_2391 = arith.constant 0 : i32
    %ne3A_2392 = vector.broadcast %ne3A_2391 : i32 to vector<16xi32>
    %ne3A_2393 = arith.cmpi ne, %select_n3A_2347, %ne3A_2392 : vector<16xi32>
    %and3A_2394 = arith.andi %eq3A_2390, %ne3A_2393 : vector<16xi1>
    %eq3A_2395 = arith.constant 99 : i32
    %eq3A_2396 = vector.broadcast %eq3A_2395 : i32 to vector<16xi32>
    %eq3A_2397 = arith.cmpi eq, %broadcast_in_dim3A_2283, %eq3A_2396 : vector<16xi32>
    %and3A_2398 = arith.andi %and3A_2394, %eq3A_2397 : vector<16xi1>
    %jit3A_2399 = arith.constant 0 : i32
    %broadcast_in_dim3A_2400 = vector.broadcast %jit3A_2399 : i32 to vector<16xi32>
    %select_n3A_2401 = arith.select %and3A_2398, %broadcast_in_dim3A_2400, %broadcast_in_dim3A_2283 : vector<16xi1>, vector<16xi32>
    %eq3A_2402 = arith.cmpf oeq, %get3A_2244, %select_n3A_2389 : vector<16xf32>
    %ne3A_2403 = arith.constant 1 : i32
    %ne3A_2404 = vector.broadcast %ne3A_2403 : i32 to vector<16xi32>
    %ne3A_2405 = arith.cmpi ne, %select_n3A_2347, %ne3A_2404 : vector<16xi32>
    %and3A_2406 = arith.andi %eq3A_2402, %ne3A_2405 : vector<16xi1>
    %eq3A_2407 = arith.constant 99 : i32
    %eq3A_2408 = vector.broadcast %eq3A_2407 : i32 to vector<16xi32>
    %eq3A_2409 = arith.cmpi eq, %select_n3A_2401, %eq3A_2408 : vector<16xi32>
    %and3A_2410 = arith.andi %and3A_2406, %eq3A_2409 : vector<16xi1>
    %jit3A_2411 = arith.constant 1 : i32
    %broadcast_in_dim3A_2412 = vector.broadcast %jit3A_2411 : i32 to vector<16xi32>
    %select_n3A_2413 = arith.select %and3A_2410, %broadcast_in_dim3A_2412, %select_n3A_2401 : vector<16xi1>, vector<16xi32>
    %eq3A_2414 = arith.cmpf oeq, %get3A_2249, %select_n3A_2389 : vector<16xf32>
    %ne3A_2415 = arith.constant 2 : i32
    %ne3A_2416 = vector.broadcast %ne3A_2415 : i32 to vector<16xi32>
    %ne3A_2417 = arith.cmpi ne, %select_n3A_2347, %ne3A_2416 : vector<16xi32>
    %and3A_2418 = arith.andi %eq3A_2414, %ne3A_2417 : vector<16xi1>
    %eq3A_2419 = arith.constant 99 : i32
    %eq3A_2420 = vector.broadcast %eq3A_2419 : i32 to vector<16xi32>
    %eq3A_2421 = arith.cmpi eq, %select_n3A_2413, %eq3A_2420 : vector<16xi32>
    %and3A_2422 = arith.andi %and3A_2418, %eq3A_2421 : vector<16xi1>
    %jit3A_2423 = arith.constant 2 : i32
    %broadcast_in_dim3A_2424 = vector.broadcast %jit3A_2423 : i32 to vector<16xi32>
    %select_n3A_2425 = arith.select %and3A_2422, %broadcast_in_dim3A_2424, %select_n3A_2413 : vector<16xi1>, vector<16xi32>
    %eq3A_2426 = arith.cmpf oeq, %get3A_2254, %select_n3A_2389 : vector<16xf32>
    %ne3A_2427 = arith.constant 3 : i32
    %ne3A_2428 = vector.broadcast %ne3A_2427 : i32 to vector<16xi32>
    %ne3A_2429 = arith.cmpi ne, %select_n3A_2347, %ne3A_2428 : vector<16xi32>
    %and3A_2430 = arith.andi %eq3A_2426, %ne3A_2429 : vector<16xi1>
    %eq3A_2431 = arith.constant 99 : i32
    %eq3A_2432 = vector.broadcast %eq3A_2431 : i32 to vector<16xi32>
    %eq3A_2433 = arith.cmpi eq, %select_n3A_2425, %eq3A_2432 : vector<16xi32>
    %and3A_2434 = arith.andi %and3A_2430, %eq3A_2433 : vector<16xi1>
    %jit3A_2435 = arith.constant 3 : i32
    %broadcast_in_dim3A_2436 = vector.broadcast %jit3A_2435 : i32 to vector<16xi32>
    %select_n3A_2437 = arith.select %and3A_2434, %broadcast_in_dim3A_2436, %select_n3A_2425 : vector<16xi1>, vector<16xi32>
    %eq3A_2438 = arith.cmpf oeq, %get3A_2259, %select_n3A_2389 : vector<16xf32>
    %ne3A_2439 = arith.constant 4 : i32
    %ne3A_2440 = vector.broadcast %ne3A_2439 : i32 to vector<16xi32>
    %ne3A_2441 = arith.cmpi ne, %select_n3A_2347, %ne3A_2440 : vector<16xi32>
    %and3A_2442 = arith.andi %eq3A_2438, %ne3A_2441 : vector<16xi1>
    %eq3A_2443 = arith.constant 99 : i32
    %eq3A_2444 = vector.broadcast %eq3A_2443 : i32 to vector<16xi32>
    %eq3A_2445 = arith.cmpi eq, %select_n3A_2437, %eq3A_2444 : vector<16xi32>
    %and3A_2446 = arith.andi %and3A_2442, %eq3A_2445 : vector<16xi1>
    %jit3A_2447 = arith.constant 4 : i32
    %broadcast_in_dim3A_2448 = vector.broadcast %jit3A_2447 : i32 to vector<16xi32>
    %select_n3A_2449 = arith.select %and3A_2446, %broadcast_in_dim3A_2448, %select_n3A_2437 : vector<16xi1>, vector<16xi32>
    %eq3A_2450 = arith.cmpf oeq, %get3A_2264, %select_n3A_2389 : vector<16xf32>
    %ne3A_2451 = arith.constant 5 : i32
    %ne3A_2452 = vector.broadcast %ne3A_2451 : i32 to vector<16xi32>
    %ne3A_2453 = arith.cmpi ne, %select_n3A_2347, %ne3A_2452 : vector<16xi32>
    %and3A_2454 = arith.andi %eq3A_2450, %ne3A_2453 : vector<16xi1>
    %eq3A_2455 = arith.constant 99 : i32
    %eq3A_2456 = vector.broadcast %eq3A_2455 : i32 to vector<16xi32>
    %eq3A_2457 = arith.cmpi eq, %select_n3A_2449, %eq3A_2456 : vector<16xi32>
    %and3A_2458 = arith.andi %and3A_2454, %eq3A_2457 : vector<16xi1>
    %jit3A_2459 = arith.constant 5 : i32
    %broadcast_in_dim3A_2460 = vector.broadcast %jit3A_2459 : i32 to vector<16xi32>
    %select_n3A_2461 = arith.select %and3A_2458, %broadcast_in_dim3A_2460, %select_n3A_2449 : vector<16xi1>, vector<16xi32>
    %eq3A_2462 = arith.cmpf oeq, %get3A_2269, %select_n3A_2389 : vector<16xf32>
    %ne3A_2463 = arith.constant 6 : i32
    %ne3A_2464 = vector.broadcast %ne3A_2463 : i32 to vector<16xi32>
    %ne3A_2465 = arith.cmpi ne, %select_n3A_2347, %ne3A_2464 : vector<16xi32>
    %and3A_2466 = arith.andi %eq3A_2462, %ne3A_2465 : vector<16xi1>
    %eq3A_2467 = arith.constant 99 : i32
    %eq3A_2468 = vector.broadcast %eq3A_2467 : i32 to vector<16xi32>
    %eq3A_2469 = arith.cmpi eq, %select_n3A_2461, %eq3A_2468 : vector<16xi32>
    %and3A_2470 = arith.andi %and3A_2466, %eq3A_2469 : vector<16xi1>
    %jit3A_2471 = arith.constant 6 : i32
    %broadcast_in_dim3A_2472 = vector.broadcast %jit3A_2471 : i32 to vector<16xi32>
    %select_n3A_2473 = arith.select %and3A_2470, %broadcast_in_dim3A_2472, %select_n3A_2461 : vector<16xi1>, vector<16xi32>
    %eq3A_2474 = arith.cmpf oeq, %get3A_2274, %select_n3A_2389 : vector<16xf32>
    %ne3A_2475 = arith.constant 7 : i32
    %ne3A_2476 = vector.broadcast %ne3A_2475 : i32 to vector<16xi32>
    %ne3A_2477 = arith.cmpi ne, %select_n3A_2347, %ne3A_2476 : vector<16xi32>
    %and3A_2478 = arith.andi %eq3A_2474, %ne3A_2477 : vector<16xi1>
    %eq3A_2479 = arith.constant 99 : i32
    %eq3A_2480 = vector.broadcast %eq3A_2479 : i32 to vector<16xi32>
    %eq3A_2481 = arith.cmpi eq, %select_n3A_2473, %eq3A_2480 : vector<16xi32>
    %and3A_2482 = arith.andi %and3A_2478, %eq3A_2481 : vector<16xi1>
    %jit3A_2483 = arith.constant 7 : i32
    %broadcast_in_dim3A_2484 = vector.broadcast %jit3A_2483 : i32 to vector<16xi32>
    %select_n3A_2485 = arith.select %and3A_2482, %broadcast_in_dim3A_2484, %select_n3A_2473 : vector<16xi1>, vector<16xi32>
    %sub3A_2486 = arith.subf %select_n3A_2389, %max3A_2281 : vector<16xf32>
    %exp3A_2487 = math.exp %sub3A_2486 : vector<16xf32>
    %add3A_2488 = arith.constant 1.000000e+00 : f32
    %add3A_2489 = vector.broadcast %add3A_2488 : f32 to vector<16xf32>
    %add3A_2490 = arith.addf %add3A_2489, %exp3A_2487 : vector<16xf32>
    %div3A_2491 = arith.constant 1.000000e+00 : f32
    %div3A_2492 = vector.broadcast %div3A_2491 : f32 to vector<16xf32>
    %div3A_2493 = arith.divf %div3A_2492, %add3A_2490 : vector<16xf32>
    %mul3A_2494 = arith.mulf %exp3A_2487, %div3A_2493 : vector<16xf32>
    %broadcast_in_dim3A_2495 = arith.constant 0.000000e+00 : f32
    %broadcast_in_dim3A_2496 = vector.broadcast %broadcast_in_dim3A_2495 : f32 to vector<16xf32>
    %eq3A_2497 = arith.constant 0 : i32
    %eq3A_2498 = vector.broadcast %eq3A_2497 : i32 to vector<16xi32>
    %eq3A_2499 = arith.cmpi eq, %select_n3A_2347, %eq3A_2498 : vector<16xi32>
    %eq3A_2500 = arith.constant 0 : i32
    %eq3A_2501 = vector.broadcast %eq3A_2500 : i32 to vector<16xi32>
    %eq3A_2502 = arith.cmpi eq, %select_n3A_2485, %eq3A_2501 : vector<16xi32>
    %select_n3A_2503 = arith.select %eq3A_2502, %mul3A_2494, %broadcast_in_dim3A_2496 : vector<16xi1>, vector<16xf32>
    %select_n3A_2504 = arith.select %eq3A_2499, %div3A_2493, %select_n3A_2503 : vector<16xi1>, vector<16xf32>
    %swap3A_2505 = arith.constant 0 : i32
    %swap3A_2506 = arith.index_cast %swap3A_2505 : i32 to index
    %swap3A_2507 = arith.constant 96 : index
    %swap3A_2508 = tpu.vector_load %arg5[%swap3A_2506, %swap3A_2507] {strides = array<i32>} : memref<8x128xf32, #tpu.memory_space<vmem>>, vector<1x16xf32>,
    %swap3A_2509 = vector.shape_cast %swap3A_2508 : vector<1x16xf32> to vector<16xf32>
    %swap3A_2510 = vector.shape_cast %select_n3A_2504 : vector<16xf32> to vector<1x16xf32>
    tpu.vector_store %arg5[%swap3A_2506, %swap3A_2507], %swap3A_2510 {strides = array<i32>} : memref<8x128xf32, #tpu.memory_space<vmem>>, vector<1x16xf32>,
    %eq3A_2511 = arith.constant 1 : i32
    %eq3A_2512 = vector.broadcast %eq3A_2511 : i32 to vector<16xi32>
    %eq3A_2513 = arith.cmpi eq, %select_n3A_2347, %eq3A_2512 : vector<16xi32>
    %eq3A_2514 = arith.constant 1 : i32
    %eq3A_2515 = vector.broadcast %eq3A_2514 : i32 to vector<16xi32>
    %eq3A_2516 = arith.cmpi eq, %select_n3A_2485, %eq3A_2515 : vector<16xi32>
    %select_n3A_2517 = arith.select %eq3A_2516, %mul3A_2494, %broadcast_in_dim3A_2496 : vector<16xi1>, vector<16xf32>
    %select_n3A_2518 = arith.select %eq3A_2513, %div3A_2493, %select_n3A_2517 : vector<16xi1>, vector<16xf32>
    %swap3A_2519 = arith.constant 1 : i32
    %swap3A_2520 = arith.index_cast %swap3A_2519 : i32 to index
    %swap3A_2521 = arith.constant 96 : index
    %swap3A_2522 = tpu.vector_load %arg5[%swap3A_2520, %swap3A_2521] {strides = array<i32>} : memref<8x128xf32, #tpu.memory_space<vmem>>, vector<1x16xf32>,
    %swap3A_2523 = vector.shape_cast %swap3A_2522 : vector<1x16xf32> to vector<16xf32>
    %swap3A_2524 = vector.shape_cast %select_n3A_2518 : vector<16xf32> to vector<1x16xf32>
    tpu.vector_store %arg5[%swap3A_2520, %swap3A_2521], %swap3A_2524 {strides = array<i32>} : memref<8x128xf32, #tpu.memory_space<vmem>>, vector<1x16xf32>,
    %eq3A_2525 = arith.constant 2 : i32
    %eq3A_2526 = vector.broadcast %eq3A_2525 : i32 to vector<16xi32>
    %eq3A_2527 = arith.cmpi eq, %select_n3A_2347, %eq3A_2526 : vector<16xi32>
    %eq3A_2528 = arith.constant 2 : i32
    %eq3A_2529 = vector.broadcast %eq3A_2528 : i32 to vector<16xi32>
    %eq3A_2530 = arith.cmpi eq, %select_n3A_2485, %eq3A_2529 : vector<16xi32>
    %select_n3A_2531 = arith.select %eq3A_2530, %mul3A_2494, %broadcast_in_dim3A_2496 : vector<16xi1>, vector<16xf32>
    %select_n3A_2532 = arith.select %eq3A_2527, %div3A_2493, %select_n3A_2531 : vector<16xi1>, vector<16xf32>
    %swap3A_2533 = arith.constant 2 : i32
    %swap3A_2534 = arith.index_cast %swap3A_2533 : i32 to index
    %swap3A_2535 = arith.constant 96 : index
    %swap3A_2536 = tpu.vector_load %arg5[%swap3A_2534, %swap3A_2535] {strides = array<i32>} : memref<8x128xf32, #tpu.memory_space<vmem>>, vector<1x16xf32>,
    %swap3A_2537 = vector.shape_cast %swap3A_2536 : vector<1x16xf32> to vector<16xf32>
    %swap3A_2538 = vector.shape_cast %select_n3A_2532 : vector<16xf32> to vector<1x16xf32>
    tpu.vector_store %arg5[%swap3A_2534, %swap3A_2535], %swap3A_2538 {strides = array<i32>} : memref<8x128xf32, #tpu.memory_space<vmem>>, vector<1x16xf32>,
    %eq3A_2539 = arith.constant 3 : i32
    %eq3A_2540 = vector.broadcast %eq3A_2539 : i32 to vector<16xi32>
    %eq3A_2541 = arith.cmpi eq, %select_n3A_2347, %eq3A_2540 : vector<16xi32>
    %eq3A_2542 = arith.constant 3 : i32
    %eq3A_2543 = vector.broadcast %eq3A_2542 : i32 to vector<16xi32>
    %eq3A_2544 = arith.cmpi eq, %select_n3A_2485, %eq3A_2543 : vector<16xi32>
    %select_n3A_2545 = arith.select %eq3A_2544, %mul3A_2494, %broadcast_in_dim3A_2496 : vector<16xi1>, vector<16xf32>
    %select_n3A_2546 = arith.select %eq3A_2541, %div3A_2493, %select_n3A_2545 : vector<16xi1>, vector<16xf32>
    %swap3A_2547 = arith.constant 3 : i32
    %swap3A_2548 = arith.index_cast %swap3A_2547 : i32 to index
    %swap3A_2549 = arith.constant 96 : index
    %swap3A_2550 = tpu.vector_load %arg5[%swap3A_2548, %swap3A_2549] {strides = array<i32>} : memref<8x128xf32, #tpu.memory_space<vmem>>, vector<1x16xf32>,
    %swap3A_2551 = vector.shape_cast %swap3A_2550 : vector<1x16xf32> to vector<16xf32>
    %swap3A_2552 = vector.shape_cast %select_n3A_2546 : vector<16xf32> to vector<1x16xf32>
    tpu.vector_store %arg5[%swap3A_2548, %swap3A_2549], %swap3A_2552 {strides = array<i32>} : memref<8x128xf32, #tpu.memory_space<vmem>>, vector<1x16xf32>,
    %eq3A_2553 = arith.constant 4 : i32
    %eq3A_2554 = vector.broadcast %eq3A_2553 : i32 to vector<16xi32>
    %eq3A_2555 = arith.cmpi eq, %select_n3A_2347, %eq3A_2554 : vector<16xi32>
    %eq3A_2556 = arith.constant 4 : i32
    %eq3A_2557 = vector.broadcast %eq3A_2556 : i32 to vector<16xi32>
    %eq3A_2558 = arith.cmpi eq, %select_n3A_2485, %eq3A_2557 : vector<16xi32>
    %select_n3A_2559 = arith.select %eq3A_2558, %mul3A_2494, %broadcast_in_dim3A_2496 : vector<16xi1>, vector<16xf32>
    %select_n3A_2560 = arith.select %eq3A_2555, %div3A_2493, %select_n3A_2559 : vector<16xi1>, vector<16xf32>
    %swap3A_2561 = arith.constant 4 : i32
    %swap3A_2562 = arith.index_cast %swap3A_2561 : i32 to index
    %swap3A_2563 = arith.constant 96 : index
    %swap3A_2564 = tpu.vector_load %arg5[%swap3A_2562, %swap3A_2563] {strides = array<i32>} : memref<8x128xf32, #tpu.memory_space<vmem>>, vector<1x16xf32>,
    %swap3A_2565 = vector.shape_cast %swap3A_2564 : vector<1x16xf32> to vector<16xf32>
    %swap3A_2566 = vector.shape_cast %select_n3A_2560 : vector<16xf32> to vector<1x16xf32>
    tpu.vector_store %arg5[%swap3A_2562, %swap3A_2563], %swap3A_2566 {strides = array<i32>} : memref<8x128xf32, #tpu.memory_space<vmem>>, vector<1x16xf32>,
    %eq3A_2567 = arith.constant 5 : i32
    %eq3A_2568 = vector.broadcast %eq3A_2567 : i32 to vector<16xi32>
    %eq3A_2569 = arith.cmpi eq, %select_n3A_2347, %eq3A_2568 : vector<16xi32>
    %eq3A_2570 = arith.constant 5 : i32
    %eq3A_2571 = vector.broadcast %eq3A_2570 : i32 to vector<16xi32>
    %eq3A_2572 = arith.cmpi eq, %select_n3A_2485, %eq3A_2571 : vector<16xi32>
    %select_n3A_2573 = arith.select %eq3A_2572, %mul3A_2494, %broadcast_in_dim3A_2496 : vector<16xi1>, vector<16xf32>
    %select_n3A_2574 = arith.select %eq3A_2569, %div3A_2493, %select_n3A_2573 : vector<16xi1>, vector<16xf32>
    %swap3A_2575 = arith.constant 5 : i32
    %swap3A_2576 = arith.index_cast %swap3A_2575 : i32 to index
    %swap3A_2577 = arith.constant 96 : index
    %swap3A_2578 = tpu.vector_load %arg5[%swap3A_2576, %swap3A_2577] {strides = array<i32>} : memref<8x128xf32, #tpu.memory_space<vmem>>, vector<1x16xf32>,
    %swap3A_2579 = vector.shape_cast %swap3A_2578 : vector<1x16xf32> to vector<16xf32>
    %swap3A_2580 = vector.shape_cast %select_n3A_2574 : vector<16xf32> to vector<1x16xf32>
    tpu.vector_store %arg5[%swap3A_2576, %swap3A_2577], %swap3A_2580 {strides = array<i32>} : memref<8x128xf32, #tpu.memory_space<vmem>>, vector<1x16xf32>,
    %eq3A_2581 = arith.constant 6 : i32
    %eq3A_2582 = vector.broadcast %eq3A_2581 : i32 to vector<16xi32>
    %eq3A_2583 = arith.cmpi eq, %select_n3A_2347, %eq3A_2582 : vector<16xi32>
    %eq3A_2584 = arith.constant 6 : i32
    %eq3A_2585 = vector.broadcast %eq3A_2584 : i32 to vector<16xi32>
    %eq3A_2586 = arith.cmpi eq, %select_n3A_2485, %eq3A_2585 : vector<16xi32>
    %select_n3A_2587 = arith.select %eq3A_2586, %mul3A_2494, %broadcast_in_dim3A_2496 : vector<16xi1>, vector<16xf32>
    %select_n3A_2588 = arith.select %eq3A_2583, %div3A_2493, %select_n3A_2587 : vector<16xi1>, vector<16xf32>
    %swap3A_2589 = arith.constant 6 : i32
    %swap3A_2590 = arith.index_cast %swap3A_2589 : i32 to index
    %swap3A_2591 = arith.constant 96 : index
    %swap3A_2592 = tpu.vector_load %arg5[%swap3A_2590, %swap3A_2591] {strides = array<i32>} : memref<8x128xf32, #tpu.memory_space<vmem>>, vector<1x16xf32>,
    %swap3A_2593 = vector.shape_cast %swap3A_2592 : vector<1x16xf32> to vector<16xf32>
    %swap3A_2594 = vector.shape_cast %select_n3A_2588 : vector<16xf32> to vector<1x16xf32>
    tpu.vector_store %arg5[%swap3A_2590, %swap3A_2591], %swap3A_2594 {strides = array<i32>} : memref<8x128xf32, #tpu.memory_space<vmem>>, vector<1x16xf32>,
    %eq3A_2595 = arith.constant 7 : i32
    %eq3A_2596 = vector.broadcast %eq3A_2595 : i32 to vector<16xi32>
    %eq3A_2597 = arith.cmpi eq, %select_n3A_2347, %eq3A_2596 : vector<16xi32>
    %eq3A_2598 = arith.constant 7 : i32
    %eq3A_2599 = vector.broadcast %eq3A_2598 : i32 to vector<16xi32>
    %eq3A_2600 = arith.cmpi eq, %select_n3A_2485, %eq3A_2599 : vector<16xi32>
    %select_n3A_2601 = arith.select %eq3A_2600, %mul3A_2494, %broadcast_in_dim3A_2496 : vector<16xi1>, vector<16xf32>
    %select_n3A_2602 = arith.select %eq3A_2597, %div3A_2493, %select_n3A_2601 : vector<16xi1>, vector<16xf32>
    %swap3A_2603 = arith.constant 7 : i32
    %swap3A_2604 = arith.index_cast %swap3A_2603 : i32 to index
    %swap3A_2605 = arith.constant 96 : index
    %swap3A_2606 = tpu.vector_load %arg5[%swap3A_2604, %swap3A_2605] {strides = array<i32>} : memref<8x128xf32, #tpu.memory_space<vmem>>, vector<1x16xf32>,
    %swap3A_2607 = vector.shape_cast %swap3A_2606 : vector<1x16xf32> to vector<16xf32>
    %swap3A_2608 = vector.shape_cast %select_n3A_2602 : vector<16xf32> to vector<1x16xf32>
    tpu.vector_store %arg5[%swap3A_2604, %swap3A_2605], %swap3A_2608 {strides = array<i32>} : memref<8x128xf32, #tpu.memory_space<vmem>>, vector<1x16xf32>,
    %get3A_2609 = arith.constant 0 : i32
    %get3A_2610 = arith.index_cast %get3A_2609 : i32 to index
    %get3A_2611 = arith.constant 112 : index
    %get3A_2612 = tpu.vector_load %arg4[%get3A_2610, %get3A_2611] {strides = array<i32>} : memref<8x128xf32, #tpu.memory_space<vmem>>, vector<1x16xf32>,
    %get3A_2613 = vector.shape_cast %get3A_2612 : vector<1x16xf32> to vector<16xf32>
    %get3A_2614 = arith.constant 1 : i32
    %get3A_2615 = arith.index_cast %get3A_2614 : i32 to index
    %get3A_2616 = arith.constant 112 : index
    %get3A_2617 = tpu.vector_load %arg4[%get3A_2615, %get3A_2616] {strides = array<i32>} : memref<8x128xf32, #tpu.memory_space<vmem>>, vector<1x16xf32>,
    %get3A_2618 = vector.shape_cast %get3A_2617 : vector<1x16xf32> to vector<16xf32>
    %get3A_2619 = arith.constant 2 : i32
    %get3A_2620 = arith.index_cast %get3A_2619 : i32 to index
    %get3A_2621 = arith.constant 112 : index
    %get3A_2622 = tpu.vector_load %arg4[%get3A_2620, %get3A_2621] {strides = array<i32>} : memref<8x128xf32, #tpu.memory_space<vmem>>, vector<1x16xf32>,
    %get3A_2623 = vector.shape_cast %get3A_2622 : vector<1x16xf32> to vector<16xf32>
    %get3A_2624 = arith.constant 3 : i32
    %get3A_2625 = arith.index_cast %get3A_2624 : i32 to index
    %get3A_2626 = arith.constant 112 : index
    %get3A_2627 = tpu.vector_load %arg4[%get3A_2625, %get3A_2626] {strides = array<i32>} : memref<8x128xf32, #tpu.memory_space<vmem>>, vector<1x16xf32>,
    %get3A_2628 = vector.shape_cast %get3A_2627 : vector<1x16xf32> to vector<16xf32>
    %get3A_2629 = arith.constant 4 : i32
    %get3A_2630 = arith.index_cast %get3A_2629 : i32 to index
    %get3A_2631 = arith.constant 112 : index
    %get3A_2632 = tpu.vector_load %arg4[%get3A_2630, %get3A_2631] {strides = array<i32>} : memref<8x128xf32, #tpu.memory_space<vmem>>, vector<1x16xf32>,
    %get3A_2633 = vector.shape_cast %get3A_2632 : vector<1x16xf32> to vector<16xf32>
    %get3A_2634 = arith.constant 5 : i32
    %get3A_2635 = arith.index_cast %get3A_2634 : i32 to index
    %get3A_2636 = arith.constant 112 : index
    %get3A_2637 = tpu.vector_load %arg4[%get3A_2635, %get3A_2636] {strides = array<i32>} : memref<8x128xf32, #tpu.memory_space<vmem>>, vector<1x16xf32>,
    %get3A_2638 = vector.shape_cast %get3A_2637 : vector<1x16xf32> to vector<16xf32>
    %get3A_2639 = arith.constant 6 : i32
    %get3A_2640 = arith.index_cast %get3A_2639 : i32 to index
    %get3A_2641 = arith.constant 112 : index
    %get3A_2642 = tpu.vector_load %arg4[%get3A_2640, %get3A_2641] {strides = array<i32>} : memref<8x128xf32, #tpu.memory_space<vmem>>, vector<1x16xf32>,
    %get3A_2643 = vector.shape_cast %get3A_2642 : vector<1x16xf32> to vector<16xf32>
    %get3A_2644 = arith.constant 7 : i32
    %get3A_2645 = arith.index_cast %get3A_2644 : i32 to index
    %get3A_2646 = arith.constant 112 : index
    %get3A_2647 = tpu.vector_load %arg4[%get3A_2645, %get3A_2646] {strides = array<i32>} : memref<8x128xf32, #tpu.memory_space<vmem>>, vector<1x16xf32>,
    %get3A_2648 = vector.shape_cast %get3A_2647 : vector<1x16xf32> to vector<16xf32>
    %max3A_2649 = arith.maximumf %get3A_2613, %get3A_2618 : vector<16xf32>
    %max3A_2650 = arith.maximumf %max3A_2649, %get3A_2623 : vector<16xf32>
    %max3A_2651 = arith.maximumf %max3A_2650, %get3A_2628 : vector<16xf32>
    %max3A_2652 = arith.maximumf %max3A_2651, %get3A_2633 : vector<16xf32>
    %max3A_2653 = arith.maximumf %max3A_2652, %get3A_2638 : vector<16xf32>
    %max3A_2654 = arith.maximumf %max3A_2653, %get3A_2643 : vector<16xf32>
    %max3A_2655 = arith.maximumf %max3A_2654, %get3A_2648 : vector<16xf32>
    %broadcast_in_dim3A_2656 = arith.constant 99 : i32
    %broadcast_in_dim3A_2657 = vector.broadcast %broadcast_in_dim3A_2656 : i32 to vector<16xi32>
    %eq3A_2658 = arith.cmpf oeq, %get3A_2613, %max3A_2655 : vector<16xf32>
    %eq3A_2659 = arith.constant 99 : i32
    %eq3A_2660 = vector.broadcast %eq3A_2659 : i32 to vector<16xi32>
    %eq3A_2661 = arith.cmpi eq, %broadcast_in_dim3A_2657, %eq3A_2660 : vector<16xi32>
    %and3A_2662 = arith.andi %eq3A_2658, %eq3A_2661 : vector<16xi1>
    %jit3A_2663 = arith.constant 0 : i32
    %broadcast_in_dim3A_2664 = vector.broadcast %jit3A_2663 : i32 to vector<16xi32>
    %select_n3A_2665 = arith.select %and3A_2662, %broadcast_in_dim3A_2664, %broadcast_in_dim3A_2657 : vector<16xi1>, vector<16xi32>
    %eq3A_2666 = arith.cmpf oeq, %get3A_2618, %max3A_2655 : vector<16xf32>
    %eq3A_2667 = arith.constant 99 : i32
    %eq3A_2668 = vector.broadcast %eq3A_2667 : i32 to vector<16xi32>
    %eq3A_2669 = arith.cmpi eq, %select_n3A_2665, %eq3A_2668 : vector<16xi32>
    %and3A_2670 = arith.andi %eq3A_2666, %eq3A_2669 : vector<16xi1>
    %jit3A_2671 = arith.constant 1 : i32
    %broadcast_in_dim3A_2672 = vector.broadcast %jit3A_2671 : i32 to vector<16xi32>
    %select_n3A_2673 = arith.select %and3A_2670, %broadcast_in_dim3A_2672, %select_n3A_2665 : vector<16xi1>, vector<16xi32>
    %eq3A_2674 = arith.cmpf oeq, %get3A_2623, %max3A_2655 : vector<16xf32>
    %eq3A_2675 = arith.constant 99 : i32
    %eq3A_2676 = vector.broadcast %eq3A_2675 : i32 to vector<16xi32>
    %eq3A_2677 = arith.cmpi eq, %select_n3A_2673, %eq3A_2676 : vector<16xi32>
    %and3A_2678 = arith.andi %eq3A_2674, %eq3A_2677 : vector<16xi1>
    %jit3A_2679 = arith.constant 2 : i32
    %broadcast_in_dim3A_2680 = vector.broadcast %jit3A_2679 : i32 to vector<16xi32>
    %select_n3A_2681 = arith.select %and3A_2678, %broadcast_in_dim3A_2680, %select_n3A_2673 : vector<16xi1>, vector<16xi32>
    %eq3A_2682 = arith.cmpf oeq, %get3A_2628, %max3A_2655 : vector<16xf32>
    %eq3A_2683 = arith.constant 99 : i32
    %eq3A_2684 = vector.broadcast %eq3A_2683 : i32 to vector<16xi32>
    %eq3A_2685 = arith.cmpi eq, %select_n3A_2681, %eq3A_2684 : vector<16xi32>
    %and3A_2686 = arith.andi %eq3A_2682, %eq3A_2685 : vector<16xi1>
    %jit3A_2687 = arith.constant 3 : i32
    %broadcast_in_dim3A_2688 = vector.broadcast %jit3A_2687 : i32 to vector<16xi32>
    %select_n3A_2689 = arith.select %and3A_2686, %broadcast_in_dim3A_2688, %select_n3A_2681 : vector<16xi1>, vector<16xi32>
    %eq3A_2690 = arith.cmpf oeq, %get3A_2633, %max3A_2655 : vector<16xf32>
    %eq3A_2691 = arith.constant 99 : i32
    %eq3A_2692 = vector.broadcast %eq3A_2691 : i32 to vector<16xi32>
    %eq3A_2693 = arith.cmpi eq, %select_n3A_2689, %eq3A_2692 : vector<16xi32>
    %and3A_2694 = arith.andi %eq3A_2690, %eq3A_2693 : vector<16xi1>
    %jit3A_2695 = arith.constant 4 : i32
    %broadcast_in_dim3A_2696 = vector.broadcast %jit3A_2695 : i32 to vector<16xi32>
    %select_n3A_2697 = arith.select %and3A_2694, %broadcast_in_dim3A_2696, %select_n3A_2689 : vector<16xi1>, vector<16xi32>
    %eq3A_2698 = arith.cmpf oeq, %get3A_2638, %max3A_2655 : vector<16xf32>
    %eq3A_2699 = arith.constant 99 : i32
    %eq3A_2700 = vector.broadcast %eq3A_2699 : i32 to vector<16xi32>
    %eq3A_2701 = arith.cmpi eq, %select_n3A_2697, %eq3A_2700 : vector<16xi32>
    %and3A_2702 = arith.andi %eq3A_2698, %eq3A_2701 : vector<16xi1>
    %jit3A_2703 = arith.constant 5 : i32
    %broadcast_in_dim3A_2704 = vector.broadcast %jit3A_2703 : i32 to vector<16xi32>
    %select_n3A_2705 = arith.select %and3A_2702, %broadcast_in_dim3A_2704, %select_n3A_2697 : vector<16xi1>, vector<16xi32>
    %eq3A_2706 = arith.cmpf oeq, %get3A_2643, %max3A_2655 : vector<16xf32>
    %eq3A_2707 = arith.constant 99 : i32
    %eq3A_2708 = vector.broadcast %eq3A_2707 : i32 to vector<16xi32>
    %eq3A_2709 = arith.cmpi eq, %select_n3A_2705, %eq3A_2708 : vector<16xi32>
    %and3A_2710 = arith.andi %eq3A_2706, %eq3A_2709 : vector<16xi1>
    %jit3A_2711 = arith.constant 6 : i32
    %broadcast_in_dim3A_2712 = vector.broadcast %jit3A_2711 : i32 to vector<16xi32>
    %select_n3A_2713 = arith.select %and3A_2710, %broadcast_in_dim3A_2712, %select_n3A_2705 : vector<16xi1>, vector<16xi32>
    %eq3A_2714 = arith.cmpf oeq, %get3A_2648, %max3A_2655 : vector<16xf32>
    %eq3A_2715 = arith.constant 99 : i32
    %eq3A_2716 = vector.broadcast %eq3A_2715 : i32 to vector<16xi32>
    %eq3A_2717 = arith.cmpi eq, %select_n3A_2713, %eq3A_2716 : vector<16xi32>
    %and3A_2718 = arith.andi %eq3A_2714, %eq3A_2717 : vector<16xi1>
    %jit3A_2719 = arith.constant 7 : i32
    %broadcast_in_dim3A_2720 = vector.broadcast %jit3A_2719 : i32 to vector<16xi32>
    %select_n3A_2721 = arith.select %and3A_2718, %broadcast_in_dim3A_2720, %select_n3A_2713 : vector<16xi1>, vector<16xi32>
    %broadcast_in_dim3A_2722 = arith.constant 0xFF800000 : f32
    %broadcast_in_dim3A_2723 = vector.broadcast %broadcast_in_dim3A_2722 : f32 to vector<16xf32>
    %eq3A_2724 = arith.constant 0 : i32
    %eq3A_2725 = vector.broadcast %eq3A_2724 : i32 to vector<16xi32>
    %eq3A_2726 = arith.cmpi eq, %select_n3A_2721, %eq3A_2725 : vector<16xi32>
    %max3A_2727 = arith.maximumf %broadcast_in_dim3A_2723, %get3A_2613 : vector<16xf32>
    %select_n3A_2728 = arith.select %eq3A_2726, %broadcast_in_dim3A_2723, %max3A_2727 : vector<16xi1>, vector<16xf32>
    %eq3A_2729 = arith.constant 1 : i32
    %eq3A_2730 = vector.broadcast %eq3A_2729 : i32 to vector<16xi32>
    %eq3A_2731 = arith.cmpi eq, %select_n3A_2721, %eq3A_2730 : vector<16xi32>
    %max3A_2732 = arith.maximumf %select_n3A_2728, %get3A_2618 : vector<16xf32>
    %select_n3A_2733 = arith.select %eq3A_2731, %select_n3A_2728, %max3A_2732 : vector<16xi1>, vector<16xf32>
    %eq3A_2734 = arith.constant 2 : i32
    %eq3A_2735 = vector.broadcast %eq3A_2734 : i32 to vector<16xi32>
    %eq3A_2736 = arith.cmpi eq, %select_n3A_2721, %eq3A_2735 : vector<16xi32>
    %max3A_2737 = arith.maximumf %select_n3A_2733, %get3A_2623 : vector<16xf32>
    %select_n3A_2738 = arith.select %eq3A_2736, %select_n3A_2733, %max3A_2737 : vector<16xi1>, vector<16xf32>
    %eq3A_2739 = arith.constant 3 : i32
    %eq3A_2740 = vector.broadcast %eq3A_2739 : i32 to vector<16xi32>
    %eq3A_2741 = arith.cmpi eq, %select_n3A_2721, %eq3A_2740 : vector<16xi32>
    %max3A_2742 = arith.maximumf %select_n3A_2738, %get3A_2628 : vector<16xf32>
    %select_n3A_2743 = arith.select %eq3A_2741, %select_n3A_2738, %max3A_2742 : vector<16xi1>, vector<16xf32>
    %eq3A_2744 = arith.constant 4 : i32
    %eq3A_2745 = vector.broadcast %eq3A_2744 : i32 to vector<16xi32>
    %eq3A_2746 = arith.cmpi eq, %select_n3A_2721, %eq3A_2745 : vector<16xi32>
    %max3A_2747 = arith.maximumf %select_n3A_2743, %get3A_2633 : vector<16xf32>
    %select_n3A_2748 = arith.select %eq3A_2746, %select_n3A_2743, %max3A_2747 : vector<16xi1>, vector<16xf32>
    %eq3A_2749 = arith.constant 5 : i32
    %eq3A_2750 = vector.broadcast %eq3A_2749 : i32 to vector<16xi32>
    %eq3A_2751 = arith.cmpi eq, %select_n3A_2721, %eq3A_2750 : vector<16xi32>
    %max3A_2752 = arith.maximumf %select_n3A_2748, %get3A_2638 : vector<16xf32>
    %select_n3A_2753 = arith.select %eq3A_2751, %select_n3A_2748, %max3A_2752 : vector<16xi1>, vector<16xf32>
    %eq3A_2754 = arith.constant 6 : i32
    %eq3A_2755 = vector.broadcast %eq3A_2754 : i32 to vector<16xi32>
    %eq3A_2756 = arith.cmpi eq, %select_n3A_2721, %eq3A_2755 : vector<16xi32>
    %max3A_2757 = arith.maximumf %select_n3A_2753, %get3A_2643 : vector<16xf32>
    %select_n3A_2758 = arith.select %eq3A_2756, %select_n3A_2753, %max3A_2757 : vector<16xi1>, vector<16xf32>
    %eq3A_2759 = arith.constant 7 : i32
    %eq3A_2760 = vector.broadcast %eq3A_2759 : i32 to vector<16xi32>
    %eq3A_2761 = arith.cmpi eq, %select_n3A_2721, %eq3A_2760 : vector<16xi32>
    %max3A_2762 = arith.maximumf %select_n3A_2758, %get3A_2648 : vector<16xf32>
    %select_n3A_2763 = arith.select %eq3A_2761, %select_n3A_2758, %max3A_2762 : vector<16xi1>, vector<16xf32>
    %eq3A_2764 = arith.cmpf oeq, %get3A_2613, %select_n3A_2763 : vector<16xf32>
    %ne3A_2765 = arith.constant 0 : i32
    %ne3A_2766 = vector.broadcast %ne3A_2765 : i32 to vector<16xi32>
    %ne3A_2767 = arith.cmpi ne, %select_n3A_2721, %ne3A_2766 : vector<16xi32>
    %and3A_2768 = arith.andi %eq3A_2764, %ne3A_2767 : vector<16xi1>
    %eq3A_2769 = arith.constant 99 : i32
    %eq3A_2770 = vector.broadcast %eq3A_2769 : i32 to vector<16xi32>
    %eq3A_2771 = arith.cmpi eq, %broadcast_in_dim3A_2657, %eq3A_2770 : vector<16xi32>
    %and3A_2772 = arith.andi %and3A_2768, %eq3A_2771 : vector<16xi1>
    %jit3A_2773 = arith.constant 0 : i32
    %broadcast_in_dim3A_2774 = vector.broadcast %jit3A_2773 : i32 to vector<16xi32>
    %select_n3A_2775 = arith.select %and3A_2772, %broadcast_in_dim3A_2774, %broadcast_in_dim3A_2657 : vector<16xi1>, vector<16xi32>
    %eq3A_2776 = arith.cmpf oeq, %get3A_2618, %select_n3A_2763 : vector<16xf32>
    %ne3A_2777 = arith.constant 1 : i32
    %ne3A_2778 = vector.broadcast %ne3A_2777 : i32 to vector<16xi32>
    %ne3A_2779 = arith.cmpi ne, %select_n3A_2721, %ne3A_2778 : vector<16xi32>
    %and3A_2780 = arith.andi %eq3A_2776, %ne3A_2779 : vector<16xi1>
    %eq3A_2781 = arith.constant 99 : i32
    %eq3A_2782 = vector.broadcast %eq3A_2781 : i32 to vector<16xi32>
    %eq3A_2783 = arith.cmpi eq, %select_n3A_2775, %eq3A_2782 : vector<16xi32>
    %and3A_2784 = arith.andi %and3A_2780, %eq3A_2783 : vector<16xi1>
    %jit3A_2785 = arith.constant 1 : i32
    %broadcast_in_dim3A_2786 = vector.broadcast %jit3A_2785 : i32 to vector<16xi32>
    %select_n3A_2787 = arith.select %and3A_2784, %broadcast_in_dim3A_2786, %select_n3A_2775 : vector<16xi1>, vector<16xi32>
    %eq3A_2788 = arith.cmpf oeq, %get3A_2623, %select_n3A_2763 : vector<16xf32>
    %ne3A_2789 = arith.constant 2 : i32
    %ne3A_2790 = vector.broadcast %ne3A_2789 : i32 to vector<16xi32>
    %ne3A_2791 = arith.cmpi ne, %select_n3A_2721, %ne3A_2790 : vector<16xi32>
    %and3A_2792 = arith.andi %eq3A_2788, %ne3A_2791 : vector<16xi1>
    %eq3A_2793 = arith.constant 99 : i32
    %eq3A_2794 = vector.broadcast %eq3A_2793 : i32 to vector<16xi32>
    %eq3A_2795 = arith.cmpi eq, %select_n3A_2787, %eq3A_2794 : vector<16xi32>
    %and3A_2796 = arith.andi %and3A_2792, %eq3A_2795 : vector<16xi1>
    %jit3A_2797 = arith.constant 2 : i32
    %broadcast_in_dim3A_2798 = vector.broadcast %jit3A_2797 : i32 to vector<16xi32>
    %select_n3A_2799 = arith.select %and3A_2796, %broadcast_in_dim3A_2798, %select_n3A_2787 : vector<16xi1>, vector<16xi32>
    %eq3A_2800 = arith.cmpf oeq, %get3A_2628, %select_n3A_2763 : vector<16xf32>
    %ne3A_2801 = arith.constant 3 : i32
    %ne3A_2802 = vector.broadcast %ne3A_2801 : i32 to vector<16xi32>
    %ne3A_2803 = arith.cmpi ne, %select_n3A_2721, %ne3A_2802 : vector<16xi32>
    %and3A_2804 = arith.andi %eq3A_2800, %ne3A_2803 : vector<16xi1>
    %eq3A_2805 = arith.constant 99 : i32
    %eq3A_2806 = vector.broadcast %eq3A_2805 : i32 to vector<16xi32>
    %eq3A_2807 = arith.cmpi eq, %select_n3A_2799, %eq3A_2806 : vector<16xi32>
    %and3A_2808 = arith.andi %and3A_2804, %eq3A_2807 : vector<16xi1>
    %jit3A_2809 = arith.constant 3 : i32
    %broadcast_in_dim3A_2810 = vector.broadcast %jit3A_2809 : i32 to vector<16xi32>
    %select_n3A_2811 = arith.select %and3A_2808, %broadcast_in_dim3A_2810, %select_n3A_2799 : vector<16xi1>, vector<16xi32>
    %eq3A_2812 = arith.cmpf oeq, %get3A_2633, %select_n3A_2763 : vector<16xf32>
    %ne3A_2813 = arith.constant 4 : i32
    %ne3A_2814 = vector.broadcast %ne3A_2813 : i32 to vector<16xi32>
    %ne3A_2815 = arith.cmpi ne, %select_n3A_2721, %ne3A_2814 : vector<16xi32>
    %and3A_2816 = arith.andi %eq3A_2812, %ne3A_2815 : vector<16xi1>
    %eq3A_2817 = arith.constant 99 : i32
    %eq3A_2818 = vector.broadcast %eq3A_2817 : i32 to vector<16xi32>
    %eq3A_2819 = arith.cmpi eq, %select_n3A_2811, %eq3A_2818 : vector<16xi32>
    %and3A_2820 = arith.andi %and3A_2816, %eq3A_2819 : vector<16xi1>
    %jit3A_2821 = arith.constant 4 : i32
    %broadcast_in_dim3A_2822 = vector.broadcast %jit3A_2821 : i32 to vector<16xi32>
    %select_n3A_2823 = arith.select %and3A_2820, %broadcast_in_dim3A_2822, %select_n3A_2811 : vector<16xi1>, vector<16xi32>
    %eq3A_2824 = arith.cmpf oeq, %get3A_2638, %select_n3A_2763 : vector<16xf32>
    %ne3A_2825 = arith.constant 5 : i32
    %ne3A_2826 = vector.broadcast %ne3A_2825 : i32 to vector<16xi32>
    %ne3A_2827 = arith.cmpi ne, %select_n3A_2721, %ne3A_2826 : vector<16xi32>
    %and3A_2828 = arith.andi %eq3A_2824, %ne3A_2827 : vector<16xi1>
    %eq3A_2829 = arith.constant 99 : i32
    %eq3A_2830 = vector.broadcast %eq3A_2829 : i32 to vector<16xi32>
    %eq3A_2831 = arith.cmpi eq, %select_n3A_2823, %eq3A_2830 : vector<16xi32>
    %and3A_2832 = arith.andi %and3A_2828, %eq3A_2831 : vector<16xi1>
    %jit3A_2833 = arith.constant 5 : i32
    %broadcast_in_dim3A_2834 = vector.broadcast %jit3A_2833 : i32 to vector<16xi32>
    %select_n3A_2835 = arith.select %and3A_2832, %broadcast_in_dim3A_2834, %select_n3A_2823 : vector<16xi1>, vector<16xi32>
    %eq3A_2836 = arith.cmpf oeq, %get3A_2643, %select_n3A_2763 : vector<16xf32>
    %ne3A_2837 = arith.constant 6 : i32
    %ne3A_2838 = vector.broadcast %ne3A_2837 : i32 to vector<16xi32>
    %ne3A_2839 = arith.cmpi ne, %select_n3A_2721, %ne3A_2838 : vector<16xi32>
    %and3A_2840 = arith.andi %eq3A_2836, %ne3A_2839 : vector<16xi1>
    %eq3A_2841 = arith.constant 99 : i32
    %eq3A_2842 = vector.broadcast %eq3A_2841 : i32 to vector<16xi32>
    %eq3A_2843 = arith.cmpi eq, %select_n3A_2835, %eq3A_2842 : vector<16xi32>
    %and3A_2844 = arith.andi %and3A_2840, %eq3A_2843 : vector<16xi1>
    %jit3A_2845 = arith.constant 6 : i32
    %broadcast_in_dim3A_2846 = vector.broadcast %jit3A_2845 : i32 to vector<16xi32>
    %select_n3A_2847 = arith.select %and3A_2844, %broadcast_in_dim3A_2846, %select_n3A_2835 : vector<16xi1>, vector<16xi32>
    %eq3A_2848 = arith.cmpf oeq, %get3A_2648, %select_n3A_2763 : vector<16xf32>
    %ne3A_2849 = arith.constant 7 : i32
    %ne3A_2850 = vector.broadcast %ne3A_2849 : i32 to vector<16xi32>
    %ne3A_2851 = arith.cmpi ne, %select_n3A_2721, %ne3A_2850 : vector<16xi32>
    %and3A_2852 = arith.andi %eq3A_2848, %ne3A_2851 : vector<16xi1>
    %eq3A_2853 = arith.constant 99 : i32
    %eq3A_2854 = vector.broadcast %eq3A_2853 : i32 to vector<16xi32>
    %eq3A_2855 = arith.cmpi eq, %select_n3A_2847, %eq3A_2854 : vector<16xi32>
    %and3A_2856 = arith.andi %and3A_2852, %eq3A_2855 : vector<16xi1>
    %jit3A_2857 = arith.constant 7 : i32
    %broadcast_in_dim3A_2858 = vector.broadcast %jit3A_2857 : i32 to vector<16xi32>
    %select_n3A_2859 = arith.select %and3A_2856, %broadcast_in_dim3A_2858, %select_n3A_2847 : vector<16xi1>, vector<16xi32>
    %sub3A_2860 = arith.subf %select_n3A_2763, %max3A_2655 : vector<16xf32>
    %exp3A_2861 = math.exp %sub3A_2860 : vector<16xf32>
    %add3A_2862 = arith.constant 1.000000e+00 : f32
    %add3A_2863 = vector.broadcast %add3A_2862 : f32 to vector<16xf32>
    %add3A_2864 = arith.addf %add3A_2863, %exp3A_2861 : vector<16xf32>
    %div3A_2865 = arith.constant 1.000000e+00 : f32
    %div3A_2866 = vector.broadcast %div3A_2865 : f32 to vector<16xf32>
    %div3A_2867 = arith.divf %div3A_2866, %add3A_2864 : vector<16xf32>
    %mul3A_2868 = arith.mulf %exp3A_2861, %div3A_2867 : vector<16xf32>
    %broadcast_in_dim3A_2869 = arith.constant 0.000000e+00 : f32
    %broadcast_in_dim3A_2870 = vector.broadcast %broadcast_in_dim3A_2869 : f32 to vector<16xf32>
    %eq3A_2871 = arith.constant 0 : i32
    %eq3A_2872 = vector.broadcast %eq3A_2871 : i32 to vector<16xi32>
    %eq3A_2873 = arith.cmpi eq, %select_n3A_2721, %eq3A_2872 : vector<16xi32>
    %eq3A_2874 = arith.constant 0 : i32
    %eq3A_2875 = vector.broadcast %eq3A_2874 : i32 to vector<16xi32>
    %eq3A_2876 = arith.cmpi eq, %select_n3A_2859, %eq3A_2875 : vector<16xi32>
    %select_n3A_2877 = arith.select %eq3A_2876, %mul3A_2868, %broadcast_in_dim3A_2870 : vector<16xi1>, vector<16xf32>
    %select_n3A_2878 = arith.select %eq3A_2873, %div3A_2867, %select_n3A_2877 : vector<16xi1>, vector<16xf32>
    %swap3A_2879 = arith.constant 0 : i32
    %swap3A_2880 = arith.index_cast %swap3A_2879 : i32 to index
    %swap3A_2881 = arith.constant 112 : index
    %swap3A_2882 = tpu.vector_load %arg5[%swap3A_2880, %swap3A_2881] {strides = array<i32>} : memref<8x128xf32, #tpu.memory_space<vmem>>, vector<1x16xf32>,
    %swap3A_2883 = vector.shape_cast %swap3A_2882 : vector<1x16xf32> to vector<16xf32>
    %swap3A_2884 = vector.shape_cast %select_n3A_2878 : vector<16xf32> to vector<1x16xf32>
    tpu.vector_store %arg5[%swap3A_2880, %swap3A_2881], %swap3A_2884 {strides = array<i32>} : memref<8x128xf32, #tpu.memory_space<vmem>>, vector<1x16xf32>,
    %eq3A_2885 = arith.constant 1 : i32
    %eq3A_2886 = vector.broadcast %eq3A_2885 : i32 to vector<16xi32>
    %eq3A_2887 = arith.cmpi eq, %select_n3A_2721, %eq3A_2886 : vector<16xi32>
    %eq3A_2888 = arith.constant 1 : i32
    %eq3A_2889 = vector.broadcast %eq3A_2888 : i32 to vector<16xi32>
    %eq3A_2890 = arith.cmpi eq, %select_n3A_2859, %eq3A_2889 : vector<16xi32>
    %select_n3A_2891 = arith.select %eq3A_2890, %mul3A_2868, %broadcast_in_dim3A_2870 : vector<16xi1>, vector<16xf32>
    %select_n3A_2892 = arith.select %eq3A_2887, %div3A_2867, %select_n3A_2891 : vector<16xi1>, vector<16xf32>
    %swap3A_2893 = arith.constant 1 : i32
    %swap3A_2894 = arith.index_cast %swap3A_2893 : i32 to index
    %swap3A_2895 = arith.constant 112 : index
    %swap3A_2896 = tpu.vector_load %arg5[%swap3A_2894, %swap3A_2895] {strides = array<i32>} : memref<8x128xf32, #tpu.memory_space<vmem>>, vector<1x16xf32>,
    %swap3A_2897 = vector.shape_cast %swap3A_2896 : vector<1x16xf32> to vector<16xf32>
    %swap3A_2898 = vector.shape_cast %select_n3A_2892 : vector<16xf32> to vector<1x16xf32>
    tpu.vector_store %arg5[%swap3A_2894, %swap3A_2895], %swap3A_2898 {strides = array<i32>} : memref<8x128xf32, #tpu.memory_space<vmem>>, vector<1x16xf32>,
    %eq3A_2899 = arith.constant 2 : i32
    %eq3A_2900 = vector.broadcast %eq3A_2899 : i32 to vector<16xi32>
    %eq3A_2901 = arith.cmpi eq, %select_n3A_2721, %eq3A_2900 : vector<16xi32>
    %eq3A_2902 = arith.constant 2 : i32
    %eq3A_2903 = vector.broadcast %eq3A_2902 : i32 to vector<16xi32>
    %eq3A_2904 = arith.cmpi eq, %select_n3A_2859, %eq3A_2903 : vector<16xi32>
    %select_n3A_2905 = arith.select %eq3A_2904, %mul3A_2868, %broadcast_in_dim3A_2870 : vector<16xi1>, vector<16xf32>
    %select_n3A_2906 = arith.select %eq3A_2901, %div3A_2867, %select_n3A_2905 : vector<16xi1>, vector<16xf32>
    %swap3A_2907 = arith.constant 2 : i32
    %swap3A_2908 = arith.index_cast %swap3A_2907 : i32 to index
    %swap3A_2909 = arith.constant 112 : index
    %swap3A_2910 = tpu.vector_load %arg5[%swap3A_2908, %swap3A_2909] {strides = array<i32>} : memref<8x128xf32, #tpu.memory_space<vmem>>, vector<1x16xf32>,
    %swap3A_2911 = vector.shape_cast %swap3A_2910 : vector<1x16xf32> to vector<16xf32>
    %swap3A_2912 = vector.shape_cast %select_n3A_2906 : vector<16xf32> to vector<1x16xf32>
    tpu.vector_store %arg5[%swap3A_2908, %swap3A_2909], %swap3A_2912 {strides = array<i32>} : memref<8x128xf32, #tpu.memory_space<vmem>>, vector<1x16xf32>,
    %eq3A_2913 = arith.constant 3 : i32
    %eq3A_2914 = vector.broadcast %eq3A_2913 : i32 to vector<16xi32>
    %eq3A_2915 = arith.cmpi eq, %select_n3A_2721, %eq3A_2914 : vector<16xi32>
    %eq3A_2916 = arith.constant 3 : i32
    %eq3A_2917 = vector.broadcast %eq3A_2916 : i32 to vector<16xi32>
    %eq3A_2918 = arith.cmpi eq, %select_n3A_2859, %eq3A_2917 : vector<16xi32>
    %select_n3A_2919 = arith.select %eq3A_2918, %mul3A_2868, %broadcast_in_dim3A_2870 : vector<16xi1>, vector<16xf32>
    %select_n3A_2920 = arith.select %eq3A_2915, %div3A_2867, %select_n3A_2919 : vector<16xi1>, vector<16xf32>
    %swap3A_2921 = arith.constant 3 : i32
    %swap3A_2922 = arith.index_cast %swap3A_2921 : i32 to index
    %swap3A_2923 = arith.constant 112 : index
    %swap3A_2924 = tpu.vector_load %arg5[%swap3A_2922, %swap3A_2923] {strides = array<i32>} : memref<8x128xf32, #tpu.memory_space<vmem>>, vector<1x16xf32>,
    %swap3A_2925 = vector.shape_cast %swap3A_2924 : vector<1x16xf32> to vector<16xf32>
    %swap3A_2926 = vector.shape_cast %select_n3A_2920 : vector<16xf32> to vector<1x16xf32>
    tpu.vector_store %arg5[%swap3A_2922, %swap3A_2923], %swap3A_2926 {strides = array<i32>} : memref<8x128xf32, #tpu.memory_space<vmem>>, vector<1x16xf32>,
    %eq3A_2927 = arith.constant 4 : i32
    %eq3A_2928 = vector.broadcast %eq3A_2927 : i32 to vector<16xi32>
    %eq3A_2929 = arith.cmpi eq, %select_n3A_2721, %eq3A_2928 : vector<16xi32>
    %eq3A_2930 = arith.constant 4 : i32
    %eq3A_2931 = vector.broadcast %eq3A_2930 : i32 to vector<16xi32>
    %eq3A_2932 = arith.cmpi eq, %select_n3A_2859, %eq3A_2931 : vector<16xi32>
    %select_n3A_2933 = arith.select %eq3A_2932, %mul3A_2868, %broadcast_in_dim3A_2870 : vector<16xi1>, vector<16xf32>
    %select_n3A_2934 = arith.select %eq3A_2929, %div3A_2867, %select_n3A_2933 : vector<16xi1>, vector<16xf32>
    %swap3A_2935 = arith.constant 4 : i32
    %swap3A_2936 = arith.index_cast %swap3A_2935 : i32 to index
    %swap3A_2937 = arith.constant 112 : index
    %swap3A_2938 = tpu.vector_load %arg5[%swap3A_2936, %swap3A_2937] {strides = array<i32>} : memref<8x128xf32, #tpu.memory_space<vmem>>, vector<1x16xf32>,
    %swap3A_2939 = vector.shape_cast %swap3A_2938 : vector<1x16xf32> to vector<16xf32>
    %swap3A_2940 = vector.shape_cast %select_n3A_2934 : vector<16xf32> to vector<1x16xf32>
    tpu.vector_store %arg5[%swap3A_2936, %swap3A_2937], %swap3A_2940 {strides = array<i32>} : memref<8x128xf32, #tpu.memory_space<vmem>>, vector<1x16xf32>,
    %eq3A_2941 = arith.constant 5 : i32
    %eq3A_2942 = vector.broadcast %eq3A_2941 : i32 to vector<16xi32>
    %eq3A_2943 = arith.cmpi eq, %select_n3A_2721, %eq3A_2942 : vector<16xi32>
    %eq3A_2944 = arith.constant 5 : i32
    %eq3A_2945 = vector.broadcast %eq3A_2944 : i32 to vector<16xi32>
    %eq3A_2946 = arith.cmpi eq, %select_n3A_2859, %eq3A_2945 : vector<16xi32>
    %select_n3A_2947 = arith.select %eq3A_2946, %mul3A_2868, %broadcast_in_dim3A_2870 : vector<16xi1>, vector<16xf32>
    %select_n3A_2948 = arith.select %eq3A_2943, %div3A_2867, %select_n3A_2947 : vector<16xi1>, vector<16xf32>
    %swap3A_2949 = arith.constant 5 : i32
    %swap3A_2950 = arith.index_cast %swap3A_2949 : i32 to index
    %swap3A_2951 = arith.constant 112 : index
    %swap3A_2952 = tpu.vector_load %arg5[%swap3A_2950, %swap3A_2951] {strides = array<i32>} : memref<8x128xf32, #tpu.memory_space<vmem>>, vector<1x16xf32>,
    %swap3A_2953 = vector.shape_cast %swap3A_2952 : vector<1x16xf32> to vector<16xf32>
    %swap3A_2954 = vector.shape_cast %select_n3A_2948 : vector<16xf32> to vector<1x16xf32>
    tpu.vector_store %arg5[%swap3A_2950, %swap3A_2951], %swap3A_2954 {strides = array<i32>} : memref<8x128xf32, #tpu.memory_space<vmem>>, vector<1x16xf32>,
    %eq3A_2955 = arith.constant 6 : i32
    %eq3A_2956 = vector.broadcast %eq3A_2955 : i32 to vector<16xi32>
    %eq3A_2957 = arith.cmpi eq, %select_n3A_2721, %eq3A_2956 : vector<16xi32>
    %eq3A_2958 = arith.constant 6 : i32
    %eq3A_2959 = vector.broadcast %eq3A_2958 : i32 to vector<16xi32>
    %eq3A_2960 = arith.cmpi eq, %select_n3A_2859, %eq3A_2959 : vector<16xi32>
    %select_n3A_2961 = arith.select %eq3A_2960, %mul3A_2868, %broadcast_in_dim3A_2870 : vector<16xi1>, vector<16xf32>
    %select_n3A_2962 = arith.select %eq3A_2957, %div3A_2867, %select_n3A_2961 : vector<16xi1>, vector<16xf32>
    %swap3A_2963 = arith.constant 6 : i32
    %swap3A_2964 = arith.index_cast %swap3A_2963 : i32 to index
    %swap3A_2965 = arith.constant 112 : index
    %swap3A_2966 = tpu.vector_load %arg5[%swap3A_2964, %swap3A_2965] {strides = array<i32>} : memref<8x128xf32, #tpu.memory_space<vmem>>, vector<1x16xf32>,
    %swap3A_2967 = vector.shape_cast %swap3A_2966 : vector<1x16xf32> to vector<16xf32>
    %swap3A_2968 = vector.shape_cast %select_n3A_2962 : vector<16xf32> to vector<1x16xf32>
    tpu.vector_store %arg5[%swap3A_2964, %swap3A_2965], %swap3A_2968 {strides = array<i32>} : memref<8x128xf32, #tpu.memory_space<vmem>>, vector<1x16xf32>,
    %eq3A_2969 = arith.constant 7 : i32
    %eq3A_2970 = vector.broadcast %eq3A_2969 : i32 to vector<16xi32>
    %eq3A_2971 = arith.cmpi eq, %select_n3A_2721, %eq3A_2970 : vector<16xi32>
    %eq3A_2972 = arith.constant 7 : i32
    %eq3A_2973 = vector.broadcast %eq3A_2972 : i32 to vector<16xi32>
    %eq3A_2974 = arith.cmpi eq, %select_n3A_2859, %eq3A_2973 : vector<16xi32>
    %select_n3A_2975 = arith.select %eq3A_2974, %mul3A_2868, %broadcast_in_dim3A_2870 : vector<16xi1>, vector<16xf32>
    %select_n3A_2976 = arith.select %eq3A_2971, %div3A_2867, %select_n3A_2975 : vector<16xi1>, vector<16xf32>
    %swap3A_2977 = arith.constant 7 : i32
    %swap3A_2978 = arith.index_cast %swap3A_2977 : i32 to index
    %swap3A_2979 = arith.constant 112 : index
    %swap3A_2980 = tpu.vector_load %arg5[%swap3A_2978, %swap3A_2979] {strides = array<i32>} : memref<8x128xf32, #tpu.memory_space<vmem>>, vector<1x16xf32>,
    %swap3A_2981 = vector.shape_cast %swap3A_2980 : vector<1x16xf32> to vector<16xf32>
    %swap3A_2982 = vector.shape_cast %select_n3A_2976 : vector<16xf32> to vector<1x16xf32>
    tpu.vector_store %arg5[%swap3A_2978, %swap3A_2979], %swap3A_2982 {strides = array<i32>} : memref<8x128xf32, #tpu.memory_space<vmem>>, vector<1x16xf32>,
    "tpu.region"() ({
      %run_scoped3A = tpu.sem_alloc : memref<!tpu.dma_semaphore, #tpu.memory_space<semaphore_mem>>
      %dma_start3A = arith.constant 0 : i32
      %dma_start3A_2983 = tpu.memref_slice %arg3[%dma_start3A, %mul3A_2] : memref<8x4096xf32, #tpu.memory_space<hbm>> -> memref<8x128xf32, #tpu.memory_space<hbm>>
      %dma_start3A_2984 = arith.constant 0 : i32
      %dma_start3A_2985 = tpu.memref_slice %arg3[%dma_start3A_2984, %mul3A_2] : memref<8x4096xf32, #tpu.memory_space<hbm>> -> memref<8x128xf32, #tpu.memory_space<hbm>>
      tpu.enqueue_dma source(%arg5 : memref<8x128xf32, #tpu.memory_space<vmem>>) target(%dma_start3A_2985 : memref<8x128xf32, #tpu.memory_space<hbm>>) target_semaphore(%run_scoped3A : memref<!tpu.dma_semaphore, #tpu.memory_space<semaphore_mem>>)
      %dma_wait3A = arith.constant 0 : i32
      %dma_wait3A_2986 = tpu.memref_slice %arg3[%dma_wait3A, %mul3A_2] : memref<8x4096xf32, #tpu.memory_space<hbm>> -> memref<8x128xf32, #tpu.memory_space<hbm>>
      %dma_wait3A_2987 = arith.constant 0 : i32
      %dma_wait3A_2988 = tpu.memref_slice %arg3[%dma_wait3A_2987, %mul3A_2] : memref<8x4096xf32, #tpu.memory_space<hbm>> -> memref<8x128xf32, #tpu.memory_space<hbm>>
      tpu.wait_dma2 semaphore(%run_scoped3A : memref<!tpu.dma_semaphore, #tpu.memory_space<semaphore_mem>>) src(%arg5 : memref<8x128xf32, #tpu.memory_space<vmem>>) dst(%dma_wait3A_2988 : memref<8x128xf32, #tpu.memory_space<hbm>>)
      tpu.yield
    }) : () -> ()
    return
  }
}

module attributes {stable_mosaic.version = 14 : i64} {
  func.func @_moe_body(%arg0: i32, %arg1: memref<512x768xf32, #tpu.memory_space<vmem>>, %arg2: memref<8x512xf32, #tpu.memory_space<vmem>>, %arg3: memref<8x768x384xf32, #tpu.memory_space<vmem>>, %arg4: memref<8x768x384xf32, #tpu.memory_space<vmem>>, %arg5: memref<8x384x768xf32, #tpu.memory_space<vmem>>, %arg6: memref<768x768xf32, #tpu.memory_space<vmem>>, %arg7: memref<768x768xf32, #tpu.memory_space<vmem>>, %arg8: memref<768x768xf32, #tpu.memory_space<vmem>>, %arg9: memref<512x768xf32, #tpu.memory_space<vmem>>) attributes {dimension_semantics = [#tpu.dimension_semantics<parallel>], iteration_bounds = array<i64: 8>, scalar_prefetch = 0 : i64, scratch_operands = 0 : i64, tpu.core_type = #tpu.core_type<tc>, window_params = [{transform_indices = @transform_0, window_bounds = array<i64: 512, 768>}, {transform_indices = @transform_1, window_bounds = array<i64: 8, 512>}, {pipeline_mode = #tpu.pipeline_mode<synchronous>, transform_indices = @transform_2, window_bounds = array<i64: 8, 768, 384>}, {pipeline_mode = #tpu.pipeline_mode<synchronous>, transform_indices = @transform_3, window_bounds = array<i64: 8, 768, 384>}, {pipeline_mode = #tpu.pipeline_mode<synchronous>, transform_indices = @transform_4, window_bounds = array<i64: 8, 384, 768>}, {pipeline_mode = #tpu.pipeline_mode<synchronous>, transform_indices = @transform_5, window_bounds = array<i64: 768, 768>}, {pipeline_mode = #tpu.pipeline_mode<synchronous>, transform_indices = @transform_6, window_bounds = array<i64: 768, 768>}, {pipeline_mode = #tpu.pipeline_mode<synchronous>, transform_indices = @transform_7, window_bounds = array<i64: 768, 768>}, {transform_indices = @transform_8, window_bounds = array<i64: 512, 768>}]} {
    %get3A = arith.constant 0 : index
    %get3A_0 = arith.constant 0 : index
    %get3A_1 = vector.load %arg1[%get3A, %get3A_0] : memref<512x768xf32, #tpu.memory_space<vmem>>, vector<512x768xf32>
    %get3A_2 = arith.constant 0 : index
    %get3A_3 = arith.constant 0 : index
    %get3A_4 = vector.load %arg2[%get3A_2, %get3A_3] : memref<8x512xf32, #tpu.memory_space<vmem>>, vector<8x512xf32>
    %transpose3A = tpu.transpose %get3A_4, [1, 0] : vector<8x512xf32> -> vector<512x8xf32>
    %broadcast_in_dim3A = arith.constant 0.000000e+00 : f32
    %broadcast_in_dim3A_5 = vector.broadcast %broadcast_in_dim3A : f32 to vector<512x768xf32>
    %get3A_6 = arith.constant 0 : index
    %get3A_7 = arith.constant 0 : index
    %get3A_8 = arith.constant 0 : index
    %get3A_9 = vector.load %arg3[%get3A_6, %get3A_7, %get3A_8] : memref<8x768x384xf32, #tpu.memory_space<vmem>>, vector<1x768x384xf32>
    %get3A_10 = vector.shape_cast %get3A_9 : vector<1x768x384xf32> to vector<768x384xf32>
    %dot_general3A = arith.constant dense<0.000000e+00> : vector<512x384xf32>
    %dot_general3A_11 = tpu.matmul %get3A_1, %get3A_10, %dot_general3A {dimension_numbers = #tpu.dot_dimension_numbers<[1], [0], [0], [1], [0, 0, 1, 1], [], []>, transpose_lhs_hint = false} : vector<512x768xf32>, vector<768x384xf32>, vector<512x384xf32> -> vector<512x384xf32>
    %get3A_12 = arith.constant 0 : index
    %get3A_13 = arith.constant 0 : index
    %get3A_14 = arith.constant 0 : index
    %get3A_15 = vector.load %arg4[%get3A_12, %get3A_13, %get3A_14] : memref<8x768x384xf32, #tpu.memory_space<vmem>>, vector<1x768x384xf32>
    %get3A_16 = vector.shape_cast %get3A_15 : vector<1x768x384xf32> to vector<768x384xf32>
    %dot_general3A_17 = arith.constant dense<0.000000e+00> : vector<512x384xf32>
    %dot_general3A_18 = tpu.matmul %get3A_1, %get3A_16, %dot_general3A_17 {dimension_numbers = #tpu.dot_dimension_numbers<[1], [0], [0], [1], [0, 0, 1, 1], [], []>, transpose_lhs_hint = false} : vector<512x768xf32>, vector<768x384xf32>, vector<512x384xf32> -> vector<512x384xf32>
    %logistic3A = arith.negf %dot_general3A_11 : vector<512x384xf32>
    %logistic3A_19 = math.exp %logistic3A : vector<512x384xf32>
    %logistic3A_20 = arith.constant 1.000000e+00 : f32
    %logistic3A_21 = vector.broadcast %logistic3A_20 : f32 to vector<512x384xf32>
    %logistic3A_22 = arith.addf %logistic3A_21, %logistic3A_19 : vector<512x384xf32>
    %logistic3A_23 = arith.divf %logistic3A_21, %logistic3A_22 : vector<512x384xf32>
    %mul3A = arith.mulf %dot_general3A_11, %logistic3A_23 : vector<512x384xf32>
    %mul3A_24 = arith.mulf %mul3A, %dot_general3A_18 : vector<512x384xf32>
    %get3A_25 = arith.constant 0 : index
    %get3A_26 = arith.constant 0 : index
    %get3A_27 = arith.constant 0 : index
    %get3A_28 = vector.load %arg5[%get3A_25, %get3A_26, %get3A_27] : memref<8x384x768xf32, #tpu.memory_space<vmem>>, vector<1x384x768xf32>
    %get3A_29 = vector.shape_cast %get3A_28 : vector<1x384x768xf32> to vector<384x768xf32>
    %dot_general3A_30 = arith.constant dense<0.000000e+00> : vector<512x768xf32>
    %dot_general3A_31 = tpu.matmul %mul3A_24, %get3A_29, %dot_general3A_30 {dimension_numbers = #tpu.dot_dimension_numbers<[1], [0], [0], [1], [0, 0, 1, 1], [], []>, transpose_lhs_hint = false} : vector<512x384xf32>, vector<384x768xf32>, vector<512x768xf32> -> vector<512x768xf32>
    %slice3A = vector.extract_strided_slice %transpose3A {offsets = [0, 0], sizes = [512, 1], strides = [1, 1]} : vector<512x8xf32> to vector<512x1xf32>
    %mul3A_32 = vector.broadcast %slice3A : vector<512x1xf32> to vector<512x768xf32>
    %mul3A_33 = arith.mulf %mul3A_32, %dot_general3A_31 : vector<512x768xf32>
    %add3A = arith.addf %broadcast_in_dim3A_5, %mul3A_33 : vector<512x768xf32>
    %get3A_34 = arith.constant 1 : index
    %get3A_35 = arith.constant 0 : index
    %get3A_36 = arith.constant 0 : index
    %get3A_37 = vector.load %arg3[%get3A_34, %get3A_35, %get3A_36] : memref<8x768x384xf32, #tpu.memory_space<vmem>>, vector<1x768x384xf32>
    %get3A_38 = vector.shape_cast %get3A_37 : vector<1x768x384xf32> to vector<768x384xf32>
    %dot_general3A_39 = arith.constant dense<0.000000e+00> : vector<512x384xf32>
    %dot_general3A_40 = tpu.matmul %get3A_1, %get3A_38, %dot_general3A_39 {dimension_numbers = #tpu.dot_dimension_numbers<[1], [0], [0], [1], [0, 0, 1, 1], [], []>, transpose_lhs_hint = false} : vector<512x768xf32>, vector<768x384xf32>, vector<512x384xf32> -> vector<512x384xf32>
    %get3A_41 = arith.constant 1 : index
    %get3A_42 = arith.constant 0 : index
    %get3A_43 = arith.constant 0 : index
    %get3A_44 = vector.load %arg4[%get3A_41, %get3A_42, %get3A_43] : memref<8x768x384xf32, #tpu.memory_space<vmem>>, vector<1x768x384xf32>
    %get3A_45 = vector.shape_cast %get3A_44 : vector<1x768x384xf32> to vector<768x384xf32>
    %dot_general3A_46 = arith.constant dense<0.000000e+00> : vector<512x384xf32>
    %dot_general3A_47 = tpu.matmul %get3A_1, %get3A_45, %dot_general3A_46 {dimension_numbers = #tpu.dot_dimension_numbers<[1], [0], [0], [1], [0, 0, 1, 1], [], []>, transpose_lhs_hint = false} : vector<512x768xf32>, vector<768x384xf32>, vector<512x384xf32> -> vector<512x384xf32>
    %logistic3A_48 = arith.negf %dot_general3A_40 : vector<512x384xf32>
    %logistic3A_49 = math.exp %logistic3A_48 : vector<512x384xf32>
    %logistic3A_50 = arith.constant 1.000000e+00 : f32
    %logistic3A_51 = vector.broadcast %logistic3A_50 : f32 to vector<512x384xf32>
    %logistic3A_52 = arith.addf %logistic3A_51, %logistic3A_49 : vector<512x384xf32>
    %logistic3A_53 = arith.divf %logistic3A_51, %logistic3A_52 : vector<512x384xf32>
    %mul3A_54 = arith.mulf %dot_general3A_40, %logistic3A_53 : vector<512x384xf32>
    %mul3A_55 = arith.mulf %mul3A_54, %dot_general3A_47 : vector<512x384xf32>
    %get3A_56 = arith.constant 1 : index
    %get3A_57 = arith.constant 0 : index
    %get3A_58 = arith.constant 0 : index
    %get3A_59 = vector.load %arg5[%get3A_56, %get3A_57, %get3A_58] : memref<8x384x768xf32, #tpu.memory_space<vmem>>, vector<1x384x768xf32>
    %get3A_60 = vector.shape_cast %get3A_59 : vector<1x384x768xf32> to vector<384x768xf32>
    %dot_general3A_61 = arith.constant dense<0.000000e+00> : vector<512x768xf32>
    %dot_general3A_62 = tpu.matmul %mul3A_55, %get3A_60, %dot_general3A_61 {dimension_numbers = #tpu.dot_dimension_numbers<[1], [0], [0], [1], [0, 0, 1, 1], [], []>, transpose_lhs_hint = false} : vector<512x384xf32>, vector<384x768xf32>, vector<512x768xf32> -> vector<512x768xf32>
    %slice3A_63 = vector.extract_strided_slice %transpose3A {offsets = [0, 1], sizes = [512, 1], strides = [1, 1]} : vector<512x8xf32> to vector<512x1xf32>
    %mul3A_64 = vector.broadcast %slice3A_63 : vector<512x1xf32> to vector<512x768xf32>
    %mul3A_65 = arith.mulf %mul3A_64, %dot_general3A_62 : vector<512x768xf32>
    %add3A_66 = arith.addf %add3A, %mul3A_65 : vector<512x768xf32>
    %get3A_67 = arith.constant 2 : index
    %get3A_68 = arith.constant 0 : index
    %get3A_69 = arith.constant 0 : index
    %get3A_70 = vector.load %arg3[%get3A_67, %get3A_68, %get3A_69] : memref<8x768x384xf32, #tpu.memory_space<vmem>>, vector<1x768x384xf32>
    %get3A_71 = vector.shape_cast %get3A_70 : vector<1x768x384xf32> to vector<768x384xf32>
    %dot_general3A_72 = arith.constant dense<0.000000e+00> : vector<512x384xf32>
    %dot_general3A_73 = tpu.matmul %get3A_1, %get3A_71, %dot_general3A_72 {dimension_numbers = #tpu.dot_dimension_numbers<[1], [0], [0], [1], [0, 0, 1, 1], [], []>, transpose_lhs_hint = false} : vector<512x768xf32>, vector<768x384xf32>, vector<512x384xf32> -> vector<512x384xf32>
    %get3A_74 = arith.constant 2 : index
    %get3A_75 = arith.constant 0 : index
    %get3A_76 = arith.constant 0 : index
    %get3A_77 = vector.load %arg4[%get3A_74, %get3A_75, %get3A_76] : memref<8x768x384xf32, #tpu.memory_space<vmem>>, vector<1x768x384xf32>
    %get3A_78 = vector.shape_cast %get3A_77 : vector<1x768x384xf32> to vector<768x384xf32>
    %dot_general3A_79 = arith.constant dense<0.000000e+00> : vector<512x384xf32>
    %dot_general3A_80 = tpu.matmul %get3A_1, %get3A_78, %dot_general3A_79 {dimension_numbers = #tpu.dot_dimension_numbers<[1], [0], [0], [1], [0, 0, 1, 1], [], []>, transpose_lhs_hint = false} : vector<512x768xf32>, vector<768x384xf32>, vector<512x384xf32> -> vector<512x384xf32>
    %logistic3A_81 = arith.negf %dot_general3A_73 : vector<512x384xf32>
    %logistic3A_82 = math.exp %logistic3A_81 : vector<512x384xf32>
    %logistic3A_83 = arith.constant 1.000000e+00 : f32
    %logistic3A_84 = vector.broadcast %logistic3A_83 : f32 to vector<512x384xf32>
    %logistic3A_85 = arith.addf %logistic3A_84, %logistic3A_82 : vector<512x384xf32>
    %logistic3A_86 = arith.divf %logistic3A_84, %logistic3A_85 : vector<512x384xf32>
    %mul3A_87 = arith.mulf %dot_general3A_73, %logistic3A_86 : vector<512x384xf32>
    %mul3A_88 = arith.mulf %mul3A_87, %dot_general3A_80 : vector<512x384xf32>
    %get3A_89 = arith.constant 2 : index
    %get3A_90 = arith.constant 0 : index
    %get3A_91 = arith.constant 0 : index
    %get3A_92 = vector.load %arg5[%get3A_89, %get3A_90, %get3A_91] : memref<8x384x768xf32, #tpu.memory_space<vmem>>, vector<1x384x768xf32>
    %get3A_93 = vector.shape_cast %get3A_92 : vector<1x384x768xf32> to vector<384x768xf32>
    %dot_general3A_94 = arith.constant dense<0.000000e+00> : vector<512x768xf32>
    %dot_general3A_95 = tpu.matmul %mul3A_88, %get3A_93, %dot_general3A_94 {dimension_numbers = #tpu.dot_dimension_numbers<[1], [0], [0], [1], [0, 0, 1, 1], [], []>, transpose_lhs_hint = false} : vector<512x384xf32>, vector<384x768xf32>, vector<512x768xf32> -> vector<512x768xf32>
    %slice3A_96 = vector.extract_strided_slice %transpose3A {offsets = [0, 2], sizes = [512, 1], strides = [1, 1]} : vector<512x8xf32> to vector<512x1xf32>
    %mul3A_97 = vector.broadcast %slice3A_96 : vector<512x1xf32> to vector<512x768xf32>
    %mul3A_98 = arith.mulf %mul3A_97, %dot_general3A_95 : vector<512x768xf32>
    %add3A_99 = arith.addf %add3A_66, %mul3A_98 : vector<512x768xf32>
    %get3A_100 = arith.constant 3 : index
    %get3A_101 = arith.constant 0 : index
    %get3A_102 = arith.constant 0 : index
    %get3A_103 = vector.load %arg3[%get3A_100, %get3A_101, %get3A_102] : memref<8x768x384xf32, #tpu.memory_space<vmem>>, vector<1x768x384xf32>
    %get3A_104 = vector.shape_cast %get3A_103 : vector<1x768x384xf32> to vector<768x384xf32>
    %dot_general3A_105 = arith.constant dense<0.000000e+00> : vector<512x384xf32>
    %dot_general3A_106 = tpu.matmul %get3A_1, %get3A_104, %dot_general3A_105 {dimension_numbers = #tpu.dot_dimension_numbers<[1], [0], [0], [1], [0, 0, 1, 1], [], []>, transpose_lhs_hint = false} : vector<512x768xf32>, vector<768x384xf32>, vector<512x384xf32> -> vector<512x384xf32>
    %get3A_107 = arith.constant 3 : index
    %get3A_108 = arith.constant 0 : index
    %get3A_109 = arith.constant 0 : index
    %get3A_110 = vector.load %arg4[%get3A_107, %get3A_108, %get3A_109] : memref<8x768x384xf32, #tpu.memory_space<vmem>>, vector<1x768x384xf32>
    %get3A_111 = vector.shape_cast %get3A_110 : vector<1x768x384xf32> to vector<768x384xf32>
    %dot_general3A_112 = arith.constant dense<0.000000e+00> : vector<512x384xf32>
    %dot_general3A_113 = tpu.matmul %get3A_1, %get3A_111, %dot_general3A_112 {dimension_numbers = #tpu.dot_dimension_numbers<[1], [0], [0], [1], [0, 0, 1, 1], [], []>, transpose_lhs_hint = false} : vector<512x768xf32>, vector<768x384xf32>, vector<512x384xf32> -> vector<512x384xf32>
    %logistic3A_114 = arith.negf %dot_general3A_106 : vector<512x384xf32>
    %logistic3A_115 = math.exp %logistic3A_114 : vector<512x384xf32>
    %logistic3A_116 = arith.constant 1.000000e+00 : f32
    %logistic3A_117 = vector.broadcast %logistic3A_116 : f32 to vector<512x384xf32>
    %logistic3A_118 = arith.addf %logistic3A_117, %logistic3A_115 : vector<512x384xf32>
    %logistic3A_119 = arith.divf %logistic3A_117, %logistic3A_118 : vector<512x384xf32>
    %mul3A_120 = arith.mulf %dot_general3A_106, %logistic3A_119 : vector<512x384xf32>
    %mul3A_121 = arith.mulf %mul3A_120, %dot_general3A_113 : vector<512x384xf32>
    %get3A_122 = arith.constant 3 : index
    %get3A_123 = arith.constant 0 : index
    %get3A_124 = arith.constant 0 : index
    %get3A_125 = vector.load %arg5[%get3A_122, %get3A_123, %get3A_124] : memref<8x384x768xf32, #tpu.memory_space<vmem>>, vector<1x384x768xf32>
    %get3A_126 = vector.shape_cast %get3A_125 : vector<1x384x768xf32> to vector<384x768xf32>
    %dot_general3A_127 = arith.constant dense<0.000000e+00> : vector<512x768xf32>
    %dot_general3A_128 = tpu.matmul %mul3A_121, %get3A_126, %dot_general3A_127 {dimension_numbers = #tpu.dot_dimension_numbers<[1], [0], [0], [1], [0, 0, 1, 1], [], []>, transpose_lhs_hint = false} : vector<512x384xf32>, vector<384x768xf32>, vector<512x768xf32> -> vector<512x768xf32>
    %slice3A_129 = vector.extract_strided_slice %transpose3A {offsets = [0, 3], sizes = [512, 1], strides = [1, 1]} : vector<512x8xf32> to vector<512x1xf32>
    %mul3A_130 = vector.broadcast %slice3A_129 : vector<512x1xf32> to vector<512x768xf32>
    %mul3A_131 = arith.mulf %mul3A_130, %dot_general3A_128 : vector<512x768xf32>
    %add3A_132 = arith.addf %add3A_99, %mul3A_131 : vector<512x768xf32>
    %get3A_133 = arith.constant 4 : index
    %get3A_134 = arith.constant 0 : index
    %get3A_135 = arith.constant 0 : index
    %get3A_136 = vector.load %arg3[%get3A_133, %get3A_134, %get3A_135] : memref<8x768x384xf32, #tpu.memory_space<vmem>>, vector<1x768x384xf32>
    %get3A_137 = vector.shape_cast %get3A_136 : vector<1x768x384xf32> to vector<768x384xf32>
    %dot_general3A_138 = arith.constant dense<0.000000e+00> : vector<512x384xf32>
    %dot_general3A_139 = tpu.matmul %get3A_1, %get3A_137, %dot_general3A_138 {dimension_numbers = #tpu.dot_dimension_numbers<[1], [0], [0], [1], [0, 0, 1, 1], [], []>, transpose_lhs_hint = false} : vector<512x768xf32>, vector<768x384xf32>, vector<512x384xf32> -> vector<512x384xf32>
    %get3A_140 = arith.constant 4 : index
    %get3A_141 = arith.constant 0 : index
    %get3A_142 = arith.constant 0 : index
    %get3A_143 = vector.load %arg4[%get3A_140, %get3A_141, %get3A_142] : memref<8x768x384xf32, #tpu.memory_space<vmem>>, vector<1x768x384xf32>
    %get3A_144 = vector.shape_cast %get3A_143 : vector<1x768x384xf32> to vector<768x384xf32>
    %dot_general3A_145 = arith.constant dense<0.000000e+00> : vector<512x384xf32>
    %dot_general3A_146 = tpu.matmul %get3A_1, %get3A_144, %dot_general3A_145 {dimension_numbers = #tpu.dot_dimension_numbers<[1], [0], [0], [1], [0, 0, 1, 1], [], []>, transpose_lhs_hint = false} : vector<512x768xf32>, vector<768x384xf32>, vector<512x384xf32> -> vector<512x384xf32>
    %logistic3A_147 = arith.negf %dot_general3A_139 : vector<512x384xf32>
    %logistic3A_148 = math.exp %logistic3A_147 : vector<512x384xf32>
    %logistic3A_149 = arith.constant 1.000000e+00 : f32
    %logistic3A_150 = vector.broadcast %logistic3A_149 : f32 to vector<512x384xf32>
    %logistic3A_151 = arith.addf %logistic3A_150, %logistic3A_148 : vector<512x384xf32>
    %logistic3A_152 = arith.divf %logistic3A_150, %logistic3A_151 : vector<512x384xf32>
    %mul3A_153 = arith.mulf %dot_general3A_139, %logistic3A_152 : vector<512x384xf32>
    %mul3A_154 = arith.mulf %mul3A_153, %dot_general3A_146 : vector<512x384xf32>
    %get3A_155 = arith.constant 4 : index
    %get3A_156 = arith.constant 0 : index
    %get3A_157 = arith.constant 0 : index
    %get3A_158 = vector.load %arg5[%get3A_155, %get3A_156, %get3A_157] : memref<8x384x768xf32, #tpu.memory_space<vmem>>, vector<1x384x768xf32>
    %get3A_159 = vector.shape_cast %get3A_158 : vector<1x384x768xf32> to vector<384x768xf32>
    %dot_general3A_160 = arith.constant dense<0.000000e+00> : vector<512x768xf32>
    %dot_general3A_161 = tpu.matmul %mul3A_154, %get3A_159, %dot_general3A_160 {dimension_numbers = #tpu.dot_dimension_numbers<[1], [0], [0], [1], [0, 0, 1, 1], [], []>, transpose_lhs_hint = false} : vector<512x384xf32>, vector<384x768xf32>, vector<512x768xf32> -> vector<512x768xf32>
    %slice3A_162 = vector.extract_strided_slice %transpose3A {offsets = [0, 4], sizes = [512, 1], strides = [1, 1]} : vector<512x8xf32> to vector<512x1xf32>
    %mul3A_163 = vector.broadcast %slice3A_162 : vector<512x1xf32> to vector<512x768xf32>
    %mul3A_164 = arith.mulf %mul3A_163, %dot_general3A_161 : vector<512x768xf32>
    %add3A_165 = arith.addf %add3A_132, %mul3A_164 : vector<512x768xf32>
    %get3A_166 = arith.constant 5 : index
    %get3A_167 = arith.constant 0 : index
    %get3A_168 = arith.constant 0 : index
    %get3A_169 = vector.load %arg3[%get3A_166, %get3A_167, %get3A_168] : memref<8x768x384xf32, #tpu.memory_space<vmem>>, vector<1x768x384xf32>
    %get3A_170 = vector.shape_cast %get3A_169 : vector<1x768x384xf32> to vector<768x384xf32>
    %dot_general3A_171 = arith.constant dense<0.000000e+00> : vector<512x384xf32>
    %dot_general3A_172 = tpu.matmul %get3A_1, %get3A_170, %dot_general3A_171 {dimension_numbers = #tpu.dot_dimension_numbers<[1], [0], [0], [1], [0, 0, 1, 1], [], []>, transpose_lhs_hint = false} : vector<512x768xf32>, vector<768x384xf32>, vector<512x384xf32> -> vector<512x384xf32>
    %get3A_173 = arith.constant 5 : index
    %get3A_174 = arith.constant 0 : index
    %get3A_175 = arith.constant 0 : index
    %get3A_176 = vector.load %arg4[%get3A_173, %get3A_174, %get3A_175] : memref<8x768x384xf32, #tpu.memory_space<vmem>>, vector<1x768x384xf32>
    %get3A_177 = vector.shape_cast %get3A_176 : vector<1x768x384xf32> to vector<768x384xf32>
    %dot_general3A_178 = arith.constant dense<0.000000e+00> : vector<512x384xf32>
    %dot_general3A_179 = tpu.matmul %get3A_1, %get3A_177, %dot_general3A_178 {dimension_numbers = #tpu.dot_dimension_numbers<[1], [0], [0], [1], [0, 0, 1, 1], [], []>, transpose_lhs_hint = false} : vector<512x768xf32>, vector<768x384xf32>, vector<512x384xf32> -> vector<512x384xf32>
    %logistic3A_180 = arith.negf %dot_general3A_172 : vector<512x384xf32>
    %logistic3A_181 = math.exp %logistic3A_180 : vector<512x384xf32>
    %logistic3A_182 = arith.constant 1.000000e+00 : f32
    %logistic3A_183 = vector.broadcast %logistic3A_182 : f32 to vector<512x384xf32>
    %logistic3A_184 = arith.addf %logistic3A_183, %logistic3A_181 : vector<512x384xf32>
    %logistic3A_185 = arith.divf %logistic3A_183, %logistic3A_184 : vector<512x384xf32>
    %mul3A_186 = arith.mulf %dot_general3A_172, %logistic3A_185 : vector<512x384xf32>
    %mul3A_187 = arith.mulf %mul3A_186, %dot_general3A_179 : vector<512x384xf32>
    %get3A_188 = arith.constant 5 : index
    %get3A_189 = arith.constant 0 : index
    %get3A_190 = arith.constant 0 : index
    %get3A_191 = vector.load %arg5[%get3A_188, %get3A_189, %get3A_190] : memref<8x384x768xf32, #tpu.memory_space<vmem>>, vector<1x384x768xf32>
    %get3A_192 = vector.shape_cast %get3A_191 : vector<1x384x768xf32> to vector<384x768xf32>
    %dot_general3A_193 = arith.constant dense<0.000000e+00> : vector<512x768xf32>
    %dot_general3A_194 = tpu.matmul %mul3A_187, %get3A_192, %dot_general3A_193 {dimension_numbers = #tpu.dot_dimension_numbers<[1], [0], [0], [1], [0, 0, 1, 1], [], []>, transpose_lhs_hint = false} : vector<512x384xf32>, vector<384x768xf32>, vector<512x768xf32> -> vector<512x768xf32>
    %slice3A_195 = vector.extract_strided_slice %transpose3A {offsets = [0, 5], sizes = [512, 1], strides = [1, 1]} : vector<512x8xf32> to vector<512x1xf32>
    %mul3A_196 = vector.broadcast %slice3A_195 : vector<512x1xf32> to vector<512x768xf32>
    %mul3A_197 = arith.mulf %mul3A_196, %dot_general3A_194 : vector<512x768xf32>
    %add3A_198 = arith.addf %add3A_165, %mul3A_197 : vector<512x768xf32>
    %get3A_199 = arith.constant 6 : index
    %get3A_200 = arith.constant 0 : index
    %get3A_201 = arith.constant 0 : index
    %get3A_202 = vector.load %arg3[%get3A_199, %get3A_200, %get3A_201] : memref<8x768x384xf32, #tpu.memory_space<vmem>>, vector<1x768x384xf32>
    %get3A_203 = vector.shape_cast %get3A_202 : vector<1x768x384xf32> to vector<768x384xf32>
    %dot_general3A_204 = arith.constant dense<0.000000e+00> : vector<512x384xf32>
    %dot_general3A_205 = tpu.matmul %get3A_1, %get3A_203, %dot_general3A_204 {dimension_numbers = #tpu.dot_dimension_numbers<[1], [0], [0], [1], [0, 0, 1, 1], [], []>, transpose_lhs_hint = false} : vector<512x768xf32>, vector<768x384xf32>, vector<512x384xf32> -> vector<512x384xf32>
    %get3A_206 = arith.constant 6 : index
    %get3A_207 = arith.constant 0 : index
    %get3A_208 = arith.constant 0 : index
    %get3A_209 = vector.load %arg4[%get3A_206, %get3A_207, %get3A_208] : memref<8x768x384xf32, #tpu.memory_space<vmem>>, vector<1x768x384xf32>
    %get3A_210 = vector.shape_cast %get3A_209 : vector<1x768x384xf32> to vector<768x384xf32>
    %dot_general3A_211 = arith.constant dense<0.000000e+00> : vector<512x384xf32>
    %dot_general3A_212 = tpu.matmul %get3A_1, %get3A_210, %dot_general3A_211 {dimension_numbers = #tpu.dot_dimension_numbers<[1], [0], [0], [1], [0, 0, 1, 1], [], []>, transpose_lhs_hint = false} : vector<512x768xf32>, vector<768x384xf32>, vector<512x384xf32> -> vector<512x384xf32>
    %logistic3A_213 = arith.negf %dot_general3A_205 : vector<512x384xf32>
    %logistic3A_214 = math.exp %logistic3A_213 : vector<512x384xf32>
    %logistic3A_215 = arith.constant 1.000000e+00 : f32
    %logistic3A_216 = vector.broadcast %logistic3A_215 : f32 to vector<512x384xf32>
    %logistic3A_217 = arith.addf %logistic3A_216, %logistic3A_214 : vector<512x384xf32>
    %logistic3A_218 = arith.divf %logistic3A_216, %logistic3A_217 : vector<512x384xf32>
    %mul3A_219 = arith.mulf %dot_general3A_205, %logistic3A_218 : vector<512x384xf32>
    %mul3A_220 = arith.mulf %mul3A_219, %dot_general3A_212 : vector<512x384xf32>
    %get3A_221 = arith.constant 6 : index
    %get3A_222 = arith.constant 0 : index
    %get3A_223 = arith.constant 0 : index
    %get3A_224 = vector.load %arg5[%get3A_221, %get3A_222, %get3A_223] : memref<8x384x768xf32, #tpu.memory_space<vmem>>, vector<1x384x768xf32>
    %get3A_225 = vector.shape_cast %get3A_224 : vector<1x384x768xf32> to vector<384x768xf32>
    %dot_general3A_226 = arith.constant dense<0.000000e+00> : vector<512x768xf32>
    %dot_general3A_227 = tpu.matmul %mul3A_220, %get3A_225, %dot_general3A_226 {dimension_numbers = #tpu.dot_dimension_numbers<[1], [0], [0], [1], [0, 0, 1, 1], [], []>, transpose_lhs_hint = false} : vector<512x384xf32>, vector<384x768xf32>, vector<512x768xf32> -> vector<512x768xf32>
    %slice3A_228 = vector.extract_strided_slice %transpose3A {offsets = [0, 6], sizes = [512, 1], strides = [1, 1]} : vector<512x8xf32> to vector<512x1xf32>
    %mul3A_229 = vector.broadcast %slice3A_228 : vector<512x1xf32> to vector<512x768xf32>
    %mul3A_230 = arith.mulf %mul3A_229, %dot_general3A_227 : vector<512x768xf32>
    %add3A_231 = arith.addf %add3A_198, %mul3A_230 : vector<512x768xf32>
    %get3A_232 = arith.constant 7 : index
    %get3A_233 = arith.constant 0 : index
    %get3A_234 = arith.constant 0 : index
    %get3A_235 = vector.load %arg3[%get3A_232, %get3A_233, %get3A_234] : memref<8x768x384xf32, #tpu.memory_space<vmem>>, vector<1x768x384xf32>
    %get3A_236 = vector.shape_cast %get3A_235 : vector<1x768x384xf32> to vector<768x384xf32>
    %dot_general3A_237 = arith.constant dense<0.000000e+00> : vector<512x384xf32>
    %dot_general3A_238 = tpu.matmul %get3A_1, %get3A_236, %dot_general3A_237 {dimension_numbers = #tpu.dot_dimension_numbers<[1], [0], [0], [1], [0, 0, 1, 1], [], []>, transpose_lhs_hint = false} : vector<512x768xf32>, vector<768x384xf32>, vector<512x384xf32> -> vector<512x384xf32>
    %get3A_239 = arith.constant 7 : index
    %get3A_240 = arith.constant 0 : index
    %get3A_241 = arith.constant 0 : index
    %get3A_242 = vector.load %arg4[%get3A_239, %get3A_240, %get3A_241] : memref<8x768x384xf32, #tpu.memory_space<vmem>>, vector<1x768x384xf32>
    %get3A_243 = vector.shape_cast %get3A_242 : vector<1x768x384xf32> to vector<768x384xf32>
    %dot_general3A_244 = arith.constant dense<0.000000e+00> : vector<512x384xf32>
    %dot_general3A_245 = tpu.matmul %get3A_1, %get3A_243, %dot_general3A_244 {dimension_numbers = #tpu.dot_dimension_numbers<[1], [0], [0], [1], [0, 0, 1, 1], [], []>, transpose_lhs_hint = false} : vector<512x768xf32>, vector<768x384xf32>, vector<512x384xf32> -> vector<512x384xf32>
    %logistic3A_246 = arith.negf %dot_general3A_238 : vector<512x384xf32>
    %logistic3A_247 = math.exp %logistic3A_246 : vector<512x384xf32>
    %logistic3A_248 = arith.constant 1.000000e+00 : f32
    %logistic3A_249 = vector.broadcast %logistic3A_248 : f32 to vector<512x384xf32>
    %logistic3A_250 = arith.addf %logistic3A_249, %logistic3A_247 : vector<512x384xf32>
    %logistic3A_251 = arith.divf %logistic3A_249, %logistic3A_250 : vector<512x384xf32>
    %mul3A_252 = arith.mulf %dot_general3A_238, %logistic3A_251 : vector<512x384xf32>
    %mul3A_253 = arith.mulf %mul3A_252, %dot_general3A_245 : vector<512x384xf32>
    %get3A_254 = arith.constant 7 : index
    %get3A_255 = arith.constant 0 : index
    %get3A_256 = arith.constant 0 : index
    %get3A_257 = vector.load %arg5[%get3A_254, %get3A_255, %get3A_256] : memref<8x384x768xf32, #tpu.memory_space<vmem>>, vector<1x384x768xf32>
    %get3A_258 = vector.shape_cast %get3A_257 : vector<1x384x768xf32> to vector<384x768xf32>
    %dot_general3A_259 = arith.constant dense<0.000000e+00> : vector<512x768xf32>
    %dot_general3A_260 = tpu.matmul %mul3A_253, %get3A_258, %dot_general3A_259 {dimension_numbers = #tpu.dot_dimension_numbers<[1], [0], [0], [1], [0, 0, 1, 1], [], []>, transpose_lhs_hint = false} : vector<512x384xf32>, vector<384x768xf32>, vector<512x768xf32> -> vector<512x768xf32>
    %slice3A_261 = vector.extract_strided_slice %transpose3A {offsets = [0, 7], sizes = [512, 1], strides = [1, 1]} : vector<512x8xf32> to vector<512x1xf32>
    %mul3A_262 = vector.broadcast %slice3A_261 : vector<512x1xf32> to vector<512x768xf32>
    %mul3A_263 = arith.mulf %mul3A_262, %dot_general3A_260 : vector<512x768xf32>
    %add3A_264 = arith.addf %add3A_231, %mul3A_263 : vector<512x768xf32>
    %get3A_265 = arith.constant 0 : index
    %get3A_266 = arith.constant 0 : index
    %get3A_267 = vector.load %arg6[%get3A_265, %get3A_266] : memref<768x768xf32, #tpu.memory_space<vmem>>, vector<768x768xf32>
    %dot_general3A_268 = arith.constant dense<0.000000e+00> : vector<512x768xf32>
    %dot_general3A_269 = tpu.matmul %get3A_1, %get3A_267, %dot_general3A_268 {dimension_numbers = #tpu.dot_dimension_numbers<[1], [0], [0], [1], [0, 0, 1, 1], [], []>, transpose_lhs_hint = false} : vector<512x768xf32>, vector<768x768xf32>, vector<512x768xf32> -> vector<512x768xf32>
    %get3A_270 = arith.constant 0 : index
    %get3A_271 = arith.constant 0 : index
    %get3A_272 = vector.load %arg7[%get3A_270, %get3A_271] : memref<768x768xf32, #tpu.memory_space<vmem>>, vector<768x768xf32>
    %dot_general3A_273 = arith.constant dense<0.000000e+00> : vector<512x768xf32>
    %dot_general3A_274 = tpu.matmul %get3A_1, %get3A_272, %dot_general3A_273 {dimension_numbers = #tpu.dot_dimension_numbers<[1], [0], [0], [1], [0, 0, 1, 1], [], []>, transpose_lhs_hint = false} : vector<512x768xf32>, vector<768x768xf32>, vector<512x768xf32> -> vector<512x768xf32>
    %logistic3A_275 = arith.negf %dot_general3A_269 : vector<512x768xf32>
    %logistic3A_276 = math.exp %logistic3A_275 : vector<512x768xf32>
    %logistic3A_277 = arith.constant 1.000000e+00 : f32
    %logistic3A_278 = vector.broadcast %logistic3A_277 : f32 to vector<512x768xf32>
    %logistic3A_279 = arith.addf %logistic3A_278, %logistic3A_276 : vector<512x768xf32>
    %logistic3A_280 = arith.divf %logistic3A_278, %logistic3A_279 : vector<512x768xf32>
    %mul3A_281 = arith.mulf %dot_general3A_269, %logistic3A_280 : vector<512x768xf32>
    %mul3A_282 = arith.mulf %mul3A_281, %dot_general3A_274 : vector<512x768xf32>
    %get3A_283 = arith.constant 0 : index
    %get3A_284 = arith.constant 0 : index
    %get3A_285 = vector.load %arg8[%get3A_283, %get3A_284] : memref<768x768xf32, #tpu.memory_space<vmem>>, vector<768x768xf32>
    %dot_general3A_286 = arith.constant dense<0.000000e+00> : vector<512x768xf32>
    %dot_general3A_287 = tpu.matmul %mul3A_282, %get3A_285, %dot_general3A_286 {dimension_numbers = #tpu.dot_dimension_numbers<[1], [0], [0], [1], [0, 0, 1, 1], [], []>, transpose_lhs_hint = false} : vector<512x768xf32>, vector<768x768xf32>, vector<512x768xf32> -> vector<512x768xf32>
    %add3A_288 = arith.addf %add3A_264, %dot_general3A_287 : vector<512x768xf32>
    %swap3A = arith.constant 0 : index
    %swap3A_289 = arith.constant 0 : index
    %swap3A_290 = vector.load %arg9[%swap3A, %swap3A_289] : memref<512x768xf32, #tpu.memory_space<vmem>>, vector<512x768xf32>
    tpu.vector_store %arg9[%swap3A, %swap3A_289], %add3A_288 {strides = array<i32>} : memref<512x768xf32, #tpu.memory_space<vmem>>, vector<512x768xf32>,
    return
  }
  func.func @transform_0(%arg0: i32) -> (i32, i32) {
    %c0_i32 = arith.constant 0 : i32
    %c0_i32_0 = arith.constant 0 : i32
    return %arg0, %c0_i32 : i32, i32
  }
  func.func @transform_1(%arg0: i32) -> (i32, i32) {
    %c0_i32 = arith.constant 0 : i32
    %c0_i32_0 = arith.constant 0 : i32
    return %c0_i32, %arg0 : i32, i32
  }
  func.func @transform_2(%arg0: i32) -> (i32, i32, i32) {
    %c0_i32 = arith.constant 0 : i32
    %c0_i32_0 = arith.constant 0 : i32
    %c0_i32_1 = arith.constant 0 : i32
    %c0_i32_2 = arith.constant 0 : i32
    return %c0_i32, %c0_i32_0, %c0_i32_1 : i32, i32, i32
  }
  func.func @transform_3(%arg0: i32) -> (i32, i32, i32) {
    %c0_i32 = arith.constant 0 : i32
    %c0_i32_0 = arith.constant 0 : i32
    %c0_i32_1 = arith.constant 0 : i32
    %c0_i32_2 = arith.constant 0 : i32
    return %c0_i32, %c0_i32_0, %c0_i32_1 : i32, i32, i32
  }
  func.func @transform_4(%arg0: i32) -> (i32, i32, i32) {
    %c0_i32 = arith.constant 0 : i32
    %c0_i32_0 = arith.constant 0 : i32
    %c0_i32_1 = arith.constant 0 : i32
    %c0_i32_2 = arith.constant 0 : i32
    return %c0_i32, %c0_i32_0, %c0_i32_1 : i32, i32, i32
  }
  func.func @transform_5(%arg0: i32) -> (i32, i32) {
    %c0_i32 = arith.constant 0 : i32
    %c0_i32_0 = arith.constant 0 : i32
    %c0_i32_1 = arith.constant 0 : i32
    return %c0_i32, %c0_i32_0 : i32, i32
  }
  func.func @transform_6(%arg0: i32) -> (i32, i32) {
    %c0_i32 = arith.constant 0 : i32
    %c0_i32_0 = arith.constant 0 : i32
    %c0_i32_1 = arith.constant 0 : i32
    return %c0_i32, %c0_i32_0 : i32, i32
  }
  func.func @transform_7(%arg0: i32) -> (i32, i32) {
    %c0_i32 = arith.constant 0 : i32
    %c0_i32_0 = arith.constant 0 : i32
    %c0_i32_1 = arith.constant 0 : i32
    return %c0_i32, %c0_i32_0 : i32, i32
  }
  func.func @transform_8(%arg0: i32) -> (i32, i32) {
    %c0_i32 = arith.constant 0 : i32
    %c0_i32_0 = arith.constant 0 : i32
    return %arg0, %c0_i32 : i32, i32
  }
}

module attributes {stable_mosaic.version = 14 : i64} {
  func.func @_logits_body(%arg0: i32, %arg1: memref<512x768xf32, #tpu.memory_space<vmem>>, %arg2: memref<8x768xf32, #tpu.memory_space<vmem>>, %arg3: memref<8x512xf32, #tpu.memory_space<vmem>>) attributes {dimension_semantics = [#tpu.dimension_semantics<arbitrary>], iteration_bounds = array<i64: 8>, scalar_prefetch = 0 : i64, scratch_operands = 0 : i64, tpu.core_type = #tpu.core_type<tc>, window_params = [{transform_indices = @transform_0, window_bounds = array<i64: 512, 768>}, {pipeline_mode = #tpu.pipeline_mode<synchronous>, transform_indices = @transform_1, window_bounds = array<i64: 8, 768>}, {transform_indices = @transform_2, window_bounds = array<i64: 8, 512>}]} {
    %get3A = arith.constant 0 : index
    %get3A_0 = arith.constant 0 : index
    %get3A_1 = vector.load %arg2[%get3A, %get3A_0] : memref<8x768xf32, #tpu.memory_space<vmem>>, vector<8x768xf32>
    %get3A_2 = arith.constant 0 : index
    %get3A_3 = arith.constant 0 : index
    %get3A_4 = vector.load %arg1[%get3A_2, %get3A_3] : memref<512x768xf32, #tpu.memory_space<vmem>>, vector<512x768xf32>
    %dot_general3A = arith.constant dense<0.000000e+00> : vector<8x512xf32>
    %dot_general3A_5 = tpu.matmul %get3A_1, %get3A_4, %dot_general3A {dimension_numbers = #tpu.dot_dimension_numbers<[1], [1], [0], [0], [0, 0, 1, 0], [], []>, transpose_lhs_hint = false} : vector<8x768xf32>, vector<512x768xf32>, vector<8x512xf32> -> vector<8x512xf32>
    %swap3A = arith.constant 0 : index
    %swap3A_6 = arith.constant 0 : index
    %swap3A_7 = vector.load %arg3[%swap3A, %swap3A_6] : memref<8x512xf32, #tpu.memory_space<vmem>>, vector<8x512xf32>
    tpu.vector_store %arg3[%swap3A, %swap3A_6], %dot_general3A_5 {strides = array<i32>} : memref<8x512xf32, #tpu.memory_space<vmem>>, vector<8x512xf32>,
    return
  }
  func.func @transform_0(%arg0: i32) -> (i32, i32) {
    %c0_i32 = arith.constant 0 : i32
    %c0_i32_0 = arith.constant 0 : i32
    return %arg0, %c0_i32 : i32, i32
  }
  func.func @transform_1(%arg0: i32) -> (i32, i32) {
    %c0_i32 = arith.constant 0 : i32
    %c0_i32_0 = arith.constant 0 : i32
    %c0_i32_1 = arith.constant 0 : i32
    return %c0_i32, %c0_i32_0 : i32, i32
  }
  func.func @transform_2(%arg0: i32) -> (i32, i32) {
    %c0_i32 = arith.constant 0 : i32
    %c0_i32_0 = arith.constant 0 : i32
    return %c0_i32, %arg0 : i32, i32
  }
}

</mosaic_0001>

<sc_bundles>
// kernel: kernel.5.cloned.1.call-start
scs
__scs_entry_jumppad:
0x0: {  	(pc) =	sbr.rel $0x88, $3  }
0x1: {  	(tag) =	ssettag $0x0;
	lr =	simm.s32 $0x1  }
0x2: {  	[smem:$0x3F99] =	sst lr;
	_ =	strace $0xD0000000  }
0x3: {  	_ = 	snop  }
0x4: {  	_ = 	snop  }
0x5: {  	_ = 	snop  }
0x6: {  	_ = 	snop  }
0x7: {  	_ = 	snop  }
__scs_overlays_trampoline_lowered:
0x8: {  	[smem:$0x3FA8] =	sst s0  }
0x9: {  	[smem:$0x3FA9] =	sst s1  }
0xa: {  	[smem:$0x3FAA] =	sst s2  }
0xb: {  	[smem:$0x3FAB] =	sst s3  }
0xc: {  	[smem:$0x3FAC] =	sst s4  }
0xd: {  	[smem:$0x3FAD] =	sst s5  }
0xe: {  	[smem:$0x3FAE] =	sst s6  }
0xf: {  	[smem:$0x3FAF] =	sst s7  }
0x10: {  	[smem:$0x3FB0] =	sst s8  }
0x11: {  	[smem:$0x3FB1] =	sst s9;
	s0 =	simm.s32 @!p0 $0x0  }
0x12: {  	s1 =	sld [smem:$0x3F97];
	s0 =	simm.s32 @p0 $0x1  }
0x13: {  	[smem:$0x3FB2] =	sst s0;
	s0 =	simm.s32 @!p1 $0x0  }
0x14: {  	s2 =	sld [smem:$0x3F96];
	s0 =	simm.s32 @p1 $0x1  }
0x15: {  	[smem:$0x3FB3] =	sst s0;
	s0 =	simm.s32 @!p2 $0x0  }
0x16: {  	s3 =	sld [smem:$0x3FDB];
	s0 =	simm.s32 @p2 $0x1  }
0x17: {  	s4 =	simm.s32 $0x1BF5;
	[smem:$0x3FB5] =	sst s0  }
0x18: {  	s0 =	sld [smem:$0x3F98];
	_ =	swait.ge [sflag:s4], $0x0  }
0x19: {  	s7 =	sld [smem:$0x3F99]  }
0x1a: {  	s8 =	sadd.s32 $0xFFFFE003, lr  }
0x1b: {  	s9 =	sadd.s32 $0xFFFFFEF7, lr;
	s5 =	simm.s32 $0xFFFFFFFF;
	p2 =	slt.u32 s8, $0xFFFFF086  }
0x1c: {  	p1 =	slt.u32 s9, $0xF7A;
	s5 =	simm.s32 @!p2 $0x0  }
0x1d: {  	s5 =	simm.s32 @p1 $0x1;
	p0 =	seq.s32 s7, s2  }
0x1e: {  	s7 =	smul.u32 @!p0 $0xF7A, s2;
	p2 =	seq.s32 @!p0 s5, $0x0  }
0x1f: {  	s9 =	smul.u32 $0xF7A, s1;
	s8 =	simm.s32 @!p0 $0x1BF5;
	p2 =	por !p2, p0  }
0x20: {  	[sflag:s8] =	ssyncset.s32 @!p0 $0xFFFFF086;
	s6 =	sadd.s32 @!p0 s3, s7;
	s7 =	simm.s32 @!p0 $0x108  }
0x21: {  	s3 =	sadd.s32 s3, s9;
	s6 =	sadd.s32 @!p0 $0x88, s6;
	s7 =	simm.s32 @p2 $0x1082  }
0x22: {  	[simem:s7], [sflag:s8] =	dma.local @!p0 [hbm:s6], $0xF7A  }
0x23: {  	s9 =	sor.u32 $0xD0000000, s2;
	s6 =	simm.s32 $0x108;
	_ =	swait.ge @!p0 [sflag:s8], $0x0  }
0x24: {  	s3 =	sadd.s32 $0x88, s3;
	s6 =	simm.s32 @!p1 $0x1082;
	[sflag:s4] =	ssyncset.s32 $0xFFFFF086  }
0x25: {  	[simem:s6], [sflag:s4] =	dma.local [hbm:s3], $0xF7A  }
0x26: {  	[smem:$0x3F99] =	sst s1;
	(tag) =	ssettag s2;
	_ =	strace s9  }
0x27: {  	s1 =	sld [smem:$0x3FA9]  }
0x28: {  	s2 =	sld [smem:$0x3FAA]  }
0x29: {  	s4 =	sld [smem:$0x3FAC]  }
0x2a: {  	p0 =	seq.s32 s5, $0x0;
	s5 =	sld [smem:$0x3FAD]  }
0x2b: {  	s6 =	sld [smem:$0x3FAE]  }
0x2c: {  	s7 =	sld [smem:$0x3FAF]  }
0x2d: {  	s3 =	simm.s32 $0x108;
	s8 =	sld [smem:$0x3FB0]  }
0x2e: {  	s3 =	simm.s32 @!p0 $0x1082;
	s9 =	sld [smem:$0x3FB1]  }
0x2f: {  	lr =	sadd.s32 s0, s3;
	s0 =	sld [smem:$0x3FA8]  }
0x30: {  	s3 =	sld [smem:$0x3FAB]  }
0x31: {  	[smem:$0x3FB4] =	sst s10  }
0x32: {  	s10 =	sld [smem:$0x3FB2];
	_ =	sdelay $0x3  }
0x33: {  	p0 =	seq.s32 s10, $0x1;
	s10 =	sld [smem:$0x3FB4];
	_ =	sdelay $0x3  }
0x34: {  	[smem:$0x3FB4] =	sst s10  }
0x35: {  	s10 =	sld [smem:$0x3FB3];
	_ =	sdelay $0x3  }
0x36: {  	p1 =	seq.s32 s10, $0x1;
	s10 =	sld [smem:$0x3FB4];
	_ =	sdelay $0x3  }
0x37: {  	[smem:$0x3FB4] =	sst s10  }
0x38: {  	s10 =	sld [smem:$0x3FB5]  }
0x39: {  	_ = 	snop;
	(pc) =	sbr.ind lr, $3  }
0x3a: {  	_ = 	snop  }
0x3b: {  	_ = 	snop  }
0x3c: {  	p2 =	seq.s32 s10, $0x1;
	s10 =	sld [smem:$0x3FB4]  }
0x3d: {  	_ =	shalt  }
0x3e: {  	_ =	shalt  }
0x3f: {  	_ =	shalt  }
0x40: {  	_ =	shalt  }
0x41: {  	_ =	shalt  }
0x42: {  	_ =	shalt  }
0x43: {  	_ =	shalt  }
0x44: {  	_ =	shalt  }
0x45: {  	_ =	shalt  }
0x46: {  	_ =	shalt  }
0x47: {  	_ =	shalt  }
0x48: {  	_ =	shalt  }
0x49: {  	_ =	shalt  }
0x4a: {  	_ =	shalt  }
0x4b: {  	_ =	shalt  }
0x4c: {  	_ =	shalt  }
0x4d: {  	_ =	shalt  }
0x4e: {  	_ =	shalt  }
0x4f: {  	_ =	shalt  }
0x50: {  	_ =	shalt  }
0x51: {  	_ =	shalt  }
0x52: {  	_ =	shalt  }
0x53: {  	_ =	shalt  }
0x54: {  	_ =	shalt  }
0x55: {  	_ =	shalt  }
0x56: {  	_ =	shalt  }
0x57: {  	_ =	shalt  }
0x58: {  	_ =	shalt  }
0x59: {  	_ =	shalt  }
0x5a: {  	_ =	shalt  }
0x5b: {  	_ =	shalt  }
0x5c: {  	_ =	shalt  }
0x5d: {  	_ =	shalt  }
0x5e: {  	_ =	shalt  }
0x5f: {  	_ =	shalt  }
0x60: {  	_ =	shalt  }
0x61: {  	_ =	shalt  }
0x62: {  	_ =	shalt  }
0x63: {  	_ =	shalt  }
0x64: {  	_ =	shalt  }
0x65: {  	_ =	shalt  }
0x66: {  	_ =	shalt  }
0x67: {  	_ =	shalt  }
0x68: {  	_ =	shalt  }
0x69: {  	_ =	shalt  }
0x6a: {  	_ =	shalt  }
0x6b: {  	_ =	shalt  }
0x6c: {  	_ =	shalt  }
0x6d: {  	_ =	shalt  }
0x6e: {  	_ =	shalt  }
0x6f: {  	_ =	shalt  }
0x70: {  	_ =	shalt  }
0x71: {  	_ =	shalt  }
0x72: {  	_ =	shalt  }
0x73: {  	_ =	shalt  }
0x74: {  	_ =	shalt  }
0x75: {  	_ =	shalt  }
0x76: {  	_ =	shalt  }
0x77: {  	_ =	shalt  }
0x78: {  	_ =	shalt  }
0x79: {  	_ =	shalt  }
0x7a: {  	_ =	shalt  }
0x7b: {  	_ =	shalt  }
0x7c: {  	_ =	shalt  }
0x7d: {  	_ =	shalt  }
0x7e: {  	_ =	shalt  }
0x7f: {  	_ =	shalt  }
0x80: {  	_ =	shalt  }
0x81: {  	_ =	shalt  }
0x82: {  	_ =	shalt  }
0x83: {  	_ =	shalt  }
0x84: {  	_ =	shalt  }
0x85: {  	_ =	shalt  }
0x86: {  	_ =	shalt  }
0x87: {  	_ =	shalt  }
.Lfunc_end0:
.L_simem_size_0:
called_computation_lowered:
.L_overlay_start_0:
0x88: {  	s2 =	sld [smem:$0x3FD9]  }
0x89: {  	s3 =	sld [smem:$0x3FFE];
	_ =	sdelay $0x1  }
0x8a: {  	s1 =	srdreg.scid  }
0x8b: {  	s0 =	sand.u32 $0x1, s1  }
0x8c: {  	s17 =	sshll.u32 s0, $0xA;
	s2 =	sadd.s32 s3, s2  }
0x8d: {  	s2 =	sadd.s32 s2, s17  }
0x8e: {  	[smem:$0x3FC0] =	sst s2  }
0x8f: {  	_ = 	snop  }
0x90: {  	s2 =	sld [smem:$0x3FD0];
	(tm) =	ssettm $0x1  }
0x91: {  	s18 =	sld [smem:$0x3FFB];
	_ =	sdelay $0x3  }
0x92: {  	_ =	strace s18  }
0x93: {  	s3 =	sld [smem:$0x3FFC];
	_ =	sdelay $0x3  }
0x94: {  	_ =	strace s3  }
0x95: {  	s3 =	sld [smem:$0x3FFD];
	_ =	sdelay $0x3  }
0x96: {  	_ =	strace s3  }
0x97: {  	_ =	strace $0x8FFFFFFF  }
0x98: {  	s19 =	sld [smem:$0x3FDB];
	_ =	sdelay $0x1  }
0x99: {  	s4 =	simm.s32 $_scs_section_size  }
0x9a: {  	s5 =	simm.s32 $_size__tile_overlayer_lowered;
	s6 =	simm.s32 $_tile_overlayer_lowered  }
0x9b: {  	s22 =	simm.s32 $0x1BFF;
	s21 =	sshll.u32 s6, $0x1;
	s3 =	sadd.s32 s4, s19  }
0x9c: {  	s7 =	simm.s32 $0x0;
	s20 =	sshll.u32 s5, $0x1;
	s5 =	sadd.s32 s21, s3  }
0x9d: {  	[timem:s7], [sflag:s22] =	dma.local [hbm:s5], s20  }
0x9e: {  	_ =	swait.ge [sflag:s22], s20  }
0x9f: {  	s4 =	ssub.s32 $0x0, s20;
	[sflag:s22] =	ssyncset.done $0x0  }
0xa0: {  	[sflag:s22] =	ssyncadd.s32 s4;
	_ =	sdelay $0x1  }
0xa1: {  	s23 =	simm.s32 $0x1B8B  }
0xa2: {  	_ =	swait.ge [sflag:s23], $0x1  }
0xa3: {  	[sflag:s23] =	ssyncset.done $0x0  }
0xa4: {  	s25 =	simm.s32 $0x1B8E;
	s24 =	sld [smem:$0x3FFE];
	[sflag:s23] =	ssyncadd.s32 $0xFFFFFFFF  }
0xa5: {  	s26 =	simm.s32 $execute0_lowered;
	[smem:$0x3FD2] =	sst s25  }
0xa6: {  	s5 =	sshll.u32 s26, $0x1;
	_ =	strace $0x80000046;
	[dreg:$0x1] =	wrdreg $0xFFFFFFFF  }
0xa7: {  	s28 =	simm.s32 $_size_execute0_lowered;
	s3 =	sadd.s32 s3, s5;
	[dreg:$0x0] =	wrdreg $0x0  }
0xa8: {  	s5 =	sshll.u32 s28, $0x1;
	[dreg:$0x2] =	wrdreg s3  }
0xa9: {  	[dreg:$0x3] =	wrdreg s5  }
0xaa: {  	[dreg:$0x4] =	wrdreg $0xC0  }
0xab: {  	_ =	task [dreg:s7], $0x5FFFF  }
0xac: {  	[dreg:$0x1] =	wrdreg $0xFFFFFFFF  }
0xad: {  	[dreg:$0x0] =	wrdreg $0x60  }
0xae: {  	[dreg:$0x2] =	wrdreg s2  }
0xaf: {  	[dreg:$0x3] =	wrdreg s24  }
0xb0: {  	[dreg:$0x4] =	wrdreg $0x9  }
0xb1: {  	_ =	task.clear_ibuf [dreg:s7], $0x5FFFF;
	_ =	strace $0x90000046  }
0xb2: {  	s29 =	simm.s32 $0x9;
	_ =	strace $0x80000048  }
0xb3: {  	_ =	swait.ge [sflag:s29], $0x1  }
0xb4: {  	[sflag:s29] =	ssyncadd.s32 $0xFFFFFFFF  }
0xb5: {  	_ =	strace $0x90000048  }
0xb6: {  	_ =	sfence  }
0xb7: {  	s30 =	sld [smem:$0x0];
	_ =	sdelay $0x2  }
0xb8: {  	s31 =	sshll.u32 s1, $0xD;
	s1 =	sshrl.u32 s1, $0x2  }
0xb9: {  	s3 =	sand.u32 $0x4000, s31;
	s1 =	sadd.s32 s1, s30  }
0xba: {  	s0 =	sor.u32 s3, s0;
	s1 =	sshll.u32 s1, $0x11  }
0xbb: {  	s0 =	sor.u32 s1, s0  }
0xbc: {  	s0 =	sadd.s32 $0x8F2B, s0  }
0xbd: {  	[sflag:s0] =	ssyncadd.remote.s32 $0x1  }
0xbe: {  	_ =	sfence.sel $0xFFFF  }
0xbf: {  	[dreg:$0x0] =	wrdreg $0xFFFFFFFF;
	(pc) =	sbr.abs _section_cstart, $3  }
0xc0: {  	[dreg:$0x1] =	wrdreg $0xFFFFFFFF  }
0xc1: {  	_ =	task.clear_ibuf [dreg:s7], $0x2FFFF;
	_ =	strace $0x9FFFFFFF  }
0xc2: {  	(tm) =	ssettm $0x7FFFFFFF  }
0xc3: {  	_ =	shalt  }
tec
execute0_lowered:
.L_overlay_start_1:
0x0: {  	(tag) =	ssettag $0x1  }
0x1: {  	s3 =	rddreg [dreg:$0x0]  }
0x2: {  	s4 =	rddreg [dreg:$0x1];
	s2 =	srdreg.scid  }
0x3: {  	s0 =	rddreg [dreg:$0x2];
	s1 =	stileid.u32;
	s5 =	sand.u32 $0x1, s2  }
0x4: {  	s2 =	simm.s32 $0x0;
	s6 =	sshll.u32 s1, $0x8;
	s7 =	sshll.u32 s5, $0x7  }
0x5: {  	[smem:$0x7FF] =	sst s2;
	s5 =	ssub.s32 $0x2, s5;
	s6 =	sor.u32 s7, s6  }
0x6: {  	_ =	strace $0x80000047;
	s31 =	sshrl.u32 s5, $0x1;
	s7 =	simm.s32 $0x400  }
0x7: {  	s4 =	sadd.s32 s6, s4;
	s5 =	ssub.s32 s5, s31;
	s3 =	sadd.s32 s3, s6  }
0x8: {  	s6 =	simm.s32 $0x1;
	s4 =	sadd.s32 $0xA00, s4;
	s5 =	smax.u32 s5, $0x1  }
.LBB2_1:
0x9: {  	[tilespmem:s2], [sflag:$0x1] =	stream.linear.gather [hbm4b:s3+s2], $0x400, $0x38;
	[tilespmem:$0x800] =	vst v63  }
0xa: {  	_ =	swait.ge [sflag:s6], $0x400  }
0xb: {  	[sflag:s6] =	ssyncset.done $0x0  }
0xc: {  	[sflag:s6] =	ssyncadd.s32 $0xFFFFFC00  }
0xd: {  	v3 =	vld [tilespmem:$0x0]  }
0xe: {  	v4 =	vld [tilespmem:$0x80]  }
0xf: {  	v5 =	vld [tilespmem:$0x100]  }
0x10: {  	v13 =	vld [tilespmem:$0x180]  }
0x11: {  	v14 =	vld [tilespmem:$0x200]  }
0x12: {  	v15 =	vld [tilespmem:$0x280]  }
0x13: {  	v2 =	vld [tilespmem:$0x300];
	v0 =	vmax.f32 v3, v4  }
0x14: {  	v1 =	vld [tilespmem:$0x380];
	v6 =	vmax.f32 v0, v5  }
0x15: {  	v6 =	vmax.f32 v6, v13  }
0x16: {  	v6 =	vmax.f32 v6, v14  }
0x17: {  	v6 =	vmax.f32 v6, v15  }
0x18: {  	v6 =	vmax.f32 v6, v2  }
0x19: {  	v16 =	vmax.f32 v6, v1  }
0x1a: {  	v42 =	vimm.s32 $0x63;
	vm0 =	veq.f32 v4, v16  }
0x1b: {  	vm1 =	vne.f32 v3, v16;
	v29 =	vsel vm0, $0x1, v42  }
0x1c: {  	v6 =	vnsel vm1, $0x0, v29  }
0x1d: {  	vm13 =	veq.f32 v5, v16;
	vm1 =	veq.s32 v6, $0x63  }
0x1e: {  	vm0 =	vmand vm13, vm1  }
0x1f: {  	v6 =	vsel vm0, $0x2, v6  }
0x20: {  	vm14 =	veq.f32 v13, v16;
	vm15 =	veq.s32 v6, $0x63  }
0x21: {  	vm0 =	vmand vm14, vm15  }
0x22: {  	v6 =	vsel vm0, $0x3, v6  }
0x23: {  	vm4 =	veq.f32 v14, v16;
	vm5 =	veq.s32 v6, $0x63  }
0x24: {  	vm0 =	vmand vm4, vm5  }
0x25: {  	v6 =	vsel vm0, $0x4, v6  }
0x26: {  	vm6 =	veq.f32 v15, v16;
	vm7 =	veq.s32 v6, $0x63  }
0x27: {  	vm0 =	vmand vm6, vm7  }
0x28: {  	v6 =	vsel vm0, $0x5, v6  }
0x29: {  	vm8 =	veq.f32 v2, v16;
	vm9 =	veq.s32 v6, $0x63  }
0x2a: {  	vm3 =	vmand vm8, vm9  }
0x2b: {  	v6 =	vsel vm3, $0x6, v6  }
0x2c: {  	vm10 =	vne.f32 v1, v16;
	vm11 =	vne.s32 v6, $0x63  }
0x2d: {  	vm1 =	vmor vm10, vm11  }
0x2e: {  	v17 =	vnsel vm1, $0x7, v6  }
0x2f: {  	vm11 =	veq.s32 v17, $0x0  }
0x30: {  	vm2 =	veq.s32 v17, $0x1;
	v30 =	vsel vm11, v4, v0  }
0x31: {  	v6 =	vsel vm2, v3, v30  }
0x32: {  	vm4 =	veq.s32 v17, $0x2;
	v6 =	vmax.f32 v6, v5  }
0x33: {  	v0 =	vsel vm4, v0, v6  }
0x34: {  	vm8 =	veq.s32 v17, $0x3;
	v0 =	vmax.f32 v0, v13  }
0x35: {  	v6 =	vsel vm8, v6, v0  }
0x36: {  	v12 =	vld [tilespmem:$0x10];
	vm5 =	veq.s32 v17, $0x4;
	v6 =	vmax.f32 v6, v14  }
0x37: {  	v32 =	vld [tilespmem:$0x90];
	v0 =	vsel vm5, v0, v6  }
0x38: {  	v7 =	vimm.s32 $0x0;
	v11 =	vld [tilespmem:$0x110];
	vm12 =	veq.s32 v17, $0x5;
	v31 =	vmax.f32 v0, v15  }
0x39: {  	v10 =	vld [tilespmem:$0x190];
	v7 =	vsel vm12, $0xFFFFFFFF, v7;
	v6 =	vsel vm12, v6, v31  }
0x3a: {  	vm7 =	vmand vm1, vm3;
	[tilespmem:$0x1FDF0] =	vst v7;
	v7 =	vmax.f32 v6, v2  }
0x3b: {  	v9 =	vld [tilespmem:$0x210];
	v6 =	vsel vm7, v6, v7  }
0x3c: {  	v8 =	vld [tilespmem:$0x290];
	v19 =	vmax.f32 v12, v32;
	v6 =	vmax.f32 v6, v1  }
0x3d: {  	v33 =	vmax.f32 v19, v11;
	v18 =	vsel vm1, v6, v7;
	v6 =	vld [tilespmem:$0x310]  }
0x3e: {  	v49 =	vimm.s32 $0x0;
	v34 =	vmax.f32 v33, v10;
	vm6 =	vne.s32 v17, $0x1;
	v7 =	vld [tilespmem:$0x390]  }
0x3f: {  	vm0 =	vne.s32 v17, $0x2;
	vm13 =	veq.f32 v4, v18;
	v36 =	vsub.f32 v18, v16  }
0x40: {  	vm9 =	vne.f32 v3, v18;
	v3 =	vmax.f32 v34, v9;
	vm15 =	veq.f32 v5, v18  }
0x41: {  	vm3 =	vmand vm6, vm13;
	v3 =	vmax.f32 v3, v8;
	v5 =	vmul.f32 $1.442695020e+00, v36  }
0x42: {  	vm14 =	vmor vm11, vm9;
	vm13 =	veq.f32 v13, v18;
	v3 =	vmax.f32 v3, v6  }
0x43: {  	v35 =	vsel vm3, $0x1, v42;
	(erf) = vpow2.f32 v5;
	v3 =	vmax.f32 v3, v7  }
0x44: {  	vm3 =	vmand vm0, vm15;
	v4 =	vnsel vm14, $0x0, v35;
	vm10 =	veq.f32 v32, v3  }
0x45: {  	vm9 =	veq.s32 v4, $0x63;
	vm12 =	vne.f32 v12, v3;
	v37 =	vsel vm10, $0x1, v42  }
0x46: {  	vm14 =	vne.s32 v17, $0x3;
	vm3 =	vmand vm3, vm9;
	v38 =	vnsel vm12, $0x0, v37  }
0x47: {  	v4 =	vsel vm3, $0x2, v4;
	vm15 =	veq.f32 v11, v3;
	vm10 =	veq.s32 v38, $0x63  }
0x48: {  	vm3 =	vmand vm14, vm13;
	vm0 =	veq.s32 v4, $0x63;
	vm9 =	vmand vm15, vm10  }
0x49: {  	vm14 =	veq.f32 v14, v18;
	vm3 =	vmand vm3, vm0;
	v5 =	vsel vm9, $0x2, v38  }
0x4a: {  	vm12 =	veq.f32 v10, v3;
	vm15 =	vne.s32 v17, $0x4;
	vm13 =	veq.s32 v5, $0x63  }
0x4b: {  	v4 =	vsel vm3, $0x3, v4;
	vm3 =	vmand vm12, vm13;
	vm12 =	vmand vm15, vm14  }
0x4c: {  	vm13 =	veq.s32 v4, $0x63;
	vm15 =	veq.f32 v9, v3;
	v39 =	vpop (erf);
	v5 =	vsel vm3, $0x3, v5  }
0x4d: {  	vm14 =	vmand vm12, vm13;
	vm13 =	veq.f32 v15, v18;
	v40 =	vadd.f32 $1.000000000e+00, v39  }
0x4e: {  	vm0 =	veq.s32 v5, $0x63;
	v4 =	vsel vm14, $0x4, v4;
	vm14 =	vne.s32 v17, $0x5  }
0x4f: {  	v48 =	vld [tilespmem:$0x20];
	vm12 =	vmand vm15, vm0;
	vm6 =	vmand vm14, vm13;
	vm13 =	veq.s32 v4, $0x63  }
0x50: {  	v21 =	vld [tilespmem:$0xA0];
	(erf) = vrcp.f32 v40;
	v5 =	vsel vm12, $0x4, v5;
	vm6 =	vmand vm6, vm13  }
0x51: {  	vm15 =	veq.f32 v8, v3;
	vm12 =	veq.s32 v5, $0x63;
	v4 =	vsel vm6, $0x5, v4  }
0x52: {  	vm9 =	vne.f32 v2, v18;
	vm3 =	vmand vm15, vm12;
	vm0 =	vne.s32 v4, $0x63  }
0x53: {  	v53 =	vimm.s32 $0x0;
	v20 =	vld [tilespmem:$0x120];
	v5 =	vsel vm3, $0x5, v5;
	vm10 =	vmor vm9, vm0  }
0x54: {  	vm14 =	veq.f32 v6, v3;
	vm15 =	veq.s32 v5, $0x63;
	vm9 =	vmor vm7, vm10  }
0x55: {  	v25 =	vmax.f32 v48, v21;
	vm15 =	vmand vm14, vm15;
	v4 =	vnsel vm9, $0x6, v4  }
0x56: {  	vm14 =	veq.f32 v1, v18;
	v41 =	vsel vm15, $0x6, v5;
	vm0 =	veq.s32 v4, $0x63  }
0x57: {  	vm12 =	vne.f32 v7, v3;
	vm13 =	vne.s32 v41, $0x63;
	vm6 =	vmand vm14, vm0  }
0x58: {  	v56 =	vmax.f32 v25, v20;
	v18 =	vld [tilespmem:$0x1A0];
	vm3 =	vmor vm12, vm13;
	vm10 =	vmand vm1, vm6  }
0x59: {  	v29 =	vimm.s32 $0x0;
	v13 =	vpop (erf);
	v5 =	vnsel vm3, $0x7, v41;
	v23 =	vsel vm10, $0x7, v4  }
0x5a: {  	v17 =	vld [tilespmem:$0x220];
	v22 =	vmul.f32 v13, v39;
	vm15 =	vmand vm3, vm15;
	vm13 =	veq.s32 v5, $0x0  }
0x5b: {  	vm6 =	veq.s32 v5, $0x1;
	vm12 =	veq.s32 v5, $0x2;
	v43 =	vsel vm13, v32, v19  }
0x5c: {  	vm14 =	veq.s32 v23, $0x0;
	vm0 =	veq.s32 v23, $0x1;
	v1 =	vsel vm6, v12, v43  }
0x5d: {  	v0 =	vmax.f32 v56, v18;
	v45 =	vnsel vm14, $0x0, v22;
	v1 =	vmax.f32 v1, v11  }
0x5e: {  	vm14 =	veq.s32 v5, $0x3;
	v47 =	vnsel vm0, $0x0, v22;
	v44 =	vsel vm12, v19, v1  }
0x5f: {  	v16 =	vld [tilespmem:$0x2A0];
	vm0 =	veq.s32 v23, $0x2;
	v0 =	vmax.f32 v0, v17;
	v2 =	vmax.f32 v44, v10  }
0x60: {  	v4 =	vsel vm11, v13, v45;
	vm11 =	veq.s32 v5, $0x4;
	v1 =	vsel vm14, v1, v2  }
0x61: {  	v14 =	vnsel vm0, $0x0, v22;
	vm0 =	veq.s32 v5, $0x5;
	v46 =	vmax.f32 v1, v9  }
0x62: {  	v15 =	vsel vm0, $0xFFFFFFFF, v49;
	v50 =	vsel vm4, v13, v14;
	v14 =	vld [tilespmem:$0x320];
	v2 =	vsel vm11, v2, v46  }
0x63: {  	v33 =	vnsel vm10, $0x0, v22;
	vm4 =	veq.s32 v23, $0x3;
	[tilespmem:$0x1FE00] =	vst v15;
	v15 =	vld [tilespmem:$0x3A0];
	v2 =	vmax.f32 v2, v8  }
0x64: {  	v0 =	vmax.f32 v0, v16;
	v52 =	vnsel vm4, $0x0, v22;
	v2 =	vsel vm0, v46, v2  }
0x65: {  	vm4 =	veq.s32 v23, $0x4;
	v54 =	vsel vm8, v13, v52;
	v51 =	vmax.f32 v2, v6  }
0x66: {  	v55 =	vnsel vm4, $0x0, v22;
	v1 =	vsel vm2, v13, v47;
	v2 =	vsel vm15, v2, v51  }
0x67: {  	vm2 =	vne.s32 v5, $0x1;
	v0 =	vmax.f32 v0, v14;
	v24 =	vmax.f32 v2, v7  }
0x68: {  	[tilespmem:$0x1FED0] =	vst v1;
	v1 =	vsel vm15, $0xFFFFFFFF, v53;
	v30 =	vmax.f32 v0, v15;
	v24 =	vsel vm3, v24, v51  }
0x69: {  	v2 =	vsel vm5, v13, v55;
	vm5 =	vne.s32 v5, $0x2;
	vm0 =	veq.f32 v32, v24  }
0x6a: {  	vm8 =	vne.f32 v12, v24;
	vm4 =	veq.f32 v11, v24;
	v3 =	vsub.f32 v24, v3  }
0x6b: {  	vm0 =	vmand vm2, vm0;
	vm8 =	vmor vm13, vm8;
	vm2 =	veq.f32 v10, v24  }
0x6c: {  	v57 =	vsel vm0, $0x1, v42;
	vm0 =	vmand vm5, vm4;
	v58 =	vmul.f32 $1.442695020e+00, v3  }
0x6d: {  	vm4 =	veq.f32 v21, v30;
	vm5 =	vne.f32 v48, v30;
	v12 =	vnsel vm8, $0x0, v57  }
0x6e: {  	v60 =	vsel vm4, $0x1, v42;
	vm4 =	veq.f32 v20, v30;
	vm8 =	veq.s32 v12, $0x63  }
0x6f: {  	(erf) = vpow2.f32 v58;
	v61 =	vnsel vm5, $0x0, v60;
	vm0 =	vmand vm0, vm8  }
0x70: {  	vm8 =	veq.s32 v61, $0x63;
	v59 =	vsel vm0, $0x2, v12;
	vm0 =	vne.s32 v5, $0x3  }
0x71: {  	vm5 =	veq.f32 v18, v30;
	vm0 =	vmand vm0, vm2;
	vm2 =	vmand vm4, vm8  }
0x72: {  	vm8 =	veq.s32 v59, $0x63;
	vm4 =	veq.f32 v9, v24;
	v9 =	vsel vm1, v33, v13  }
0x73: {  	vm0 =	vmand vm0, vm8;
	v0 =	vsel vm2, $0x2, v61;
	vm2 =	vne.s32 v5, $0x4  }
0x74: {  	vm8 =	veq.s32 v0, $0x63;
	v3 =	vsel vm0, $0x3, v59;
	vm0 =	vmand vm2, vm4  }
0x75: {  	vm4 =	veq.s32 v23, $0x5;
	vm2 =	veq.f32 v17, v30;
	vm8 =	vmand vm5, vm8  }
0x76: {  	vm5 =	veq.s32 v3, $0x63;
	v62 =	vnsel vm4, $0x0, v22;
	v0 =	vsel vm8, $0x3, v0  }
0x77: {  	vm4 =	vne.s32 v5, $0x5;
	vm0 =	vmand vm0, vm5;
	vm8 =	veq.s32 v0, $0x63  }
0x78: {  	vm5 =	veq.f32 v7, v24;
	v3 =	vsel vm0, $0x4, v3;
	vm8 =	vmand vm2, vm8  }
0x79: {  	v23 =	vld [tilespmem:$0x1FDF0];
	vm0 =	veq.f32 v16, v30;
	vm2 =	veq.f32 v8, v24;
	v63 =	vpop (erf);
	v0 =	vsel vm8, $0x4, v0  }
0x7a: {  	v12 =	vadd.f32 $1.000000000e+00, v63;
	vm2 =	vmand vm4, vm2;
	vm8 =	veq.s32 v0, $0x63  }
0x7b: {  	vm4 =	vne.f32 v6, v24;
	vm0 =	vmand vm0, vm8;
	vm8 =	veq.s32 v3, $0x63  }
0x7c: {  	(erf) = vrcp.f32 v12;
	vm2 =	vmand vm2, vm8;
	v0 =	vsel vm0, $0x5, v0  }
0x7d: {  	vm0 =	veq.f32 v14, v30;
	v3 =	vsel vm2, $0x5, v3;
	vm8 =	veq.s32 v0, $0x63  }
0x7e: {  	vm0 =	vmand vm0, vm8;
	vm2 =	vne.s32 v3, $0x63;
	vm8 =	vnez.u8 v23  }
0x7f: {  	[tilespmem:$0x1FE10] =	vst v1;
	v1 =	vsel vm8, v13, v62;
	vm2 =	vmor vm4, vm2;
	v0 =	vsel vm0, $0x6, v0  }
0x80: {  	vm4 =	vmor vm15, vm2;
	vm2 =	vne.f32 v15, v30;
	vm15 =	vne.s32 v0, $0x63  }
0x81: {  	vm8 =	vmor vm10, vm9;
	v3 =	vnsel vm4, $0x6, v3;
	vm2 =	vmor vm2, vm15  }
0x82: {  	v24 =	vsel vm8, $0x0, v22;
	v32 =	vnsel vm2, $0x7, v0;
	vm15 =	veq.s32 v3, $0x63  }
0x83: {  	v0 =	vsel vm7, v13, v24;
	vm15 =	vmand vm5, vm15;
	vm5 =	veq.s32 v32, $0x0  }
0x84: {  	vm9 =	veq.s32 v32, $0x4;
	vm8 =	vmand vm3, vm15;
	vm15 =	veq.s32 v32, $0x1  }
0x85: {  	[tilespmem:$0x1FF10] =	vst v1;
	vm1 =	veq.s32 v32, $0x5;
	v26 =	vsel vm5, v21, v25;
	v1 =	vsel vm15, $0xFFFFFFFF, v29  }
0x86: {  	v3 =	vsel vm8, $0x7, v3;
	v29 =	vpop (erf);
	v8 =	vsel vm15, v48, v26;
	vm15 =	veq.s32 v32, $0x2  }
0x87: {  	[tilespmem:$0x1FF20] =	vst v0;
	vm4 =	vmor vm8, vm4;
	v0 =	vmul.f32 v29, v63;
	v31 =	vmax.f32 v8, v20  }
0x88: {  	vm10 =	veq.s32 v3, $0x0;
	vm7 =	veq.s32 v3, $0x2;
	v34 =	vsel vm15, v25, v31  }
0x89: {  	v35 =	vnsel vm10, $0x0, v0;
	v36 =	vmax.f32 v34, v18;
	vm10 =	veq.s32 v32, $0x3  }
0x8a: {  	v27 =	vld [tilespmem:$0x30];
	v39 =	vnsel vm7, $0x0, v0;
	vm7 =	veq.s32 v3, $0x4;
	v62 =	vsel vm4, $0x0, v0  }
0x8b: {  	v37 =	vsel vm13, v29, v35;
	v5 =	vsel vm10, v31, v36;
	vm13 =	veq.s32 v3, $0x1;
	v31 =	vld [tilespmem:$0xB0]  }
0x8c: {  	v28 =	vld [tilespmem:$0x130];
	v41 =	vsel vm12, v29, v39;
	v45 =	vnsel vm7, $0x0, v0;
	v5 =	vmax.f32 v5, v17  }
0x8d: {  	v26 =	vld [tilespmem:$0x1B0];
	v38 =	vnsel vm13, $0x0, v0;
	vm13 =	veq.s32 v3, $0x3;
	v11 =	vsel vm9, v36, v5  }
0x8e: {  	v22 =	vld [tilespmem:$0x230];
	v12 =	vsel vm11, v29, v45;
	v45 =	vimm.s32 $0x0;
	v40 =	vmax.f32 v11, v16  }
0x8f: {  	v10 =	vsel vm6, v29, v38;
	vm6 =	vmand vm2, vm0;
	v5 =	vsel vm1, v5, v40  }
0x90: {  	v25 =	vld [tilespmem:$0x2B0];
	v44 =	vnsel vm13, $0x0, v0;
	v43 =	vmax.f32 v5, v14;
	v33 =	vmax.f32 v27, v31  }
0x91: {  	vm13 =	vne.s32 v32, $0x1;
	v5 =	vsel vm6, v5, v43;
	v46 =	vmax.f32 v33, v28  }
0x92: {  	v23 =	vld [tilespmem:$0x330];
	v13 =	vsel vm14, v29, v44;
	v5 =	vmax.f32 v5, v15;
	v47 =	vmax.f32 v46, v26  }
0x93: {  	v24 =	vld [tilespmem:$0x3B0];
	v40 =	vimm.s32 $0x0;
	v5 =	vsel vm2, v5, v43;
	v19 =	vmax.f32 v47, v22  }
0x94: {  	v47 =	vimm.s32 $0x0;
	vm12 =	veq.f32 v21, v5;
	vm14 =	vne.f32 v48, v5  }
0x95: {  	v19 =	vmax.f32 v19, v25;
	v49 =	vsub.f32 v5, v30;
	vm7 =	veq.f32 v18, v5  }
0x96: {  	vm0 =	vmand vm13, vm12;
	vm11 =	vmor vm5, vm14;
	vm12 =	veq.f32 v20, v5  }
0x97: {  	vm13 =	vne.s32 v32, $0x2;
	v19 =	vmax.f32 v19, v23;
	v48 =	vsel vm0, $0x1, v42  }
0x98: {  	[tilespmem:$0x1FEE0] =	vst v50;
	vm0 =	vmand vm13, vm12;
	v36 =	vmax.f32 v19, v24;
	v50 =	vmul.f32 $1.442695020e+00, v49  }
0x99: {  	v21 =	vnsel vm11, $0x0, v48;
	vm11 =	veq.f32 v31, v36;
	vm12 =	vne.f32 v27, v36  }
0x9a: {  	vm14 =	veq.s32 v21, $0x63;
	v52 =	vsel vm11, $0x1, v42;
	(erf) = vpow2.f32 v50  }
0x9b: {  	vm11 =	veq.f32 v28, v36;
	vm0 =	vmand vm0, vm14;
	v53 =	vnsel vm12, $0x0, v52  }
0x9c: {  	v51 =	vsel vm0, $0x2, v21;
	vm0 =	vne.s32 v32, $0x3;
	vm12 =	veq.s32 v53, $0x63  }
0x9d: {  	v52 =	vimm.s32 $0x0;
	vm0 =	vmand vm0, vm7;
	vm13 =	vmand vm11, vm12  }
0x9e: {  	vm14 =	veq.s32 v51, $0x63;
	vm11 =	veq.f32 v17, v5;
	vm7 =	vne.s32 v32, $0x4  }
0x9f: {  	[tilespmem:$0x1FF00] =	vst v54;
	vm12 =	veq.f32 v26, v36;
	vm0 =	vmand vm0, vm14;
	v54 =	vsel vm13, $0x2, v53  }
0xa0: {  	vm14 =	veq.s32 v54, $0x63;
	v55 =	vsel vm0, $0x3, v51;
	vm0 =	vmand vm7, vm11  }
0xa1: {  	vm11 =	veq.s32 v3, $0x5;
	vm7 =	veq.f32 v22, v36;
	vm12 =	vmand vm12, vm14  }
0xa2: {  	vm13 =	veq.s32 v55, $0x63;
	v57 =	vnsel vm11, $0x0, v0;
	v56 =	vsel vm12, $0x3, v54  }
0xa3: {  	vm11 =	vne.s32 v32, $0x5;
	v0 =	vnsel vm8, $0x0, v0;
	vm12 =	veq.s32 v56, $0x63  }
0xa4: {  	vm0 =	vmand vm0, vm13;
	vm13 =	veq.f32 v23, v36;
	vm14 =	vmand vm7, vm12  }
0xa5: {  	v60 =	vld [tilespmem:$0x1FE00];
	v18 =	vsel vm0, $0x4, v55;
	vm0 =	veq.f32 v25, v36;
	v58 =	vpop (erf);
	v3 =	vsel vm14, $0x4, v56  }
0xa6: {  	vm7 =	veq.f32 v16, v5;
	v59 =	vadd.f32 $1.000000000e+00, v58;
	vm12 =	veq.s32 v3, $0x63  }
0xa7: {  	vm7 =	vmand vm11, vm7;
	vm0 =	vmand vm0, vm12;
	vm12 =	veq.s32 v18, $0x63  }
0xa8: {  	(erf) = vrcp.f32 v59;
	vm7 =	vmand vm7, vm12;
	v3 =	vsel vm0, $0x5, v3  }
0xa9: {  	vm11 =	vne.f32 v14, v5;
	v18 =	vsel vm7, $0x5, v18;
	vm14 =	veq.s32 v3, $0x63  }
0xaa: {  	vm14 =	vmand vm13, vm14;
	vm12 =	vne.s32 v18, $0x63;
	vm13 =	vnez.u8 v60  }
0xab: {  	v8 =	vld [tilespmem:$0x1FE10];
	v14 =	vsel vm13, v29, v57;
	vm0 =	vmor vm11, vm12;
	v3 =	vsel vm14, $0x6, v3  }
0xac: {  	vm12 =	vne.f32 v24, v36;
	vm0 =	vmor vm6, vm0;
	vm13 =	vne.s32 v3, $0x63  }
0xad: {  	v34 =	vld [tilespmem:$0x40];
	v17 =	vsel vm3, v0, v29;
	v61 =	vnsel vm0, $0x6, v18;
	vm13 =	vmor vm12, vm13  }
0xae: {  	[tilespmem:$0x1FF30] =	vst v37;
	v37 =	vld [tilespmem:$0xC0];
	vm11 =	veq.f32 v15, v5;
	v3 =	vnsel vm13, $0x7, v3;
	vm7 =	veq.s32 v61, $0x63  }
0xaf: {  	v56 =	vimm.s32 $0x0;
	vm11 =	vmand vm11, vm7;
	vm12 =	veq.s32 v3, $0x0  }
0xb0: {  	vm4 =	veq.s32 v3, $0x1;
	vm7 =	vnez.u8 v8;
	vm11 =	vmand vm2, vm11  }
0xb1: {  	v63 =	vsel vm12, v31, v33;
	v15 =	vsel vm7, v29, v62;
	v38 =	vpop (erf);
	vm7 =	veq.s32 v3, $0x2  }
0xb2: {  	v11 =	vsel vm11, $0x7, v61;
	v35 =	vsel vm4, v27, v63;
	v39 =	vmul.f32 v38, v58  }
0xb3: {  	[tilespmem:$0x1FE20] =	vst v1;
	v1 =	vsel vm7, $0xFFFFFFFF, v40;
	v40 =	vmax.f32 v34, v37;
	vm0 =	vmor vm11, vm0  }
0xb4: {  	v18 =	vmax.f32 v35, v28;
	vm8 =	veq.s32 v11, $0x0;
	vm3 =	veq.s32 v11, $0x1  }
0xb5: {  	[tilespmem:$0x1FF40] =	vst v41;
	v41 =	vsel vm7, v33, v18;
	v43 =	vnsel vm8, $0x0, v39;
	vm7 =	veq.s32 v3, $0x3  }
0xb6: {  	v53 =	vld [tilespmem:$0x1FE20];
	vm8 =	veq.s32 v3, $0x4;
	v48 =	vnsel vm3, $0x0, v39;
	vm3 =	veq.s32 v3, $0x5  }
0xb7: {  	[tilespmem:$0x1FE30] =	vst v1;
	v44 =	vmax.f32 v41, v26;
	v1 =	vsel vm7, $0xFFFFFFFF, v45;
	v16 =	vsel vm5, v38, v43  }
0xb8: {  	v35 =	vld [tilespmem:$0x140];
	[tilespmem:$0x1FE40] =	vst v1;
	v46 =	vsel vm7, v18, v44;
	v1 =	vsel vm8, $0xFFFFFFFF, v47;
	vm7 =	veq.s32 v11, $0x2  }
0xb9: {  	v0 =	vmax.f32 v46, v22;
	[tilespmem:$0x1FE50] =	vst v1;
	v50 =	vnsel vm7, $0x0, v39;
	v1 =	vsel vm3, $0xFFFFFFFF, v52  }
0xba: {  	vm7 =	vmand vm13, vm14;
	vm14 =	veq.s32 v11, $0x4;
	v49 =	vsel vm8, v44, v0  }
0xbb: {  	v29 =	vld [tilespmem:$0x1C0];
	vm8 =	vnez.u8 v53;
	v18 =	vsel vm15, v38, v50;
	vm15 =	veq.s32 v11, $0x3  }
0xbc: {  	[tilespmem:$0x1FE60] =	vst v1;
	v1 =	vsel vm7, $0xFFFFFFFF, v56;
	v57 =	vnsel vm14, $0x0, v39;
	v51 =	vmax.f32 v49, v25  }
0xbd: {  	v33 =	vld [tilespmem:$0x240];
	v41 =	vmax.f32 v40, v35;
	v44 =	vimm.s32 $0x0;
	v0 =	vsel vm3, v0, v51  }
0xbe: {  	v19 =	vsel vm8, v38, v48;
	v55 =	vnsel vm15, $0x0, v39;
	v54 =	vmax.f32 v0, v23  }
0xbf: {  	v20 =	vsel vm9, v38, v57;
	vm15 =	vne.s32 v3, $0x1;
	v0 =	vsel vm7, v0, v54  }
0xc0: {  	v32 =	vld [tilespmem:$0x2C0];
	v58 =	vmax.f32 v41, v29;
	v41 =	vnsel vm11, $0x0, v39;
	v0 =	vmax.f32 v0, v24  }
0xc1: {  	v30 =	vld [tilespmem:$0x340];
	v21 =	vsel vm10, v38, v55;
	v0 =	vsel vm13, v0, v54;
	v54 =	vimm.s32 $0x0  }
0xc2: {  	vm3 =	veq.f32 v31, v0;
	v31 =	vld [tilespmem:$0x3C0];
	vm14 =	vne.f32 v27, v0;
	v27 =	vmax.f32 v58, v33  }
0xc3: {  	v36 =	vsub.f32 v0, v36;
	vm11 =	veq.f32 v24, v0;
	v24 =	vsel vm2, v41, v38  }
0xc4: {  	vm3 =	vmand vm15, vm3;
	vm5 =	vmor vm12, vm14;
	vm15 =	veq.f32 v28, v0  }
0xc5: {  	vm14 =	vne.s32 v3, $0x2;
	v27 =	vmax.f32 v27, v32;
	v59 =	vsel vm3, $0x1, v42  }
0xc6: {  	vm3 =	vmand vm14, vm15;
	v27 =	vmax.f32 v27, v30;
	v61 =	vmul.f32 $1.442695020e+00, v36  }
0xc7: {  	vm15 =	veq.s32 v11, $0x5;
	v36 =	vsel vm0, $0x0, v39;
	v46 =	vmax.f32 v27, v31  }
0xc8: {  	v60 =	vnsel vm5, $0x0, v59;
	(erf) = vpow2.f32 v61;
	vm9 =	veq.f32 v37, v46  }
0xc9: {  	v63 =	vnsel vm15, $0x0, v39;
	vm10 =	vne.f32 v34, v46;
	v62 =	vsel vm9, $0x1, v42  }
0xca: {  	vm15 =	veq.f32 v26, v0;
	vm5 =	veq.s32 v60, $0x63;
	v27 =	vnsel vm10, $0x0, v62  }
0xcb: {  	vm3 =	vmand vm3, vm5;
	vm14 =	veq.f32 v35, v46;
	vm5 =	veq.s32 v27, $0x63  }
0xcc: {  	v28 =	vsel vm3, $0x2, v60;
	vm3 =	vmand vm14, vm5;
	vm14 =	vne.s32 v3, $0x3  }
0xcd: {  	[tilespmem:$0x1FE70] =	vst v1;
	vm5 =	vmand vm14, vm15;
	vm15 =	veq.s32 v28, $0x63;
	v1 =	vsel vm3, $0x2, v27  }
0xce: {  	vm14 =	veq.f32 v29, v46;
	vm3 =	vmand vm5, vm15;
	vm15 =	veq.s32 v1, $0x63  }
0xcf: {  	vm5 =	vmand vm14, vm15;
	vm14 =	veq.f32 v22, v0;
	vm15 =	vne.s32 v3, $0x4  }
0xd0: {  	v8 =	vsel vm3, $0x3, v28;
	v22 =	vsel vm1, v38, v63;
	vm1 =	veq.f32 v25, v0  }
0xd1: {  	v11 =	vpop (erf);
	vm3 =	vmand vm15, vm14;
	v5 =	vsel vm5, $0x3, v1;
	vm5 =	veq.s32 v8, $0x63  }
0xd2: {  	vm14 =	veq.f32 v33, v46;
	v28 =	vadd.f32 $1.000000000e+00, v11;
	vm15 =	veq.s32 v5, $0x63  }
0xd3: {  	vm9 =	vmand vm3, vm5;
	vm3 =	veq.f32 v32, v46;
	vm10 =	vmand vm14, vm15  }
0xd4: {  	v26 =	vsel vm9, $0x4, v8;
	vm15 =	vne.s32 v3, $0x5;
	v5 =	vsel vm10, $0x4, v5  }
0xd5: {  	v58 =	vld [tilespmem:$0x1FE30];
	vm1 =	vmand vm15, vm1;
	vm5 =	veq.s32 v26, $0x63;
	vm14 =	veq.s32 v5, $0x63  }
0xd6: {  	vm0 =	vne.f32 v23, v0;
	vm10 =	vmand vm1, vm5;
	vm3 =	vmand vm3, vm14  }
0xd7: {  	(erf) = vrcp.f32 v28;
	v26 =	vsel vm10, $0x5, v26;
	v5 =	vsel vm3, $0x5, v5  }
0xd8: {  	vm14 =	veq.f32 v30, v46;
	vm3 =	vne.s32 v26, $0x63;
	vm15 =	veq.s32 v5, $0x63  }
0xd9: {  	v23 =	vsel vm6, v38, v36;
	vm0 =	vmor vm0, vm3;
	vm1 =	vmand vm14, vm15  }
0xda: {  	vm6 =	vnez.u8 v58;
	vm5 =	vmor vm7, vm0;
	v5 =	vsel vm1, $0x6, v5  }
0xdb: {  	vm14 =	vne.f32 v31, v46;
	v26 =	vnsel vm5, $0x6, v26;
	vm15 =	vne.s32 v5, $0x63  }
0xdc: {  	v42 =	vimm.s32 $0x0;
	vm8 =	vmor vm14, vm15;
	vm14 =	veq.s32 v26, $0x63  }
0xdd: {  	v63 =	vimm.s32 $0x63;
	v5 =	vnsel vm8, $0x7, v5;
	vm0 =	vmand vm11, vm14  }
0xde: {  	vm15 =	veq.s32 v5, $0x0;
	vm7 =	veq.s32 v5, $0x1;
	vm9 =	veq.s32 v5, $0x2  }
0xdf: {  	vm11 =	veq.s32 v5, $0x3;
	v0 =	vsel vm7, $0xFFFFFFFF, v42;
	v43 =	vsel vm15, v37, v40  }
0xe0: {  	v1 =	vsel vm9, $0xFFFFFFFF, v44;
	[tilespmem:$0x1FE80] =	vst v0;
	v0 =	vsel vm7, v34, v43;
	vm7 =	vmand vm13, vm0  }
0xe1: {  	v36 =	vld [tilespmem:$0x50];
	v45 =	vpop (erf);
	[tilespmem:$0x1FE90] =	vst v1;
	v1 =	vsel vm11, $0xFFFFFFFF, v54;
	v47 =	vmax.f32 v0, v35;
	v48 =	vsel vm7, $0x7, v26  }
0xe2: {  	v39 =	vld [tilespmem:$0x250];
	v0 =	vmul.f32 v45, v11;
	v11 =	vimm.s32 $0x63;
	v52 =	vsel vm9, v40, v47  }
0xe3: {  	v42 =	vld [tilespmem:$0xD0];
	vm10 =	veq.s32 v48, $0x0;
	vm14 =	veq.s32 v48, $0x1;
	vm9 =	veq.s32 v48, $0x3  }
0xe4: {  	v40 =	vld [tilespmem:$0x150];
	v53 =	vmax.f32 v52, v29;
	v55 =	vnsel vm10, $0x0, v0;
	v56 =	vnsel vm14, $0x0, v0  }
0xe5: {  	v38 =	vld [tilespmem:$0x1D0];
	vm10 =	vmand vm8, vm1;
	v60 =	vnsel vm9, $0x0, v0;
	v3 =	vsel vm11, v47, v53  }
0xe6: {  	v62 =	vld [tilespmem:$0x1FE40];
	vm11 =	veq.s32 v5, $0x4;
	v26 =	vsel vm12, v45, v55;
	v3 =	vmax.f32 v3, v33  }
0xe7: {  	v44 =	vld [tilespmem:$0x2D0];
	v25 =	vsel vm4, v45, v56;
	vm4 =	veq.s32 v48, $0x2;
	v27 =	vsel vm11, v53, v3  }
0xe8: {  	v43 =	vld [tilespmem:$0x350];
	vm12 =	veq.s32 v5, $0x5;
	v49 =	vmax.f32 v36, v42;
	v27 =	vmax.f32 v27, v32  }
0xe9: {  	v41 =	vld [tilespmem:$0x3D0];
	v57 =	vnsel vm4, $0x0, v0;
	v50 =	vmax.f32 v49, v40;
	v3 =	vsel vm12, v3, v27  }
0xea: {  	vm4 =	vne.s32 v5, $0x1;
	v59 =	vmax.f32 v50, v38;
	v47 =	vmax.f32 v3, v30  }
0xeb: {  	v27 =	vsel vm6, v45, v57;
	v28 =	vmax.f32 v59, v39;
	v3 =	vsel vm10, v3, v47  }
0xec: {  	vm6 =	vnez.u8 v62;
	v28 =	vmax.f32 v28, v44;
	v3 =	vmax.f32 v3, v31  }
0xed: {  	v61 =	vmax.f32 v28, v43;
	v28 =	vsel vm6, v45, v60;
	v3 =	vsel vm8, v3, v47  }
0xee: {  	v60 =	vimm.s32 $0x0;
	v47 =	vmax.f32 v61, v41;
	vm14 =	veq.f32 v37, v3  }
0xef: {  	vm9 =	vne.f32 v34, v3;
	vm6 =	vne.f32 v36, v47;
	v7 =	vsub.f32 v3, v46  }
0xf0: {  	vm0 =	vmand vm4, vm14;
	vm14 =	veq.f32 v42, v47;
	vm3 =	vmor vm15, vm9  }
0xf1: {  	[tilespmem:$0x1FEC0] =	vst v4;
	vm9 =	veq.f32 v35, v3;
	vm4 =	vne.s32 v5, $0x2;
	v4 =	vsel vm0, $0x1, v63  }
0xf2: {  	v6 =	vsel vm14, $0x1, v63;
	vm1 =	vmand vm4, vm9;
	v35 =	vmul.f32 $1.442695020e+00, v7  }
0xf3: {  	vm9 =	veq.f32 v38, v47;
	vm14 =	veq.f32 v29, v3;
	v37 =	vnsel vm6, $0x0, v6  }
0xf4: {  	vm6 =	veq.f32 v40, v47;
	v34 =	vnsel vm3, $0x0, v4;
	vm3 =	vmor vm7, vm5  }
0xf5: {  	vm5 =	veq.f32 v31, v3;
	v6 =	vimm.s32 $0x0;
	vm0 =	veq.s32 v37, $0x63  }
0xf6: {  	v51 =	vld [tilespmem:$0x1FE50];
	vm2 =	veq.s32 v34, $0x63;
	(erf) = vpow2.f32 v35;
	vm0 =	vmand vm6, vm0  }
0xf7: {  	v61 =	vsel vm3, $0x0, v0;
	v37 =	vsel vm0, $0x2, v37;
	vm0 =	veq.s32 v48, $0x4  }
0xf8: {  	vm6 =	veq.s32 v37, $0x63;
	v8 =	vnsel vm0, $0x0, v0;
	vm0 =	vmand vm1, vm2  }
0xf9: {  	vm2 =	veq.f32 v39, v47;
	vm9 =	vmand vm9, vm6;
	vm6 =	vne.s32 v5, $0x3  }
0xfa: {  	v34 =	vsel vm0, $0x2, v34;
	vm0 =	vmand vm6, vm14;
	v50 =	vsel vm9, $0x3, v37  }
0xfb: {  	vm1 =	veq.s32 v34, $0x63;
	vm14 =	vnez.u8 v51;
	vm6 =	veq.f32 v44, v47  }
0xfc: {  	vm9 =	veq.s32 v50, $0x63;
	v29 =	vsel vm14, v45, v8;
	vm0 =	vmand vm0, vm1  }
0xfd: {  	vm14 =	vne.s32 v5, $0x4;
	vm1 =	vne.s32 v5, $0x5;
	vm9 =	vmand vm2, vm9  }
0xfe: {  	v59 =	vld [tilespmem:$0x1FE60];
	v34 =	vsel vm0, $0x3, v34;
	vm0 =	veq.f32 v33, v3;
	vm2 =	veq.f32 v32, v3  }
0xff: {  	v52 =	vsel vm9, $0x4, v50;
	vm0 =	vmand vm14, vm0;
	vm4 =	veq.s32 v34, $0x63  }
0x100: {  	vm1 =	vmand vm1, vm2;
	v50 =	vimm.s32 $0x0;
	vm9 =	veq.s32 v52, $0x63  }
0x101: {  	vm0 =	vmand vm0, vm4;
	v55 =	vpop (erf);
	vm14 =	vmand vm6, vm9;
	vm6 =	veq.f32 v43, v47  }
0x102: {  	v54 =	vsel vm0, $0x4, v34;
	v56 =	vadd.f32 $1.000000000e+00, v55;
	v53 =	vsel vm14, $0x5, v52  }
0x103: {  	vm0 =	vnez.u8 v59;
	vm4 =	veq.s32 v54, $0x63;
	vm9 =	veq.s32 v53, $0x63  }
0x104: {  	vm1 =	vmand vm1, vm4;
	(erf) = vrcp.f32 v56;
	vm6 =	vmand vm6, vm9  }
0x105: {  	v56 =	vimm.s32 $0x0;
	vm9 =	vne.f32 v41, v47;
	v32 =	vsel vm6, $0x6, v53  }
0x106: {  	v5 =	vsel vm1, $0x5, v54;
	vm1 =	vne.f32 v30, v3;
	vm14 =	vne.s32 v32, $0x63  }
0x107: {  	v53 =	vimm.s32 $0x0;
	vm4 =	vmor vm9, vm14;
	vm9 =	veq.s32 v48, $0x5  }
0x108: {  	vm14 =	vne.s32 v5, $0x63;
	v57 =	vnsel vm9, $0x0, v0;
	v46 =	vnsel vm4, $0x7, v32  }
0x109: {  	vm1 =	vmor vm1, vm14;
	v0 =	vnsel vm7, $0x0, v0;
	vm9 =	veq.s32 v46, $0x0  }
0x10a: {  	v7 =	vld [tilespmem:$0x1FE70];
	vm14 =	veq.s32 v46, $0x1;
	v30 =	vsel vm0, v45, v57;
	vm2 =	vmor vm10, vm1  }
0x10b: {  	vm0 =	veq.s32 v46, $0x2;
	v58 =	vsel vm9, v42, v49;
	v5 =	vnsel vm2, $0x6, v5  }
0x10c: {  	v33 =	vsel vm13, v0, v45;
	v32 =	vsel vm14, v36, v58;
	vm1 =	veq.s32 v5, $0x63  }
0x10d: {  	[tilespmem:$0x1FEA0] =	vst v1;
	v1 =	vsel vm0, $0xFFFFFFFF, v60;
	v32 =	vmax.f32 v32, v40;
	vm1 =	vmand vm5, vm1  }
0x10e: {  	v60 =	vimm.s32 $0x0;
	v62 =	vsel vm0, v49, v32;
	vm5 =	vmand vm8, vm1  }
0x10f: {  	vm0 =	veq.s32 v46, $0x3;
	vm1 =	vnez.u8 v7;
	v63 =	vmax.f32 v62, v38  }
0x110: {  	[tilespmem:$0x1FEB0] =	vst v1;
	v1 =	vsel vm0, $0xFFFFFFFF, v6;
	v31 =	vsel vm1, v45, v61;
	v8 =	vsel vm5, $0x7, v5;
	v5 =	vpop (erf)  }
0x111: {  	v57 =	vld [tilespmem:$0x1FE80];
	v32 =	vsel vm0, v32, v63;
	v48 =	vmul.f32 v5, v55;
	vm0 =	veq.s32 v46, $0x4  }
0x112: {  	vm7 =	veq.s32 v8, $0x0;
	vm13 =	veq.s32 v8, $0x2;
	v49 =	vmax.f32 v32, v39  }
0x113: {  	[tilespmem:$0x1FEF0] =	vst v1;
	v1 =	vsel vm0, $0xFFFFFFFF, v50;
	v32 =	vsel vm0, v63, v49;
	v51 =	vnsel vm7, $0x0, v48  }
0x114: {  	v59 =	vld [tilespmem:$0x1FE90];
	vm7 =	veq.s32 v46, $0x5;
	v58 =	vnsel vm13, $0x0, v48;
	vm13 =	veq.s32 v8, $0x3  }
0x115: {  	[tilespmem:$0x1FF50] =	vst v1;
	v52 =	vmax.f32 v32, v44;
	v1 =	vsel vm7, $0xFFFFFFFF, v53;
	v32 =	vsel vm15, v5, v51  }
0x116: {  	vm15 =	vnez.u8 v57;
	v61 =	vnsel vm13, $0x0, v48;
	v54 =	vsel vm7, v49, v52  }
0x117: {  	vm7 =	vmand vm4, vm6;
	vm6 =	veq.s32 v8, $0x1;
	v37 =	vmax.f32 v54, v43  }
0x118: {  	v4 =	vld [tilespmem:$0x1FEA0];
	vm13 =	vne.s32 v46, $0x1;
	v55 =	vnsel vm6, $0x0, v48;
	v0 =	vsel vm7, v54, v37  }
0x119: {  	[tilespmem:$0x1FF60] =	vst v1;
	v1 =	vsel vm7, $0xFFFFFFFF, v56;
	vm6 =	vnez.u8 v59;
	v0 =	vmax.f32 v0, v41  }
0x11a: {  	v35 =	vsel vm15, v5, v55;
	v34 =	vsel vm6, v5, v58;
	v0 =	vsel vm4, v0, v37  }
0x11b: {  	[tilespmem:$0x1FF70] =	vst v1;
	vm6 =	vmmov vm4;
	v1 =	vsel vm4, $0xFFFFFFFF, v60;
	vm15 =	veq.f32 v42, v0  }
0x11c: {  	vm1 =	vne.f32 v36, v0;
	v6 =	vsub.f32 v0, v47;
	vm0 =	vmand vm13, vm15  }
0x11d: {  	vm15 =	veq.s32 v8, $0x4;
	vm4 =	vmor vm9, vm1;
	vm13 =	vnez.u8 v4  }
0x11e: {  	v62 =	vnsel vm15, $0x0, v48;
	v63 =	vsel vm0, $0x1, v11;
	v37 =	vsel vm13, v5, v61  }
0x11f: {  	v58 =	vld [tilespmem:$0x60];
	vm15 =	veq.f32 v40, v0;
	vm13 =	veq.s32 v8, $0x5;
	v40 =	vmul.f32 $1.442695020e+00, v6  }
0x120: {  	v61 =	vld [tilespmem:$0xE0];
	v36 =	vsel vm11, v5, v62;
	v42 =	vnsel vm4, $0x0, v63;
	vm11 =	vne.s32 v46, $0x2  }
0x121: {  	v59 =	vld [tilespmem:$0x160];
	v3 =	vnsel vm13, $0x0, v48;
	vm13 =	vne.s32 v46, $0x3;
	vm0 =	vmand vm11, vm15  }
0x122: {  	v54 =	vld [tilespmem:$0x1E0];
	vm15 =	veq.s32 v42, $0x63;
	vm11 =	veq.f32 v38, v0;
	(erf) = vpow2.f32 v40  }
0x123: {  	v50 =	vld [tilespmem:$0x260];
	v38 =	vsel vm12, v5, v3;
	vm12 =	veq.f32 v39, v0;
	vm0 =	vmand vm0, vm15  }
0x124: {  	v47 =	vld [tilespmem:$0x2E0];
	v7 =	vsel vm0, $0x2, v42;
	vm0 =	vmand vm13, vm11;
	vm11 =	vmor vm5, vm2  }
0x125: {  	v42 =	vld [tilespmem:$0x360];
	vm13 =	vne.s32 v46, $0x4;
	vm15 =	veq.s32 v7, $0x63;
	v60 =	vmax.f32 v58, v61  }
0x126: {  	v40 =	vld [tilespmem:$0x3E0];
	v55 =	vsel vm11, $0x0, v48;
	vm0 =	vmand vm0, vm15;
	v52 =	vmax.f32 v60, v59  }
0x127: {  	vm11 =	veq.f32 v44, v0;
	v8 =	vsel vm0, $0x3, v7;
	v53 =	vmax.f32 v52, v54  }
0x128: {  	vm0 =	vmand vm13, vm12;
	vm12 =	vne.s32 v46, $0x5;
	v39 =	vmax.f32 v53, v50  }
0x129: {  	v7 =	vnsel vm5, $0x0, v48;
	vm15 =	veq.s32 v8, $0x63;
	v56 =	vmax.f32 v39, v47  }
0x12a: {  	vm0 =	vmand vm0, vm15;
	v39 =	vsel vm10, v5, v55;
	v57 =	vmax.f32 v56, v42  }
0x12b: {  	v3 =	vsel vm0, $0x4, v8;
	vm0 =	vmand vm12, vm11;
	v63 =	vmax.f32 v57, v40  }
0x12c: {  	vm11 =	vne.f32 v43, v0;
	vm13 =	veq.s32 v3, $0x63;
	v51 =	vpop (erf);
	vm15 =	veq.f32 v61, v63  }
0x12d: {  	v55 =	vld [tilespmem:$0x70];
	vm0 =	vmand vm0, vm13;
	vm10 =	vne.f32 v58, v63;
	v6 =	vadd.f32 $1.000000000e+00, v51  }
0x12e: {  	v57 =	vld [tilespmem:$0xF0];
	vm12 =	veq.f32 v59, v63;
	v62 =	vsel vm15, $0x1, v11;
	v3 =	vsel vm0, $0x5, v3  }
0x12f: {  	v53 =	vld [tilespmem:$0x170];
	v44 =	vnsel vm10, $0x0, v62;
	vm15 =	vne.s32 v3, $0x63;
	(erf) = vrcp.f32 v6  }
0x130: {  	v49 =	vld [tilespmem:$0x1F0];
	vm13 =	veq.s32 v44, $0x63;
	vm0 =	vmor vm11, vm15;
	vm11 =	veq.f32 v41, v0  }
0x131: {  	vm1 =	vmand vm12, vm13;
	vm10 =	vmor vm7, vm0;
	vm7 =	veq.f32 v54, v63  }
0x132: {  	v46 =	vld [tilespmem:$0x270];
	vm13 =	veq.f32 v50, v63;
	v8 =	vsel vm1, $0x2, v44;
	v44 =	vsel vm8, v7, v5  }
0x133: {  	v45 =	vld [tilespmem:$0x2F0];
	v3 =	vnsel vm10, $0x6, v3;
	v7 =	vmax.f32 v55, v57;
	vm1 =	veq.s32 v8, $0x63  }
0x134: {  	v43 =	vld [tilespmem:$0x370];
	vm12 =	veq.s32 v3, $0x63;
	v56 =	vmax.f32 v7, v53;
	vm0 =	vmand vm7, vm1  }
0x135: {  	vm1 =	vmand vm11, vm12;
	v5 =	vmax.f32 v56, v49;
	v52 =	vsel vm0, $0x3, v8  }
0x136: {  	v41 =	vld [tilespmem:$0x3F0];
	vm7 =	veq.f32 v47, v63;
	vm11 =	veq.f32 v42, v63;
	vm15 =	veq.s32 v52, $0x63  }
0x137: {  	vm12 =	vmand vm6, vm1;
	v5 =	vmax.f32 v5, v46;
	vm0 =	vmand vm13, vm15  }
0x138: {  	v4 =	vsel vm12, $0x7, v3;
	v8 =	vmax.f32 v5, v45;
	v62 =	vsel vm0, $0x4, v52;
	v48 =	vpop (erf)  }
0x139: {  	v3 =	vmax.f32 v8, v43;
	vm8 =	veq.s32 v62, $0x63;
	v56 =	vmul.f32 v48, v51  }
0x13a: {  	vm3 =	veq.s32 v4, $0x0;
	v8 =	vimm.s32 $0x0;
	vm0 =	vmand vm7, vm8  }
0x13b: {  	v51 =	vsel vm0, $0x5, v62;
	v62 =	vmax.f32 v3, v41;
	v0 =	vnsel vm3, $0x0, v56  }
0x13c: {  	vm13 =	veq.s32 v51, $0x63;
	vm15 =	veq.f32 v57, v62;
	vm8 =	vne.f32 v55, v62  }
0x13d: {  	vm1 =	vmand vm11, vm13;
	v52 =	vsel vm15, $0x1, v11;
	vm11 =	vne.f32 v40, v63  }
0x13e: {  	vm15 =	veq.f32 v53, v62;
	v3 =	vsel vm1, $0x6, v51;
	v5 =	vnsel vm8, $0x0, v52  }
0x13f: {  	v51 =	vsel vm9, v48, v0;
	vm8 =	veq.s32 v4, $0x1;
	vm2 =	veq.s32 v5, $0x63  }
0x140: {  	vm9 =	veq.f32 v49, v62;
	vm13 =	vne.s32 v3, $0x63;
	vm6 =	vmand vm15, vm2  }
0x141: {  	[tilespmem:$0x1FF80] =	vst v1;
	v1 =	vnsel vm8, $0x0, v56;
	vm7 =	vmor vm11, vm13;
	v5 =	vsel vm6, $0x2, v5  }
0x142: {  	v52 =	vsel vm14, v48, v1;
	v3 =	vnsel vm7, $0x7, v3;
	vm11 =	veq.s32 v5, $0x63  }
0x143: {  	vm13 =	veq.s32 v3, $0x0;
	vm8 =	veq.s32 v3, $0x1;
	vm14 =	veq.s32 v3, $0x2  }
0x144: {  	vm15 =	veq.s32 v3, $0x3;
	vm0 =	vmand vm9, vm11;
	v0 =	vsel vm8, $0xFFFFFFFF, v8  }
0x145: {  	v1 =	vsel vm13, v61, v60;
	vm9 =	veq.f32 v46, v62;
	v8 =	vimm.s32 $0x0  }
0x146: {  	[tilespmem:$0x1FF90] =	vst v0;
	v5 =	vsel vm0, $0x3, v5;
	v6 =	vsel vm8, v58, v1;
	v0 =	vsel vm14, $0xFFFFFFFF, v8  }
0x147: {  	v8 =	vimm.s32 $0x0;
	vm8 =	veq.s32 v3, $0x4;
	vm11 =	veq.s32 v5, $0x63  }
0x148: {  	[tilespmem:$0x1FFA0] =	vst v0;
	v0 =	vsel vm15, $0xFFFFFFFF, v8;
	v8 =	vimm.s32 $0x0;
	vm0 =	vmand vm9, vm11  }
0x149: {  	[tilespmem:$0x1FFB0] =	vst v0;
	v0 =	vsel vm8, $0xFFFFFFFF, v8;
	vm9 =	veq.s32 v3, $0x5;
	v8 =	vimm.s32 $0x0  }
0x14a: {  	v1 =	vsel vm9, $0xFFFFFFFF, v8;
	v8 =	vld [tilespmem:$0x1FEB0];
	_ =	sdelay $0x1  }
0x14b: {  	v6 =	vmax.f32 v6, v59  }
0x14c: {  	vm4 =	veq.f32 v45, v62;
	v60 =	vsel vm14, v60, v6  }
0x14d: {  	vm6 =	veq.s32 v4, $0x2;
	v5 =	vsel vm0, $0x4, v5;
	v60 =	vmax.f32 v60, v54  }
0x14e: {  	[tilespmem:$0x1FFC0] =	vst v0;
	v0 =	vnsel vm6, $0x0, v56;
	v6 =	vsel vm15, v6, v60;
	vm15 =	vnez.u8 v8  }
0x14f: {  	vm5 =	veq.s32 v5, $0x63;
	v6 =	vmax.f32 v6, v50;
	v8 =	vsel vm15, v48, v0;
	v0 =	vld [tilespmem:$0x1FED0]  }
0x150: {  	vm0 =	vmand vm4, vm5;
	v60 =	vsel vm8, v60, v6  }
0x151: {  	v5 =	vsel vm0, $0x5, v5;
	v60 =	vmax.f32 v60, v47  }
0x152: {  	vm11 =	veq.f32 v43, v62;
	vm14 =	veq.s32 v5, $0x63;
	v6 =	vsel vm9, v6, v60;
	v60 =	vld [tilespmem:$0x1FEC0]  }
0x153: {  	vm3 =	vmand vm11, vm14  }
0x154: {  	[tilespmem:$0x480] =	vst v0;
	v0 =	vsel vm3, $0x6, v5;
	v5 =	vld [tilespmem:$0x1FEE0];
	_ =	sdelay $0x2  }
0x155: {  	vm6 =	vmand vm7, vm1;
	[tilespmem:$0x400] =	vst v60;
	v60 =	vmax.f32 v6, v42  }
0x156: {  	v6 =	vsel vm6, v6, v60  }
0x157: {  	[tilespmem:$0x500] =	vst v5;
	v5 =	vmax.f32 v6, v40  }
0x158: {  	v6 =	vld [tilespmem:$0x1FEF0];
	v5 =	vsel vm7, v5, v60  }
0x159: {  	vm14 =	veq.f32 v61, v5;
	v61 =	vld [tilespmem:$0x1FF10]  }
0x15a: {  	vm5 =	veq.s32 v4, $0x3;
	vm8 =	vne.f32 v41, v62;
	vm9 =	vne.s32 v0, $0x63  }
0x15b: {  	[tilespmem:$0x1FFD0] =	vst v1;
	v1 =	vnsel vm5, $0x0, v56;
	vm5 =	vmor vm8, vm9  }
0x15c: {  	[tilespmem:$0x600] =	vst v2;
	vm2 =	vne.s32 v3, $0x3;
	vm15 =	vne.s32 v3, $0x1;
	v2 =	vnsel vm5, $0x7, v0  }
0x15d: {  	vm4 =	vne.f32 v58, v5;
	vm9 =	veq.f32 v59, v5;
	v59 =	vimm.s32 $0x0  }
0x15e: {  	vm1 =	vmand vm15, vm14;
	vm14 =	veq.s32 v2, $0x0;
	vm11 =	vnez.u8 v6;
	[tilespmem:$0x680] =	vst v61;
	v61 =	vld [tilespmem:$0x1FF20]  }
0x15f: {  	vm8 =	vmor vm13, vm4;
	vm15 =	veq.s32 v2, $0x1;
	v6 =	vsel vm11, v48, v1;
	v1 =	vld [tilespmem:$0x1FF00]  }
0x160: {  	[tilespmem:$0x780] =	vst v9;
	vm4 =	veq.s32 v4, $0x4;
	v60 =	vsel vm1, $0x1, v11;
	v58 =	vsel vm14, v57, v7  }
0x161: {  	[tilespmem:$0x610] =	vst v12;
	v9 =	vsel vm15, $0xFFFFFFFF, v59;
	v59 =	vnsel vm4, $0x0, v56;
	vm4 =	veq.f32 v54, v5  }
0x162: {  	[tilespmem:$0x1FFE0] =	vst v9;
	v9 =	vnsel vm8, $0x0, v60;
	vm8 =	veq.s32 v2, $0x2;
	vm11 =	vne.s32 v3, $0x2  }
0x163: {  	vm1 =	vmand vm11, vm9;
	vm9 =	veq.s32 v9, $0x63;
	[tilespmem:$0x700] =	vst v61;
	v61 =	vsel vm15, v55, v58  }
0x164: {  	vm1 =	vmand vm1, vm9;
	[tilespmem:$0x580] =	vst v1;
	v1 =	vmax.f32 v61, v53;
	v61 =	vsub.f32 v5, v63;
	v63 =	vld [tilespmem:$0x1FF50]  }
0x165: {  	[tilespmem:$0x490] =	vst v10;
	vm9 =	vne.s32 v3, $0x4;
	v9 =	vsel vm1, $0x2, v9;
	vm1 =	vmand vm2, vm4  }
0x166: {  	[tilespmem:$0x590] =	vst v13;
	vm2 =	vmand vm5, vm3;
	vm3 =	vne.s32 v3, $0x5;
	vm4 =	veq.s32 v9, $0x63  }
0x167: {  	[tilespmem:$0x790] =	vst v17;
	v58 =	vimm.s32 $0x0;
	v7 =	vsel vm8, v7, v1;
	v10 =	vmul.f32 $1.442695020e+00, v61  }
0x168: {  	[tilespmem:$0x690] =	vst v14;
	vm15 =	veq.s32 v2, $0x3;
	v0 =	vsel vm8, $0xFFFFFFFF, v58;
	v7 =	vmax.f32 v7, v49  }
0x169: {  	[tilespmem:$0x620] =	vst v20;
	v20 =	vld [tilespmem:$0x1FF60];
	v1 =	vsel vm15, v1, v7;
	(erf) = vpow2.f32 v10;
	vm11 =	vnez.u8 v63  }
0x16a: {  	[tilespmem:$0x1FFF0] =	vst v0;
	v1 =	vmax.f32 v1, v46;
	v0 =	vsel vm11, v48, v59;
	vm11 =	veq.s32 v2, $0x4  }
0x16b: {  	[tilespmem:$0x710] =	vst v15;
	vm8 =	vmand vm1, vm4;
	vm1 =	veq.f32 v50, v5;
	v7 =	vsel vm11, v7, v1  }
0x16c: {  	[tilespmem:$0x420] =	vst v16;
	vm4 =	veq.s32 v2, $0x5;
	v9 =	vsel vm8, $0x3, v9;
	v7 =	vmax.f32 v7, v45  }
0x16d: {  	[tilespmem:$0x520] =	vst v18;
	vm1 =	vmand vm9, vm1;
	vm8 =	veq.s32 v4, $0x5;
	v1 =	vsel vm4, v1, v7  }
0x16e: {  	[tilespmem:$0x4A0] =	vst v19;
	v4 =	vnsel vm8, $0x0, v56;
	vm8 =	vnez.u8 v20;
	v7 =	vmax.f32 v1, v43  }
0x16f: {  	[tilespmem:$0x5A0] =	vst v21;
	vm9 =	veq.s32 v9, $0x63;
	v4 =	vsel vm8, v48, v4;
	v1 =	vsel vm2, v1, v7  }
0x170: {  	[tilespmem:$0x720] =	vst v23;
	vm1 =	vmand vm1, vm9;
	vm9 =	vne.s32 v2, $0x1;
	v1 =	vmax.f32 v1, v41  }
0x171: {  	[tilespmem:$0x430] =	vst v26;
	v26 =	vld [tilespmem:$0x1FF70];
	v9 =	vsel vm1, $0x4, v9;
	vm1 =	veq.f32 v47, v5;
	v1 =	vsel vm5, v1, v7  }
0x172: {  	[tilespmem:$0x6A0] =	vst v22;
	vm1 =	vmand vm3, vm1;
	v22 =	vpop (erf);
	vm8 =	veq.f32 v57, v1;
	v23 =	vsub.f32 v1, v62  }
0x173: {  	[tilespmem:$0x7A0] =	vst v24;
	v24 =	vadd.f32 $1.000000000e+00, v22;
	vm0 =	vmand vm9, vm8;
	vm9 =	vne.f32 v55, v1  }
0x174: {  	[tilespmem:$0x4B0] =	vst v25;
	vm3 =	veq.f32 v53, v1;
	v21 =	vsel vm0, $0x1, v11;
	vm8 =	vmor vm14, vm9  }
0x175: {  	[tilespmem:$0x530] =	vst v27;
	vm0 =	vmor vm12, vm10;
	v10 =	vmul.f32 $1.442695020e+00, v23;
	(erf) = vrcp.f32 v24  }
0x176: {  	[tilespmem:$0x5B0] =	vst v28;
	vm9 =	vnez.u8 v26;
	v3 =	vnsel vm8, $0x0, v21;
	vm8 =	vne.s32 v2, $0x2  }
0x177: {  	[tilespmem:$0x630] =	vst v29;
	v25 =	vsel vm0, $0x0, v56;
	vm0 =	veq.s32 v9, $0x63;
	vm3 =	vmand vm8, vm3  }
0x178: {  	[tilespmem:$0x6B0] =	vst v30;
	(erf) = vpow2.f32 v10;
	vm8 =	veq.s32 v3, $0x63;
	vm0 =	vmand vm1, vm0  }
0x179: {  	[tilespmem:$0x7B0] =	vst v33;
	v10 =	vsel vm9, v48, v25;
	vm1 =	veq.f32 v49, v1;
	v9 =	vsel vm0, $0x5, v9  }
0x17a: {  	[tilespmem:$0x730] =	vst v31;
	vm9 =	vmand vm3, vm8;
	vm0 =	vne.f32 v42, v5;
	vm3 =	vne.s32 v9, $0x63  }
0x17b: {  	[tilespmem:$0x440] =	vst v32;
	v29 =	vld [tilespmem:$0x1FF80];
	vm8 =	vne.s32 v2, $0x3;
	v3 =	vsel vm9, $0x2, v3;
	vm0 =	vmor vm0, vm3  }
0x17c: {  	[tilespmem:$0x4C0] =	vst v35;
	vm1 =	vmand vm8, vm1;
	vm10 =	veq.s32 v3, $0x63;
	vm9 =	vmor vm6, vm0  }
0x17d: {  	[tilespmem:$0x540] =	vst v34;
	v27 =	vnsel vm12, $0x0, v56;
	vm1 =	vmand vm1, vm10;
	v9 =	vnsel vm9, $0x6, v9  }
0x17e: {  	[tilespmem:$0x5C0] =	vst v37;
	v60 =	vld [tilespmem:$0x1FF30];
	vm0 =	veq.f32 v40, v5;
	v3 =	vsel vm1, $0x3, v3;
	vm1 =	veq.s32 v9, $0x63  }
0x17f: {  	[tilespmem:$0x640] =	vst v36;
	vm12 =	vne.s32 v2, $0x4;
	vm3 =	veq.f32 v46, v1;
	vm0 =	vmand vm0, vm1  }
0x180: {  	[tilespmem:$0x6C0] =	vst v38;
	vm1 =	vmand vm12, vm3;
	vm3 =	veq.s32 v3, $0x63;
	vm12 =	vnez.u8 v29  }
0x181: {  	[tilespmem:$0x740] =	vst v39;
	v35 =	vld [tilespmem:$0x1FF90];
	vm10 =	vne.s32 v2, $0x5;
	v28 =	vpop (erf);
	v11 =	vsel vm12, v27, v48;
	vm1 =	vmand vm1, vm3  }
0x182: {  	[tilespmem:$0x7C0] =	vst v44;
	vm8 =	vmand vm7, vm0;
	v7 =	vmul.f32 v28, v22;
	vm0 =	veq.f32 v45, v1  }
0x183: {  	[tilespmem:$0x410] =	vst v60;
	v60 =	vld [tilespmem:$0x1FF40];
	v30 =	vpop (erf);
	v9 =	vsel vm8, $0x7, v9;
	v32 =	vsel vm1, $0x4, v3;
	vm0 =	vmand vm10, vm0  }
0x184: {  	[tilespmem:$0x450] =	vst v51;
	v37 =	vld [tilespmem:$0x1FFA0];
	vm1 =	veq.f32 v41, v1;
	v31 =	vadd.f32 $1.000000000e+00, v30;
	vm3 =	veq.s32 v9, $0x0  }
0x185: {  	[tilespmem:$0x4D0] =	vst v52;
	vm12 =	veq.s32 v9, $0x1;
	vm10 =	veq.s32 v32, $0x63;
	v33 =	vnsel vm3, $0x0, v7  }
0x186: {  	v39 =	vld [tilespmem:$0x1FFB0];
	[tilespmem:$0x550] =	vst v8;
	v34 =	vnsel vm12, $0x0, v7;
	vm0 =	vmand vm0, vm10;
	vm12 =	vnez.u8 v35  }
0x187: {  	[tilespmem:$0x5D0] =	vst v6;
	vm10 =	vne.f32 v43, v1;
	(erf) = vrcp.f32 v31;
	v3 =	vsel vm13, v28, v33  }
0x188: {  	[tilespmem:$0x510] =	vst v60;
	v41 =	vld [tilespmem:$0x1FFC0];
	v6 =	vsel vm12, v28, v34;
	v2 =	vsel vm0, $0x5, v32;
	vm13 =	veq.s32 v9, $0x2  }
0x189: {  	[tilespmem:$0x6D0] =	vst v4;
	v36 =	vnsel vm13, $0x0, v7;
	vm12 =	vne.s32 v2, $0x63;
	vm13 =	vnez.u8 v37  }
0x18a: {  	[tilespmem:$0x650] =	vst v0;
	v48 =	vnsel vm8, $0x0, v7;
	v43 =	vld [tilespmem:$0x1FFD0];
	v0 =	vsel vm13, v28, v36;
	vm0 =	vmor vm10, vm12  }
0x18b: {  	[tilespmem:$0x750] =	vst v10;
	vm10 =	veq.s32 v9, $0x3;
	vm12 =	veq.s32 v9, $0x4;
	vm13 =	vnez.u8 v39  }
0x18c: {  	[tilespmem:$0x7D0] =	vst v11;
	v38 =	vnsel vm10, $0x0, v7;
	vm10 =	vmor vm2, vm0;
	v40 =	vnsel vm12, $0x0, v7  }
0x18d: {  	[tilespmem:$0x460] =	vst v3;
	vm0 =	veq.s32 v9, $0x5;
	vm12 =	vnez.u8 v41;
	v2 =	vnsel vm10, $0x6, v2  }
0x18e: {  	v52 =	vld [tilespmem:$0x1FFE0];
	[tilespmem:$0x4E0] =	vst v6;
	v4 =	vsel vm13, v28, v38;
	v1 =	vsel vm12, v28, v40;
	vm3 =	veq.s32 v2, $0x63  }
0x18f: {  	[tilespmem:$0x560] =	vst v0;
	v42 =	vnsel vm0, $0x0, v7;
	vm12 =	vnez.u8 v43;
	vm0 =	vmand vm1, vm3  }
0x190: {  	vm13 =	vmor vm8, vm9;
	v0 =	vsel vm12, v28, v42;
	[tilespmem:$0x5E0] =	vst v4;
	vm9 =	vmand vm5, vm0;
	v44 =	vpop (erf)  }
0x191: {  	v45 =	vsel vm13, $0x0, v7;
	[tilespmem:$0x660] =	vst v1;
	v46 =	vsel vm9, $0x7, v2;
	v47 =	vmul.f32 v44, v30  }
0x192: {  	v54 =	vld [tilespmem:$0x1FFF0];
	v4 =	vsel vm6, v28, v45;
	[tilespmem:$0x6E0] =	vst v0;
	v0 =	vsel vm7, v48, v28;
	vm12 =	veq.s32 v46, $0x0  }
0x193: {  	vm7 =	vnez.u8 v52;
	[tilespmem:$0x760] =	vst v4;
	vm13 =	veq.s32 v46, $0x1;
	v49 =	vnsel vm12, $0x0, v47  }
0x194: {  	[tilespmem:$0x7E0] =	vst v0;
	vm8 =	veq.s32 v46, $0x3;
	v51 =	vnsel vm13, $0x0, v47;
	v50 =	vsel vm14, v44, v49  }
0x195: {  	vm6 =	veq.s32 v46, $0x2;
	v55 =	vnsel vm8, $0x0, v47;
	v0 =	vsel vm7, v44, v51;
	[tilespmem:$0x470] =	vst v50  }
0x196: {  	v53 =	vnsel vm6, $0x0, v47;
	v62 =	vnsel vm9, $0x0, v47;
	v56 =	vsel vm15, v44, v55;
	[tilespmem:$0x4F0] =	vst v0  }
0x197: {  	vm12 =	vnez.u8 v54;
	vm13 =	veq.s32 v46, $0x4;
	v63 =	vsel vm5, v62, v44;
	[tilespmem:$0x5F0] =	vst v56  }
0x198: {  	v57 =	vnsel vm13, $0x0, v47;
	vm14 =	veq.s32 v46, $0x5;
	v0 =	vsel vm12, v44, v53;
	[tilespmem:$0x7F0] =	vst v63  }
0x199: {  	vm15 =	vmor vm9, vm10;
	v58 =	vsel vm11, v44, v57;
	v1 =	vnsel vm14, $0x0, v47;
	[tilespmem:$0x570] =	vst v0  }
0x19a: {  	v60 =	vsel vm15, $0x0, v47;
	[tilespmem:$0x670] =	vst v58;
	v59 =	vsel vm4, v44, v1  }
0x19b: {  	p0 =	sne.s32 s5, $0x1;
	v61 =	vsel vm2, v44, v60;
	[tilespmem:$0x6F0] =	vst v59  }
.Ltmp0:
0x19c: {  	[tilespmem:$0x770] =	vst v61;
	(pc) =	sbr.rel @p0 .LBB2_1-.Ltmp0, $4  }
0x19d: {  	[hbm4b:s4+s2] =	stream.linear.scatter [tilespmem:s7], [sflag:$0x1], $0x400, $0x38;
	[tilespmem:$0x800] =	vst v63  }
0x19e: {  	_ =	swait.ge [sflag:s6], $0x400  }
0x19f: {  	[sflag:s6] =	ssyncset.done $0x0  }
0x1a0: {  	s5 =	sadd.s32 $0xFFFFFFFF, s5;
	[sflag:s6] =	ssyncadd.s32 $0xFFFFFC00  }
0x1a1: {  	_ =	sfence.sel $0x180000  }
0x1a2: {  	[bflag:$0x0] =	sbarrier.arrive $0xFFFF  }
0x1a3: {  	p0 =	sne.s32 s1, $0x0;
	_ =	strace $0x90000047  }
0x1a4: {  	s0 =	sadd.s32 @!p0 $0x100000, s0;
	[bflag:$0x2] =	sbarrier.arrive $0xFFFF  }
0x1a5: {  	[sflag:s0] =	ssyncadd.tile.s32 @!p0 $0x1;
	_ =	shalt  }
.Lfunc_end2:
_tile_overlayer_lowered:
.L_overlay_start_2:
0x1a6: {  	(tag) =	ssettag $0x2  }
0x1a7: {  	s0 =	rddreg [dreg:$0x0];
	s2 =	stileid.u32  }
0x1a8: {  	s1 =	rddreg [dreg:$0x1];
	p0 =	sne.s32 s2, $0x0  }
0x1a9: {  	s3 =	rddreg [dreg:$0x2];
	[bflag:$0x3] =	sbarrier.arrive $0xFFFF;
	s2 =	simm.s32 @!p0 $0x1C01  }
0x1aa: {  	[timem:s3], [sflag:s2] =	dma.local @!p0 [hbm:s0], s1  }
0x1ab: {  	s0 =	simm.s32 @!p0 $0x1  }
0x1ac: {  	_ =	swait.ge @!p0 [sflag:s0], s1  }
0x1ad: {  	s1 =	ssub.s32 @!p0 $0x0, s1;
	[sflag:s0] =	ssyncset.done @!p0 $0x0  }
0x1ae: {  	[sflag:s0] =	ssyncadd.s32 @!p0 s1  }
0x1af: {  	[bflag:$0x3] =	sbarrier.arrive $0xFFFF  }
0x1b0: {  	_ =	shalt  }

</sc_bundles>
